<compile_context>
chip_gen: v7x
topology: tpu7x:2x2x1
jax: 0.10.2.dev20260603
libtpu: 0.0.44.dev20260713+nightly
codegen_flags: <defaults>
</compile_context>

<pallas_src>
from math import ceil

import jax
import jax.numpy as jnp
from jax import lax
from jax.experimental import pallas as pl
from jax.experimental.pallas import tpu as pltpu
from jax.experimental.pallas import tpu_sc as plsc

_K = 17
_N_TARGET = 2000
_NOISE = 0.5

_S = 3456
_L = 16
_NV = _S // _L
_NW = 32
_SB = 4
_NSB = _S // _SB // _NW
_CAP = 80
_JCAP = 256

_F32 = jnp.float32
_I32 = jnp.int32


def _splat(vec, lane):
    if isinstance(lane, int):
        idx = jnp.full((_L, 1), lane, dtype=_I32)
    else:
        idx = lax.broadcast_in_dim(lane.astype(_I32), (_L, 1), ())
    dnums = lax.GatherDimensionNumbers(
        offset_dims=(), collapsed_slice_dims=(0,), start_index_map=(0,))
    return lax.gather(vec, idx, dnums, (1,),
                      mode=lax.GatherScatterMode.PROMISE_IN_BOUNDS)


def _sort2(k, v):
    return plsc.sort_key_val(k, v)


def _rev(x):
    return x[::-1]


def _merge_sorted32_with16(a1, i1, a2, i2, c, ci):
    rc, rci = _rev(c), _rev(ci)
    m = a2 <= rc
    lo = jnp.where(m, a2, rc)
    loi = jnp.where(m, i2, rci)
    ls, lsi = _sort2(lo, loi)
    rl, rli = _rev(ls), _rev(lsi)
    m2 = a1 <= rl
    b1 = jnp.where(m2, a1, rl)
    b1i = jnp.where(m2, i1, rli)
    b2 = jnp.where(m2, rl, a1)
    b2i = jnp.where(m2, rli, i1)
    a1n, i1n = _sort2(b1, b1i)
    a2n, i2n = _sort2(b2, b2i)
    return a1n, i1n, a2n, i2n


def _sqrt_nr(x):
    xc = jnp.maximum(x, _F32(1e-12))
    bits = plsc.bitcast(xc, _I32)
    seed = jnp.full((_L,), 0x5F3759DF, dtype=_I32) - lax.shift_right_logical(
        bits, jnp.full((_L,), 1, dtype=_I32))
    y = plsc.bitcast(seed, _F32)
    half = _F32(0.5) * xc
    for _ in range(3):
        y = y * (_F32(1.5) - half * y * y)
    return xc * y


def _knn_sc_body(xs_h, ys_h, zs_h, vtop_h, itop_h,
                 xs_v, ys_v, zs_v, db0, db1, db2, db3,
                 jlstu, ci0, ci1, ci2, ci3, obv, obi):
    dbufs = [db0, db1, db2, db3]
    cidxs = [ci0, ci1, ci2, ci3]
    cc = lax.axis_index("c")
    ss = lax.axis_index("s")
    wid = ss * 2 + cc

    pltpu.sync_copy(xs_h, xs_v)
    pltpu.sync_copy(ys_h, ys_v)
    pltpu.sync_copy(zs_h, zs_v)

    inf16 = jnp.full((_L,), jnp.inf, dtype=_F32)
    ones16 = jnp.full((_L,), 1, dtype=_I32)
    iota16 = lax.iota(_I32, _L)
    lane0 = iota16 == 0
    sent16 = jnp.full((_L,), _NV, dtype=_I32)

    for q in range(_SB):
        dbufs[q][pl.ds(_S, _L)] = inf16

    def sb_body(t, carry):
        sbg = wid + t * _NW
        base = sbg * _SB
        grp = base - lax.rem(base, _L)
        off_in = base - grp
        qx16 = xs_v[pl.ds(grp, _L)]
        qy16 = ys_v[pl.ds(grp, _L)]
        qz16 = zs_v[pl.ds(grp, _L)]
        qxs = [_splat(qx16, off_in + l) for l in range(_SB)]
        qys = [_splat(qy16, off_in + l) for l in range(_SB)]
        qzs = [_splat(qz16, off_in + l) for l in range(_SB)]

        def p1_body(j, c):
            lmins, m2s = c
            off = j * _L
            xv = xs_v[pl.ds(off, _L)]
            yv = ys_v[pl.ds(off, _L)]
            zv = zs_v[pl.ds(off, _L)]
            nl, n2 = [], []
            for l in range(_SB):
                dx = xv - qxs[l]
                dy = yv - qys[l]
                dz = zv - qzs[l]
                d2 = (dx * dx + dy * dy) + dz * dz
                dbufs[l][pl.ds(off, _L)] = d2
                nt = jnp.minimum(lmins[l], d2)
                n2.append(jnp.minimum(m2s[l], jnp.maximum(lmins[l], d2)))
                nl.append(nt)
            return (tuple(nl), tuple(n2))

        lmins, m2s = lax.fori_loop(
            0, _NV, p1_body,
            (tuple(inf16 for _ in range(_SB)),
             tuple(inf16 for _ in range(_SB))))

        taus = []
        for l in range(_SB):
            a = jnp.sort(lmins[l])
            b = jnp.sort(m2s[l])
            hi = jnp.maximum(a, _rev(b))
            hs = jnp.sort(hi)
            taus.append(_splat(hs, 1))

        for blk in range(_JCAP // _L):
            jlstu[pl.ds(blk * _L, _L)] = sent16

        def p2a_body(j, c):
            cntu, jv = c
            off = j * _L
            m0 = dbufs[0][pl.ds(off, _L)] <= taus[0]
            m1 = dbufs[1][pl.ds(off, _L)] <= taus[1]
            m2 = dbufs[2][pl.ds(off, _L)] <= taus[2]
            m3 = dbufs[3][pl.ds(off, _L)] <= taus[3]
            msk = (m0 | m1) | (m2 | m3)
            pc = plsc.all_reduce_population_count(msk)
            wm = (pc > 0) & lane0
            plsc.store_scatter(jlstu, [cntu], jv, mask=wm)
            inc = jnp.minimum(pc, ones16)
            ncnt = jnp.minimum(cntu + inc,
                               jnp.full((_L,), _JCAP - 1, dtype=_I32))
            return (ncnt, jv + 1)

        z16 = jnp.zeros((_L,), dtype=_I32)
        cntu, _ = lax.fori_loop(0, _NV, p2a_body, (z16, z16))
        njmax = jnp.max(cntu)
        ngrp = lax.div(njmax + (_L - 1), _L)

        for l in range(_SB):
            for blk in range(_CAP // _L):
                cidxs[l][pl.ds(blk * _L, _L)] = jnp.full((_L,), _S, dtype=_I32)

        def p2b_body(g, c):
            cnts = c
            juv = jlstu[pl.ds(g * _L, _L)]
            for i in range(_L):
                jspl = _splat(juv, i)
                addr = jspl * _L + iota16
                ncnts = []
                for l in range(_SB):
                    v = plsc.load_gather(dbufs[l], [addr])
                    msk = v <= taus[l]
                    pos = cnts[l] + plsc.cumsum(ones16, mask=msk)
                    plsc.store_scatter(cidxs[l], [pos], addr, mask=msk)
                    nc = cnts[l] + plsc.all_reduce_population_count(msk)
                    ncnts.append(jnp.minimum(
                        nc, jnp.full((_L,), _CAP - _L - 1, dtype=_I32)))
                cnts = tuple(ncnts)
            return cnts

        m1 = jnp.full((_L,), -1, dtype=_I32)
        lax.fori_loop(0, ngrp, p2b_body, tuple(m1 for _ in range(_SB)))

        for l in range(_SB):
            row = lax.broadcast_in_dim(base + l, (_L,), ()).astype(_I32)
            vb, ib = [], []
            for blk in range(_CAP // _L):
                i = cidxs[l][pl.ds(blk * _L, _L)]
                v = plsc.load_gather(dbufs[l], [i])
                vb.append(jnp.where(i == row, inf16, v))
                ib.append(i)
            k0, i0 = _sort2(vb[0], ib[0])
            k1, i1 = _sort2(vb[1], ib[1])
            rk, rki = _rev(k1), _rev(i1)
            m = k0 <= rk
            lo = jnp.where(m, k0, rk)
            loi = jnp.where(m, i0, rki)
            hi = jnp.where(m, rk, k0)
            hii = jnp.where(m, rki, i0)
            a1, i1s = _sort2(lo, loi)
            a2, i2s = _sort2(hi, hii)
            for blk in range(2, _CAP // _L):
                cs, cis = _sort2(vb[blk], ib[blk])
                a1, i1s, a2, i2s = _merge_sorted32_with16(
                    a1, i1s, a2, i2s, cs, cis)
            obv[l, pl.ds(0, _L)] = _sqrt_nr(a1)
            obv[l, pl.ds(_L, _L)] = _sqrt_nr(a2)
            obi[l, pl.ds(0, _L)] = i1s
            obi[l, pl.ds(_L, _L)] = i2s

        pltpu.sync_copy(obv, vtop_h.at[pl.ds(base, _SB)])
        pltpu.sync_copy(obi, itop_h.at[pl.ds(base, _SB)])
        return carry

    lax.fori_loop(0, _NSB, sb_body, 0)


def _knn_sparsecore(xs, ys, zs):
    mesh = plsc.VectorSubcoreMesh(core_axis_name="c", subcore_axis_name="s",
                                  num_cores=2, num_subcores=16)
    f = pl.kernel(
        _knn_sc_body,
        out_type=[
            jax.ShapeDtypeStruct((_S, 2 * _L), jnp.float32),
            jax.ShapeDtypeStruct((_S, 2 * _L), jnp.int32),
        ],
        mesh=mesh,
        scratch_types=[
            pltpu.VMEM((_S,), jnp.float32),
            pltpu.VMEM((_S,), jnp.float32),
            pltpu.VMEM((_S,), jnp.float32),
        ] + [pltpu.VMEM((_S + _L,), jnp.float32) for _ in range(_SB)]
          + [pltpu.VMEM((_JCAP,), jnp.int32)]
          + [pltpu.VMEM((_CAP,), jnp.int32) for _ in range(_SB)] + [
            pltpu.VMEM((_SB, 2 * _L), jnp.float32),
            pltpu.VMEM((_SB, 2 * _L), jnp.int32),
        ],
        compiler_params=pltpu.CompilerParams(needs_layout_passes=False),
    )
    return f(xs, ys, zs)


def kernel(positions, cell, numbers, noise_eps):
    frac = positions @ jnp.linalg.inv(cell)
    n = positions.shape[0]
    replicates = ceil((_N_TARGET / n) ** (1.0 / 3.0))
    r = replicates
    ax = jnp.arange(r, dtype=frac.dtype)
    offs = jnp.stack(jnp.meshgrid(ax, ax, ax, indexing="ij"), axis=-1).reshape(-1, 3)
    sc = (frac[None, :, :] + offs[:, None, :]).reshape(-1, 3)
    sc = sc + _NOISE * noise_eps
    cart = sc @ cell
    S = cart.shape[0]

    xs = cart[:, 0]
    ys = cart[:, 1]
    zs = cart[:, 2]

    vtop, itop = _knn_sparsecore(xs, ys, zs)

    dists = vtop[:, :_K]
    idx = itop[:, :_K]
    src = jnp.repeat(jnp.arange(S, dtype=jnp.int32), _K)
    dst = idx.reshape(-1)
    numbers_rep = jnp.tile(numbers, r ** 3)
    return dists, src, dst, numbers_rep, jnp.float32(_NOISE)

# --- scband reference (transcript-rebuilt; emitter-appended) ---
"""Pipeline reference for scband-noise-regression-train-38319698215620 (READ-ONLY COPY).

The authoritative reference and input builder live on the scoring server;
editing this copy changes nothing except your own understanding.
"""

import jax, jax.numpy as jnp
import numpy as np
from math import ceil

K = 17
N_TARGET = 2000
NOISE = 0.5


def setup_inputs(seed: int = 0) -> dict:
    key = jax.random.key(seed)
    k1, k2, k3, k4 = jax.random.split(key, 4)
    positions = jax.random.normal(k1, (128, 3), dtype=jnp.float32) * 2.0
    # well-conditioned lattice: scaled identity plus small perturbation
    cell = jnp.eye(3, dtype=jnp.float32) * 5.0 + 0.1 * jax.random.normal(k2, (3, 3), dtype=jnp.float32)
    numbers = jax.random.randint(k3, (128,), 1, 100, dtype=jnp.int32)
    # pre-drawn gaussian noise for the supercell (S = 128 * 3**3 = 3456)
    noise_eps = jax.random.normal(k4, (3456, 3), dtype=jnp.float32)
    return {"positions": positions, "cell": cell, "numbers": numbers, "noise_eps": noise_eps}


def _create_supercell(frac, replicates):
    r = replicates
    ax = jnp.arange(r, dtype=frac.dtype)
    offs = jnp.stack(jnp.meshgrid(ax, ax, ax, indexing="ij"), axis=-1).reshape(-1, 3)
    sc = (frac[None, :, :] + offs[:, None, :]).reshape(-1, 3)
    return sc


def reference(positions, cell, numbers, noise_eps):
    # fractional coordinates: data = coords @ inv(lattice)
    frac = positions @ jnp.linalg.inv(cell)
    n = positions.shape[0]
    replicates = ceil((N_TARGET / n) ** (1.0 / 3.0))
    # create supercell in fractional space
    sc = _create_supercell(frac, replicates)
    # gaussian noise (deterministic draw, fixed noise scale in [0,1))
    sc = sc + NOISE * noise_eps
    # back to cartesian: supercell @ lattice
    cart = sc @ cell
    # knn graph: pairwise squared distances, exclude self, top-k nearest
    d2 = jnp.sum((cart[:, None, :] - cart[None, :, :]) ** 2, axis=-1)
    S = cart.shape[0]
    d2 = d2 + jnp.eye(S, dtype=d2.dtype) * 1e9
    neg_d2, idx = jax.lax.top_k(-d2, K)
    dists = jnp.sqrt(jnp.maximum(-neg_d2, 1e-12))
    src = jnp.repeat(jnp.arange(S, dtype=jnp.int32), K)
    dst = idx.reshape(-1).astype(jnp.int32)
    # g.ndata['z'] = numbers.repeat(replicates**3)
    numbers_rep = jnp.tile(numbers, replicates ** 3)
    noise = jnp.float32(NOISE)
    return dists, src, dst, numbers_rep, noise

if __name__ == "__main__":
    import jax
    _d = setup_inputs()
    print(jax.jit(kernel)(*tuple(_d.values())))

</pallas_src>

<mosaic_0001>
#map = affine_map<(d0, d1) -> (0)>
#map1 = affine_map<(d0, d1) -> (0, 0)>
module attributes {stable_mosaic.version = 14 : i64} {
  func.func @_knn_sc_body(%arg0: i32, %arg1: i32, %arg2: memref<3456xf32, #tpu.memory_space<hbm>>, %arg3: memref<3456xf32, #tpu.memory_space<hbm>>, %arg4: memref<3456xf32, #tpu.memory_space<hbm>>, %arg5: memref<3456x32xf32, #tpu.memory_space<hbm>>, %arg6: memref<3456x32xi32, #tpu.memory_space<hbm>>, %arg7: memref<3456xf32, #tpu.memory_space<vmem>>, %arg8: memref<3456xf32, #tpu.memory_space<vmem>>, %arg9: memref<3456xf32, #tpu.memory_space<vmem>>, %arg10: memref<3472xf32, #tpu.memory_space<vmem>>, %arg11: memref<3472xf32, #tpu.memory_space<vmem>>, %arg12: memref<3472xf32, #tpu.memory_space<vmem>>, %arg13: memref<3472xf32, #tpu.memory_space<vmem>>, %arg14: memref<256xi32, #tpu.memory_space<vmem>>, %arg15: memref<80xi32, #tpu.memory_space<vmem>>, %arg16: memref<80xi32, #tpu.memory_space<vmem>>, %arg17: memref<80xi32, #tpu.memory_space<vmem>>, %arg18: memref<80xi32, #tpu.memory_space<vmem>>, %arg19: memref<4x32xf32, #tpu.memory_space<vmem>>, %arg20: memref<4x32xi32, #tpu.memory_space<vmem>>) attributes {dimension_semantics = [#tpu.dimension_semantics<core_parallel>, #tpu.dimension_semantics<subcore_parallel>], iteration_bounds = array<i64: 2, 16>, scalar_prefetch = 0 : i64, scratch_operands = 14 : i64, tpu.core_type = #tpu.core_type<sc_vector_subcore>, window_params = [{transform_indices = #map}, {transform_indices = #map}, {transform_indices = #map}, {transform_indices = #map1}, {transform_indices = #map1}]} {
    %mul3A = arith.constant 2 : i32
    %mul3A_0 = arith.muli %arg1, %mul3A : i32
    %add3A = arith.addi %mul3A_0, %arg0 : i32
    "tpu.region"() ({
      %run_scoped3A = tpu.sem_alloc : memref<!tpu.dma_semaphore, #tpu.memory_space<semaphore_mem>>
      tpu.enqueue_dma source(%arg2 : memref<3456xf32, #tpu.memory_space<hbm>>) target(%arg7 : memref<3456xf32, #tpu.memory_space<vmem>>) target_semaphore(%run_scoped3A : memref<!tpu.dma_semaphore, #tpu.memory_space<semaphore_mem>>)
      tpu.wait_dma2 semaphore(%run_scoped3A : memref<!tpu.dma_semaphore, #tpu.memory_space<semaphore_mem>>) src(%arg2 : memref<3456xf32, #tpu.memory_space<hbm>>) dst(%arg7 : memref<3456xf32, #tpu.memory_space<vmem>>)
      tpu.yield
    }) : () -> ()
    "tpu.region"() ({
      %run_scoped3A = tpu.sem_alloc : memref<!tpu.dma_semaphore, #tpu.memory_space<semaphore_mem>>
      tpu.enqueue_dma source(%arg3 : memref<3456xf32, #tpu.memory_space<hbm>>) target(%arg8 : memref<3456xf32, #tpu.memory_space<vmem>>) target_semaphore(%run_scoped3A : memref<!tpu.dma_semaphore, #tpu.memory_space<semaphore_mem>>)
      tpu.wait_dma2 semaphore(%run_scoped3A : memref<!tpu.dma_semaphore, #tpu.memory_space<semaphore_mem>>) src(%arg3 : memref<3456xf32, #tpu.memory_space<hbm>>) dst(%arg8 : memref<3456xf32, #tpu.memory_space<vmem>>)
      tpu.yield
    }) : () -> ()
    "tpu.region"() ({
      %run_scoped3A = tpu.sem_alloc : memref<!tpu.dma_semaphore, #tpu.memory_space<semaphore_mem>>
      tpu.enqueue_dma source(%arg4 : memref<3456xf32, #tpu.memory_space<hbm>>) target(%arg9 : memref<3456xf32, #tpu.memory_space<vmem>>) target_semaphore(%run_scoped3A : memref<!tpu.dma_semaphore, #tpu.memory_space<semaphore_mem>>)
      tpu.wait_dma2 semaphore(%run_scoped3A : memref<!tpu.dma_semaphore, #tpu.memory_space<semaphore_mem>>) src(%arg4 : memref<3456xf32, #tpu.memory_space<hbm>>) dst(%arg9 : memref<3456xf32, #tpu.memory_space<vmem>>)
      tpu.yield
    }) : () -> ()
    %broadcast_in_dim3A = arith.constant 0x7F800000 : f32
    %broadcast_in_dim3A_1 = vector.broadcast %broadcast_in_dim3A : f32 to vector<16xf32>
    %broadcast_in_dim3A_2 = arith.constant 1 : i32
    %broadcast_in_dim3A_3 = vector.broadcast %broadcast_in_dim3A_2 : i32 to vector<16xi32>
    %iota3A = tpu.iota {dimensions = array<i32: 0>} : vector<16xi32>
    %eq3A = arith.constant 0 : i32
    %eq3A_4 = vector.broadcast %eq3A : i32 to vector<16xi32>
    %eq3A_5 = arith.cmpi eq, %iota3A, %eq3A_4 : vector<16xi32>
    %broadcast_in_dim3A_6 = arith.constant 216 : i32
    %broadcast_in_dim3A_7 = vector.broadcast %broadcast_in_dim3A_6 : i32 to vector<16xi32>
    %swap3A = arith.constant 3456 : index
    %swap3A_8 = tpu.vector_load %arg10[%swap3A] {strides = array<i32>} : memref<3472xf32, #tpu.memory_space<vmem>>, vector<16xf32>,
    tpu.vector_store %arg10[%swap3A], %broadcast_in_dim3A_1 {strides = array<i32>} : memref<3472xf32, #tpu.memory_space<vmem>>, vector<16xf32>,
    %swap3A_9 = arith.constant 3456 : index
    %swap3A_10 = tpu.vector_load %arg11[%swap3A_9] {strides = array<i32>} : memref<3472xf32, #tpu.memory_space<vmem>>, vector<16xf32>,
    tpu.vector_store %arg11[%swap3A_9], %broadcast_in_dim3A_1 {strides = array<i32>} : memref<3472xf32, #tpu.memory_space<vmem>>, vector<16xf32>,
    %swap3A_11 = arith.constant 3456 : index
    %swap3A_12 = tpu.vector_load %arg12[%swap3A_11] {strides = array<i32>} : memref<3472xf32, #tpu.memory_space<vmem>>, vector<16xf32>,
    tpu.vector_store %arg12[%swap3A_11], %broadcast_in_dim3A_1 {strides = array<i32>} : memref<3472xf32, #tpu.memory_space<vmem>>, vector<16xf32>,
    %swap3A_13 = arith.constant 3456 : index
    %swap3A_14 = tpu.vector_load %arg13[%swap3A_13] {strides = array<i32>} : memref<3472xf32, #tpu.memory_space<vmem>>, vector<16xf32>,
    tpu.vector_store %arg13[%swap3A_13], %broadcast_in_dim3A_1 {strides = array<i32>} : memref<3472xf32, #tpu.memory_space<vmem>>, vector<16xf32>,
    %scan3A = arith.constant 0 : i32
    %scan3A_15 = arith.constant 0 : i32
    %scan3A_16 = arith.constant 27 : i32
    %scan3A_17 = arith.addi %scan3A_15, %scan3A_16 : i32
    %scan3A_18 = arith.constant 1 : i32
    scf.for %scan3A_20 = %scan3A_15 to %scan3A_17 step %scan3A_18  : i32 {
      %mul3A_21 = arith.constant 32 : i32
      %mul3A_22 = arith.muli %scan3A_20, %mul3A_21 : i32
      %add3A_23 = arith.addi %add3A, %mul3A_22 : i32
      %mul3A_24 = arith.constant 4 : i32
      %mul3A_25 = arith.muli %add3A_23, %mul3A_24 : i32
      %rem3A = arith.constant 16 : i32
      %rem3A_26 = arith.remsi %mul3A_25, %rem3A : i32
      %sub3A = arith.subi %mul3A_25, %rem3A_26 : i32
      %sub3A_27 = arith.subi %mul3A_25, %sub3A : i32
      %get3A = arith.index_cast %sub3A : i32 to index
      %get3A_28 = tpu.vector_load %arg7[%get3A] {strides = array<i32>} : memref<3456xf32, #tpu.memory_space<vmem>>, vector<16xf32>,
      %get3A_29 = arith.index_cast %sub3A : i32 to index
      %get3A_30 = tpu.vector_load %arg8[%get3A_29] {strides = array<i32>} : memref<3456xf32, #tpu.memory_space<vmem>>, vector<16xf32>,
      %get3A_31 = arith.index_cast %sub3A : i32 to index
      %get3A_32 = tpu.vector_load %arg9[%get3A_31] {strides = array<i32>} : memref<3456xf32, #tpu.memory_space<vmem>>, vector<16xf32>,
      %add3A_33 = arith.constant 0 : i32
      %add3A_34 = arith.addi %sub3A_27, %add3A_33 : i32
      %broadcast_in_dim3A_35 = vector.broadcast %add3A_34 : i32 to vector<16x1xi32>
      %gather3A = vector.shape_cast %broadcast_in_dim3A_35 : vector<16x1xi32> to vector<16xi32>
      %gather3A_36 = tpu.dynamic_gather %get3A_28[%gather3A] in [0] : vector<16xf32>, vector<16xi32> -> vector<16xf32>
      %add3A_37 = arith.constant 1 : i32
      %add3A_38 = arith.addi %sub3A_27, %add3A_37 : i32
      %broadcast_in_dim3A_39 = vector.broadcast %add3A_38 : i32 to vector<16x1xi32>
      %gather3A_40 = vector.shape_cast %broadcast_in_dim3A_39 : vector<16x1xi32> to vector<16xi32>
      %gather3A_41 = tpu.dynamic_gather %get3A_28[%gather3A_40] in [0] : vector<16xf32>, vector<16xi32> -> vector<16xf32>
      %add3A_42 = arith.constant 2 : i32
      %add3A_43 = arith.addi %sub3A_27, %add3A_42 : i32
      %broadcast_in_dim3A_44 = vector.broadcast %add3A_43 : i32 to vector<16x1xi32>
      %gather3A_45 = vector.shape_cast %broadcast_in_dim3A_44 : vector<16x1xi32> to vector<16xi32>
      %gather3A_46 = tpu.dynamic_gather %get3A_28[%gather3A_45] in [0] : vector<16xf32>, vector<16xi32> -> vector<16xf32>
      %add3A_47 = arith.constant 3 : i32
      %add3A_48 = arith.addi %sub3A_27, %add3A_47 : i32
      %broadcast_in_dim3A_49 = vector.broadcast %add3A_48 : i32 to vector<16x1xi32>
      %gather3A_50 = vector.shape_cast %broadcast_in_dim3A_49 : vector<16x1xi32> to vector<16xi32>
      %gather3A_51 = tpu.dynamic_gather %get3A_28[%gather3A_50] in [0] : vector<16xf32>, vector<16xi32> -> vector<16xf32>
      %add3A_52 = arith.constant 0 : i32
      %add3A_53 = arith.addi %sub3A_27, %add3A_52 : i32
      %broadcast_in_dim3A_54 = vector.broadcast %add3A_53 : i32 to vector<16x1xi32>
      %gather3A_55 = vector.shape_cast %broadcast_in_dim3A_54 : vector<16x1xi32> to vector<16xi32>
      %gather3A_56 = tpu.dynamic_gather %get3A_30[%gather3A_55] in [0] : vector<16xf32>, vector<16xi32> -> vector<16xf32>
      %add3A_57 = arith.constant 1 : i32
      %add3A_58 = arith.addi %sub3A_27, %add3A_57 : i32
      %broadcast_in_dim3A_59 = vector.broadcast %add3A_58 : i32 to vector<16x1xi32>
      %gather3A_60 = vector.shape_cast %broadcast_in_dim3A_59 : vector<16x1xi32> to vector<16xi32>
      %gather3A_61 = tpu.dynamic_gather %get3A_30[%gather3A_60] in [0] : vector<16xf32>, vector<16xi32> -> vector<16xf32>
      %add3A_62 = arith.constant 2 : i32
      %add3A_63 = arith.addi %sub3A_27, %add3A_62 : i32
      %broadcast_in_dim3A_64 = vector.broadcast %add3A_63 : i32 to vector<16x1xi32>
      %gather3A_65 = vector.shape_cast %broadcast_in_dim3A_64 : vector<16x1xi32> to vector<16xi32>
      %gather3A_66 = tpu.dynamic_gather %get3A_30[%gather3A_65] in [0] : vector<16xf32>, vector<16xi32> -> vector<16xf32>
      %add3A_67 = arith.constant 3 : i32
      %add3A_68 = arith.addi %sub3A_27, %add3A_67 : i32
      %broadcast_in_dim3A_69 = vector.broadcast %add3A_68 : i32 to vector<16x1xi32>
      %gather3A_70 = vector.shape_cast %broadcast_in_dim3A_69 : vector<16x1xi32> to vector<16xi32>
      %gather3A_71 = tpu.dynamic_gather %get3A_30[%gather3A_70] in [0] : vector<16xf32>, vector<16xi32> -> vector<16xf32>
      %add3A_72 = arith.constant 0 : i32
      %add3A_73 = arith.addi %sub3A_27, %add3A_72 : i32
      %broadcast_in_dim3A_74 = vector.broadcast %add3A_73 : i32 to vector<16x1xi32>
      %gather3A_75 = vector.shape_cast %broadcast_in_dim3A_74 : vector<16x1xi32> to vector<16xi32>
      %gather3A_76 = tpu.dynamic_gather %get3A_32[%gather3A_75] in [0] : vector<16xf32>, vector<16xi32> -> vector<16xf32>
      %add3A_77 = arith.constant 1 : i32
      %add3A_78 = arith.addi %sub3A_27, %add3A_77 : i32
      %broadcast_in_dim3A_79 = vector.broadcast %add3A_78 : i32 to vector<16x1xi32>
      %gather3A_80 = vector.shape_cast %broadcast_in_dim3A_79 : vector<16x1xi32> to vector<16xi32>
      %gather3A_81 = tpu.dynamic_gather %get3A_32[%gather3A_80] in [0] : vector<16xf32>, vector<16xi32> -> vector<16xf32>
      %add3A_82 = arith.constant 2 : i32
      %add3A_83 = arith.addi %sub3A_27, %add3A_82 : i32
      %broadcast_in_dim3A_84 = vector.broadcast %add3A_83 : i32 to vector<16x1xi32>
      %gather3A_85 = vector.shape_cast %broadcast_in_dim3A_84 : vector<16x1xi32> to vector<16xi32>
      %gather3A_86 = tpu.dynamic_gather %get3A_32[%gather3A_85] in [0] : vector<16xf32>, vector<16xi32> -> vector<16xf32>
      %add3A_87 = arith.constant 3 : i32
      %add3A_88 = arith.addi %sub3A_27, %add3A_87 : i32
      %broadcast_in_dim3A_89 = vector.broadcast %add3A_88 : i32 to vector<16x1xi32>
      %gather3A_90 = vector.shape_cast %broadcast_in_dim3A_89 : vector<16x1xi32> to vector<16xi32>
      %gather3A_91 = tpu.dynamic_gather %get3A_32[%gather3A_90] in [0] : vector<16xf32>, vector<16xi32> -> vector<16xf32>
      %scan3A_92 = arith.constant 0 : i32
      %scan3A_93 = arith.constant 216 : i32
      %scan3A_94 = arith.addi %scan3A_92, %scan3A_93 : i32
      %scan3A_95 = arith.constant 1 : i32
      %scan3A_96:8 = scf.for %scan3A_1412 = %scan3A_92 to %scan3A_94 step %scan3A_95 iter_args(%scan3A_1413 = %broadcast_in_dim3A_1, %scan3A_1414 = %broadcast_in_dim3A_1, %scan3A_1415 = %broadcast_in_dim3A_1, %scan3A_1416 = %broadcast_in_dim3A_1, %scan3A_1417 = %broadcast_in_dim3A_1, %scan3A_1418 = %broadcast_in_dim3A_1, %scan3A_1419 = %broadcast_in_dim3A_1, %scan3A_1420 = %broadcast_in_dim3A_1) -> (vector<16xf32>, vector<16xf32>, vector<16xf32>, vector<16xf32>, vector<16xf32>, vector<16xf32>, vector<16xf32>, vector<16xf32>)  : i32 {
        %mul3A_1421 = arith.constant 16 : i32
        %mul3A_1422 = arith.muli %scan3A_1412, %mul3A_1421 : i32
        %get3A_1423 = arith.index_cast %mul3A_1422 : i32 to index
        %get3A_1424 = tpu.vector_load %arg7[%get3A_1423] {strides = array<i32>} : memref<3456xf32, #tpu.memory_space<vmem>>, vector<16xf32>,
        %get3A_1425 = arith.index_cast %mul3A_1422 : i32 to index
        %get3A_1426 = tpu.vector_load %arg8[%get3A_1425] {strides = array<i32>} : memref<3456xf32, #tpu.memory_space<vmem>>, vector<16xf32>,
        %get3A_1427 = arith.index_cast %mul3A_1422 : i32 to index
        %get3A_1428 = tpu.vector_load %arg9[%get3A_1427] {strides = array<i32>} : memref<3456xf32, #tpu.memory_space<vmem>>, vector<16xf32>,
        %sub3A_1429 = arith.subf %get3A_1424, %gather3A_36 : vector<16xf32>
        %sub3A_1430 = arith.subf %get3A_1426, %gather3A_56 : vector<16xf32>
        %sub3A_1431 = arith.subf %get3A_1428, %gather3A_76 : vector<16xf32>
        %mul3A_1432 = arith.mulf %sub3A_1429, %sub3A_1429 : vector<16xf32>
        %mul3A_1433 = arith.mulf %sub3A_1430, %sub3A_1430 : vector<16xf32>
        %add3A_1434 = arith.addf %mul3A_1432, %mul3A_1433 : vector<16xf32>
        %mul3A_1435 = arith.mulf %sub3A_1431, %sub3A_1431 : vector<16xf32>
        %add3A_1436 = arith.addf %add3A_1434, %mul3A_1435 : vector<16xf32>
        %swap3A_1437 = arith.index_cast %mul3A_1422 : i32 to index
        %swap3A_1438 = tpu.vector_load %arg10[%swap3A_1437] {strides = array<i32>} : memref<3472xf32, #tpu.memory_space<vmem>>, vector<16xf32>,
        tpu.vector_store %arg10[%swap3A_1437], %add3A_1436 {strides = array<i32>} : memref<3472xf32, #tpu.memory_space<vmem>>, vector<16xf32>,
        %min3A = arith.minimumf %scan3A_1413, %add3A_1436 : vector<16xf32>
        %max3A_1439 = arith.maximumf %scan3A_1413, %add3A_1436 : vector<16xf32>
        %min3A_1440 = arith.minimumf %scan3A_1417, %max3A_1439 : vector<16xf32>
        %sub3A_1441 = arith.subf %get3A_1424, %gather3A_41 : vector<16xf32>
        %sub3A_1442 = arith.subf %get3A_1426, %gather3A_61 : vector<16xf32>
        %sub3A_1443 = arith.subf %get3A_1428, %gather3A_81 : vector<16xf32>
        %mul3A_1444 = arith.mulf %sub3A_1441, %sub3A_1441 : vector<16xf32>
        %mul3A_1445 = arith.mulf %sub3A_1442, %sub3A_1442 : vector<16xf32>
        %add3A_1446 = arith.addf %mul3A_1444, %mul3A_1445 : vector<16xf32>
        %mul3A_1447 = arith.mulf %sub3A_1443, %sub3A_1443 : vector<16xf32>
        %add3A_1448 = arith.addf %add3A_1446, %mul3A_1447 : vector<16xf32>
        %swap3A_1449 = arith.index_cast %mul3A_1422 : i32 to index
        %swap3A_1450 = tpu.vector_load %arg11[%swap3A_1449] {strides = array<i32>} : memref<3472xf32, #tpu.memory_space<vmem>>, vector<16xf32>,
        tpu.vector_store %arg11[%swap3A_1449], %add3A_1448 {strides = array<i32>} : memref<3472xf32, #tpu.memory_space<vmem>>, vector<16xf32>,
        %min3A_1451 = arith.minimumf %scan3A_1414, %add3A_1448 : vector<16xf32>
        %max3A_1452 = arith.maximumf %scan3A_1414, %add3A_1448 : vector<16xf32>
        %min3A_1453 = arith.minimumf %scan3A_1418, %max3A_1452 : vector<16xf32>
        %sub3A_1454 = arith.subf %get3A_1424, %gather3A_46 : vector<16xf32>
        %sub3A_1455 = arith.subf %get3A_1426, %gather3A_66 : vector<16xf32>
        %sub3A_1456 = arith.subf %get3A_1428, %gather3A_86 : vector<16xf32>
        %mul3A_1457 = arith.mulf %sub3A_1454, %sub3A_1454 : vector<16xf32>
        %mul3A_1458 = arith.mulf %sub3A_1455, %sub3A_1455 : vector<16xf32>
        %add3A_1459 = arith.addf %mul3A_1457, %mul3A_1458 : vector<16xf32>
        %mul3A_1460 = arith.mulf %sub3A_1456, %sub3A_1456 : vector<16xf32>
        %add3A_1461 = arith.addf %add3A_1459, %mul3A_1460 : vector<16xf32>
        %swap3A_1462 = arith.index_cast %mul3A_1422 : i32 to index
        %swap3A_1463 = tpu.vector_load %arg12[%swap3A_1462] {strides = array<i32>} : memref<3472xf32, #tpu.memory_space<vmem>>, vector<16xf32>,
        tpu.vector_store %arg12[%swap3A_1462], %add3A_1461 {strides = array<i32>} : memref<3472xf32, #tpu.memory_space<vmem>>, vector<16xf32>,
        %min3A_1464 = arith.minimumf %scan3A_1415, %add3A_1461 : vector<16xf32>
        %max3A_1465 = arith.maximumf %scan3A_1415, %add3A_1461 : vector<16xf32>
        %min3A_1466 = arith.minimumf %scan3A_1419, %max3A_1465 : vector<16xf32>
        %sub3A_1467 = arith.subf %get3A_1424, %gather3A_51 : vector<16xf32>
        %sub3A_1468 = arith.subf %get3A_1426, %gather3A_71 : vector<16xf32>
        %sub3A_1469 = arith.subf %get3A_1428, %gather3A_91 : vector<16xf32>
        %mul3A_1470 = arith.mulf %sub3A_1467, %sub3A_1467 : vector<16xf32>
        %mul3A_1471 = arith.mulf %sub3A_1468, %sub3A_1468 : vector<16xf32>
        %add3A_1472 = arith.addf %mul3A_1470, %mul3A_1471 : vector<16xf32>
        %mul3A_1473 = arith.mulf %sub3A_1469, %sub3A_1469 : vector<16xf32>
        %add3A_1474 = arith.addf %add3A_1472, %mul3A_1473 : vector<16xf32>
        %swap3A_1475 = arith.index_cast %mul3A_1422 : i32 to index
        %swap3A_1476 = tpu.vector_load %arg13[%swap3A_1475] {strides = array<i32>} : memref<3472xf32, #tpu.memory_space<vmem>>, vector<16xf32>,
        tpu.vector_store %arg13[%swap3A_1475], %add3A_1474 {strides = array<i32>} : memref<3472xf32, #tpu.memory_space<vmem>>, vector<16xf32>,
        %min3A_1477 = arith.minimumf %scan3A_1416, %add3A_1474 : vector<16xf32>
        %max3A_1478 = arith.maximumf %scan3A_1416, %add3A_1474 : vector<16xf32>
        %min3A_1479 = arith.minimumf %scan3A_1420, %max3A_1478 : vector<16xf32>
        scf.yield %min3A, %min3A_1451, %min3A_1464, %min3A_1477, %min3A_1440, %min3A_1453, %min3A_1466, %min3A_1479 : vector<16xf32>, vector<16xf32>, vector<16xf32>, vector<16xf32>, vector<16xf32>, vector<16xf32>, vector<16xf32>, vector<16xf32>
      }
      %scan3A_97 = arith.constant 216 : i32
      %sort3A = arith.constant dense<true> : vector<16xi1>
      %sort3A_98, %sort3A_99, %sort3A_100 = tpu.sort %scan3A_96#0, %scan3A_96#0 masked %sort3A : (vector<16xf32>, vector<16xf32>, vector<16xi1>) -> (vector<16xi1>, vector<16xf32>, vector<16xf32>)
      %sort3A_101 = arith.constant dense<true> : vector<16xi1>
      %sort3A_102, %sort3A_103, %sort3A_104 = tpu.sort %scan3A_96#4, %scan3A_96#4 masked %sort3A_101 : (vector<16xf32>, vector<16xf32>, vector<16xi1>) -> (vector<16xi1>, vector<16xf32>, vector<16xf32>)
      %rev3A = arith.constant 15 : i32
      %rev3A_105 = vector.broadcast %rev3A : i32 to vector<16xi32>
      %rev3A_106 = tpu.iota {dimensions = array<i32: 0>} : vector<16xi32>
      %rev3A_107 = arith.subi %rev3A_105, %rev3A_106 : vector<16xi32>
      %rev3A_108 = tpu.dynamic_gather %sort3A_103[%rev3A_107] in [0] : vector<16xf32>, vector<16xi32> -> vector<16xf32>
      %max3A = arith.maximumf %sort3A_99, %rev3A_108 : vector<16xf32>
      %sort3A_109 = arith.constant dense<true> : vector<16xi1>
      %sort3A_110, %sort3A_111, %sort3A_112 = tpu.sort %max3A, %max3A masked %sort3A_109 : (vector<16xf32>, vector<16xf32>, vector<16xi1>) -> (vector<16xi1>, vector<16xf32>, vector<16xf32>)
      %broadcast_in_dim3A_113 = arith.constant 1 : i32
      %broadcast_in_dim3A_114 = vector.broadcast %broadcast_in_dim3A_113 : i32 to vector<16x1xi32>
      %gather3A_115 = vector.shape_cast %broadcast_in_dim3A_114 : vector<16x1xi32> to vector<16xi32>
      %gather3A_116 = tpu.dynamic_gather %sort3A_111[%gather3A_115] in [0] : vector<16xf32>, vector<16xi32> -> vector<16xf32>
      %sort3A_117 = arith.constant dense<true> : vector<16xi1>
      %sort3A_118, %sort3A_119, %sort3A_120 = tpu.sort %scan3A_96#1, %scan3A_96#1 masked %sort3A_117 : (vector<16xf32>, vector<16xf32>, vector<16xi1>) -> (vector<16xi1>, vector<16xf32>, vector<16xf32>)
      %sort3A_121 = arith.constant dense<true> : vector<16xi1>
      %sort3A_122, %sort3A_123, %sort3A_124 = tpu.sort %scan3A_96#5, %scan3A_96#5 masked %sort3A_121 : (vector<16xf32>, vector<16xf32>, vector<16xi1>) -> (vector<16xi1>, vector<16xf32>, vector<16xf32>)
      %rev3A_125 = arith.constant 15 : i32
      %rev3A_126 = vector.broadcast %rev3A_125 : i32 to vector<16xi32>
      %rev3A_127 = tpu.iota {dimensions = array<i32: 0>} : vector<16xi32>
      %rev3A_128 = arith.subi %rev3A_126, %rev3A_127 : vector<16xi32>
      %rev3A_129 = tpu.dynamic_gather %sort3A_123[%rev3A_128] in [0] : vector<16xf32>, vector<16xi32> -> vector<16xf32>
      %max3A_130 = arith.maximumf %sort3A_119, %rev3A_129 : vector<16xf32>
      %sort3A_131 = arith.constant dense<true> : vector<16xi1>
      %sort3A_132, %sort3A_133, %sort3A_134 = tpu.sort %max3A_130, %max3A_130 masked %sort3A_131 : (vector<16xf32>, vector<16xf32>, vector<16xi1>) -> (vector<16xi1>, vector<16xf32>, vector<16xf32>)
      %broadcast_in_dim3A_135 = arith.constant 1 : i32
      %broadcast_in_dim3A_136 = vector.broadcast %broadcast_in_dim3A_135 : i32 to vector<16x1xi32>
      %gather3A_137 = vector.shape_cast %broadcast_in_dim3A_136 : vector<16x1xi32> to vector<16xi32>
      %gather3A_138 = tpu.dynamic_gather %sort3A_133[%gather3A_137] in [0] : vector<16xf32>, vector<16xi32> -> vector<16xf32>
      %sort3A_139 = arith.constant dense<true> : vector<16xi1>
      %sort3A_140, %sort3A_141, %sort3A_142 = tpu.sort %scan3A_96#2, %scan3A_96#2 masked %sort3A_139 : (vector<16xf32>, vector<16xf32>, vector<16xi1>) -> (vector<16xi1>, vector<16xf32>, vector<16xf32>)
      %sort3A_143 = arith.constant dense<true> : vector<16xi1>
      %sort3A_144, %sort3A_145, %sort3A_146 = tpu.sort %scan3A_96#6, %scan3A_96#6 masked %sort3A_143 : (vector<16xf32>, vector<16xf32>, vector<16xi1>) -> (vector<16xi1>, vector<16xf32>, vector<16xf32>)
      %rev3A_147 = arith.constant 15 : i32
      %rev3A_148 = vector.broadcast %rev3A_147 : i32 to vector<16xi32>
      %rev3A_149 = tpu.iota {dimensions = array<i32: 0>} : vector<16xi32>
      %rev3A_150 = arith.subi %rev3A_148, %rev3A_149 : vector<16xi32>
      %rev3A_151 = tpu.dynamic_gather %sort3A_145[%rev3A_150] in [0] : vector<16xf32>, vector<16xi32> -> vector<16xf32>
      %max3A_152 = arith.maximumf %sort3A_141, %rev3A_151 : vector<16xf32>
      %sort3A_153 = arith.constant dense<true> : vector<16xi1>
      %sort3A_154, %sort3A_155, %sort3A_156 = tpu.sort %max3A_152, %max3A_152 masked %sort3A_153 : (vector<16xf32>, vector<16xf32>, vector<16xi1>) -> (vector<16xi1>, vector<16xf32>, vector<16xf32>)
      %broadcast_in_dim3A_157 = arith.constant 1 : i32
      %broadcast_in_dim3A_158 = vector.broadcast %broadcast_in_dim3A_157 : i32 to vector<16x1xi32>
      %gather3A_159 = vector.shape_cast %broadcast_in_dim3A_158 : vector<16x1xi32> to vector<16xi32>
      %gather3A_160 = tpu.dynamic_gather %sort3A_155[%gather3A_159] in [0] : vector<16xf32>, vector<16xi32> -> vector<16xf32>
      %sort3A_161 = arith.constant dense<true> : vector<16xi1>
      %sort3A_162, %sort3A_163, %sort3A_164 = tpu.sort %scan3A_96#3, %scan3A_96#3 masked %sort3A_161 : (vector<16xf32>, vector<16xf32>, vector<16xi1>) -> (vector<16xi1>, vector<16xf32>, vector<16xf32>)
      %sort3A_165 = arith.constant dense<true> : vector<16xi1>
      %sort3A_166, %sort3A_167, %sort3A_168 = tpu.sort %scan3A_96#7, %scan3A_96#7 masked %sort3A_165 : (vector<16xf32>, vector<16xf32>, vector<16xi1>) -> (vector<16xi1>, vector<16xf32>, vector<16xf32>)
      %rev3A_169 = arith.constant 15 : i32
      %rev3A_170 = vector.broadcast %rev3A_169 : i32 to vector<16xi32>
      %rev3A_171 = tpu.iota {dimensions = array<i32: 0>} : vector<16xi32>
      %rev3A_172 = arith.subi %rev3A_170, %rev3A_171 : vector<16xi32>
      %rev3A_173 = tpu.dynamic_gather %sort3A_167[%rev3A_172] in [0] : vector<16xf32>, vector<16xi32> -> vector<16xf32>
      %max3A_174 = arith.maximumf %sort3A_163, %rev3A_173 : vector<16xf32>
      %sort3A_175 = arith.constant dense<true> : vector<16xi1>
      %sort3A_176, %sort3A_177, %sort3A_178 = tpu.sort %max3A_174, %max3A_174 masked %sort3A_175 : (vector<16xf32>, vector<16xf32>, vector<16xi1>) -> (vector<16xi1>, vector<16xf32>, vector<16xf32>)
      %broadcast_in_dim3A_179 = arith.constant 1 : i32
      %broadcast_in_dim3A_180 = vector.broadcast %broadcast_in_dim3A_179 : i32 to vector<16x1xi32>
      %gather3A_181 = vector.shape_cast %broadcast_in_dim3A_180 : vector<16x1xi32> to vector<16xi32>
      %gather3A_182 = tpu.dynamic_gather %sort3A_177[%gather3A_181] in [0] : vector<16xf32>, vector<16xi32> -> vector<16xf32>
      %swap3A_183 = arith.constant 0 : index
      %swap3A_184 = tpu.vector_load %arg14[%swap3A_183] {strides = array<i32>} : memref<256xi32, #tpu.memory_space<vmem>>, vector<16xi32>,
      tpu.vector_store %arg14[%swap3A_183], %broadcast_in_dim3A_7 {strides = array<i32>} : memref<256xi32, #tpu.memory_space<vmem>>, vector<16xi32>,
      %swap3A_185 = arith.constant 16 : index
      %swap3A_186 = tpu.vector_load %arg14[%swap3A_185] {strides = array<i32>} : memref<256xi32, #tpu.memory_space<vmem>>, vector<16xi32>,
      tpu.vector_store %arg14[%swap3A_185], %broadcast_in_dim3A_7 {strides = array<i32>} : memref<256xi32, #tpu.memory_space<vmem>>, vector<16xi32>,
      %swap3A_187 = arith.constant 32 : index
      %swap3A_188 = tpu.vector_load %arg14[%swap3A_187] {strides = array<i32>} : memref<256xi32, #tpu.memory_space<vmem>>, vector<16xi32>,
      tpu.vector_store %arg14[%swap3A_187], %broadcast_in_dim3A_7 {strides = array<i32>} : memref<256xi32, #tpu.memory_space<vmem>>, vector<16xi32>,
      %swap3A_189 = arith.constant 48 : index
      %swap3A_190 = tpu.vector_load %arg14[%swap3A_189] {strides = array<i32>} : memref<256xi32, #tpu.memory_space<vmem>>, vector<16xi32>,
      tpu.vector_store %arg14[%swap3A_189], %broadcast_in_dim3A_7 {strides = array<i32>} : memref<256xi32, #tpu.memory_space<vmem>>, vector<16xi32>,
      %swap3A_191 = arith.constant 64 : index
      %swap3A_192 = tpu.vector_load %arg14[%swap3A_191] {strides = array<i32>} : memref<256xi32, #tpu.memory_space<vmem>>, vector<16xi32>,
      tpu.vector_store %arg14[%swap3A_191], %broadcast_in_dim3A_7 {strides = array<i32>} : memref<256xi32, #tpu.memory_space<vmem>>, vector<16xi32>,
      %swap3A_193 = arith.constant 80 : index
      %swap3A_194 = tpu.vector_load %arg14[%swap3A_193] {strides = array<i32>} : memref<256xi32, #tpu.memory_space<vmem>>, vector<16xi32>,
      tpu.vector_store %arg14[%swap3A_193], %broadcast_in_dim3A_7 {strides = array<i32>} : memref<256xi32, #tpu.memory_space<vmem>>, vector<16xi32>,
      %swap3A_195 = arith.constant 96 : index
      %swap3A_196 = tpu.vector_load %arg14[%swap3A_195] {strides = array<i32>} : memref<256xi32, #tpu.memory_space<vmem>>, vector<16xi32>,
      tpu.vector_store %arg14[%swap3A_195], %broadcast_in_dim3A_7 {strides = array<i32>} : memref<256xi32, #tpu.memory_space<vmem>>, vector<16xi32>,
      %swap3A_197 = arith.constant 112 : index
      %swap3A_198 = tpu.vector_load %arg14[%swap3A_197] {strides = array<i32>} : memref<256xi32, #tpu.memory_space<vmem>>, vector<16xi32>,
      tpu.vector_store %arg14[%swap3A_197], %broadcast_in_dim3A_7 {strides = array<i32>} : memref<256xi32, #tpu.memory_space<vmem>>, vector<16xi32>,
      %swap3A_199 = arith.constant 128 : index
      %swap3A_200 = tpu.vector_load %arg14[%swap3A_199] {strides = array<i32>} : memref<256xi32, #tpu.memory_space<vmem>>, vector<16xi32>,
      tpu.vector_store %arg14[%swap3A_199], %broadcast_in_dim3A_7 {strides = array<i32>} : memref<256xi32, #tpu.memory_space<vmem>>, vector<16xi32>,
      %swap3A_201 = arith.constant 144 : index
      %swap3A_202 = tpu.vector_load %arg14[%swap3A_201] {strides = array<i32>} : memref<256xi32, #tpu.memory_space<vmem>>, vector<16xi32>,
      tpu.vector_store %arg14[%swap3A_201], %broadcast_in_dim3A_7 {strides = array<i32>} : memref<256xi32, #tpu.memory_space<vmem>>, vector<16xi32>,
      %swap3A_203 = arith.constant 160 : index
      %swap3A_204 = tpu.vector_load %arg14[%swap3A_203] {strides = array<i32>} : memref<256xi32, #tpu.memory_space<vmem>>, vector<16xi32>,
      tpu.vector_store %arg14[%swap3A_203], %broadcast_in_dim3A_7 {strides = array<i32>} : memref<256xi32, #tpu.memory_space<vmem>>, vector<16xi32>,
      %swap3A_205 = arith.constant 176 : index
      %swap3A_206 = tpu.vector_load %arg14[%swap3A_205] {strides = array<i32>} : memref<256xi32, #tpu.memory_space<vmem>>, vector<16xi32>,
      tpu.vector_store %arg14[%swap3A_205], %broadcast_in_dim3A_7 {strides = array<i32>} : memref<256xi32, #tpu.memory_space<vmem>>, vector<16xi32>,
      %swap3A_207 = arith.constant 192 : index
      %swap3A_208 = tpu.vector_load %arg14[%swap3A_207] {strides = array<i32>} : memref<256xi32, #tpu.memory_space<vmem>>, vector<16xi32>,
      tpu.vector_store %arg14[%swap3A_207], %broadcast_in_dim3A_7 {strides = array<i32>} : memref<256xi32, #tpu.memory_space<vmem>>, vector<16xi32>,
      %swap3A_209 = arith.constant 208 : index
      %swap3A_210 = tpu.vector_load %arg14[%swap3A_209] {strides = array<i32>} : memref<256xi32, #tpu.memory_space<vmem>>, vector<16xi32>,
      tpu.vector_store %arg14[%swap3A_209], %broadcast_in_dim3A_7 {strides = array<i32>} : memref<256xi32, #tpu.memory_space<vmem>>, vector<16xi32>,
      %swap3A_211 = arith.constant 224 : index
      %swap3A_212 = tpu.vector_load %arg14[%swap3A_211] {strides = array<i32>} : memref<256xi32, #tpu.memory_space<vmem>>, vector<16xi32>,
      tpu.vector_store %arg14[%swap3A_211], %broadcast_in_dim3A_7 {strides = array<i32>} : memref<256xi32, #tpu.memory_space<vmem>>, vector<16xi32>,
      %swap3A_213 = arith.constant 240 : index
      %swap3A_214 = tpu.vector_load %arg14[%swap3A_213] {strides = array<i32>} : memref<256xi32, #tpu.memory_space<vmem>>, vector<16xi32>,
      tpu.vector_store %arg14[%swap3A_213], %broadcast_in_dim3A_7 {strides = array<i32>} : memref<256xi32, #tpu.memory_space<vmem>>, vector<16xi32>,
      %broadcast_in_dim3A_215 = arith.constant 0 : i32
      %broadcast_in_dim3A_216 = vector.broadcast %broadcast_in_dim3A_215 : i32 to vector<16xi32>
      %scan3A_217 = arith.constant 0 : i32
      %scan3A_218 = arith.constant 216 : i32
      %scan3A_219 = arith.addi %scan3A_217, %scan3A_218 : i32
      %scan3A_220 = arith.constant 1 : i32
      %scan3A_221:2 = scf.for %scan3A_1412 = %scan3A_217 to %scan3A_219 step %scan3A_220 iter_args(%scan3A_1413 = %broadcast_in_dim3A_216, %scan3A_1414 = %broadcast_in_dim3A_216) -> (vector<16xi32>, vector<16xi32>)  : i32 {
        %mul3A_1415 = arith.constant 16 : i32
        %mul3A_1416 = arith.muli %scan3A_1412, %mul3A_1415 : i32
        %get3A_1417 = arith.index_cast %mul3A_1416 : i32 to index
        %get3A_1418 = tpu.vector_load %arg10[%get3A_1417] {strides = array<i32>} : memref<3472xf32, #tpu.memory_space<vmem>>, vector<16xf32>,
        %le3A_1419 = arith.cmpf ole, %get3A_1418, %gather3A_116 : vector<16xf32>
        %get3A_1420 = arith.index_cast %mul3A_1416 : i32 to index
        %get3A_1421 = tpu.vector_load %arg11[%get3A_1420] {strides = array<i32>} : memref<3472xf32, #tpu.memory_space<vmem>>, vector<16xf32>,
        %le3A_1422 = arith.cmpf ole, %get3A_1421, %gather3A_138 : vector<16xf32>
        %get3A_1423 = arith.index_cast %mul3A_1416 : i32 to index
        %get3A_1424 = tpu.vector_load %arg12[%get3A_1423] {strides = array<i32>} : memref<3472xf32, #tpu.memory_space<vmem>>, vector<16xf32>,
        %le3A_1425 = arith.cmpf ole, %get3A_1424, %gather3A_160 : vector<16xf32>
        %get3A_1426 = arith.index_cast %mul3A_1416 : i32 to index
        %get3A_1427 = tpu.vector_load %arg13[%get3A_1426] {strides = array<i32>} : memref<3472xf32, #tpu.memory_space<vmem>>, vector<16xf32>,
        %le3A_1428 = arith.cmpf ole, %get3A_1427, %gather3A_182 : vector<16xf32>
        %or3A = arith.ori %le3A_1419, %le3A_1422 : vector<16xi1>
        %or3A_1429 = arith.ori %le3A_1425, %le3A_1428 : vector<16xi1>
        %or3A_1430 = arith.ori %or3A, %or3A_1429 : vector<16xi1>
        %all_reduce_population_count3A = tpu.all_reduce %or3A_1430 {dim = 0 : i64, kind = #tpu.reduction_kind<sum>} : vector<16xi1> -> vector<16xi32>
        %gt3A = arith.constant 0 : i32
        %gt3A_1431 = vector.broadcast %gt3A : i32 to vector<16xi32>
        %gt3A_1432 = arith.cmpi sgt, %all_reduce_population_count3A, %gt3A_1431 : vector<16xi32>
        %and3A = arith.andi %gt3A_1432, %eq3A_5 : vector<16xi1>
        tpu.vector_store_idx %arg14[%scan3A_1413], %scan3A_1414 masked %and3A : memref<256xi32, #tpu.memory_space<vmem>>[vector<16xi32>], vector<16xi32>, vector<16xi1>
        %min3A = arith.minsi %all_reduce_population_count3A, %broadcast_in_dim3A_3 : vector<16xi32>
        %add3A_1433 = arith.addi %scan3A_1413, %min3A : vector<16xi32>
        %broadcast_in_dim3A_1434 = arith.constant 255 : i32
        %broadcast_in_dim3A_1435 = vector.broadcast %broadcast_in_dim3A_1434 : i32 to vector<16xi32>
        %min3A_1436 = arith.minsi %add3A_1433, %broadcast_in_dim3A_1435 : vector<16xi32>
        %add3A_1437 = arith.constant 1 : i32
        %add3A_1438 = vector.broadcast %add3A_1437 : i32 to vector<16xi32>
        %add3A_1439 = arith.addi %scan3A_1414, %add3A_1438 : vector<16xi32>
        scf.yield %min3A_1436, %add3A_1439 : vector<16xi32>, vector<16xi32>
      }
      %scan3A_222 = arith.constant 216 : i32
      %reduce_max3A = arith.constant true
      %reduce_max3A_223 = vector.broadcast %reduce_max3A : i1 to vector<16xi1>
      %reduce_max3A_224 = arith.constant -2147483648 : i32
      %reduce_max3A_225 = vector.broadcast %reduce_max3A_224 : i32 to vector<16xi32>
      %reduce_max3A_226 = arith.xori %scan3A_221#0, %reduce_max3A_225 : vector<16xi32>
      %reduce_max3A_227 = tpu.scan <max>, %reduce_max3A_226 masked %reduce_max3A_223 : vector<16xi32>, vector<16xi1> -> vector<16xi32>
      %reduce_max3A_228 = arith.xori %reduce_max3A_227, %reduce_max3A_225 : vector<16xi32>
      %reduce_max3A_229 = vector.extract %reduce_max3A_228[15] : i32 from vector<16xi32>
      %add3A_230 = arith.constant 15 : i32
      %add3A_231 = arith.addi %reduce_max3A_229, %add3A_230 : i32
      %div3A = arith.constant 16 : i32
      %div3A_232 = arith.divsi %add3A_231, %div3A : i32
      %broadcast_in_dim3A_233 = arith.constant 3456 : i32
      %broadcast_in_dim3A_234 = vector.broadcast %broadcast_in_dim3A_233 : i32 to vector<16xi32>
      %swap3A_235 = arith.constant 0 : index
      %swap3A_236 = tpu.vector_load %arg15[%swap3A_235] {strides = array<i32>} : memref<80xi32, #tpu.memory_space<vmem>>, vector<16xi32>,
      tpu.vector_store %arg15[%swap3A_235], %broadcast_in_dim3A_234 {strides = array<i32>} : memref<80xi32, #tpu.memory_space<vmem>>, vector<16xi32>,
      %broadcast_in_dim3A_237 = arith.constant 3456 : i32
      %broadcast_in_dim3A_238 = vector.broadcast %broadcast_in_dim3A_237 : i32 to vector<16xi32>
      %swap3A_239 = arith.constant 16 : index
      %swap3A_240 = tpu.vector_load %arg15[%swap3A_239] {strides = array<i32>} : memref<80xi32, #tpu.memory_space<vmem>>, vector<16xi32>,
      tpu.vector_store %arg15[%swap3A_239], %broadcast_in_dim3A_238 {strides = array<i32>} : memref<80xi32, #tpu.memory_space<vmem>>, vector<16xi32>,
      %broadcast_in_dim3A_241 = arith.constant 3456 : i32
      %broadcast_in_dim3A_242 = vector.broadcast %broadcast_in_dim3A_241 : i32 to vector<16xi32>
      %swap3A_243 = arith.constant 32 : index
      %swap3A_244 = tpu.vector_load %arg15[%swap3A_243] {strides = array<i32>} : memref<80xi32, #tpu.memory_space<vmem>>, vector<16xi32>,
      tpu.vector_store %arg15[%swap3A_243], %broadcast_in_dim3A_242 {strides = array<i32>} : memref<80xi32, #tpu.memory_space<vmem>>, vector<16xi32>,
      %broadcast_in_dim3A_245 = arith.constant 3456 : i32
      %broadcast_in_dim3A_246 = vector.broadcast %broadcast_in_dim3A_245 : i32 to vector<16xi32>
      %swap3A_247 = arith.constant 48 : index
      %swap3A_248 = tpu.vector_load %arg15[%swap3A_247] {strides = array<i32>} : memref<80xi32, #tpu.memory_space<vmem>>, vector<16xi32>,
      tpu.vector_store %arg15[%swap3A_247], %broadcast_in_dim3A_246 {strides = array<i32>} : memref<80xi32, #tpu.memory_space<vmem>>, vector<16xi32>,
      %broadcast_in_dim3A_249 = arith.constant 3456 : i32
      %broadcast_in_dim3A_250 = vector.broadcast %broadcast_in_dim3A_249 : i32 to vector<16xi32>
      %swap3A_251 = arith.constant 64 : index
      %swap3A_252 = tpu.vector_load %arg15[%swap3A_251] {strides = array<i32>} : memref<80xi32, #tpu.memory_space<vmem>>, vector<16xi32>,
      tpu.vector_store %arg15[%swap3A_251], %broadcast_in_dim3A_250 {strides = array<i32>} : memref<80xi32, #tpu.memory_space<vmem>>, vector<16xi32>,
      %broadcast_in_dim3A_253 = arith.constant 3456 : i32
      %broadcast_in_dim3A_254 = vector.broadcast %broadcast_in_dim3A_253 : i32 to vector<16xi32>
      %swap3A_255 = arith.constant 0 : index
      %swap3A_256 = tpu.vector_load %arg16[%swap3A_255] {strides = array<i32>} : memref<80xi32, #tpu.memory_space<vmem>>, vector<16xi32>,
      tpu.vector_store %arg16[%swap3A_255], %broadcast_in_dim3A_254 {strides = array<i32>} : memref<80xi32, #tpu.memory_space<vmem>>, vector<16xi32>,
      %broadcast_in_dim3A_257 = arith.constant 3456 : i32
      %broadcast_in_dim3A_258 = vector.broadcast %broadcast_in_dim3A_257 : i32 to vector<16xi32>
      %swap3A_259 = arith.constant 16 : index
      %swap3A_260 = tpu.vector_load %arg16[%swap3A_259] {strides = array<i32>} : memref<80xi32, #tpu.memory_space<vmem>>, vector<16xi32>,
      tpu.vector_store %arg16[%swap3A_259], %broadcast_in_dim3A_258 {strides = array<i32>} : memref<80xi32, #tpu.memory_space<vmem>>, vector<16xi32>,
      %broadcast_in_dim3A_261 = arith.constant 3456 : i32
      %broadcast_in_dim3A_262 = vector.broadcast %broadcast_in_dim3A_261 : i32 to vector<16xi32>
      %swap3A_263 = arith.constant 32 : index
      %swap3A_264 = tpu.vector_load %arg16[%swap3A_263] {strides = array<i32>} : memref<80xi32, #tpu.memory_space<vmem>>, vector<16xi32>,
      tpu.vector_store %arg16[%swap3A_263], %broadcast_in_dim3A_262 {strides = array<i32>} : memref<80xi32, #tpu.memory_space<vmem>>, vector<16xi32>,
      %broadcast_in_dim3A_265 = arith.constant 3456 : i32
      %broadcast_in_dim3A_266 = vector.broadcast %broadcast_in_dim3A_265 : i32 to vector<16xi32>
      %swap3A_267 = arith.constant 48 : index
      %swap3A_268 = tpu.vector_load %arg16[%swap3A_267] {strides = array<i32>} : memref<80xi32, #tpu.memory_space<vmem>>, vector<16xi32>,
      tpu.vector_store %arg16[%swap3A_267], %broadcast_in_dim3A_266 {strides = array<i32>} : memref<80xi32, #tpu.memory_space<vmem>>, vector<16xi32>,
      %broadcast_in_dim3A_269 = arith.constant 3456 : i32
      %broadcast_in_dim3A_270 = vector.broadcast %broadcast_in_dim3A_269 : i32 to vector<16xi32>
      %swap3A_271 = arith.constant 64 : index
      %swap3A_272 = tpu.vector_load %arg16[%swap3A_271] {strides = array<i32>} : memref<80xi32, #tpu.memory_space<vmem>>, vector<16xi32>,
      tpu.vector_store %arg16[%swap3A_271], %broadcast_in_dim3A_270 {strides = array<i32>} : memref<80xi32, #tpu.memory_space<vmem>>, vector<16xi32>,
      %broadcast_in_dim3A_273 = arith.constant 3456 : i32
      %broadcast_in_dim3A_274 = vector.broadcast %broadcast_in_dim3A_273 : i32 to vector<16xi32>
      %swap3A_275 = arith.constant 0 : index
      %swap3A_276 = tpu.vector_load %arg17[%swap3A_275] {strides = array<i32>} : memref<80xi32, #tpu.memory_space<vmem>>, vector<16xi32>,
      tpu.vector_store %arg17[%swap3A_275], %broadcast_in_dim3A_274 {strides = array<i32>} : memref<80xi32, #tpu.memory_space<vmem>>, vector<16xi32>,
      %broadcast_in_dim3A_277 = arith.constant 3456 : i32
      %broadcast_in_dim3A_278 = vector.broadcast %broadcast_in_dim3A_277 : i32 to vector<16xi32>
      %swap3A_279 = arith.constant 16 : index
      %swap3A_280 = tpu.vector_load %arg17[%swap3A_279] {strides = array<i32>} : memref<80xi32, #tpu.memory_space<vmem>>, vector<16xi32>,
      tpu.vector_store %arg17[%swap3A_279], %broadcast_in_dim3A_278 {strides = array<i32>} : memref<80xi32, #tpu.memory_space<vmem>>, vector<16xi32>,
      %broadcast_in_dim3A_281 = arith.constant 3456 : i32
      %broadcast_in_dim3A_282 = vector.broadcast %broadcast_in_dim3A_281 : i32 to vector<16xi32>
      %swap3A_283 = arith.constant 32 : index
      %swap3A_284 = tpu.vector_load %arg17[%swap3A_283] {strides = array<i32>} : memref<80xi32, #tpu.memory_space<vmem>>, vector<16xi32>,
      tpu.vector_store %arg17[%swap3A_283], %broadcast_in_dim3A_282 {strides = array<i32>} : memref<80xi32, #tpu.memory_space<vmem>>, vector<16xi32>,
      %broadcast_in_dim3A_285 = arith.constant 3456 : i32
      %broadcast_in_dim3A_286 = vector.broadcast %broadcast_in_dim3A_285 : i32 to vector<16xi32>
      %swap3A_287 = arith.constant 48 : index
      %swap3A_288 = tpu.vector_load %arg17[%swap3A_287] {strides = array<i32>} : memref<80xi32, #tpu.memory_space<vmem>>, vector<16xi32>,
      tpu.vector_store %arg17[%swap3A_287], %broadcast_in_dim3A_286 {strides = array<i32>} : memref<80xi32, #tpu.memory_space<vmem>>, vector<16xi32>,
      %broadcast_in_dim3A_289 = arith.constant 3456 : i32
      %broadcast_in_dim3A_290 = vector.broadcast %broadcast_in_dim3A_289 : i32 to vector<16xi32>
      %swap3A_291 = arith.constant 64 : index
      %swap3A_292 = tpu.vector_load %arg17[%swap3A_291] {strides = array<i32>} : memref<80xi32, #tpu.memory_space<vmem>>, vector<16xi32>,
      tpu.vector_store %arg17[%swap3A_291], %broadcast_in_dim3A_290 {strides = array<i32>} : memref<80xi32, #tpu.memory_space<vmem>>, vector<16xi32>,
      %broadcast_in_dim3A_293 = arith.constant 3456 : i32
      %broadcast_in_dim3A_294 = vector.broadcast %broadcast_in_dim3A_293 : i32 to vector<16xi32>
      %swap3A_295 = arith.constant 0 : index
      %swap3A_296 = tpu.vector_load %arg18[%swap3A_295] {strides = array<i32>} : memref<80xi32, #tpu.memory_space<vmem>>, vector<16xi32>,
      tpu.vector_store %arg18[%swap3A_295], %broadcast_in_dim3A_294 {strides = array<i32>} : memref<80xi32, #tpu.memory_space<vmem>>, vector<16xi32>,
      %broadcast_in_dim3A_297 = arith.constant 3456 : i32
      %broadcast_in_dim3A_298 = vector.broadcast %broadcast_in_dim3A_297 : i32 to vector<16xi32>
      %swap3A_299 = arith.constant 16 : index
      %swap3A_300 = tpu.vector_load %arg18[%swap3A_299] {strides = array<i32>} : memref<80xi32, #tpu.memory_space<vmem>>, vector<16xi32>,
      tpu.vector_store %arg18[%swap3A_299], %broadcast_in_dim3A_298 {strides = array<i32>} : memref<80xi32, #tpu.memory_space<vmem>>, vector<16xi32>,
      %broadcast_in_dim3A_301 = arith.constant 3456 : i32
      %broadcast_in_dim3A_302 = vector.broadcast %broadcast_in_dim3A_301 : i32 to vector<16xi32>
      %swap3A_303 = arith.constant 32 : index
      %swap3A_304 = tpu.vector_load %arg18[%swap3A_303] {strides = array<i32>} : memref<80xi32, #tpu.memory_space<vmem>>, vector<16xi32>,
      tpu.vector_store %arg18[%swap3A_303], %broadcast_in_dim3A_302 {strides = array<i32>} : memref<80xi32, #tpu.memory_space<vmem>>, vector<16xi32>,
      %broadcast_in_dim3A_305 = arith.constant 3456 : i32
      %broadcast_in_dim3A_306 = vector.broadcast %broadcast_in_dim3A_305 : i32 to vector<16xi32>
      %swap3A_307 = arith.constant 48 : index
      %swap3A_308 = tpu.vector_load %arg18[%swap3A_307] {strides = array<i32>} : memref<80xi32, #tpu.memory_space<vmem>>, vector<16xi32>,
      tpu.vector_store %arg18[%swap3A_307], %broadcast_in_dim3A_306 {strides = array<i32>} : memref<80xi32, #tpu.memory_space<vmem>>, vector<16xi32>,
      %broadcast_in_dim3A_309 = arith.constant 3456 : i32
      %broadcast_in_dim3A_310 = vector.broadcast %broadcast_in_dim3A_309 : i32 to vector<16xi32>
      %swap3A_311 = arith.constant 64 : index
      %swap3A_312 = tpu.vector_load %arg18[%swap3A_311] {strides = array<i32>} : memref<80xi32, #tpu.memory_space<vmem>>, vector<16xi32>,
      tpu.vector_store %arg18[%swap3A_311], %broadcast_in_dim3A_310 {strides = array<i32>} : memref<80xi32, #tpu.memory_space<vmem>>, vector<16xi32>,
      %broadcast_in_dim3A_313 = arith.constant -1 : i32
      %broadcast_in_dim3A_314 = vector.broadcast %broadcast_in_dim3A_313 : i32 to vector<16xi32>
      %while3A = arith.constant 0 : i32
      %while3A_315 = arith.subi %div3A_232, %while3A : i32
      %while3A_316 = arith.addi %while3A, %while3A_315 : i32
      %while3A_317 = arith.constant 1 : i32
      %while3A_318 = arith.divsi %while3A_315, %while3A_317 : i32
      %while3A_319 = arith.muli %while3A_318, %while3A_317 : i32
      %while3A_320 = arith.addi %while3A, %while3A_319 : i32
      %while3A_321 = arith.constant 1 : i32
      %while3A_322:4 = scf.for %while3A_1412 = %while3A to %while3A_320 step %while3A_321 iter_args(%while3A_1413 = %broadcast_in_dim3A_314, %while3A_1414 = %broadcast_in_dim3A_314, %while3A_1415 = %broadcast_in_dim3A_314, %while3A_1416 = %broadcast_in_dim3A_314) -> (vector<16xi32>, vector<16xi32>, vector<16xi32>, vector<16xi32>)  : i32 {
        %mul3A_1417 = arith.constant 16 : i32
        %mul3A_1418 = arith.muli %while3A_1412, %mul3A_1417 : i32
        %get3A_1419 = arith.index_cast %mul3A_1418 : i32 to index
        %get3A_1420 = tpu.vector_load %arg14[%get3A_1419] {strides = array<i32>} : memref<256xi32, #tpu.memory_space<vmem>>, vector<16xi32>,
        %broadcast_in_dim3A_1421 = arith.constant 0 : i32
        %broadcast_in_dim3A_1422 = vector.broadcast %broadcast_in_dim3A_1421 : i32 to vector<16x1xi32>
        %gather3A_1423 = vector.shape_cast %broadcast_in_dim3A_1422 : vector<16x1xi32> to vector<16xi32>
        %gather3A_1424 = tpu.dynamic_gather %get3A_1420[%gather3A_1423] in [0] : vector<16xi32>, vector<16xi32> -> vector<16xi32>
        %mul3A_1425 = arith.constant 16 : i32
        %mul3A_1426 = vector.broadcast %mul3A_1425 : i32 to vector<16xi32>
        %mul3A_1427 = arith.muli %gather3A_1424, %mul3A_1426 : vector<16xi32>
        %add3A_1428 = arith.addi %mul3A_1427, %iota3A : vector<16xi32>
        %gather3A_1429 = tpu.vector_load_idx %arg10[%add3A_1428] : memref<3472xf32, #tpu.memory_space<vmem>>[vector<16xi32>], vector<16xf32>,
        %le3A_1430 = arith.cmpf ole, %gather3A_1429, %gather3A_116 : vector<16xf32>
        %masked_cumsum3A = tpu.scan <sum>, %broadcast_in_dim3A_3 masked %le3A_1430 : vector<16xi32>, vector<16xi1> -> vector<16xi32>
        %add3A_1431 = arith.addi %while3A_1413, %masked_cumsum3A : vector<16xi32>
        tpu.vector_store_idx %arg15[%add3A_1431], %add3A_1428 masked %le3A_1430 : memref<80xi32, #tpu.memory_space<vmem>>[vector<16xi32>], vector<16xi32>, vector<16xi1>
        %all_reduce_population_count3A = tpu.all_reduce %le3A_1430 {dim = 0 : i64, kind = #tpu.reduction_kind<sum>} : vector<16xi1> -> vector<16xi32>
        %add3A_1432 = arith.addi %while3A_1413, %all_reduce_population_count3A : vector<16xi32>
        %broadcast_in_dim3A_1433 = arith.constant 63 : i32
        %broadcast_in_dim3A_1434 = vector.broadcast %broadcast_in_dim3A_1433 : i32 to vector<16xi32>
        %min3A = arith.minsi %add3A_1432, %broadcast_in_dim3A_1434 : vector<16xi32>
        %gather3A_1435 = tpu.vector_load_idx %arg11[%add3A_1428] : memref<3472xf32, #tpu.memory_space<vmem>>[vector<16xi32>], vector<16xf32>,
        %le3A_1436 = arith.cmpf ole, %gather3A_1435, %gather3A_138 : vector<16xf32>
        %masked_cumsum3A_1437 = tpu.scan <sum>, %broadcast_in_dim3A_3 masked %le3A_1436 : vector<16xi32>, vector<16xi1> -> vector<16xi32>
        %add3A_1438 = arith.addi %while3A_1414, %masked_cumsum3A_1437 : vector<16xi32>
        tpu.vector_store_idx %arg16[%add3A_1438], %add3A_1428 masked %le3A_1436 : memref<80xi32, #tpu.memory_space<vmem>>[vector<16xi32>], vector<16xi32>, vector<16xi1>
        %all_reduce_population_count3A_1439 = tpu.all_reduce %le3A_1436 {dim = 0 : i64, kind = #tpu.reduction_kind<sum>} : vector<16xi1> -> vector<16xi32>
        %add3A_1440 = arith.addi %while3A_1414, %all_reduce_population_count3A_1439 : vector<16xi32>
        %broadcast_in_dim3A_1441 = arith.constant 63 : i32
        %broadcast_in_dim3A_1442 = vector.broadcast %broadcast_in_dim3A_1441 : i32 to vector<16xi32>
        %min3A_1443 = arith.minsi %add3A_1440, %broadcast_in_dim3A_1442 : vector<16xi32>
        %gather3A_1444 = tpu.vector_load_idx %arg12[%add3A_1428] : memref<3472xf32, #tpu.memory_space<vmem>>[vector<16xi32>], vector<16xf32>,
        %le3A_1445 = arith.cmpf ole, %gather3A_1444, %gather3A_160 : vector<16xf32>
        %masked_cumsum3A_1446 = tpu.scan <sum>, %broadcast_in_dim3A_3 masked %le3A_1445 : vector<16xi32>, vector<16xi1> -> vector<16xi32>
        %add3A_1447 = arith.addi %while3A_1415, %masked_cumsum3A_1446 : vector<16xi32>
        tpu.vector_store_idx %arg17[%add3A_1447], %add3A_1428 masked %le3A_1445 : memref<80xi32, #tpu.memory_space<vmem>>[vector<16xi32>], vector<16xi32>, vector<16xi1>
        %all_reduce_population_count3A_1448 = tpu.all_reduce %le3A_1445 {dim = 0 : i64, kind = #tpu.reduction_kind<sum>} : vector<16xi1> -> vector<16xi32>
        %add3A_1449 = arith.addi %while3A_1415, %all_reduce_population_count3A_1448 : vector<16xi32>
        %broadcast_in_dim3A_1450 = arith.constant 63 : i32
        %broadcast_in_dim3A_1451 = vector.broadcast %broadcast_in_dim3A_1450 : i32 to vector<16xi32>
        %min3A_1452 = arith.minsi %add3A_1449, %broadcast_in_dim3A_1451 : vector<16xi32>
        %gather3A_1453 = tpu.vector_load_idx %arg13[%add3A_1428] : memref<3472xf32, #tpu.memory_space<vmem>>[vector<16xi32>], vector<16xf32>,
        %le3A_1454 = arith.cmpf ole, %gather3A_1453, %gather3A_182 : vector<16xf32>
        %masked_cumsum3A_1455 = tpu.scan <sum>, %broadcast_in_dim3A_3 masked %le3A_1454 : vector<16xi32>, vector<16xi1> -> vector<16xi32>
        %add3A_1456 = arith.addi %while3A_1416, %masked_cumsum3A_1455 : vector<16xi32>
        tpu.vector_store_idx %arg18[%add3A_1456], %add3A_1428 masked %le3A_1454 : memref<80xi32, #tpu.memory_space<vmem>>[vector<16xi32>], vector<16xi32>, vector<16xi1>
        %all_reduce_population_count3A_1457 = tpu.all_reduce %le3A_1454 {dim = 0 : i64, kind = #tpu.reduction_kind<sum>} : vector<16xi1> -> vector<16xi32>
        %add3A_1458 = arith.addi %while3A_1416, %all_reduce_population_count3A_1457 : vector<16xi32>
        %broadcast_in_dim3A_1459 = arith.constant 63 : i32
        %broadcast_in_dim3A_1460 = vector.broadcast %broadcast_in_dim3A_1459 : i32 to vector<16xi32>
        %min3A_1461 = arith.minsi %add3A_1458, %broadcast_in_dim3A_1460 : vector<16xi32>
        %broadcast_in_dim3A_1462 = arith.constant 1 : i32
        %broadcast_in_dim3A_1463 = vector.broadcast %broadcast_in_dim3A_1462 : i32 to vector<16x1xi32>
        %gather3A_1464 = vector.shape_cast %broadcast_in_dim3A_1463 : vector<16x1xi32> to vector<16xi32>
        %gather3A_1465 = tpu.dynamic_gather %get3A_1420[%gather3A_1464] in [0] : vector<16xi32>, vector<16xi32> -> vector<16xi32>
        %mul3A_1466 = arith.constant 16 : i32
        %mul3A_1467 = vector.broadcast %mul3A_1466 : i32 to vector<16xi32>
        %mul3A_1468 = arith.muli %gather3A_1465, %mul3A_1467 : vector<16xi32>
        %add3A_1469 = arith.addi %mul3A_1468, %iota3A : vector<16xi32>
        %gather3A_1470 = tpu.vector_load_idx %arg10[%add3A_1469] : memref<3472xf32, #tpu.memory_space<vmem>>[vector<16xi32>], vector<16xf32>,
        %le3A_1471 = arith.cmpf ole, %gather3A_1470, %gather3A_116 : vector<16xf32>
        %masked_cumsum3A_1472 = tpu.scan <sum>, %broadcast_in_dim3A_3 masked %le3A_1471 : vector<16xi32>, vector<16xi1> -> vector<16xi32>
        %add3A_1473 = arith.addi %min3A, %masked_cumsum3A_1472 : vector<16xi32>
        tpu.vector_store_idx %arg15[%add3A_1473], %add3A_1469 masked %le3A_1471 : memref<80xi32, #tpu.memory_space<vmem>>[vector<16xi32>], vector<16xi32>, vector<16xi1>
        %all_reduce_population_count3A_1474 = tpu.all_reduce %le3A_1471 {dim = 0 : i64, kind = #tpu.reduction_kind<sum>} : vector<16xi1> -> vector<16xi32>
        %add3A_1475 = arith.addi %min3A, %all_reduce_population_count3A_1474 : vector<16xi32>
        %broadcast_in_dim3A_1476 = arith.constant 63 : i32
        %broadcast_in_dim3A_1477 = vector.broadcast %broadcast_in_dim3A_1476 : i32 to vector<16xi32>
        %min3A_1478 = arith.minsi %add3A_1475, %broadcast_in_dim3A_1477 : vector<16xi32>
        %gather3A_1479 = tpu.vector_load_idx %arg11[%add3A_1469] : memref<3472xf32, #tpu.memory_space<vmem>>[vector<16xi32>], vector<16xf32>,
        %le3A_1480 = arith.cmpf ole, %gather3A_1479, %gather3A_138 : vector<16xf32>
        %masked_cumsum3A_1481 = tpu.scan <sum>, %broadcast_in_dim3A_3 masked %le3A_1480 : vector<16xi32>, vector<16xi1> -> vector<16xi32>
        %add3A_1482 = arith.addi %min3A_1443, %masked_cumsum3A_1481 : vector<16xi32>
        tpu.vector_store_idx %arg16[%add3A_1482], %add3A_1469 masked %le3A_1480 : memref<80xi32, #tpu.memory_space<vmem>>[vector<16xi32>], vector<16xi32>, vector<16xi1>
        %all_reduce_population_count3A_1483 = tpu.all_reduce %le3A_1480 {dim = 0 : i64, kind = #tpu.reduction_kind<sum>} : vector<16xi1> -> vector<16xi32>
        %add3A_1484 = arith.addi %min3A_1443, %all_reduce_population_count3A_1483 : vector<16xi32>
        %broadcast_in_dim3A_1485 = arith.constant 63 : i32
        %broadcast_in_dim3A_1486 = vector.broadcast %broadcast_in_dim3A_1485 : i32 to vector<16xi32>
        %min3A_1487 = arith.minsi %add3A_1484, %broadcast_in_dim3A_1486 : vector<16xi32>
        %gather3A_1488 = tpu.vector_load_idx %arg12[%add3A_1469] : memref<3472xf32, #tpu.memory_space<vmem>>[vector<16xi32>], vector<16xf32>,
        %le3A_1489 = arith.cmpf ole, %gather3A_1488, %gather3A_160 : vector<16xf32>
        %masked_cumsum3A_1490 = tpu.scan <sum>, %broadcast_in_dim3A_3 masked %le3A_1489 : vector<16xi32>, vector<16xi1> -> vector<16xi32>
        %add3A_1491 = arith.addi %min3A_1452, %masked_cumsum3A_1490 : vector<16xi32>
        tpu.vector_store_idx %arg17[%add3A_1491], %add3A_1469 masked %le3A_1489 : memref<80xi32, #tpu.memory_space<vmem>>[vector<16xi32>], vector<16xi32>, vector<16xi1>
        %all_reduce_population_count3A_1492 = tpu.all_reduce %le3A_1489 {dim = 0 : i64, kind = #tpu.reduction_kind<sum>} : vector<16xi1> -> vector<16xi32>
        %add3A_1493 = arith.addi %min3A_1452, %all_reduce_population_count3A_1492 : vector<16xi32>
        %broadcast_in_dim3A_1494 = arith.constant 63 : i32
        %broadcast_in_dim3A_1495 = vector.broadcast %broadcast_in_dim3A_1494 : i32 to vector<16xi32>
        %min3A_1496 = arith.minsi %add3A_1493, %broadcast_in_dim3A_1495 : vector<16xi32>
        %gather3A_1497 = tpu.vector_load_idx %arg13[%add3A_1469] : memref<3472xf32, #tpu.memory_space<vmem>>[vector<16xi32>], vector<16xf32>,
        %le3A_1498 = arith.cmpf ole, %gather3A_1497, %gather3A_182 : vector<16xf32>
        %masked_cumsum3A_1499 = tpu.scan <sum>, %broadcast_in_dim3A_3 masked %le3A_1498 : vector<16xi32>, vector<16xi1> -> vector<16xi32>
        %add3A_1500 = arith.addi %min3A_1461, %masked_cumsum3A_1499 : vector<16xi32>
        tpu.vector_store_idx %arg18[%add3A_1500], %add3A_1469 masked %le3A_1498 : memref<80xi32, #tpu.memory_space<vmem>>[vector<16xi32>], vector<16xi32>, vector<16xi1>
        %all_reduce_population_count3A_1501 = tpu.all_reduce %le3A_1498 {dim = 0 : i64, kind = #tpu.reduction_kind<sum>} : vector<16xi1> -> vector<16xi32>
        %add3A_1502 = arith.addi %min3A_1461, %all_reduce_population_count3A_1501 : vector<16xi32>
        %broadcast_in_dim3A_1503 = arith.constant 63 : i32
        %broadcast_in_dim3A_1504 = vector.broadcast %broadcast_in_dim3A_1503 : i32 to vector<16xi32>
        %min3A_1505 = arith.minsi %add3A_1502, %broadcast_in_dim3A_1504 : vector<16xi32>
        %broadcast_in_dim3A_1506 = arith.constant 2 : i32
        %broadcast_in_dim3A_1507 = vector.broadcast %broadcast_in_dim3A_1506 : i32 to vector<16x1xi32>
        %gather3A_1508 = vector.shape_cast %broadcast_in_dim3A_1507 : vector<16x1xi32> to vector<16xi32>
        %gather3A_1509 = tpu.dynamic_gather %get3A_1420[%gather3A_1508] in [0] : vector<16xi32>, vector<16xi32> -> vector<16xi32>
        %mul3A_1510 = arith.constant 16 : i32
        %mul3A_1511 = vector.broadcast %mul3A_1510 : i32 to vector<16xi32>
        %mul3A_1512 = arith.muli %gather3A_1509, %mul3A_1511 : vector<16xi32>
        %add3A_1513 = arith.addi %mul3A_1512, %iota3A : vector<16xi32>
        %gather3A_1514 = tpu.vector_load_idx %arg10[%add3A_1513] : memref<3472xf32, #tpu.memory_space<vmem>>[vector<16xi32>], vector<16xf32>,
        %le3A_1515 = arith.cmpf ole, %gather3A_1514, %gather3A_116 : vector<16xf32>
        %masked_cumsum3A_1516 = tpu.scan <sum>, %broadcast_in_dim3A_3 masked %le3A_1515 : vector<16xi32>, vector<16xi1> -> vector<16xi32>
        %add3A_1517 = arith.addi %min3A_1478, %masked_cumsum3A_1516 : vector<16xi32>
        tpu.vector_store_idx %arg15[%add3A_1517], %add3A_1513 masked %le3A_1515 : memref<80xi32, #tpu.memory_space<vmem>>[vector<16xi32>], vector<16xi32>, vector<16xi1>
        %all_reduce_population_count3A_1518 = tpu.all_reduce %le3A_1515 {dim = 0 : i64, kind = #tpu.reduction_kind<sum>} : vector<16xi1> -> vector<16xi32>
        %add3A_1519 = arith.addi %min3A_1478, %all_reduce_population_count3A_1518 : vector<16xi32>
        %broadcast_in_dim3A_1520 = arith.constant 63 : i32
        %broadcast_in_dim3A_1521 = vector.broadcast %broadcast_in_dim3A_1520 : i32 to vector<16xi32>
        %min3A_1522 = arith.minsi %add3A_1519, %broadcast_in_dim3A_1521 : vector<16xi32>
        %gather3A_1523 = tpu.vector_load_idx %arg11[%add3A_1513] : memref<3472xf32, #tpu.memory_space<vmem>>[vector<16xi32>], vector<16xf32>,
        %le3A_1524 = arith.cmpf ole, %gather3A_1523, %gather3A_138 : vector<16xf32>
        %masked_cumsum3A_1525 = tpu.scan <sum>, %broadcast_in_dim3A_3 masked %le3A_1524 : vector<16xi32>, vector<16xi1> -> vector<16xi32>
        %add3A_1526 = arith.addi %min3A_1487, %masked_cumsum3A_1525 : vector<16xi32>
        tpu.vector_store_idx %arg16[%add3A_1526], %add3A_1513 masked %le3A_1524 : memref<80xi32, #tpu.memory_space<vmem>>[vector<16xi32>], vector<16xi32>, vector<16xi1>
        %all_reduce_population_count3A_1527 = tpu.all_reduce %le3A_1524 {dim = 0 : i64, kind = #tpu.reduction_kind<sum>} : vector<16xi1> -> vector<16xi32>
        %add3A_1528 = arith.addi %min3A_1487, %all_reduce_population_count3A_1527 : vector<16xi32>
        %broadcast_in_dim3A_1529 = arith.constant 63 : i32
        %broadcast_in_dim3A_1530 = vector.broadcast %broadcast_in_dim3A_1529 : i32 to vector<16xi32>
        %min3A_1531 = arith.minsi %add3A_1528, %broadcast_in_dim3A_1530 : vector<16xi32>
        %gather3A_1532 = tpu.vector_load_idx %arg12[%add3A_1513] : memref<3472xf32, #tpu.memory_space<vmem>>[vector<16xi32>], vector<16xf32>,
        %le3A_1533 = arith.cmpf ole, %gather3A_1532, %gather3A_160 : vector<16xf32>
        %masked_cumsum3A_1534 = tpu.scan <sum>, %broadcast_in_dim3A_3 masked %le3A_1533 : vector<16xi32>, vector<16xi1> -> vector<16xi32>
        %add3A_1535 = arith.addi %min3A_1496, %masked_cumsum3A_1534 : vector<16xi32>
        tpu.vector_store_idx %arg17[%add3A_1535], %add3A_1513 masked %le3A_1533 : memref<80xi32, #tpu.memory_space<vmem>>[vector<16xi32>], vector<16xi32>, vector<16xi1>
        %all_reduce_population_count3A_1536 = tpu.all_reduce %le3A_1533 {dim = 0 : i64, kind = #tpu.reduction_kind<sum>} : vector<16xi1> -> vector<16xi32>
        %add3A_1537 = arith.addi %min3A_1496, %all_reduce_population_count3A_1536 : vector<16xi32>
        %broadcast_in_dim3A_1538 = arith.constant 63 : i32
        %broadcast_in_dim3A_1539 = vector.broadcast %broadcast_in_dim3A_1538 : i32 to vector<16xi32>
        %min3A_1540 = arith.minsi %add3A_1537, %broadcast_in_dim3A_1539 : vector<16xi32>
        %gather3A_1541 = tpu.vector_load_idx %arg13[%add3A_1513] : memref<3472xf32, #tpu.memory_space<vmem>>[vector<16xi32>], vector<16xf32>,
        %le3A_1542 = arith.cmpf ole, %gather3A_1541, %gather3A_182 : vector<16xf32>
        %masked_cumsum3A_1543 = tpu.scan <sum>, %broadcast_in_dim3A_3 masked %le3A_1542 : vector<16xi32>, vector<16xi1> -> vector<16xi32>
        %add3A_1544 = arith.addi %min3A_1505, %masked_cumsum3A_1543 : vector<16xi32>
        tpu.vector_store_idx %arg18[%add3A_1544], %add3A_1513 masked %le3A_1542 : memref<80xi32, #tpu.memory_space<vmem>>[vector<16xi32>], vector<16xi32>, vector<16xi1>
        %all_reduce_population_count3A_1545 = tpu.all_reduce %le3A_1542 {dim = 0 : i64, kind = #tpu.reduction_kind<sum>} : vector<16xi1> -> vector<16xi32>
        %add3A_1546 = arith.addi %min3A_1505, %all_reduce_population_count3A_1545 : vector<16xi32>
        %broadcast_in_dim3A_1547 = arith.constant 63 : i32
        %broadcast_in_dim3A_1548 = vector.broadcast %broadcast_in_dim3A_1547 : i32 to vector<16xi32>
        %min3A_1549 = arith.minsi %add3A_1546, %broadcast_in_dim3A_1548 : vector<16xi32>
        %broadcast_in_dim3A_1550 = arith.constant 3 : i32
        %broadcast_in_dim3A_1551 = vector.broadcast %broadcast_in_dim3A_1550 : i32 to vector<16x1xi32>
        %gather3A_1552 = vector.shape_cast %broadcast_in_dim3A_1551 : vector<16x1xi32> to vector<16xi32>
        %gather3A_1553 = tpu.dynamic_gather %get3A_1420[%gather3A_1552] in [0] : vector<16xi32>, vector<16xi32> -> vector<16xi32>
        %mul3A_1554 = arith.constant 16 : i32
        %mul3A_1555 = vector.broadcast %mul3A_1554 : i32 to vector<16xi32>
        %mul3A_1556 = arith.muli %gather3A_1553, %mul3A_1555 : vector<16xi32>
        %add3A_1557 = arith.addi %mul3A_1556, %iota3A : vector<16xi32>
        %gather3A_1558 = tpu.vector_load_idx %arg10[%add3A_1557] : memref<3472xf32, #tpu.memory_space<vmem>>[vector<16xi32>], vector<16xf32>,
        %le3A_1559 = arith.cmpf ole, %gather3A_1558, %gather3A_116 : vector<16xf32>
        %masked_cumsum3A_1560 = tpu.scan <sum>, %broadcast_in_dim3A_3 masked %le3A_1559 : vector<16xi32>, vector<16xi1> -> vector<16xi32>
        %add3A_1561 = arith.addi %min3A_1522, %masked_cumsum3A_1560 : vector<16xi32>
        tpu.vector_store_idx %arg15[%add3A_1561], %add3A_1557 masked %le3A_1559 : memref<80xi32, #tpu.memory_space<vmem>>[vector<16xi32>], vector<16xi32>, vector<16xi1>
        %all_reduce_population_count3A_1562 = tpu.all_reduce %le3A_1559 {dim = 0 : i64, kind = #tpu.reduction_kind<sum>} : vector<16xi1> -> vector<16xi32>
        %add3A_1563 = arith.addi %min3A_1522, %all_reduce_population_count3A_1562 : vector<16xi32>
        %broadcast_in_dim3A_1564 = arith.constant 63 : i32
        %broadcast_in_dim3A_1565 = vector.broadcast %broadcast_in_dim3A_1564 : i32 to vector<16xi32>
        %min3A_1566 = arith.minsi %add3A_1563, %broadcast_in_dim3A_1565 : vector<16xi32>
        %gather3A_1567 = tpu.vector_load_idx %arg11[%add3A_1557] : memref<3472xf32, #tpu.memory_space<vmem>>[vector<16xi32>], vector<16xf32>,
        %le3A_1568 = arith.cmpf ole, %gather3A_1567, %gather3A_138 : vector<16xf32>
        %masked_cumsum3A_1569 = tpu.scan <sum>, %broadcast_in_dim3A_3 masked %le3A_1568 : vector<16xi32>, vector<16xi1> -> vector<16xi32>
        %add3A_1570 = arith.addi %min3A_1531, %masked_cumsum3A_1569 : vector<16xi32>
        tpu.vector_store_idx %arg16[%add3A_1570], %add3A_1557 masked %le3A_1568 : memref<80xi32, #tpu.memory_space<vmem>>[vector<16xi32>], vector<16xi32>, vector<16xi1>
        %all_reduce_population_count3A_1571 = tpu.all_reduce %le3A_1568 {dim = 0 : i64, kind = #tpu.reduction_kind<sum>} : vector<16xi1> -> vector<16xi32>
        %add3A_1572 = arith.addi %min3A_1531, %all_reduce_population_count3A_1571 : vector<16xi32>
        %broadcast_in_dim3A_1573 = arith.constant 63 : i32
        %broadcast_in_dim3A_1574 = vector.broadcast %broadcast_in_dim3A_1573 : i32 to vector<16xi32>
        %min3A_1575 = arith.minsi %add3A_1572, %broadcast_in_dim3A_1574 : vector<16xi32>
        %gather3A_1576 = tpu.vector_load_idx %arg12[%add3A_1557] : memref<3472xf32, #tpu.memory_space<vmem>>[vector<16xi32>], vector<16xf32>,
        %le3A_1577 = arith.cmpf ole, %gather3A_1576, %gather3A_160 : vector<16xf32>
        %masked_cumsum3A_1578 = tpu.scan <sum>, %broadcast_in_dim3A_3 masked %le3A_1577 : vector<16xi32>, vector<16xi1> -> vector<16xi32>
        %add3A_1579 = arith.addi %min3A_1540, %masked_cumsum3A_1578 : vector<16xi32>
        tpu.vector_store_idx %arg17[%add3A_1579], %add3A_1557 masked %le3A_1577 : memref<80xi32, #tpu.memory_space<vmem>>[vector<16xi32>], vector<16xi32>, vector<16xi1>
        %all_reduce_population_count3A_1580 = tpu.all_reduce %le3A_1577 {dim = 0 : i64, kind = #tpu.reduction_kind<sum>} : vector<16xi1> -> vector<16xi32>
        %add3A_1581 = arith.addi %min3A_1540, %all_reduce_population_count3A_1580 : vector<16xi32>
        %broadcast_in_dim3A_1582 = arith.constant 63 : i32
        %broadcast_in_dim3A_1583 = vector.broadcast %broadcast_in_dim3A_1582 : i32 to vector<16xi32>
        %min3A_1584 = arith.minsi %add3A_1581, %broadcast_in_dim3A_1583 : vector<16xi32>
        %gather3A_1585 = tpu.vector_load_idx %arg13[%add3A_1557] : memref<3472xf32, #tpu.memory_space<vmem>>[vector<16xi32>], vector<16xf32>,
        %le3A_1586 = arith.cmpf ole, %gather3A_1585, %gather3A_182 : vector<16xf32>
        %masked_cumsum3A_1587 = tpu.scan <sum>, %broadcast_in_dim3A_3 masked %le3A_1586 : vector<16xi32>, vector<16xi1> -> vector<16xi32>
        %add3A_1588 = arith.addi %min3A_1549, %masked_cumsum3A_1587 : vector<16xi32>
        tpu.vector_store_idx %arg18[%add3A_1588], %add3A_1557 masked %le3A_1586 : memref<80xi32, #tpu.memory_space<vmem>>[vector<16xi32>], vector<16xi32>, vector<16xi1>
        %all_reduce_population_count3A_1589 = tpu.all_reduce %le3A_1586 {dim = 0 : i64, kind = #tpu.reduction_kind<sum>} : vector<16xi1> -> vector<16xi32>
        %add3A_1590 = arith.addi %min3A_1549, %all_reduce_population_count3A_1589 : vector<16xi32>
        %broadcast_in_dim3A_1591 = arith.constant 63 : i32
        %broadcast_in_dim3A_1592 = vector.broadcast %broadcast_in_dim3A_1591 : i32 to vector<16xi32>
        %min3A_1593 = arith.minsi %add3A_1590, %broadcast_in_dim3A_1592 : vector<16xi32>
        %broadcast_in_dim3A_1594 = arith.constant 4 : i32
        %broadcast_in_dim3A_1595 = vector.broadcast %broadcast_in_dim3A_1594 : i32 to vector<16x1xi32>
        %gather3A_1596 = vector.shape_cast %broadcast_in_dim3A_1595 : vector<16x1xi32> to vector<16xi32>
        %gather3A_1597 = tpu.dynamic_gather %get3A_1420[%gather3A_1596] in [0] : vector<16xi32>, vector<16xi32> -> vector<16xi32>
        %mul3A_1598 = arith.constant 16 : i32
        %mul3A_1599 = vector.broadcast %mul3A_1598 : i32 to vector<16xi32>
        %mul3A_1600 = arith.muli %gather3A_1597, %mul3A_1599 : vector<16xi32>
        %add3A_1601 = arith.addi %mul3A_1600, %iota3A : vector<16xi32>
        %gather3A_1602 = tpu.vector_load_idx %arg10[%add3A_1601] : memref<3472xf32, #tpu.memory_space<vmem>>[vector<16xi32>], vector<16xf32>,
        %le3A_1603 = arith.cmpf ole, %gather3A_1602, %gather3A_116 : vector<16xf32>
        %masked_cumsum3A_1604 = tpu.scan <sum>, %broadcast_in_dim3A_3 masked %le3A_1603 : vector<16xi32>, vector<16xi1> -> vector<16xi32>
        %add3A_1605 = arith.addi %min3A_1566, %masked_cumsum3A_1604 : vector<16xi32>
        tpu.vector_store_idx %arg15[%add3A_1605], %add3A_1601 masked %le3A_1603 : memref<80xi32, #tpu.memory_space<vmem>>[vector<16xi32>], vector<16xi32>, vector<16xi1>
        %all_reduce_population_count3A_1606 = tpu.all_reduce %le3A_1603 {dim = 0 : i64, kind = #tpu.reduction_kind<sum>} : vector<16xi1> -> vector<16xi32>
        %add3A_1607 = arith.addi %min3A_1566, %all_reduce_population_count3A_1606 : vector<16xi32>
        %broadcast_in_dim3A_1608 = arith.constant 63 : i32
        %broadcast_in_dim3A_1609 = vector.broadcast %broadcast_in_dim3A_1608 : i32 to vector<16xi32>
        %min3A_1610 = arith.minsi %add3A_1607, %broadcast_in_dim3A_1609 : vector<16xi32>
        %gather3A_1611 = tpu.vector_load_idx %arg11[%add3A_1601] : memref<3472xf32, #tpu.memory_space<vmem>>[vector<16xi32>], vector<16xf32>,
        %le3A_1612 = arith.cmpf ole, %gather3A_1611, %gather3A_138 : vector<16xf32>
        %masked_cumsum3A_1613 = tpu.scan <sum>, %broadcast_in_dim3A_3 masked %le3A_1612 : vector<16xi32>, vector<16xi1> -> vector<16xi32>
        %add3A_1614 = arith.addi %min3A_1575, %masked_cumsum3A_1613 : vector<16xi32>
        tpu.vector_store_idx %arg16[%add3A_1614], %add3A_1601 masked %le3A_1612 : memref<80xi32, #tpu.memory_space<vmem>>[vector<16xi32>], vector<16xi32>, vector<16xi1>
        %all_reduce_population_count3A_1615 = tpu.all_reduce %le3A_1612 {dim = 0 : i64, kind = #tpu.reduction_kind<sum>} : vector<16xi1> -> vector<16xi32>
        %add3A_1616 = arith.addi %min3A_1575, %all_reduce_population_count3A_1615 : vector<16xi32>
        %broadcast_in_dim3A_1617 = arith.constant 63 : i32
        %broadcast_in_dim3A_1618 = vector.broadcast %broadcast_in_dim3A_1617 : i32 to vector<16xi32>
        %min3A_1619 = arith.minsi %add3A_1616, %broadcast_in_dim3A_1618 : vector<16xi32>
        %gather3A_1620 = tpu.vector_load_idx %arg12[%add3A_1601] : memref<3472xf32, #tpu.memory_space<vmem>>[vector<16xi32>], vector<16xf32>,
        %le3A_1621 = arith.cmpf ole, %gather3A_1620, %gather3A_160 : vector<16xf32>
        %masked_cumsum3A_1622 = tpu.scan <sum>, %broadcast_in_dim3A_3 masked %le3A_1621 : vector<16xi32>, vector<16xi1> -> vector<16xi32>
        %add3A_1623 = arith.addi %min3A_1584, %masked_cumsum3A_1622 : vector<16xi32>
        tpu.vector_store_idx %arg17[%add3A_1623], %add3A_1601 masked %le3A_1621 : memref<80xi32, #tpu.memory_space<vmem>>[vector<16xi32>], vector<16xi32>, vector<16xi1>
        %all_reduce_population_count3A_1624 = tpu.all_reduce %le3A_1621 {dim = 0 : i64, kind = #tpu.reduction_kind<sum>} : vector<16xi1> -> vector<16xi32>
        %add3A_1625 = arith.addi %min3A_1584, %all_reduce_population_count3A_1624 : vector<16xi32>
        %broadcast_in_dim3A_1626 = arith.constant 63 : i32
        %broadcast_in_dim3A_1627 = vector.broadcast %broadcast_in_dim3A_1626 : i32 to vector<16xi32>
        %min3A_1628 = arith.minsi %add3A_1625, %broadcast_in_dim3A_1627 : vector<16xi32>
        %gather3A_1629 = tpu.vector_load_idx %arg13[%add3A_1601] : memref<3472xf32, #tpu.memory_space<vmem>>[vector<16xi32>], vector<16xf32>,
        %le3A_1630 = arith.cmpf ole, %gather3A_1629, %gather3A_182 : vector<16xf32>
        %masked_cumsum3A_1631 = tpu.scan <sum>, %broadcast_in_dim3A_3 masked %le3A_1630 : vector<16xi32>, vector<16xi1> -> vector<16xi32>
        %add3A_1632 = arith.addi %min3A_1593, %masked_cumsum3A_1631 : vector<16xi32>
        tpu.vector_store_idx %arg18[%add3A_1632], %add3A_1601 masked %le3A_1630 : memref<80xi32, #tpu.memory_space<vmem>>[vector<16xi32>], vector<16xi32>, vector<16xi1>
        %all_reduce_population_count3A_1633 = tpu.all_reduce %le3A_1630 {dim = 0 : i64, kind = #tpu.reduction_kind<sum>} : vector<16xi1> -> vector<16xi32>
        %add3A_1634 = arith.addi %min3A_1593, %all_reduce_population_count3A_1633 : vector<16xi32>
        %broadcast_in_dim3A_1635 = arith.constant 63 : i32
        %broadcast_in_dim3A_1636 = vector.broadcast %broadcast_in_dim3A_1635 : i32 to vector<16xi32>
        %min3A_1637 = arith.minsi %add3A_1634, %broadcast_in_dim3A_1636 : vector<16xi32>
        %broadcast_in_dim3A_1638 = arith.constant 5 : i32
        %broadcast_in_dim3A_1639 = vector.broadcast %broadcast_in_dim3A_1638 : i32 to vector<16x1xi32>
        %gather3A_1640 = vector.shape_cast %broadcast_in_dim3A_1639 : vector<16x1xi32> to vector<16xi32>
        %gather3A_1641 = tpu.dynamic_gather %get3A_1420[%gather3A_1640] in [0] : vector<16xi32>, vector<16xi32> -> vector<16xi32>
        %mul3A_1642 = arith.constant 16 : i32
        %mul3A_1643 = vector.broadcast %mul3A_1642 : i32 to vector<16xi32>
        %mul3A_1644 = arith.muli %gather3A_1641, %mul3A_1643 : vector<16xi32>
        %add3A_1645 = arith.addi %mul3A_1644, %iota3A : vector<16xi32>
        %gather3A_1646 = tpu.vector_load_idx %arg10[%add3A_1645] : memref<3472xf32, #tpu.memory_space<vmem>>[vector<16xi32>], vector<16xf32>,
        %le3A_1647 = arith.cmpf ole, %gather3A_1646, %gather3A_116 : vector<16xf32>
        %masked_cumsum3A_1648 = tpu.scan <sum>, %broadcast_in_dim3A_3 masked %le3A_1647 : vector<16xi32>, vector<16xi1> -> vector<16xi32>
        %add3A_1649 = arith.addi %min3A_1610, %masked_cumsum3A_1648 : vector<16xi32>
        tpu.vector_store_idx %arg15[%add3A_1649], %add3A_1645 masked %le3A_1647 : memref<80xi32, #tpu.memory_space<vmem>>[vector<16xi32>], vector<16xi32>, vector<16xi1>
        %all_reduce_population_count3A_1650 = tpu.all_reduce %le3A_1647 {dim = 0 : i64, kind = #tpu.reduction_kind<sum>} : vector<16xi1> -> vector<16xi32>
        %add3A_1651 = arith.addi %min3A_1610, %all_reduce_population_count3A_1650 : vector<16xi32>
        %broadcast_in_dim3A_1652 = arith.constant 63 : i32
        %broadcast_in_dim3A_1653 = vector.broadcast %broadcast_in_dim3A_1652 : i32 to vector<16xi32>
        %min3A_1654 = arith.minsi %add3A_1651, %broadcast_in_dim3A_1653 : vector<16xi32>
        %gather3A_1655 = tpu.vector_load_idx %arg11[%add3A_1645] : memref<3472xf32, #tpu.memory_space<vmem>>[vector<16xi32>], vector<16xf32>,
        %le3A_1656 = arith.cmpf ole, %gather3A_1655, %gather3A_138 : vector<16xf32>
        %masked_cumsum3A_1657 = tpu.scan <sum>, %broadcast_in_dim3A_3 masked %le3A_1656 : vector<16xi32>, vector<16xi1> -> vector<16xi32>
        %add3A_1658 = arith.addi %min3A_1619, %masked_cumsum3A_1657 : vector<16xi32>
        tpu.vector_store_idx %arg16[%add3A_1658], %add3A_1645 masked %le3A_1656 : memref<80xi32, #tpu.memory_space<vmem>>[vector<16xi32>], vector<16xi32>, vector<16xi1>
        %all_reduce_population_count3A_1659 = tpu.all_reduce %le3A_1656 {dim = 0 : i64, kind = #tpu.reduction_kind<sum>} : vector<16xi1> -> vector<16xi32>
        %add3A_1660 = arith.addi %min3A_1619, %all_reduce_population_count3A_1659 : vector<16xi32>
        %broadcast_in_dim3A_1661 = arith.constant 63 : i32
        %broadcast_in_dim3A_1662 = vector.broadcast %broadcast_in_dim3A_1661 : i32 to vector<16xi32>
        %min3A_1663 = arith.minsi %add3A_1660, %broadcast_in_dim3A_1662 : vector<16xi32>
        %gather3A_1664 = tpu.vector_load_idx %arg12[%add3A_1645] : memref<3472xf32, #tpu.memory_space<vmem>>[vector<16xi32>], vector<16xf32>,
        %le3A_1665 = arith.cmpf ole, %gather3A_1664, %gather3A_160 : vector<16xf32>
        %masked_cumsum3A_1666 = tpu.scan <sum>, %broadcast_in_dim3A_3 masked %le3A_1665 : vector<16xi32>, vector<16xi1> -> vector<16xi32>
        %add3A_1667 = arith.addi %min3A_1628, %masked_cumsum3A_1666 : vector<16xi32>
        tpu.vector_store_idx %arg17[%add3A_1667], %add3A_1645 masked %le3A_1665 : memref<80xi32, #tpu.memory_space<vmem>>[vector<16xi32>], vector<16xi32>, vector<16xi1>
        %all_reduce_population_count3A_1668 = tpu.all_reduce %le3A_1665 {dim = 0 : i64, kind = #tpu.reduction_kind<sum>} : vector<16xi1> -> vector<16xi32>
        %add3A_1669 = arith.addi %min3A_1628, %all_reduce_population_count3A_1668 : vector<16xi32>
        %broadcast_in_dim3A_1670 = arith.constant 63 : i32
        %broadcast_in_dim3A_1671 = vector.broadcast %broadcast_in_dim3A_1670 : i32 to vector<16xi32>
        %min3A_1672 = arith.minsi %add3A_1669, %broadcast_in_dim3A_1671 : vector<16xi32>
        %gather3A_1673 = tpu.vector_load_idx %arg13[%add3A_1645] : memref<3472xf32, #tpu.memory_space<vmem>>[vector<16xi32>], vector<16xf32>,
        %le3A_1674 = arith.cmpf ole, %gather3A_1673, %gather3A_182 : vector<16xf32>
        %masked_cumsum3A_1675 = tpu.scan <sum>, %broadcast_in_dim3A_3 masked %le3A_1674 : vector<16xi32>, vector<16xi1> -> vector<16xi32>
        %add3A_1676 = arith.addi %min3A_1637, %masked_cumsum3A_1675 : vector<16xi32>
        tpu.vector_store_idx %arg18[%add3A_1676], %add3A_1645 masked %le3A_1674 : memref<80xi32, #tpu.memory_space<vmem>>[vector<16xi32>], vector<16xi32>, vector<16xi1>
        %all_reduce_population_count3A_1677 = tpu.all_reduce %le3A_1674 {dim = 0 : i64, kind = #tpu.reduction_kind<sum>} : vector<16xi1> -> vector<16xi32>
        %add3A_1678 = arith.addi %min3A_1637, %all_reduce_population_count3A_1677 : vector<16xi32>
        %broadcast_in_dim3A_1679 = arith.constant 63 : i32
        %broadcast_in_dim3A_1680 = vector.broadcast %broadcast_in_dim3A_1679 : i32 to vector<16xi32>
        %min3A_1681 = arith.minsi %add3A_1678, %broadcast_in_dim3A_1680 : vector<16xi32>
        %broadcast_in_dim3A_1682 = arith.constant 6 : i32
        %broadcast_in_dim3A_1683 = vector.broadcast %broadcast_in_dim3A_1682 : i32 to vector<16x1xi32>
        %gather3A_1684 = vector.shape_cast %broadcast_in_dim3A_1683 : vector<16x1xi32> to vector<16xi32>
        %gather3A_1685 = tpu.dynamic_gather %get3A_1420[%gather3A_1684] in [0] : vector<16xi32>, vector<16xi32> -> vector<16xi32>
        %mul3A_1686 = arith.constant 16 : i32
        %mul3A_1687 = vector.broadcast %mul3A_1686 : i32 to vector<16xi32>
        %mul3A_1688 = arith.muli %gather3A_1685, %mul3A_1687 : vector<16xi32>
        %add3A_1689 = arith.addi %mul3A_1688, %iota3A : vector<16xi32>
        %gather3A_1690 = tpu.vector_load_idx %arg10[%add3A_1689] : memref<3472xf32, #tpu.memory_space<vmem>>[vector<16xi32>], vector<16xf32>,
        %le3A_1691 = arith.cmpf ole, %gather3A_1690, %gather3A_116 : vector<16xf32>
        %masked_cumsum3A_1692 = tpu.scan <sum>, %broadcast_in_dim3A_3 masked %le3A_1691 : vector<16xi32>, vector<16xi1> -> vector<16xi32>
        %add3A_1693 = arith.addi %min3A_1654, %masked_cumsum3A_1692 : vector<16xi32>
        tpu.vector_store_idx %arg15[%add3A_1693], %add3A_1689 masked %le3A_1691 : memref<80xi32, #tpu.memory_space<vmem>>[vector<16xi32>], vector<16xi32>, vector<16xi1>
        %all_reduce_population_count3A_1694 = tpu.all_reduce %le3A_1691 {dim = 0 : i64, kind = #tpu.reduction_kind<sum>} : vector<16xi1> -> vector<16xi32>
        %add3A_1695 = arith.addi %min3A_1654, %all_reduce_population_count3A_1694 : vector<16xi32>
        %broadcast_in_dim3A_1696 = arith.constant 63 : i32
        %broadcast_in_dim3A_1697 = vector.broadcast %broadcast_in_dim3A_1696 : i32 to vector<16xi32>
        %min3A_1698 = arith.minsi %add3A_1695, %broadcast_in_dim3A_1697 : vector<16xi32>
        %gather3A_1699 = tpu.vector_load_idx %arg11[%add3A_1689] : memref<3472xf32, #tpu.memory_space<vmem>>[vector<16xi32>], vector<16xf32>,
        %le3A_1700 = arith.cmpf ole, %gather3A_1699, %gather3A_138 : vector<16xf32>
        %masked_cumsum3A_1701 = tpu.scan <sum>, %broadcast_in_dim3A_3 masked %le3A_1700 : vector<16xi32>, vector<16xi1> -> vector<16xi32>
        %add3A_1702 = arith.addi %min3A_1663, %masked_cumsum3A_1701 : vector<16xi32>
        tpu.vector_store_idx %arg16[%add3A_1702], %add3A_1689 masked %le3A_1700 : memref<80xi32, #tpu.memory_space<vmem>>[vector<16xi32>], vector<16xi32>, vector<16xi1>
        %all_reduce_population_count3A_1703 = tpu.all_reduce %le3A_1700 {dim = 0 : i64, kind = #tpu.reduction_kind<sum>} : vector<16xi1> -> vector<16xi32>
        %add3A_1704 = arith.addi %min3A_1663, %all_reduce_population_count3A_1703 : vector<16xi32>
        %broadcast_in_dim3A_1705 = arith.constant 63 : i32
        %broadcast_in_dim3A_1706 = vector.broadcast %broadcast_in_dim3A_1705 : i32 to vector<16xi32>
        %min3A_1707 = arith.minsi %add3A_1704, %broadcast_in_dim3A_1706 : vector<16xi32>
        %gather3A_1708 = tpu.vector_load_idx %arg12[%add3A_1689] : memref<3472xf32, #tpu.memory_space<vmem>>[vector<16xi32>], vector<16xf32>,
        %le3A_1709 = arith.cmpf ole, %gather3A_1708, %gather3A_160 : vector<16xf32>
        %masked_cumsum3A_1710 = tpu.scan <sum>, %broadcast_in_dim3A_3 masked %le3A_1709 : vector<16xi32>, vector<16xi1> -> vector<16xi32>
        %add3A_1711 = arith.addi %min3A_1672, %masked_cumsum3A_1710 : vector<16xi32>
        tpu.vector_store_idx %arg17[%add3A_1711], %add3A_1689 masked %le3A_1709 : memref<80xi32, #tpu.memory_space<vmem>>[vector<16xi32>], vector<16xi32>, vector<16xi1>
        %all_reduce_population_count3A_1712 = tpu.all_reduce %le3A_1709 {dim = 0 : i64, kind = #tpu.reduction_kind<sum>} : vector<16xi1> -> vector<16xi32>
        %add3A_1713 = arith.addi %min3A_1672, %all_reduce_population_count3A_1712 : vector<16xi32>
        %broadcast_in_dim3A_1714 = arith.constant 63 : i32
        %broadcast_in_dim3A_1715 = vector.broadcast %broadcast_in_dim3A_1714 : i32 to vector<16xi32>
        %min3A_1716 = arith.minsi %add3A_1713, %broadcast_in_dim3A_1715 : vector<16xi32>
        %gather3A_1717 = tpu.vector_load_idx %arg13[%add3A_1689] : memref<3472xf32, #tpu.memory_space<vmem>>[vector<16xi32>], vector<16xf32>,
        %le3A_1718 = arith.cmpf ole, %gather3A_1717, %gather3A_182 : vector<16xf32>
        %masked_cumsum3A_1719 = tpu.scan <sum>, %broadcast_in_dim3A_3 masked %le3A_1718 : vector<16xi32>, vector<16xi1> -> vector<16xi32>
        %add3A_1720 = arith.addi %min3A_1681, %masked_cumsum3A_1719 : vector<16xi32>
        tpu.vector_store_idx %arg18[%add3A_1720], %add3A_1689 masked %le3A_1718 : memref<80xi32, #tpu.memory_space<vmem>>[vector<16xi32>], vector<16xi32>, vector<16xi1>
        %all_reduce_population_count3A_1721 = tpu.all_reduce %le3A_1718 {dim = 0 : i64, kind = #tpu.reduction_kind<sum>} : vector<16xi1> -> vector<16xi32>
        %add3A_1722 = arith.addi %min3A_1681, %all_reduce_population_count3A_1721 : vector<16xi32>
        %broadcast_in_dim3A_1723 = arith.constant 63 : i32
        %broadcast_in_dim3A_1724 = vector.broadcast %broadcast_in_dim3A_1723 : i32 to vector<16xi32>
        %min3A_1725 = arith.minsi %add3A_1722, %broadcast_in_dim3A_1724 : vector<16xi32>
        %broadcast_in_dim3A_1726 = arith.constant 7 : i32
        %broadcast_in_dim3A_1727 = vector.broadcast %broadcast_in_dim3A_1726 : i32 to vector<16x1xi32>
        %gather3A_1728 = vector.shape_cast %broadcast_in_dim3A_1727 : vector<16x1xi32> to vector<16xi32>
        %gather3A_1729 = tpu.dynamic_gather %get3A_1420[%gather3A_1728] in [0] : vector<16xi32>, vector<16xi32> -> vector<16xi32>
        %mul3A_1730 = arith.constant 16 : i32
        %mul3A_1731 = vector.broadcast %mul3A_1730 : i32 to vector<16xi32>
        %mul3A_1732 = arith.muli %gather3A_1729, %mul3A_1731 : vector<16xi32>
        %add3A_1733 = arith.addi %mul3A_1732, %iota3A : vector<16xi32>
        %gather3A_1734 = tpu.vector_load_idx %arg10[%add3A_1733] : memref<3472xf32, #tpu.memory_space<vmem>>[vector<16xi32>], vector<16xf32>,
        %le3A_1735 = arith.cmpf ole, %gather3A_1734, %gather3A_116 : vector<16xf32>
        %masked_cumsum3A_1736 = tpu.scan <sum>, %broadcast_in_dim3A_3 masked %le3A_1735 : vector<16xi32>, vector<16xi1> -> vector<16xi32>
        %add3A_1737 = arith.addi %min3A_1698, %masked_cumsum3A_1736 : vector<16xi32>
        tpu.vector_store_idx %arg15[%add3A_1737], %add3A_1733 masked %le3A_1735 : memref<80xi32, #tpu.memory_space<vmem>>[vector<16xi32>], vector<16xi32>, vector<16xi1>
        %all_reduce_population_count3A_1738 = tpu.all_reduce %le3A_1735 {dim = 0 : i64, kind = #tpu.reduction_kind<sum>} : vector<16xi1> -> vector<16xi32>
        %add3A_1739 = arith.addi %min3A_1698, %all_reduce_population_count3A_1738 : vector<16xi32>
        %broadcast_in_dim3A_1740 = arith.constant 63 : i32
        %broadcast_in_dim3A_1741 = vector.broadcast %broadcast_in_dim3A_1740 : i32 to vector<16xi32>
        %min3A_1742 = arith.minsi %add3A_1739, %broadcast_in_dim3A_1741 : vector<16xi32>
        %gather3A_1743 = tpu.vector_load_idx %arg11[%add3A_1733] : memref<3472xf32, #tpu.memory_space<vmem>>[vector<16xi32>], vector<16xf32>,
        %le3A_1744 = arith.cmpf ole, %gather3A_1743, %gather3A_138 : vector<16xf32>
        %masked_cumsum3A_1745 = tpu.scan <sum>, %broadcast_in_dim3A_3 masked %le3A_1744 : vector<16xi32>, vector<16xi1> -> vector<16xi32>
        %add3A_1746 = arith.addi %min3A_1707, %masked_cumsum3A_1745 : vector<16xi32>
        tpu.vector_store_idx %arg16[%add3A_1746], %add3A_1733 masked %le3A_1744 : memref<80xi32, #tpu.memory_space<vmem>>[vector<16xi32>], vector<16xi32>, vector<16xi1>
        %all_reduce_population_count3A_1747 = tpu.all_reduce %le3A_1744 {dim = 0 : i64, kind = #tpu.reduction_kind<sum>} : vector<16xi1> -> vector<16xi32>
        %add3A_1748 = arith.addi %min3A_1707, %all_reduce_population_count3A_1747 : vector<16xi32>
        %broadcast_in_dim3A_1749 = arith.constant 63 : i32
        %broadcast_in_dim3A_1750 = vector.broadcast %broadcast_in_dim3A_1749 : i32 to vector<16xi32>
        %min3A_1751 = arith.minsi %add3A_1748, %broadcast_in_dim3A_1750 : vector<16xi32>
        %gather3A_1752 = tpu.vector_load_idx %arg12[%add3A_1733] : memref<3472xf32, #tpu.memory_space<vmem>>[vector<16xi32>], vector<16xf32>,
        %le3A_1753 = arith.cmpf ole, %gather3A_1752, %gather3A_160 : vector<16xf32>
        %masked_cumsum3A_1754 = tpu.scan <sum>, %broadcast_in_dim3A_3 masked %le3A_1753 : vector<16xi32>, vector<16xi1> -> vector<16xi32>
        %add3A_1755 = arith.addi %min3A_1716, %masked_cumsum3A_1754 : vector<16xi32>
        tpu.vector_store_idx %arg17[%add3A_1755], %add3A_1733 masked %le3A_1753 : memref<80xi32, #tpu.memory_space<vmem>>[vector<16xi32>], vector<16xi32>, vector<16xi1>
        %all_reduce_population_count3A_1756 = tpu.all_reduce %le3A_1753 {dim = 0 : i64, kind = #tpu.reduction_kind<sum>} : vector<16xi1> -> vector<16xi32>
        %add3A_1757 = arith.addi %min3A_1716, %all_reduce_population_count3A_1756 : vector<16xi32>
        %broadcast_in_dim3A_1758 = arith.constant 63 : i32
        %broadcast_in_dim3A_1759 = vector.broadcast %broadcast_in_dim3A_1758 : i32 to vector<16xi32>
        %min3A_1760 = arith.minsi %add3A_1757, %broadcast_in_dim3A_1759 : vector<16xi32>
        %gather3A_1761 = tpu.vector_load_idx %arg13[%add3A_1733] : memref<3472xf32, #tpu.memory_space<vmem>>[vector<16xi32>], vector<16xf32>,
        %le3A_1762 = arith.cmpf ole, %gather3A_1761, %gather3A_182 : vector<16xf32>
        %masked_cumsum3A_1763 = tpu.scan <sum>, %broadcast_in_dim3A_3 masked %le3A_1762 : vector<16xi32>, vector<16xi1> -> vector<16xi32>
        %add3A_1764 = arith.addi %min3A_1725, %masked_cumsum3A_1763 : vector<16xi32>
        tpu.vector_store_idx %arg18[%add3A_1764], %add3A_1733 masked %le3A_1762 : memref<80xi32, #tpu.memory_space<vmem>>[vector<16xi32>], vector<16xi32>, vector<16xi1>
        %all_reduce_population_count3A_1765 = tpu.all_reduce %le3A_1762 {dim = 0 : i64, kind = #tpu.reduction_kind<sum>} : vector<16xi1> -> vector<16xi32>
        %add3A_1766 = arith.addi %min3A_1725, %all_reduce_population_count3A_1765 : vector<16xi32>
        %broadcast_in_dim3A_1767 = arith.constant 63 : i32
        %broadcast_in_dim3A_1768 = vector.broadcast %broadcast_in_dim3A_1767 : i32 to vector<16xi32>
        %min3A_1769 = arith.minsi %add3A_1766, %broadcast_in_dim3A_1768 : vector<16xi32>
        %broadcast_in_dim3A_1770 = arith.constant 8 : i32
        %broadcast_in_dim3A_1771 = vector.broadcast %broadcast_in_dim3A_1770 : i32 to vector<16x1xi32>
        %gather3A_1772 = vector.shape_cast %broadcast_in_dim3A_1771 : vector<16x1xi32> to vector<16xi32>
        %gather3A_1773 = tpu.dynamic_gather %get3A_1420[%gather3A_1772] in [0] : vector<16xi32>, vector<16xi32> -> vector<16xi32>
        %mul3A_1774 = arith.constant 16 : i32
        %mul3A_1775 = vector.broadcast %mul3A_1774 : i32 to vector<16xi32>
        %mul3A_1776 = arith.muli %gather3A_1773, %mul3A_1775 : vector<16xi32>
        %add3A_1777 = arith.addi %mul3A_1776, %iota3A : vector<16xi32>
        %gather3A_1778 = tpu.vector_load_idx %arg10[%add3A_1777] : memref<3472xf32, #tpu.memory_space<vmem>>[vector<16xi32>], vector<16xf32>,
        %le3A_1779 = arith.cmpf ole, %gather3A_1778, %gather3A_116 : vector<16xf32>
        %masked_cumsum3A_1780 = tpu.scan <sum>, %broadcast_in_dim3A_3 masked %le3A_1779 : vector<16xi32>, vector<16xi1> -> vector<16xi32>
        %add3A_1781 = arith.addi %min3A_1742, %masked_cumsum3A_1780 : vector<16xi32>
        tpu.vector_store_idx %arg15[%add3A_1781], %add3A_1777 masked %le3A_1779 : memref<80xi32, #tpu.memory_space<vmem>>[vector<16xi32>], vector<16xi32>, vector<16xi1>
        %all_reduce_population_count3A_1782 = tpu.all_reduce %le3A_1779 {dim = 0 : i64, kind = #tpu.reduction_kind<sum>} : vector<16xi1> -> vector<16xi32>
        %add3A_1783 = arith.addi %min3A_1742, %all_reduce_population_count3A_1782 : vector<16xi32>
        %broadcast_in_dim3A_1784 = arith.constant 63 : i32
        %broadcast_in_dim3A_1785 = vector.broadcast %broadcast_in_dim3A_1784 : i32 to vector<16xi32>
        %min3A_1786 = arith.minsi %add3A_1783, %broadcast_in_dim3A_1785 : vector<16xi32>
        %gather3A_1787 = tpu.vector_load_idx %arg11[%add3A_1777] : memref<3472xf32, #tpu.memory_space<vmem>>[vector<16xi32>], vector<16xf32>,
        %le3A_1788 = arith.cmpf ole, %gather3A_1787, %gather3A_138 : vector<16xf32>
        %masked_cumsum3A_1789 = tpu.scan <sum>, %broadcast_in_dim3A_3 masked %le3A_1788 : vector<16xi32>, vector<16xi1> -> vector<16xi32>
        %add3A_1790 = arith.addi %min3A_1751, %masked_cumsum3A_1789 : vector<16xi32>
        tpu.vector_store_idx %arg16[%add3A_1790], %add3A_1777 masked %le3A_1788 : memref<80xi32, #tpu.memory_space<vmem>>[vector<16xi32>], vector<16xi32>, vector<16xi1>
        %all_reduce_population_count3A_1791 = tpu.all_reduce %le3A_1788 {dim = 0 : i64, kind = #tpu.reduction_kind<sum>} : vector<16xi1> -> vector<16xi32>
        %add3A_1792 = arith.addi %min3A_1751, %all_reduce_population_count3A_1791 : vector<16xi32>
        %broadcast_in_dim3A_1793 = arith.constant 63 : i32
        %broadcast_in_dim3A_1794 = vector.broadcast %broadcast_in_dim3A_1793 : i32 to vector<16xi32>
        %min3A_1795 = arith.minsi %add3A_1792, %broadcast_in_dim3A_1794 : vector<16xi32>
        %gather3A_1796 = tpu.vector_load_idx %arg12[%add3A_1777] : memref<3472xf32, #tpu.memory_space<vmem>>[vector<16xi32>], vector<16xf32>,
        %le3A_1797 = arith.cmpf ole, %gather3A_1796, %gather3A_160 : vector<16xf32>
        %masked_cumsum3A_1798 = tpu.scan <sum>, %broadcast_in_dim3A_3 masked %le3A_1797 : vector<16xi32>, vector<16xi1> -> vector<16xi32>
        %add3A_1799 = arith.addi %min3A_1760, %masked_cumsum3A_1798 : vector<16xi32>
        tpu.vector_store_idx %arg17[%add3A_1799], %add3A_1777 masked %le3A_1797 : memref<80xi32, #tpu.memory_space<vmem>>[vector<16xi32>], vector<16xi32>, vector<16xi1>
        %all_reduce_population_count3A_1800 = tpu.all_reduce %le3A_1797 {dim = 0 : i64, kind = #tpu.reduction_kind<sum>} : vector<16xi1> -> vector<16xi32>
        %add3A_1801 = arith.addi %min3A_1760, %all_reduce_population_count3A_1800 : vector<16xi32>
        %broadcast_in_dim3A_1802 = arith.constant 63 : i32
        %broadcast_in_dim3A_1803 = vector.broadcast %broadcast_in_dim3A_1802 : i32 to vector<16xi32>
        %min3A_1804 = arith.minsi %add3A_1801, %broadcast_in_dim3A_1803 : vector<16xi32>
        %gather3A_1805 = tpu.vector_load_idx %arg13[%add3A_1777] : memref<3472xf32, #tpu.memory_space<vmem>>[vector<16xi32>], vector<16xf32>,
        %le3A_1806 = arith.cmpf ole, %gather3A_1805, %gather3A_182 : vector<16xf32>
        %masked_cumsum3A_1807 = tpu.scan <sum>, %broadcast_in_dim3A_3 masked %le3A_1806 : vector<16xi32>, vector<16xi1> -> vector<16xi32>
        %add3A_1808 = arith.addi %min3A_1769, %masked_cumsum3A_1807 : vector<16xi32>
        tpu.vector_store_idx %arg18[%add3A_1808], %add3A_1777 masked %le3A_1806 : memref<80xi32, #tpu.memory_space<vmem>>[vector<16xi32>], vector<16xi32>, vector<16xi1>
        %all_reduce_population_count3A_1809 = tpu.all_reduce %le3A_1806 {dim = 0 : i64, kind = #tpu.reduction_kind<sum>} : vector<16xi1> -> vector<16xi32>
        %add3A_1810 = arith.addi %min3A_1769, %all_reduce_population_count3A_1809 : vector<16xi32>
        %broadcast_in_dim3A_1811 = arith.constant 63 : i32
        %broadcast_in_dim3A_1812 = vector.broadcast %broadcast_in_dim3A_1811 : i32 to vector<16xi32>
        %min3A_1813 = arith.minsi %add3A_1810, %broadcast_in_dim3A_1812 : vector<16xi32>
        %broadcast_in_dim3A_1814 = arith.constant 9 : i32
        %broadcast_in_dim3A_1815 = vector.broadcast %broadcast_in_dim3A_1814 : i32 to vector<16x1xi32>
        %gather3A_1816 = vector.shape_cast %broadcast_in_dim3A_1815 : vector<16x1xi32> to vector<16xi32>
        %gather3A_1817 = tpu.dynamic_gather %get3A_1420[%gather3A_1816] in [0] : vector<16xi32>, vector<16xi32> -> vector<16xi32>
        %mul3A_1818 = arith.constant 16 : i32
        %mul3A_1819 = vector.broadcast %mul3A_1818 : i32 to vector<16xi32>
        %mul3A_1820 = arith.muli %gather3A_1817, %mul3A_1819 : vector<16xi32>
        %add3A_1821 = arith.addi %mul3A_1820, %iota3A : vector<16xi32>
        %gather3A_1822 = tpu.vector_load_idx %arg10[%add3A_1821] : memref<3472xf32, #tpu.memory_space<vmem>>[vector<16xi32>], vector<16xf32>,
        %le3A_1823 = arith.cmpf ole, %gather3A_1822, %gather3A_116 : vector<16xf32>
        %masked_cumsum3A_1824 = tpu.scan <sum>, %broadcast_in_dim3A_3 masked %le3A_1823 : vector<16xi32>, vector<16xi1> -> vector<16xi32>
        %add3A_1825 = arith.addi %min3A_1786, %masked_cumsum3A_1824 : vector<16xi32>
        tpu.vector_store_idx %arg15[%add3A_1825], %add3A_1821 masked %le3A_1823 : memref<80xi32, #tpu.memory_space<vmem>>[vector<16xi32>], vector<16xi32>, vector<16xi1>
        %all_reduce_population_count3A_1826 = tpu.all_reduce %le3A_1823 {dim = 0 : i64, kind = #tpu.reduction_kind<sum>} : vector<16xi1> -> vector<16xi32>
        %add3A_1827 = arith.addi %min3A_1786, %all_reduce_population_count3A_1826 : vector<16xi32>
        %broadcast_in_dim3A_1828 = arith.constant 63 : i32
        %broadcast_in_dim3A_1829 = vector.broadcast %broadcast_in_dim3A_1828 : i32 to vector<16xi32>
        %min3A_1830 = arith.minsi %add3A_1827, %broadcast_in_dim3A_1829 : vector<16xi32>
        %gather3A_1831 = tpu.vector_load_idx %arg11[%add3A_1821] : memref<3472xf32, #tpu.memory_space<vmem>>[vector<16xi32>], vector<16xf32>,
        %le3A_1832 = arith.cmpf ole, %gather3A_1831, %gather3A_138 : vector<16xf32>
        %masked_cumsum3A_1833 = tpu.scan <sum>, %broadcast_in_dim3A_3 masked %le3A_1832 : vector<16xi32>, vector<16xi1> -> vector<16xi32>
        %add3A_1834 = arith.addi %min3A_1795, %masked_cumsum3A_1833 : vector<16xi32>
        tpu.vector_store_idx %arg16[%add3A_1834], %add3A_1821 masked %le3A_1832 : memref<80xi32, #tpu.memory_space<vmem>>[vector<16xi32>], vector<16xi32>, vector<16xi1>
        %all_reduce_population_count3A_1835 = tpu.all_reduce %le3A_1832 {dim = 0 : i64, kind = #tpu.reduction_kind<sum>} : vector<16xi1> -> vector<16xi32>
        %add3A_1836 = arith.addi %min3A_1795, %all_reduce_population_count3A_1835 : vector<16xi32>
        %broadcast_in_dim3A_1837 = arith.constant 63 : i32
        %broadcast_in_dim3A_1838 = vector.broadcast %broadcast_in_dim3A_1837 : i32 to vector<16xi32>
        %min3A_1839 = arith.minsi %add3A_1836, %broadcast_in_dim3A_1838 : vector<16xi32>
        %gather3A_1840 = tpu.vector_load_idx %arg12[%add3A_1821] : memref<3472xf32, #tpu.memory_space<vmem>>[vector<16xi32>], vector<16xf32>,
        %le3A_1841 = arith.cmpf ole, %gather3A_1840, %gather3A_160 : vector<16xf32>
        %masked_cumsum3A_1842 = tpu.scan <sum>, %broadcast_in_dim3A_3 masked %le3A_1841 : vector<16xi32>, vector<16xi1> -> vector<16xi32>
        %add3A_1843 = arith.addi %min3A_1804, %masked_cumsum3A_1842 : vector<16xi32>
        tpu.vector_store_idx %arg17[%add3A_1843], %add3A_1821 masked %le3A_1841 : memref<80xi32, #tpu.memory_space<vmem>>[vector<16xi32>], vector<16xi32>, vector<16xi1>
        %all_reduce_population_count3A_1844 = tpu.all_reduce %le3A_1841 {dim = 0 : i64, kind = #tpu.reduction_kind<sum>} : vector<16xi1> -> vector<16xi32>
        %add3A_1845 = arith.addi %min3A_1804, %all_reduce_population_count3A_1844 : vector<16xi32>
        %broadcast_in_dim3A_1846 = arith.constant 63 : i32
        %broadcast_in_dim3A_1847 = vector.broadcast %broadcast_in_dim3A_1846 : i32 to vector<16xi32>
        %min3A_1848 = arith.minsi %add3A_1845, %broadcast_in_dim3A_1847 : vector<16xi32>
        %gather3A_1849 = tpu.vector_load_idx %arg13[%add3A_1821] : memref<3472xf32, #tpu.memory_space<vmem>>[vector<16xi32>], vector<16xf32>,
        %le3A_1850 = arith.cmpf ole, %gather3A_1849, %gather3A_182 : vector<16xf32>
        %masked_cumsum3A_1851 = tpu.scan <sum>, %broadcast_in_dim3A_3 masked %le3A_1850 : vector<16xi32>, vector<16xi1> -> vector<16xi32>
        %add3A_1852 = arith.addi %min3A_1813, %masked_cumsum3A_1851 : vector<16xi32>
        tpu.vector_store_idx %arg18[%add3A_1852], %add3A_1821 masked %le3A_1850 : memref<80xi32, #tpu.memory_space<vmem>>[vector<16xi32>], vector<16xi32>, vector<16xi1>
        %all_reduce_population_count3A_1853 = tpu.all_reduce %le3A_1850 {dim = 0 : i64, kind = #tpu.reduction_kind<sum>} : vector<16xi1> -> vector<16xi32>
        %add3A_1854 = arith.addi %min3A_1813, %all_reduce_population_count3A_1853 : vector<16xi32>
        %broadcast_in_dim3A_1855 = arith.constant 63 : i32
        %broadcast_in_dim3A_1856 = vector.broadcast %broadcast_in_dim3A_1855 : i32 to vector<16xi32>
        %min3A_1857 = arith.minsi %add3A_1854, %broadcast_in_dim3A_1856 : vector<16xi32>
        %broadcast_in_dim3A_1858 = arith.constant 10 : i32
        %broadcast_in_dim3A_1859 = vector.broadcast %broadcast_in_dim3A_1858 : i32 to vector<16x1xi32>
        %gather3A_1860 = vector.shape_cast %broadcast_in_dim3A_1859 : vector<16x1xi32> to vector<16xi32>
        %gather3A_1861 = tpu.dynamic_gather %get3A_1420[%gather3A_1860] in [0] : vector<16xi32>, vector<16xi32> -> vector<16xi32>
        %mul3A_1862 = arith.constant 16 : i32
        %mul3A_1863 = vector.broadcast %mul3A_1862 : i32 to vector<16xi32>
        %mul3A_1864 = arith.muli %gather3A_1861, %mul3A_1863 : vector<16xi32>
        %add3A_1865 = arith.addi %mul3A_1864, %iota3A : vector<16xi32>
        %gather3A_1866 = tpu.vector_load_idx %arg10[%add3A_1865] : memref<3472xf32, #tpu.memory_space<vmem>>[vector<16xi32>], vector<16xf32>,
        %le3A_1867 = arith.cmpf ole, %gather3A_1866, %gather3A_116 : vector<16xf32>
        %masked_cumsum3A_1868 = tpu.scan <sum>, %broadcast_in_dim3A_3 masked %le3A_1867 : vector<16xi32>, vector<16xi1> -> vector<16xi32>
        %add3A_1869 = arith.addi %min3A_1830, %masked_cumsum3A_1868 : vector<16xi32>
        tpu.vector_store_idx %arg15[%add3A_1869], %add3A_1865 masked %le3A_1867 : memref<80xi32, #tpu.memory_space<vmem>>[vector<16xi32>], vector<16xi32>, vector<16xi1>
        %all_reduce_population_count3A_1870 = tpu.all_reduce %le3A_1867 {dim = 0 : i64, kind = #tpu.reduction_kind<sum>} : vector<16xi1> -> vector<16xi32>
        %add3A_1871 = arith.addi %min3A_1830, %all_reduce_population_count3A_1870 : vector<16xi32>
        %broadcast_in_dim3A_1872 = arith.constant 63 : i32
        %broadcast_in_dim3A_1873 = vector.broadcast %broadcast_in_dim3A_1872 : i32 to vector<16xi32>
        %min3A_1874 = arith.minsi %add3A_1871, %broadcast_in_dim3A_1873 : vector<16xi32>
        %gather3A_1875 = tpu.vector_load_idx %arg11[%add3A_1865] : memref<3472xf32, #tpu.memory_space<vmem>>[vector<16xi32>], vector<16xf32>,
        %le3A_1876 = arith.cmpf ole, %gather3A_1875, %gather3A_138 : vector<16xf32>
        %masked_cumsum3A_1877 = tpu.scan <sum>, %broadcast_in_dim3A_3 masked %le3A_1876 : vector<16xi32>, vector<16xi1> -> vector<16xi32>
        %add3A_1878 = arith.addi %min3A_1839, %masked_cumsum3A_1877 : vector<16xi32>
        tpu.vector_store_idx %arg16[%add3A_1878], %add3A_1865 masked %le3A_1876 : memref<80xi32, #tpu.memory_space<vmem>>[vector<16xi32>], vector<16xi32>, vector<16xi1>
        %all_reduce_population_count3A_1879 = tpu.all_reduce %le3A_1876 {dim = 0 : i64, kind = #tpu.reduction_kind<sum>} : vector<16xi1> -> vector<16xi32>
        %add3A_1880 = arith.addi %min3A_1839, %all_reduce_population_count3A_1879 : vector<16xi32>
        %broadcast_in_dim3A_1881 = arith.constant 63 : i32
        %broadcast_in_dim3A_1882 = vector.broadcast %broadcast_in_dim3A_1881 : i32 to vector<16xi32>
        %min3A_1883 = arith.minsi %add3A_1880, %broadcast_in_dim3A_1882 : vector<16xi32>
        %gather3A_1884 = tpu.vector_load_idx %arg12[%add3A_1865] : memref<3472xf32, #tpu.memory_space<vmem>>[vector<16xi32>], vector<16xf32>,
        %le3A_1885 = arith.cmpf ole, %gather3A_1884, %gather3A_160 : vector<16xf32>
        %masked_cumsum3A_1886 = tpu.scan <sum>, %broadcast_in_dim3A_3 masked %le3A_1885 : vector<16xi32>, vector<16xi1> -> vector<16xi32>
        %add3A_1887 = arith.addi %min3A_1848, %masked_cumsum3A_1886 : vector<16xi32>
        tpu.vector_store_idx %arg17[%add3A_1887], %add3A_1865 masked %le3A_1885 : memref<80xi32, #tpu.memory_space<vmem>>[vector<16xi32>], vector<16xi32>, vector<16xi1>
        %all_reduce_population_count3A_1888 = tpu.all_reduce %le3A_1885 {dim = 0 : i64, kind = #tpu.reduction_kind<sum>} : vector<16xi1> -> vector<16xi32>
        %add3A_1889 = arith.addi %min3A_1848, %all_reduce_population_count3A_1888 : vector<16xi32>
        %broadcast_in_dim3A_1890 = arith.constant 63 : i32
        %broadcast_in_dim3A_1891 = vector.broadcast %broadcast_in_dim3A_1890 : i32 to vector<16xi32>
        %min3A_1892 = arith.minsi %add3A_1889, %broadcast_in_dim3A_1891 : vector<16xi32>
        %gather3A_1893 = tpu.vector_load_idx %arg13[%add3A_1865] : memref<3472xf32, #tpu.memory_space<vmem>>[vector<16xi32>], vector<16xf32>,
        %le3A_1894 = arith.cmpf ole, %gather3A_1893, %gather3A_182 : vector<16xf32>
        %masked_cumsum3A_1895 = tpu.scan <sum>, %broadcast_in_dim3A_3 masked %le3A_1894 : vector<16xi32>, vector<16xi1> -> vector<16xi32>
        %add3A_1896 = arith.addi %min3A_1857, %masked_cumsum3A_1895 : vector<16xi32>
        tpu.vector_store_idx %arg18[%add3A_1896], %add3A_1865 masked %le3A_1894 : memref<80xi32, #tpu.memory_space<vmem>>[vector<16xi32>], vector<16xi32>, vector<16xi1>
        %all_reduce_population_count3A_1897 = tpu.all_reduce %le3A_1894 {dim = 0 : i64, kind = #tpu.reduction_kind<sum>} : vector<16xi1> -> vector<16xi32>
        %add3A_1898 = arith.addi %min3A_1857, %all_reduce_population_count3A_1897 : vector<16xi32>
        %broadcast_in_dim3A_1899 = arith.constant 63 : i32
        %broadcast_in_dim3A_1900 = vector.broadcast %broadcast_in_dim3A_1899 : i32 to vector<16xi32>
        %min3A_1901 = arith.minsi %add3A_1898, %broadcast_in_dim3A_1900 : vector<16xi32>
        %broadcast_in_dim3A_1902 = arith.constant 11 : i32
        %broadcast_in_dim3A_1903 = vector.broadcast %broadcast_in_dim3A_1902 : i32 to vector<16x1xi32>
        %gather3A_1904 = vector.shape_cast %broadcast_in_dim3A_1903 : vector<16x1xi32> to vector<16xi32>
        %gather3A_1905 = tpu.dynamic_gather %get3A_1420[%gather3A_1904] in [0] : vector<16xi32>, vector<16xi32> -> vector<16xi32>
        %mul3A_1906 = arith.constant 16 : i32
        %mul3A_1907 = vector.broadcast %mul3A_1906 : i32 to vector<16xi32>
        %mul3A_1908 = arith.muli %gather3A_1905, %mul3A_1907 : vector<16xi32>
        %add3A_1909 = arith.addi %mul3A_1908, %iota3A : vector<16xi32>
        %gather3A_1910 = tpu.vector_load_idx %arg10[%add3A_1909] : memref<3472xf32, #tpu.memory_space<vmem>>[vector<16xi32>], vector<16xf32>,
        %le3A_1911 = arith.cmpf ole, %gather3A_1910, %gather3A_116 : vector<16xf32>
        %masked_cumsum3A_1912 = tpu.scan <sum>, %broadcast_in_dim3A_3 masked %le3A_1911 : vector<16xi32>, vector<16xi1> -> vector<16xi32>
        %add3A_1913 = arith.addi %min3A_1874, %masked_cumsum3A_1912 : vector<16xi32>
        tpu.vector_store_idx %arg15[%add3A_1913], %add3A_1909 masked %le3A_1911 : memref<80xi32, #tpu.memory_space<vmem>>[vector<16xi32>], vector<16xi32>, vector<16xi1>
        %all_reduce_population_count3A_1914 = tpu.all_reduce %le3A_1911 {dim = 0 : i64, kind = #tpu.reduction_kind<sum>} : vector<16xi1> -> vector<16xi32>
        %add3A_1915 = arith.addi %min3A_1874, %all_reduce_population_count3A_1914 : vector<16xi32>
        %broadcast_in_dim3A_1916 = arith.constant 63 : i32
        %broadcast_in_dim3A_1917 = vector.broadcast %broadcast_in_dim3A_1916 : i32 to vector<16xi32>
        %min3A_1918 = arith.minsi %add3A_1915, %broadcast_in_dim3A_1917 : vector<16xi32>
        %gather3A_1919 = tpu.vector_load_idx %arg11[%add3A_1909] : memref<3472xf32, #tpu.memory_space<vmem>>[vector<16xi32>], vector<16xf32>,
        %le3A_1920 = arith.cmpf ole, %gather3A_1919, %gather3A_138 : vector<16xf32>
        %masked_cumsum3A_1921 = tpu.scan <sum>, %broadcast_in_dim3A_3 masked %le3A_1920 : vector<16xi32>, vector<16xi1> -> vector<16xi32>
        %add3A_1922 = arith.addi %min3A_1883, %masked_cumsum3A_1921 : vector<16xi32>
        tpu.vector_store_idx %arg16[%add3A_1922], %add3A_1909 masked %le3A_1920 : memref<80xi32, #tpu.memory_space<vmem>>[vector<16xi32>], vector<16xi32>, vector<16xi1>
        %all_reduce_population_count3A_1923 = tpu.all_reduce %le3A_1920 {dim = 0 : i64, kind = #tpu.reduction_kind<sum>} : vector<16xi1> -> vector<16xi32>
        %add3A_1924 = arith.addi %min3A_1883, %all_reduce_population_count3A_1923 : vector<16xi32>
        %broadcast_in_dim3A_1925 = arith.constant 63 : i32
        %broadcast_in_dim3A_1926 = vector.broadcast %broadcast_in_dim3A_1925 : i32 to vector<16xi32>
        %min3A_1927 = arith.minsi %add3A_1924, %broadcast_in_dim3A_1926 : vector<16xi32>
        %gather3A_1928 = tpu.vector_load_idx %arg12[%add3A_1909] : memref<3472xf32, #tpu.memory_space<vmem>>[vector<16xi32>], vector<16xf32>,
        %le3A_1929 = arith.cmpf ole, %gather3A_1928, %gather3A_160 : vector<16xf32>
        %masked_cumsum3A_1930 = tpu.scan <sum>, %broadcast_in_dim3A_3 masked %le3A_1929 : vector<16xi32>, vector<16xi1> -> vector<16xi32>
        %add3A_1931 = arith.addi %min3A_1892, %masked_cumsum3A_1930 : vector<16xi32>
        tpu.vector_store_idx %arg17[%add3A_1931], %add3A_1909 masked %le3A_1929 : memref<80xi32, #tpu.memory_space<vmem>>[vector<16xi32>], vector<16xi32>, vector<16xi1>
        %all_reduce_population_count3A_1932 = tpu.all_reduce %le3A_1929 {dim = 0 : i64, kind = #tpu.reduction_kind<sum>} : vector<16xi1> -> vector<16xi32>
        %add3A_1933 = arith.addi %min3A_1892, %all_reduce_population_count3A_1932 : vector<16xi32>
        %broadcast_in_dim3A_1934 = arith.constant 63 : i32
        %broadcast_in_dim3A_1935 = vector.broadcast %broadcast_in_dim3A_1934 : i32 to vector<16xi32>
        %min3A_1936 = arith.minsi %add3A_1933, %broadcast_in_dim3A_1935 : vector<16xi32>
        %gather3A_1937 = tpu.vector_load_idx %arg13[%add3A_1909] : memref<3472xf32, #tpu.memory_space<vmem>>[vector<16xi32>], vector<16xf32>,
        %le3A_1938 = arith.cmpf ole, %gather3A_1937, %gather3A_182 : vector<16xf32>
        %masked_cumsum3A_1939 = tpu.scan <sum>, %broadcast_in_dim3A_3 masked %le3A_1938 : vector<16xi32>, vector<16xi1> -> vector<16xi32>
        %add3A_1940 = arith.addi %min3A_1901, %masked_cumsum3A_1939 : vector<16xi32>
        tpu.vector_store_idx %arg18[%add3A_1940], %add3A_1909 masked %le3A_1938 : memref<80xi32, #tpu.memory_space<vmem>>[vector<16xi32>], vector<16xi32>, vector<16xi1>
        %all_reduce_population_count3A_1941 = tpu.all_reduce %le3A_1938 {dim = 0 : i64, kind = #tpu.reduction_kind<sum>} : vector<16xi1> -> vector<16xi32>
        %add3A_1942 = arith.addi %min3A_1901, %all_reduce_population_count3A_1941 : vector<16xi32>
        %broadcast_in_dim3A_1943 = arith.constant 63 : i32
        %broadcast_in_dim3A_1944 = vector.broadcast %broadcast_in_dim3A_1943 : i32 to vector<16xi32>
        %min3A_1945 = arith.minsi %add3A_1942, %broadcast_in_dim3A_1944 : vector<16xi32>
        %broadcast_in_dim3A_1946 = arith.constant 12 : i32
        %broadcast_in_dim3A_1947 = vector.broadcast %broadcast_in_dim3A_1946 : i32 to vector<16x1xi32>
        %gather3A_1948 = vector.shape_cast %broadcast_in_dim3A_1947 : vector<16x1xi32> to vector<16xi32>
        %gather3A_1949 = tpu.dynamic_gather %get3A_1420[%gather3A_1948] in [0] : vector<16xi32>, vector<16xi32> -> vector<16xi32>
        %mul3A_1950 = arith.constant 16 : i32
        %mul3A_1951 = vector.broadcast %mul3A_1950 : i32 to vector<16xi32>
        %mul3A_1952 = arith.muli %gather3A_1949, %mul3A_1951 : vector<16xi32>
        %add3A_1953 = arith.addi %mul3A_1952, %iota3A : vector<16xi32>
        %gather3A_1954 = tpu.vector_load_idx %arg10[%add3A_1953] : memref<3472xf32, #tpu.memory_space<vmem>>[vector<16xi32>], vector<16xf32>,
        %le3A_1955 = arith.cmpf ole, %gather3A_1954, %gather3A_116 : vector<16xf32>
        %masked_cumsum3A_1956 = tpu.scan <sum>, %broadcast_in_dim3A_3 masked %le3A_1955 : vector<16xi32>, vector<16xi1> -> vector<16xi32>
        %add3A_1957 = arith.addi %min3A_1918, %masked_cumsum3A_1956 : vector<16xi32>
        tpu.vector_store_idx %arg15[%add3A_1957], %add3A_1953 masked %le3A_1955 : memref<80xi32, #tpu.memory_space<vmem>>[vector<16xi32>], vector<16xi32>, vector<16xi1>
        %all_reduce_population_count3A_1958 = tpu.all_reduce %le3A_1955 {dim = 0 : i64, kind = #tpu.reduction_kind<sum>} : vector<16xi1> -> vector<16xi32>
        %add3A_1959 = arith.addi %min3A_1918, %all_reduce_population_count3A_1958 : vector<16xi32>
        %broadcast_in_dim3A_1960 = arith.constant 63 : i32
        %broadcast_in_dim3A_1961 = vector.broadcast %broadcast_in_dim3A_1960 : i32 to vector<16xi32>
        %min3A_1962 = arith.minsi %add3A_1959, %broadcast_in_dim3A_1961 : vector<16xi32>
        %gather3A_1963 = tpu.vector_load_idx %arg11[%add3A_1953] : memref<3472xf32, #tpu.memory_space<vmem>>[vector<16xi32>], vector<16xf32>,
        %le3A_1964 = arith.cmpf ole, %gather3A_1963, %gather3A_138 : vector<16xf32>
        %masked_cumsum3A_1965 = tpu.scan <sum>, %broadcast_in_dim3A_3 masked %le3A_1964 : vector<16xi32>, vector<16xi1> -> vector<16xi32>
        %add3A_1966 = arith.addi %min3A_1927, %masked_cumsum3A_1965 : vector<16xi32>
        tpu.vector_store_idx %arg16[%add3A_1966], %add3A_1953 masked %le3A_1964 : memref<80xi32, #tpu.memory_space<vmem>>[vector<16xi32>], vector<16xi32>, vector<16xi1>
        %all_reduce_population_count3A_1967 = tpu.all_reduce %le3A_1964 {dim = 0 : i64, kind = #tpu.reduction_kind<sum>} : vector<16xi1> -> vector<16xi32>
        %add3A_1968 = arith.addi %min3A_1927, %all_reduce_population_count3A_1967 : vector<16xi32>
        %broadcast_in_dim3A_1969 = arith.constant 63 : i32
        %broadcast_in_dim3A_1970 = vector.broadcast %broadcast_in_dim3A_1969 : i32 to vector<16xi32>
        %min3A_1971 = arith.minsi %add3A_1968, %broadcast_in_dim3A_1970 : vector<16xi32>
        %gather3A_1972 = tpu.vector_load_idx %arg12[%add3A_1953] : memref<3472xf32, #tpu.memory_space<vmem>>[vector<16xi32>], vector<16xf32>,
        %le3A_1973 = arith.cmpf ole, %gather3A_1972, %gather3A_160 : vector<16xf32>
        %masked_cumsum3A_1974 = tpu.scan <sum>, %broadcast_in_dim3A_3 masked %le3A_1973 : vector<16xi32>, vector<16xi1> -> vector<16xi32>
        %add3A_1975 = arith.addi %min3A_1936, %masked_cumsum3A_1974 : vector<16xi32>
        tpu.vector_store_idx %arg17[%add3A_1975], %add3A_1953 masked %le3A_1973 : memref<80xi32, #tpu.memory_space<vmem>>[vector<16xi32>], vector<16xi32>, vector<16xi1>
        %all_reduce_population_count3A_1976 = tpu.all_reduce %le3A_1973 {dim = 0 : i64, kind = #tpu.reduction_kind<sum>} : vector<16xi1> -> vector<16xi32>
        %add3A_1977 = arith.addi %min3A_1936, %all_reduce_population_count3A_1976 : vector<16xi32>
        %broadcast_in_dim3A_1978 = arith.constant 63 : i32
        %broadcast_in_dim3A_1979 = vector.broadcast %broadcast_in_dim3A_1978 : i32 to vector<16xi32>
        %min3A_1980 = arith.minsi %add3A_1977, %broadcast_in_dim3A_1979 : vector<16xi32>
        %gather3A_1981 = tpu.vector_load_idx %arg13[%add3A_1953] : memref<3472xf32, #tpu.memory_space<vmem>>[vector<16xi32>], vector<16xf32>,
        %le3A_1982 = arith.cmpf ole, %gather3A_1981, %gather3A_182 : vector<16xf32>
        %masked_cumsum3A_1983 = tpu.scan <sum>, %broadcast_in_dim3A_3 masked %le3A_1982 : vector<16xi32>, vector<16xi1> -> vector<16xi32>
        %add3A_1984 = arith.addi %min3A_1945, %masked_cumsum3A_1983 : vector<16xi32>
        tpu.vector_store_idx %arg18[%add3A_1984], %add3A_1953 masked %le3A_1982 : memref<80xi32, #tpu.memory_space<vmem>>[vector<16xi32>], vector<16xi32>, vector<16xi1>
        %all_reduce_population_count3A_1985 = tpu.all_reduce %le3A_1982 {dim = 0 : i64, kind = #tpu.reduction_kind<sum>} : vector<16xi1> -> vector<16xi32>
        %add3A_1986 = arith.addi %min3A_1945, %all_reduce_population_count3A_1985 : vector<16xi32>
        %broadcast_in_dim3A_1987 = arith.constant 63 : i32
        %broadcast_in_dim3A_1988 = vector.broadcast %broadcast_in_dim3A_1987 : i32 to vector<16xi32>
        %min3A_1989 = arith.minsi %add3A_1986, %broadcast_in_dim3A_1988 : vector<16xi32>
        %broadcast_in_dim3A_1990 = arith.constant 13 : i32
        %broadcast_in_dim3A_1991 = vector.broadcast %broadcast_in_dim3A_1990 : i32 to vector<16x1xi32>
        %gather3A_1992 = vector.shape_cast %broadcast_in_dim3A_1991 : vector<16x1xi32> to vector<16xi32>
        %gather3A_1993 = tpu.dynamic_gather %get3A_1420[%gather3A_1992] in [0] : vector<16xi32>, vector<16xi32> -> vector<16xi32>
        %mul3A_1994 = arith.constant 16 : i32
        %mul3A_1995 = vector.broadcast %mul3A_1994 : i32 to vector<16xi32>
        %mul3A_1996 = arith.muli %gather3A_1993, %mul3A_1995 : vector<16xi32>
        %add3A_1997 = arith.addi %mul3A_1996, %iota3A : vector<16xi32>
        %gather3A_1998 = tpu.vector_load_idx %arg10[%add3A_1997] : memref<3472xf32, #tpu.memory_space<vmem>>[vector<16xi32>], vector<16xf32>,
        %le3A_1999 = arith.cmpf ole, %gather3A_1998, %gather3A_116 : vector<16xf32>
        %masked_cumsum3A_2000 = tpu.scan <sum>, %broadcast_in_dim3A_3 masked %le3A_1999 : vector<16xi32>, vector<16xi1> -> vector<16xi32>
        %add3A_2001 = arith.addi %min3A_1962, %masked_cumsum3A_2000 : vector<16xi32>
        tpu.vector_store_idx %arg15[%add3A_2001], %add3A_1997 masked %le3A_1999 : memref<80xi32, #tpu.memory_space<vmem>>[vector<16xi32>], vector<16xi32>, vector<16xi1>
        %all_reduce_population_count3A_2002 = tpu.all_reduce %le3A_1999 {dim = 0 : i64, kind = #tpu.reduction_kind<sum>} : vector<16xi1> -> vector<16xi32>
        %add3A_2003 = arith.addi %min3A_1962, %all_reduce_population_count3A_2002 : vector<16xi32>
        %broadcast_in_dim3A_2004 = arith.constant 63 : i32
        %broadcast_in_dim3A_2005 = vector.broadcast %broadcast_in_dim3A_2004 : i32 to vector<16xi32>
        %min3A_2006 = arith.minsi %add3A_2003, %broadcast_in_dim3A_2005 : vector<16xi32>
        %gather3A_2007 = tpu.vector_load_idx %arg11[%add3A_1997] : memref<3472xf32, #tpu.memory_space<vmem>>[vector<16xi32>], vector<16xf32>,
        %le3A_2008 = arith.cmpf ole, %gather3A_2007, %gather3A_138 : vector<16xf32>
        %masked_cumsum3A_2009 = tpu.scan <sum>, %broadcast_in_dim3A_3 masked %le3A_2008 : vector<16xi32>, vector<16xi1> -> vector<16xi32>
        %add3A_2010 = arith.addi %min3A_1971, %masked_cumsum3A_2009 : vector<16xi32>
        tpu.vector_store_idx %arg16[%add3A_2010], %add3A_1997 masked %le3A_2008 : memref<80xi32, #tpu.memory_space<vmem>>[vector<16xi32>], vector<16xi32>, vector<16xi1>
        %all_reduce_population_count3A_2011 = tpu.all_reduce %le3A_2008 {dim = 0 : i64, kind = #tpu.reduction_kind<sum>} : vector<16xi1> -> vector<16xi32>
        %add3A_2012 = arith.addi %min3A_1971, %all_reduce_population_count3A_2011 : vector<16xi32>
        %broadcast_in_dim3A_2013 = arith.constant 63 : i32
        %broadcast_in_dim3A_2014 = vector.broadcast %broadcast_in_dim3A_2013 : i32 to vector<16xi32>
        %min3A_2015 = arith.minsi %add3A_2012, %broadcast_in_dim3A_2014 : vector<16xi32>
        %gather3A_2016 = tpu.vector_load_idx %arg12[%add3A_1997] : memref<3472xf32, #tpu.memory_space<vmem>>[vector<16xi32>], vector<16xf32>,
        %le3A_2017 = arith.cmpf ole, %gather3A_2016, %gather3A_160 : vector<16xf32>
        %masked_cumsum3A_2018 = tpu.scan <sum>, %broadcast_in_dim3A_3 masked %le3A_2017 : vector<16xi32>, vector<16xi1> -> vector<16xi32>
        %add3A_2019 = arith.addi %min3A_1980, %masked_cumsum3A_2018 : vector<16xi32>
        tpu.vector_store_idx %arg17[%add3A_2019], %add3A_1997 masked %le3A_2017 : memref<80xi32, #tpu.memory_space<vmem>>[vector<16xi32>], vector<16xi32>, vector<16xi1>
        %all_reduce_population_count3A_2020 = tpu.all_reduce %le3A_2017 {dim = 0 : i64, kind = #tpu.reduction_kind<sum>} : vector<16xi1> -> vector<16xi32>
        %add3A_2021 = arith.addi %min3A_1980, %all_reduce_population_count3A_2020 : vector<16xi32>
        %broadcast_in_dim3A_2022 = arith.constant 63 : i32
        %broadcast_in_dim3A_2023 = vector.broadcast %broadcast_in_dim3A_2022 : i32 to vector<16xi32>
        %min3A_2024 = arith.minsi %add3A_2021, %broadcast_in_dim3A_2023 : vector<16xi32>
        %gather3A_2025 = tpu.vector_load_idx %arg13[%add3A_1997] : memref<3472xf32, #tpu.memory_space<vmem>>[vector<16xi32>], vector<16xf32>,
        %le3A_2026 = arith.cmpf ole, %gather3A_2025, %gather3A_182 : vector<16xf32>
        %masked_cumsum3A_2027 = tpu.scan <sum>, %broadcast_in_dim3A_3 masked %le3A_2026 : vector<16xi32>, vector<16xi1> -> vector<16xi32>
        %add3A_2028 = arith.addi %min3A_1989, %masked_cumsum3A_2027 : vector<16xi32>
        tpu.vector_store_idx %arg18[%add3A_2028], %add3A_1997 masked %le3A_2026 : memref<80xi32, #tpu.memory_space<vmem>>[vector<16xi32>], vector<16xi32>, vector<16xi1>
        %all_reduce_population_count3A_2029 = tpu.all_reduce %le3A_2026 {dim = 0 : i64, kind = #tpu.reduction_kind<sum>} : vector<16xi1> -> vector<16xi32>
        %add3A_2030 = arith.addi %min3A_1989, %all_reduce_population_count3A_2029 : vector<16xi32>
        %broadcast_in_dim3A_2031 = arith.constant 63 : i32
        %broadcast_in_dim3A_2032 = vector.broadcast %broadcast_in_dim3A_2031 : i32 to vector<16xi32>
        %min3A_2033 = arith.minsi %add3A_2030, %broadcast_in_dim3A_2032 : vector<16xi32>
        %broadcast_in_dim3A_2034 = arith.constant 14 : i32
        %broadcast_in_dim3A_2035 = vector.broadcast %broadcast_in_dim3A_2034 : i32 to vector<16x1xi32>
        %gather3A_2036 = vector.shape_cast %broadcast_in_dim3A_2035 : vector<16x1xi32> to vector<16xi32>
        %gather3A_2037 = tpu.dynamic_gather %get3A_1420[%gather3A_2036] in [0] : vector<16xi32>, vector<16xi32> -> vector<16xi32>
        %mul3A_2038 = arith.constant 16 : i32
        %mul3A_2039 = vector.broadcast %mul3A_2038 : i32 to vector<16xi32>
        %mul3A_2040 = arith.muli %gather3A_2037, %mul3A_2039 : vector<16xi32>
        %add3A_2041 = arith.addi %mul3A_2040, %iota3A : vector<16xi32>
        %gather3A_2042 = tpu.vector_load_idx %arg10[%add3A_2041] : memref<3472xf32, #tpu.memory_space<vmem>>[vector<16xi32>], vector<16xf32>,
        %le3A_2043 = arith.cmpf ole, %gather3A_2042, %gather3A_116 : vector<16xf32>
        %masked_cumsum3A_2044 = tpu.scan <sum>, %broadcast_in_dim3A_3 masked %le3A_2043 : vector<16xi32>, vector<16xi1> -> vector<16xi32>
        %add3A_2045 = arith.addi %min3A_2006, %masked_cumsum3A_2044 : vector<16xi32>
        tpu.vector_store_idx %arg15[%add3A_2045], %add3A_2041 masked %le3A_2043 : memref<80xi32, #tpu.memory_space<vmem>>[vector<16xi32>], vector<16xi32>, vector<16xi1>
        %all_reduce_population_count3A_2046 = tpu.all_reduce %le3A_2043 {dim = 0 : i64, kind = #tpu.reduction_kind<sum>} : vector<16xi1> -> vector<16xi32>
        %add3A_2047 = arith.addi %min3A_2006, %all_reduce_population_count3A_2046 : vector<16xi32>
        %broadcast_in_dim3A_2048 = arith.constant 63 : i32
        %broadcast_in_dim3A_2049 = vector.broadcast %broadcast_in_dim3A_2048 : i32 to vector<16xi32>
        %min3A_2050 = arith.minsi %add3A_2047, %broadcast_in_dim3A_2049 : vector<16xi32>
        %gather3A_2051 = tpu.vector_load_idx %arg11[%add3A_2041] : memref<3472xf32, #tpu.memory_space<vmem>>[vector<16xi32>], vector<16xf32>,
        %le3A_2052 = arith.cmpf ole, %gather3A_2051, %gather3A_138 : vector<16xf32>
        %masked_cumsum3A_2053 = tpu.scan <sum>, %broadcast_in_dim3A_3 masked %le3A_2052 : vector<16xi32>, vector<16xi1> -> vector<16xi32>
        %add3A_2054 = arith.addi %min3A_2015, %masked_cumsum3A_2053 : vector<16xi32>
        tpu.vector_store_idx %arg16[%add3A_2054], %add3A_2041 masked %le3A_2052 : memref<80xi32, #tpu.memory_space<vmem>>[vector<16xi32>], vector<16xi32>, vector<16xi1>
        %all_reduce_population_count3A_2055 = tpu.all_reduce %le3A_2052 {dim = 0 : i64, kind = #tpu.reduction_kind<sum>} : vector<16xi1> -> vector<16xi32>
        %add3A_2056 = arith.addi %min3A_2015, %all_reduce_population_count3A_2055 : vector<16xi32>
        %broadcast_in_dim3A_2057 = arith.constant 63 : i32
        %broadcast_in_dim3A_2058 = vector.broadcast %broadcast_in_dim3A_2057 : i32 to vector<16xi32>
        %min3A_2059 = arith.minsi %add3A_2056, %broadcast_in_dim3A_2058 : vector<16xi32>
        %gather3A_2060 = tpu.vector_load_idx %arg12[%add3A_2041] : memref<3472xf32, #tpu.memory_space<vmem>>[vector<16xi32>], vector<16xf32>,
        %le3A_2061 = arith.cmpf ole, %gather3A_2060, %gather3A_160 : vector<16xf32>
        %masked_cumsum3A_2062 = tpu.scan <sum>, %broadcast_in_dim3A_3 masked %le3A_2061 : vector<16xi32>, vector<16xi1> -> vector<16xi32>
        %add3A_2063 = arith.addi %min3A_2024, %masked_cumsum3A_2062 : vector<16xi32>
        tpu.vector_store_idx %arg17[%add3A_2063], %add3A_2041 masked %le3A_2061 : memref<80xi32, #tpu.memory_space<vmem>>[vector<16xi32>], vector<16xi32>, vector<16xi1>
        %all_reduce_population_count3A_2064 = tpu.all_reduce %le3A_2061 {dim = 0 : i64, kind = #tpu.reduction_kind<sum>} : vector<16xi1> -> vector<16xi32>
        %add3A_2065 = arith.addi %min3A_2024, %all_reduce_population_count3A_2064 : vector<16xi32>
        %broadcast_in_dim3A_2066 = arith.constant 63 : i32
        %broadcast_in_dim3A_2067 = vector.broadcast %broadcast_in_dim3A_2066 : i32 to vector<16xi32>
        %min3A_2068 = arith.minsi %add3A_2065, %broadcast_in_dim3A_2067 : vector<16xi32>
        %gather3A_2069 = tpu.vector_load_idx %arg13[%add3A_2041] : memref<3472xf32, #tpu.memory_space<vmem>>[vector<16xi32>], vector<16xf32>,
        %le3A_2070 = arith.cmpf ole, %gather3A_2069, %gather3A_182 : vector<16xf32>
        %masked_cumsum3A_2071 = tpu.scan <sum>, %broadcast_in_dim3A_3 masked %le3A_2070 : vector<16xi32>, vector<16xi1> -> vector<16xi32>
        %add3A_2072 = arith.addi %min3A_2033, %masked_cumsum3A_2071 : vector<16xi32>
        tpu.vector_store_idx %arg18[%add3A_2072], %add3A_2041 masked %le3A_2070 : memref<80xi32, #tpu.memory_space<vmem>>[vector<16xi32>], vector<16xi32>, vector<16xi1>
        %all_reduce_population_count3A_2073 = tpu.all_reduce %le3A_2070 {dim = 0 : i64, kind = #tpu.reduction_kind<sum>} : vector<16xi1> -> vector<16xi32>
        %add3A_2074 = arith.addi %min3A_2033, %all_reduce_population_count3A_2073 : vector<16xi32>
        %broadcast_in_dim3A_2075 = arith.constant 63 : i32
        %broadcast_in_dim3A_2076 = vector.broadcast %broadcast_in_dim3A_2075 : i32 to vector<16xi32>
        %min3A_2077 = arith.minsi %add3A_2074, %broadcast_in_dim3A_2076 : vector<16xi32>
        %broadcast_in_dim3A_2078 = arith.constant 15 : i32
        %broadcast_in_dim3A_2079 = vector.broadcast %broadcast_in_dim3A_2078 : i32 to vector<16x1xi32>
        %gather3A_2080 = vector.shape_cast %broadcast_in_dim3A_2079 : vector<16x1xi32> to vector<16xi32>
        %gather3A_2081 = tpu.dynamic_gather %get3A_1420[%gather3A_2080] in [0] : vector<16xi32>, vector<16xi32> -> vector<16xi32>
        %mul3A_2082 = arith.constant 16 : i32
        %mul3A_2083 = vector.broadcast %mul3A_2082 : i32 to vector<16xi32>
        %mul3A_2084 = arith.muli %gather3A_2081, %mul3A_2083 : vector<16xi32>
        %add3A_2085 = arith.addi %mul3A_2084, %iota3A : vector<16xi32>
        %gather3A_2086 = tpu.vector_load_idx %arg10[%add3A_2085] : memref<3472xf32, #tpu.memory_space<vmem>>[vector<16xi32>], vector<16xf32>,
        %le3A_2087 = arith.cmpf ole, %gather3A_2086, %gather3A_116 : vector<16xf32>
        %masked_cumsum3A_2088 = tpu.scan <sum>, %broadcast_in_dim3A_3 masked %le3A_2087 : vector<16xi32>, vector<16xi1> -> vector<16xi32>
        %add3A_2089 = arith.addi %min3A_2050, %masked_cumsum3A_2088 : vector<16xi32>
        tpu.vector_store_idx %arg15[%add3A_2089], %add3A_2085 masked %le3A_2087 : memref<80xi32, #tpu.memory_space<vmem>>[vector<16xi32>], vector<16xi32>, vector<16xi1>
        %all_reduce_population_count3A_2090 = tpu.all_reduce %le3A_2087 {dim = 0 : i64, kind = #tpu.reduction_kind<sum>} : vector<16xi1> -> vector<16xi32>
        %add3A_2091 = arith.addi %min3A_2050, %all_reduce_population_count3A_2090 : vector<16xi32>
        %broadcast_in_dim3A_2092 = arith.constant 63 : i32
        %broadcast_in_dim3A_2093 = vector.broadcast %broadcast_in_dim3A_2092 : i32 to vector<16xi32>
        %min3A_2094 = arith.minsi %add3A_2091, %broadcast_in_dim3A_2093 : vector<16xi32>
        %gather3A_2095 = tpu.vector_load_idx %arg11[%add3A_2085] : memref<3472xf32, #tpu.memory_space<vmem>>[vector<16xi32>], vector<16xf32>,
        %le3A_2096 = arith.cmpf ole, %gather3A_2095, %gather3A_138 : vector<16xf32>
        %masked_cumsum3A_2097 = tpu.scan <sum>, %broadcast_in_dim3A_3 masked %le3A_2096 : vector<16xi32>, vector<16xi1> -> vector<16xi32>
        %add3A_2098 = arith.addi %min3A_2059, %masked_cumsum3A_2097 : vector<16xi32>
        tpu.vector_store_idx %arg16[%add3A_2098], %add3A_2085 masked %le3A_2096 : memref<80xi32, #tpu.memory_space<vmem>>[vector<16xi32>], vector<16xi32>, vector<16xi1>
        %all_reduce_population_count3A_2099 = tpu.all_reduce %le3A_2096 {dim = 0 : i64, kind = #tpu.reduction_kind<sum>} : vector<16xi1> -> vector<16xi32>
        %add3A_2100 = arith.addi %min3A_2059, %all_reduce_population_count3A_2099 : vector<16xi32>
        %broadcast_in_dim3A_2101 = arith.constant 63 : i32
        %broadcast_in_dim3A_2102 = vector.broadcast %broadcast_in_dim3A_2101 : i32 to vector<16xi32>
        %min3A_2103 = arith.minsi %add3A_2100, %broadcast_in_dim3A_2102 : vector<16xi32>
        %gather3A_2104 = tpu.vector_load_idx %arg12[%add3A_2085] : memref<3472xf32, #tpu.memory_space<vmem>>[vector<16xi32>], vector<16xf32>,
        %le3A_2105 = arith.cmpf ole, %gather3A_2104, %gather3A_160 : vector<16xf32>
        %masked_cumsum3A_2106 = tpu.scan <sum>, %broadcast_in_dim3A_3 masked %le3A_2105 : vector<16xi32>, vector<16xi1> -> vector<16xi32>
        %add3A_2107 = arith.addi %min3A_2068, %masked_cumsum3A_2106 : vector<16xi32>
        tpu.vector_store_idx %arg17[%add3A_2107], %add3A_2085 masked %le3A_2105 : memref<80xi32, #tpu.memory_space<vmem>>[vector<16xi32>], vector<16xi32>, vector<16xi1>
        %all_reduce_population_count3A_2108 = tpu.all_reduce %le3A_2105 {dim = 0 : i64, kind = #tpu.reduction_kind<sum>} : vector<16xi1> -> vector<16xi32>
        %add3A_2109 = arith.addi %min3A_2068, %all_reduce_population_count3A_2108 : vector<16xi32>
        %broadcast_in_dim3A_2110 = arith.constant 63 : i32
        %broadcast_in_dim3A_2111 = vector.broadcast %broadcast_in_dim3A_2110 : i32 to vector<16xi32>
        %min3A_2112 = arith.minsi %add3A_2109, %broadcast_in_dim3A_2111 : vector<16xi32>
        %gather3A_2113 = tpu.vector_load_idx %arg13[%add3A_2085] : memref<3472xf32, #tpu.memory_space<vmem>>[vector<16xi32>], vector<16xf32>,
        %le3A_2114 = arith.cmpf ole, %gather3A_2113, %gather3A_182 : vector<16xf32>
        %masked_cumsum3A_2115 = tpu.scan <sum>, %broadcast_in_dim3A_3 masked %le3A_2114 : vector<16xi32>, vector<16xi1> -> vector<16xi32>
        %add3A_2116 = arith.addi %min3A_2077, %masked_cumsum3A_2115 : vector<16xi32>
        tpu.vector_store_idx %arg18[%add3A_2116], %add3A_2085 masked %le3A_2114 : memref<80xi32, #tpu.memory_space<vmem>>[vector<16xi32>], vector<16xi32>, vector<16xi1>
        %all_reduce_population_count3A_2117 = tpu.all_reduce %le3A_2114 {dim = 0 : i64, kind = #tpu.reduction_kind<sum>} : vector<16xi1> -> vector<16xi32>
        %add3A_2118 = arith.addi %min3A_2077, %all_reduce_population_count3A_2117 : vector<16xi32>
        %broadcast_in_dim3A_2119 = arith.constant 63 : i32
        %broadcast_in_dim3A_2120 = vector.broadcast %broadcast_in_dim3A_2119 : i32 to vector<16xi32>
        %min3A_2121 = arith.minsi %add3A_2118, %broadcast_in_dim3A_2120 : vector<16xi32>
        scf.yield %min3A_2094, %min3A_2103, %min3A_2112, %min3A_2121 : vector<16xi32>, vector<16xi32>, vector<16xi32>, vector<16xi32>
      }
      %while3A_323 = arith.constant 1 : i32
      %while3A_324:4 = scf.for %while3A_1412 = %while3A_320 to %while3A_316 step %while3A_323 iter_args(%while3A_1413 = %while3A_322#0, %while3A_1414 = %while3A_322#1, %while3A_1415 = %while3A_322#2, %while3A_1416 = %while3A_322#3) -> (vector<16xi32>, vector<16xi32>, vector<16xi32>, vector<16xi32>)  : i32 {
        %mul3A_1417 = arith.constant 16 : i32
        %mul3A_1418 = arith.muli %while3A_1412, %mul3A_1417 : i32
        %get3A_1419 = arith.index_cast %mul3A_1418 : i32 to index
        %get3A_1420 = tpu.vector_load %arg14[%get3A_1419] {strides = array<i32>} : memref<256xi32, #tpu.memory_space<vmem>>, vector<16xi32>,
        %broadcast_in_dim3A_1421 = arith.constant 0 : i32
        %broadcast_in_dim3A_1422 = vector.broadcast %broadcast_in_dim3A_1421 : i32 to vector<16x1xi32>
        %gather3A_1423 = vector.shape_cast %broadcast_in_dim3A_1422 : vector<16x1xi32> to vector<16xi32>
        %gather3A_1424 = tpu.dynamic_gather %get3A_1420[%gather3A_1423] in [0] : vector<16xi32>, vector<16xi32> -> vector<16xi32>
        %mul3A_1425 = arith.constant 16 : i32
        %mul3A_1426 = vector.broadcast %mul3A_1425 : i32 to vector<16xi32>
        %mul3A_1427 = arith.muli %gather3A_1424, %mul3A_1426 : vector<16xi32>
        %add3A_1428 = arith.addi %mul3A_1427, %iota3A : vector<16xi32>
        %gather3A_1429 = tpu.vector_load_idx %arg10[%add3A_1428] : memref<3472xf32, #tpu.memory_space<vmem>>[vector<16xi32>], vector<16xf32>,
        %le3A_1430 = arith.cmpf ole, %gather3A_1429, %gather3A_116 : vector<16xf32>
        %masked_cumsum3A = tpu.scan <sum>, %broadcast_in_dim3A_3 masked %le3A_1430 : vector<16xi32>, vector<16xi1> -> vector<16xi32>
        %add3A_1431 = arith.addi %while3A_1413, %masked_cumsum3A : vector<16xi32>
        tpu.vector_store_idx %arg15[%add3A_1431], %add3A_1428 masked %le3A_1430 : memref<80xi32, #tpu.memory_space<vmem>>[vector<16xi32>], vector<16xi32>, vector<16xi1>
        %all_reduce_population_count3A = tpu.all_reduce %le3A_1430 {dim = 0 : i64, kind = #tpu.reduction_kind<sum>} : vector<16xi1> -> vector<16xi32>
        %add3A_1432 = arith.addi %while3A_1413, %all_reduce_population_count3A : vector<16xi32>
        %broadcast_in_dim3A_1433 = arith.constant 63 : i32
        %broadcast_in_dim3A_1434 = vector.broadcast %broadcast_in_dim3A_1433 : i32 to vector<16xi32>
        %min3A = arith.minsi %add3A_1432, %broadcast_in_dim3A_1434 : vector<16xi32>
        %gather3A_1435 = tpu.vector_load_idx %arg11[%add3A_1428] : memref<3472xf32, #tpu.memory_space<vmem>>[vector<16xi32>], vector<16xf32>,
        %le3A_1436 = arith.cmpf ole, %gather3A_1435, %gather3A_138 : vector<16xf32>
        %masked_cumsum3A_1437 = tpu.scan <sum>, %broadcast_in_dim3A_3 masked %le3A_1436 : vector<16xi32>, vector<16xi1> -> vector<16xi32>
        %add3A_1438 = arith.addi %while3A_1414, %masked_cumsum3A_1437 : vector<16xi32>
        tpu.vector_store_idx %arg16[%add3A_1438], %add3A_1428 masked %le3A_1436 : memref<80xi32, #tpu.memory_space<vmem>>[vector<16xi32>], vector<16xi32>, vector<16xi1>
        %all_reduce_population_count3A_1439 = tpu.all_reduce %le3A_1436 {dim = 0 : i64, kind = #tpu.reduction_kind<sum>} : vector<16xi1> -> vector<16xi32>
        %add3A_1440 = arith.addi %while3A_1414, %all_reduce_population_count3A_1439 : vector<16xi32>
        %broadcast_in_dim3A_1441 = arith.constant 63 : i32
        %broadcast_in_dim3A_1442 = vector.broadcast %broadcast_in_dim3A_1441 : i32 to vector<16xi32>
        %min3A_1443 = arith.minsi %add3A_1440, %broadcast_in_dim3A_1442 : vector<16xi32>
        %gather3A_1444 = tpu.vector_load_idx %arg12[%add3A_1428] : memref<3472xf32, #tpu.memory_space<vmem>>[vector<16xi32>], vector<16xf32>,
        %le3A_1445 = arith.cmpf ole, %gather3A_1444, %gather3A_160 : vector<16xf32>
        %masked_cumsum3A_1446 = tpu.scan <sum>, %broadcast_in_dim3A_3 masked %le3A_1445 : vector<16xi32>, vector<16xi1> -> vector<16xi32>
        %add3A_1447 = arith.addi %while3A_1415, %masked_cumsum3A_1446 : vector<16xi32>
        tpu.vector_store_idx %arg17[%add3A_1447], %add3A_1428 masked %le3A_1445 : memref<80xi32, #tpu.memory_space<vmem>>[vector<16xi32>], vector<16xi32>, vector<16xi1>
        %all_reduce_population_count3A_1448 = tpu.all_reduce %le3A_1445 {dim = 0 : i64, kind = #tpu.reduction_kind<sum>} : vector<16xi1> -> vector<16xi32>
        %add3A_1449 = arith.addi %while3A_1415, %all_reduce_population_count3A_1448 : vector<16xi32>
        %broadcast_in_dim3A_1450 = arith.constant 63 : i32
        %broadcast_in_dim3A_1451 = vector.broadcast %broadcast_in_dim3A_1450 : i32 to vector<16xi32>
        %min3A_1452 = arith.minsi %add3A_1449, %broadcast_in_dim3A_1451 : vector<16xi32>
        %gather3A_1453 = tpu.vector_load_idx %arg13[%add3A_1428] : memref<3472xf32, #tpu.memory_space<vmem>>[vector<16xi32>], vector<16xf32>,
        %le3A_1454 = arith.cmpf ole, %gather3A_1453, %gather3A_182 : vector<16xf32>
        %masked_cumsum3A_1455 = tpu.scan <sum>, %broadcast_in_dim3A_3 masked %le3A_1454 : vector<16xi32>, vector<16xi1> -> vector<16xi32>
        %add3A_1456 = arith.addi %while3A_1416, %masked_cumsum3A_1455 : vector<16xi32>
        tpu.vector_store_idx %arg18[%add3A_1456], %add3A_1428 masked %le3A_1454 : memref<80xi32, #tpu.memory_space<vmem>>[vector<16xi32>], vector<16xi32>, vector<16xi1>
        %all_reduce_population_count3A_1457 = tpu.all_reduce %le3A_1454 {dim = 0 : i64, kind = #tpu.reduction_kind<sum>} : vector<16xi1> -> vector<16xi32>
        %add3A_1458 = arith.addi %while3A_1416, %all_reduce_population_count3A_1457 : vector<16xi32>
        %broadcast_in_dim3A_1459 = arith.constant 63 : i32
        %broadcast_in_dim3A_1460 = vector.broadcast %broadcast_in_dim3A_1459 : i32 to vector<16xi32>
        %min3A_1461 = arith.minsi %add3A_1458, %broadcast_in_dim3A_1460 : vector<16xi32>
        %broadcast_in_dim3A_1462 = arith.constant 1 : i32
        %broadcast_in_dim3A_1463 = vector.broadcast %broadcast_in_dim3A_1462 : i32 to vector<16x1xi32>
        %gather3A_1464 = vector.shape_cast %broadcast_in_dim3A_1463 : vector<16x1xi32> to vector<16xi32>
        %gather3A_1465 = tpu.dynamic_gather %get3A_1420[%gather3A_1464] in [0] : vector<16xi32>, vector<16xi32> -> vector<16xi32>
        %mul3A_1466 = arith.constant 16 : i32
        %mul3A_1467 = vector.broadcast %mul3A_1466 : i32 to vector<16xi32>
        %mul3A_1468 = arith.muli %gather3A_1465, %mul3A_1467 : vector<16xi32>
        %add3A_1469 = arith.addi %mul3A_1468, %iota3A : vector<16xi32>
        %gather3A_1470 = tpu.vector_load_idx %arg10[%add3A_1469] : memref<3472xf32, #tpu.memory_space<vmem>>[vector<16xi32>], vector<16xf32>,
        %le3A_1471 = arith.cmpf ole, %gather3A_1470, %gather3A_116 : vector<16xf32>
        %masked_cumsum3A_1472 = tpu.scan <sum>, %broadcast_in_dim3A_3 masked %le3A_1471 : vector<16xi32>, vector<16xi1> -> vector<16xi32>
        %add3A_1473 = arith.addi %min3A, %masked_cumsum3A_1472 : vector<16xi32>
        tpu.vector_store_idx %arg15[%add3A_1473], %add3A_1469 masked %le3A_1471 : memref<80xi32, #tpu.memory_space<vmem>>[vector<16xi32>], vector<16xi32>, vector<16xi1>
        %all_reduce_population_count3A_1474 = tpu.all_reduce %le3A_1471 {dim = 0 : i64, kind = #tpu.reduction_kind<sum>} : vector<16xi1> -> vector<16xi32>
        %add3A_1475 = arith.addi %min3A, %all_reduce_population_count3A_1474 : vector<16xi32>
        %broadcast_in_dim3A_1476 = arith.constant 63 : i32
        %broadcast_in_dim3A_1477 = vector.broadcast %broadcast_in_dim3A_1476 : i32 to vector<16xi32>
        %min3A_1478 = arith.minsi %add3A_1475, %broadcast_in_dim3A_1477 : vector<16xi32>
        %gather3A_1479 = tpu.vector_load_idx %arg11[%add3A_1469] : memref<3472xf32, #tpu.memory_space<vmem>>[vector<16xi32>], vector<16xf32>,
        %le3A_1480 = arith.cmpf ole, %gather3A_1479, %gather3A_138 : vector<16xf32>
        %masked_cumsum3A_1481 = tpu.scan <sum>, %broadcast_in_dim3A_3 masked %le3A_1480 : vector<16xi32>, vector<16xi1> -> vector<16xi32>
        %add3A_1482 = arith.addi %min3A_1443, %masked_cumsum3A_1481 : vector<16xi32>
        tpu.vector_store_idx %arg16[%add3A_1482], %add3A_1469 masked %le3A_1480 : memref<80xi32, #tpu.memory_space<vmem>>[vector<16xi32>], vector<16xi32>, vector<16xi1>
        %all_reduce_population_count3A_1483 = tpu.all_reduce %le3A_1480 {dim = 0 : i64, kind = #tpu.reduction_kind<sum>} : vector<16xi1> -> vector<16xi32>
        %add3A_1484 = arith.addi %min3A_1443, %all_reduce_population_count3A_1483 : vector<16xi32>
        %broadcast_in_dim3A_1485 = arith.constant 63 : i32
        %broadcast_in_dim3A_1486 = vector.broadcast %broadcast_in_dim3A_1485 : i32 to vector<16xi32>
        %min3A_1487 = arith.minsi %add3A_1484, %broadcast_in_dim3A_1486 : vector<16xi32>
        %gather3A_1488 = tpu.vector_load_idx %arg12[%add3A_1469] : memref<3472xf32, #tpu.memory_space<vmem>>[vector<16xi32>], vector<16xf32>,
        %le3A_1489 = arith.cmpf ole, %gather3A_1488, %gather3A_160 : vector<16xf32>
        %masked_cumsum3A_1490 = tpu.scan <sum>, %broadcast_in_dim3A_3 masked %le3A_1489 : vector<16xi32>, vector<16xi1> -> vector<16xi32>
        %add3A_1491 = arith.addi %min3A_1452, %masked_cumsum3A_1490 : vector<16xi32>
        tpu.vector_store_idx %arg17[%add3A_1491], %add3A_1469 masked %le3A_1489 : memref<80xi32, #tpu.memory_space<vmem>>[vector<16xi32>], vector<16xi32>, vector<16xi1>
        %all_reduce_population_count3A_1492 = tpu.all_reduce %le3A_1489 {dim = 0 : i64, kind = #tpu.reduction_kind<sum>} : vector<16xi1> -> vector<16xi32>
        %add3A_1493 = arith.addi %min3A_1452, %all_reduce_population_count3A_1492 : vector<16xi32>
        %broadcast_in_dim3A_1494 = arith.constant 63 : i32
        %broadcast_in_dim3A_1495 = vector.broadcast %broadcast_in_dim3A_1494 : i32 to vector<16xi32>
        %min3A_1496 = arith.minsi %add3A_1493, %broadcast_in_dim3A_1495 : vector<16xi32>
        %gather3A_1497 = tpu.vector_load_idx %arg13[%add3A_1469] : memref<3472xf32, #tpu.memory_space<vmem>>[vector<16xi32>], vector<16xf32>,
        %le3A_1498 = arith.cmpf ole, %gather3A_1497, %gather3A_182 : vector<16xf32>
        %masked_cumsum3A_1499 = tpu.scan <sum>, %broadcast_in_dim3A_3 masked %le3A_1498 : vector<16xi32>, vector<16xi1> -> vector<16xi32>
        %add3A_1500 = arith.addi %min3A_1461, %masked_cumsum3A_1499 : vector<16xi32>
        tpu.vector_store_idx %arg18[%add3A_1500], %add3A_1469 masked %le3A_1498 : memref<80xi32, #tpu.memory_space<vmem>>[vector<16xi32>], vector<16xi32>, vector<16xi1>
        %all_reduce_population_count3A_1501 = tpu.all_reduce %le3A_1498 {dim = 0 : i64, kind = #tpu.reduction_kind<sum>} : vector<16xi1> -> vector<16xi32>
        %add3A_1502 = arith.addi %min3A_1461, %all_reduce_population_count3A_1501 : vector<16xi32>
        %broadcast_in_dim3A_1503 = arith.constant 63 : i32
        %broadcast_in_dim3A_1504 = vector.broadcast %broadcast_in_dim3A_1503 : i32 to vector<16xi32>
        %min3A_1505 = arith.minsi %add3A_1502, %broadcast_in_dim3A_1504 : vector<16xi32>
        %broadcast_in_dim3A_1506 = arith.constant 2 : i32
        %broadcast_in_dim3A_1507 = vector.broadcast %broadcast_in_dim3A_1506 : i32 to vector<16x1xi32>
        %gather3A_1508 = vector.shape_cast %broadcast_in_dim3A_1507 : vector<16x1xi32> to vector<16xi32>
        %gather3A_1509 = tpu.dynamic_gather %get3A_1420[%gather3A_1508] in [0] : vector<16xi32>, vector<16xi32> -> vector<16xi32>
        %mul3A_1510 = arith.constant 16 : i32
        %mul3A_1511 = vector.broadcast %mul3A_1510 : i32 to vector<16xi32>
        %mul3A_1512 = arith.muli %gather3A_1509, %mul3A_1511 : vector<16xi32>
        %add3A_1513 = arith.addi %mul3A_1512, %iota3A : vector<16xi32>
        %gather3A_1514 = tpu.vector_load_idx %arg10[%add3A_1513] : memref<3472xf32, #tpu.memory_space<vmem>>[vector<16xi32>], vector<16xf32>,
        %le3A_1515 = arith.cmpf ole, %gather3A_1514, %gather3A_116 : vector<16xf32>
        %masked_cumsum3A_1516 = tpu.scan <sum>, %broadcast_in_dim3A_3 masked %le3A_1515 : vector<16xi32>, vector<16xi1> -> vector<16xi32>
        %add3A_1517 = arith.addi %min3A_1478, %masked_cumsum3A_1516 : vector<16xi32>
        tpu.vector_store_idx %arg15[%add3A_1517], %add3A_1513 masked %le3A_1515 : memref<80xi32, #tpu.memory_space<vmem>>[vector<16xi32>], vector<16xi32>, vector<16xi1>
        %all_reduce_population_count3A_1518 = tpu.all_reduce %le3A_1515 {dim = 0 : i64, kind = #tpu.reduction_kind<sum>} : vector<16xi1> -> vector<16xi32>
        %add3A_1519 = arith.addi %min3A_1478, %all_reduce_population_count3A_1518 : vector<16xi32>
        %broadcast_in_dim3A_1520 = arith.constant 63 : i32
        %broadcast_in_dim3A_1521 = vector.broadcast %broadcast_in_dim3A_1520 : i32 to vector<16xi32>
        %min3A_1522 = arith.minsi %add3A_1519, %broadcast_in_dim3A_1521 : vector<16xi32>
        %gather3A_1523 = tpu.vector_load_idx %arg11[%add3A_1513] : memref<3472xf32, #tpu.memory_space<vmem>>[vector<16xi32>], vector<16xf32>,
        %le3A_1524 = arith.cmpf ole, %gather3A_1523, %gather3A_138 : vector<16xf32>
        %masked_cumsum3A_1525 = tpu.scan <sum>, %broadcast_in_dim3A_3 masked %le3A_1524 : vector<16xi32>, vector<16xi1> -> vector<16xi32>
        %add3A_1526 = arith.addi %min3A_1487, %masked_cumsum3A_1525 : vector<16xi32>
        tpu.vector_store_idx %arg16[%add3A_1526], %add3A_1513 masked %le3A_1524 : memref<80xi32, #tpu.memory_space<vmem>>[vector<16xi32>], vector<16xi32>, vector<16xi1>
        %all_reduce_population_count3A_1527 = tpu.all_reduce %le3A_1524 {dim = 0 : i64, kind = #tpu.reduction_kind<sum>} : vector<16xi1> -> vector<16xi32>
        %add3A_1528 = arith.addi %min3A_1487, %all_reduce_population_count3A_1527 : vector<16xi32>
        %broadcast_in_dim3A_1529 = arith.constant 63 : i32
        %broadcast_in_dim3A_1530 = vector.broadcast %broadcast_in_dim3A_1529 : i32 to vector<16xi32>
        %min3A_1531 = arith.minsi %add3A_1528, %broadcast_in_dim3A_1530 : vector<16xi32>
        %gather3A_1532 = tpu.vector_load_idx %arg12[%add3A_1513] : memref<3472xf32, #tpu.memory_space<vmem>>[vector<16xi32>], vector<16xf32>,
        %le3A_1533 = arith.cmpf ole, %gather3A_1532, %gather3A_160 : vector<16xf32>
        %masked_cumsum3A_1534 = tpu.scan <sum>, %broadcast_in_dim3A_3 masked %le3A_1533 : vector<16xi32>, vector<16xi1> -> vector<16xi32>
        %add3A_1535 = arith.addi %min3A_1496, %masked_cumsum3A_1534 : vector<16xi32>
        tpu.vector_store_idx %arg17[%add3A_1535], %add3A_1513 masked %le3A_1533 : memref<80xi32, #tpu.memory_space<vmem>>[vector<16xi32>], vector<16xi32>, vector<16xi1>
        %all_reduce_population_count3A_1536 = tpu.all_reduce %le3A_1533 {dim = 0 : i64, kind = #tpu.reduction_kind<sum>} : vector<16xi1> -> vector<16xi32>
        %add3A_1537 = arith.addi %min3A_1496, %all_reduce_population_count3A_1536 : vector<16xi32>
        %broadcast_in_dim3A_1538 = arith.constant 63 : i32
        %broadcast_in_dim3A_1539 = vector.broadcast %broadcast_in_dim3A_1538 : i32 to vector<16xi32>
        %min3A_1540 = arith.minsi %add3A_1537, %broadcast_in_dim3A_1539 : vector<16xi32>
        %gather3A_1541 = tpu.vector_load_idx %arg13[%add3A_1513] : memref<3472xf32, #tpu.memory_space<vmem>>[vector<16xi32>], vector<16xf32>,
        %le3A_1542 = arith.cmpf ole, %gather3A_1541, %gather3A_182 : vector<16xf32>
        %masked_cumsum3A_1543 = tpu.scan <sum>, %broadcast_in_dim3A_3 masked %le3A_1542 : vector<16xi32>, vector<16xi1> -> vector<16xi32>
        %add3A_1544 = arith.addi %min3A_1505, %masked_cumsum3A_1543 : vector<16xi32>
        tpu.vector_store_idx %arg18[%add3A_1544], %add3A_1513 masked %le3A_1542 : memref<80xi32, #tpu.memory_space<vmem>>[vector<16xi32>], vector<16xi32>, vector<16xi1>
        %all_reduce_population_count3A_1545 = tpu.all_reduce %le3A_1542 {dim = 0 : i64, kind = #tpu.reduction_kind<sum>} : vector<16xi1> -> vector<16xi32>
        %add3A_1546 = arith.addi %min3A_1505, %all_reduce_population_count3A_1545 : vector<16xi32>
        %broadcast_in_dim3A_1547 = arith.constant 63 : i32
        %broadcast_in_dim3A_1548 = vector.broadcast %broadcast_in_dim3A_1547 : i32 to vector<16xi32>
        %min3A_1549 = arith.minsi %add3A_1546, %broadcast_in_dim3A_1548 : vector<16xi32>
        %broadcast_in_dim3A_1550 = arith.constant 3 : i32
        %broadcast_in_dim3A_1551 = vector.broadcast %broadcast_in_dim3A_1550 : i32 to vector<16x1xi32>
        %gather3A_1552 = vector.shape_cast %broadcast_in_dim3A_1551 : vector<16x1xi32> to vector<16xi32>
        %gather3A_1553 = tpu.dynamic_gather %get3A_1420[%gather3A_1552] in [0] : vector<16xi32>, vector<16xi32> -> vector<16xi32>
        %mul3A_1554 = arith.constant 16 : i32
        %mul3A_1555 = vector.broadcast %mul3A_1554 : i32 to vector<16xi32>
        %mul3A_1556 = arith.muli %gather3A_1553, %mul3A_1555 : vector<16xi32>
        %add3A_1557 = arith.addi %mul3A_1556, %iota3A : vector<16xi32>
        %gather3A_1558 = tpu.vector_load_idx %arg10[%add3A_1557] : memref<3472xf32, #tpu.memory_space<vmem>>[vector<16xi32>], vector<16xf32>,
        %le3A_1559 = arith.cmpf ole, %gather3A_1558, %gather3A_116 : vector<16xf32>
        %masked_cumsum3A_1560 = tpu.scan <sum>, %broadcast_in_dim3A_3 masked %le3A_1559 : vector<16xi32>, vector<16xi1> -> vector<16xi32>
        %add3A_1561 = arith.addi %min3A_1522, %masked_cumsum3A_1560 : vector<16xi32>
        tpu.vector_store_idx %arg15[%add3A_1561], %add3A_1557 masked %le3A_1559 : memref<80xi32, #tpu.memory_space<vmem>>[vector<16xi32>], vector<16xi32>, vector<16xi1>
        %all_reduce_population_count3A_1562 = tpu.all_reduce %le3A_1559 {dim = 0 : i64, kind = #tpu.reduction_kind<sum>} : vector<16xi1> -> vector<16xi32>
        %add3A_1563 = arith.addi %min3A_1522, %all_reduce_population_count3A_1562 : vector<16xi32>
        %broadcast_in_dim3A_1564 = arith.constant 63 : i32
        %broadcast_in_dim3A_1565 = vector.broadcast %broadcast_in_dim3A_1564 : i32 to vector<16xi32>
        %min3A_1566 = arith.minsi %add3A_1563, %broadcast_in_dim3A_1565 : vector<16xi32>
        %gather3A_1567 = tpu.vector_load_idx %arg11[%add3A_1557] : memref<3472xf32, #tpu.memory_space<vmem>>[vector<16xi32>], vector<16xf32>,
        %le3A_1568 = arith.cmpf ole, %gather3A_1567, %gather3A_138 : vector<16xf32>
        %masked_cumsum3A_1569 = tpu.scan <sum>, %broadcast_in_dim3A_3 masked %le3A_1568 : vector<16xi32>, vector<16xi1> -> vector<16xi32>
        %add3A_1570 = arith.addi %min3A_1531, %masked_cumsum3A_1569 : vector<16xi32>
        tpu.vector_store_idx %arg16[%add3A_1570], %add3A_1557 masked %le3A_1568 : memref<80xi32, #tpu.memory_space<vmem>>[vector<16xi32>], vector<16xi32>, vector<16xi1>
        %all_reduce_population_count3A_1571 = tpu.all_reduce %le3A_1568 {dim = 0 : i64, kind = #tpu.reduction_kind<sum>} : vector<16xi1> -> vector<16xi32>
        %add3A_1572 = arith.addi %min3A_1531, %all_reduce_population_count3A_1571 : vector<16xi32>
        %broadcast_in_dim3A_1573 = arith.constant 63 : i32
        %broadcast_in_dim3A_1574 = vector.broadcast %broadcast_in_dim3A_1573 : i32 to vector<16xi32>
        %min3A_1575 = arith.minsi %add3A_1572, %broadcast_in_dim3A_1574 : vector<16xi32>
        %gather3A_1576 = tpu.vector_load_idx %arg12[%add3A_1557] : memref<3472xf32, #tpu.memory_space<vmem>>[vector<16xi32>], vector<16xf32>,
        %le3A_1577 = arith.cmpf ole, %gather3A_1576, %gather3A_160 : vector<16xf32>
        %masked_cumsum3A_1578 = tpu.scan <sum>, %broadcast_in_dim3A_3 masked %le3A_1577 : vector<16xi32>, vector<16xi1> -> vector<16xi32>
        %add3A_1579 = arith.addi %min3A_1540, %masked_cumsum3A_1578 : vector<16xi32>
        tpu.vector_store_idx %arg17[%add3A_1579], %add3A_1557 masked %le3A_1577 : memref<80xi32, #tpu.memory_space<vmem>>[vector<16xi32>], vector<16xi32>, vector<16xi1>
        %all_reduce_population_count3A_1580 = tpu.all_reduce %le3A_1577 {dim = 0 : i64, kind = #tpu.reduction_kind<sum>} : vector<16xi1> -> vector<16xi32>
        %add3A_1581 = arith.addi %min3A_1540, %all_reduce_population_count3A_1580 : vector<16xi32>
        %broadcast_in_dim3A_1582 = arith.constant 63 : i32
        %broadcast_in_dim3A_1583 = vector.broadcast %broadcast_in_dim3A_1582 : i32 to vector<16xi32>
        %min3A_1584 = arith.minsi %add3A_1581, %broadcast_in_dim3A_1583 : vector<16xi32>
        %gather3A_1585 = tpu.vector_load_idx %arg13[%add3A_1557] : memref<3472xf32, #tpu.memory_space<vmem>>[vector<16xi32>], vector<16xf32>,
        %le3A_1586 = arith.cmpf ole, %gather3A_1585, %gather3A_182 : vector<16xf32>
        %masked_cumsum3A_1587 = tpu.scan <sum>, %broadcast_in_dim3A_3 masked %le3A_1586 : vector<16xi32>, vector<16xi1> -> vector<16xi32>
        %add3A_1588 = arith.addi %min3A_1549, %masked_cumsum3A_1587 : vector<16xi32>
        tpu.vector_store_idx %arg18[%add3A_1588], %add3A_1557 masked %le3A_1586 : memref<80xi32, #tpu.memory_space<vmem>>[vector<16xi32>], vector<16xi32>, vector<16xi1>
        %all_reduce_population_count3A_1589 = tpu.all_reduce %le3A_1586 {dim = 0 : i64, kind = #tpu.reduction_kind<sum>} : vector<16xi1> -> vector<16xi32>
        %add3A_1590 = arith.addi %min3A_1549, %all_reduce_population_count3A_1589 : vector<16xi32>
        %broadcast_in_dim3A_1591 = arith.constant 63 : i32
        %broadcast_in_dim3A_1592 = vector.broadcast %broadcast_in_dim3A_1591 : i32 to vector<16xi32>
        %min3A_1593 = arith.minsi %add3A_1590, %broadcast_in_dim3A_1592 : vector<16xi32>
        %broadcast_in_dim3A_1594 = arith.constant 4 : i32
        %broadcast_in_dim3A_1595 = vector.broadcast %broadcast_in_dim3A_1594 : i32 to vector<16x1xi32>
        %gather3A_1596 = vector.shape_cast %broadcast_in_dim3A_1595 : vector<16x1xi32> to vector<16xi32>
        %gather3A_1597 = tpu.dynamic_gather %get3A_1420[%gather3A_1596] in [0] : vector<16xi32>, vector<16xi32> -> vector<16xi32>
        %mul3A_1598 = arith.constant 16 : i32
        %mul3A_1599 = vector.broadcast %mul3A_1598 : i32 to vector<16xi32>
        %mul3A_1600 = arith.muli %gather3A_1597, %mul3A_1599 : vector<16xi32>
        %add3A_1601 = arith.addi %mul3A_1600, %iota3A : vector<16xi32>
        %gather3A_1602 = tpu.vector_load_idx %arg10[%add3A_1601] : memref<3472xf32, #tpu.memory_space<vmem>>[vector<16xi32>], vector<16xf32>,
        %le3A_1603 = arith.cmpf ole, %gather3A_1602, %gather3A_116 : vector<16xf32>
        %masked_cumsum3A_1604 = tpu.scan <sum>, %broadcast_in_dim3A_3 masked %le3A_1603 : vector<16xi32>, vector<16xi1> -> vector<16xi32>
        %add3A_1605 = arith.addi %min3A_1566, %masked_cumsum3A_1604 : vector<16xi32>
        tpu.vector_store_idx %arg15[%add3A_1605], %add3A_1601 masked %le3A_1603 : memref<80xi32, #tpu.memory_space<vmem>>[vector<16xi32>], vector<16xi32>, vector<16xi1>
        %all_reduce_population_count3A_1606 = tpu.all_reduce %le3A_1603 {dim = 0 : i64, kind = #tpu.reduction_kind<sum>} : vector<16xi1> -> vector<16xi32>
        %add3A_1607 = arith.addi %min3A_1566, %all_reduce_population_count3A_1606 : vector<16xi32>
        %broadcast_in_dim3A_1608 = arith.constant 63 : i32
        %broadcast_in_dim3A_1609 = vector.broadcast %broadcast_in_dim3A_1608 : i32 to vector<16xi32>
        %min3A_1610 = arith.minsi %add3A_1607, %broadcast_in_dim3A_1609 : vector<16xi32>
        %gather3A_1611 = tpu.vector_load_idx %arg11[%add3A_1601] : memref<3472xf32, #tpu.memory_space<vmem>>[vector<16xi32>], vector<16xf32>,
        %le3A_1612 = arith.cmpf ole, %gather3A_1611, %gather3A_138 : vector<16xf32>
        %masked_cumsum3A_1613 = tpu.scan <sum>, %broadcast_in_dim3A_3 masked %le3A_1612 : vector<16xi32>, vector<16xi1> -> vector<16xi32>
        %add3A_1614 = arith.addi %min3A_1575, %masked_cumsum3A_1613 : vector<16xi32>
        tpu.vector_store_idx %arg16[%add3A_1614], %add3A_1601 masked %le3A_1612 : memref<80xi32, #tpu.memory_space<vmem>>[vector<16xi32>], vector<16xi32>, vector<16xi1>
        %all_reduce_population_count3A_1615 = tpu.all_reduce %le3A_1612 {dim = 0 : i64, kind = #tpu.reduction_kind<sum>} : vector<16xi1> -> vector<16xi32>
        %add3A_1616 = arith.addi %min3A_1575, %all_reduce_population_count3A_1615 : vector<16xi32>
        %broadcast_in_dim3A_1617 = arith.constant 63 : i32
        %broadcast_in_dim3A_1618 = vector.broadcast %broadcast_in_dim3A_1617 : i32 to vector<16xi32>
        %min3A_1619 = arith.minsi %add3A_1616, %broadcast_in_dim3A_1618 : vector<16xi32>
        %gather3A_1620 = tpu.vector_load_idx %arg12[%add3A_1601] : memref<3472xf32, #tpu.memory_space<vmem>>[vector<16xi32>], vector<16xf32>,
        %le3A_1621 = arith.cmpf ole, %gather3A_1620, %gather3A_160 : vector<16xf32>
        %masked_cumsum3A_1622 = tpu.scan <sum>, %broadcast_in_dim3A_3 masked %le3A_1621 : vector<16xi32>, vector<16xi1> -> vector<16xi32>
        %add3A_1623 = arith.addi %min3A_1584, %masked_cumsum3A_1622 : vector<16xi32>
        tpu.vector_store_idx %arg17[%add3A_1623], %add3A_1601 masked %le3A_1621 : memref<80xi32, #tpu.memory_space<vmem>>[vector<16xi32>], vector<16xi32>, vector<16xi1>
        %all_reduce_population_count3A_1624 = tpu.all_reduce %le3A_1621 {dim = 0 : i64, kind = #tpu.reduction_kind<sum>} : vector<16xi1> -> vector<16xi32>
        %add3A_1625 = arith.addi %min3A_1584, %all_reduce_population_count3A_1624 : vector<16xi32>
        %broadcast_in_dim3A_1626 = arith.constant 63 : i32
        %broadcast_in_dim3A_1627 = vector.broadcast %broadcast_in_dim3A_1626 : i32 to vector<16xi32>
        %min3A_1628 = arith.minsi %add3A_1625, %broadcast_in_dim3A_1627 : vector<16xi32>
        %gather3A_1629 = tpu.vector_load_idx %arg13[%add3A_1601] : memref<3472xf32, #tpu.memory_space<vmem>>[vector<16xi32>], vector<16xf32>,
        %le3A_1630 = arith.cmpf ole, %gather3A_1629, %gather3A_182 : vector<16xf32>
        %masked_cumsum3A_1631 = tpu.scan <sum>, %broadcast_in_dim3A_3 masked %le3A_1630 : vector<16xi32>, vector<16xi1> -> vector<16xi32>
        %add3A_1632 = arith.addi %min3A_1593, %masked_cumsum3A_1631 : vector<16xi32>
        tpu.vector_store_idx %arg18[%add3A_1632], %add3A_1601 masked %le3A_1630 : memref<80xi32, #tpu.memory_space<vmem>>[vector<16xi32>], vector<16xi32>, vector<16xi1>
        %all_reduce_population_count3A_1633 = tpu.all_reduce %le3A_1630 {dim = 0 : i64, kind = #tpu.reduction_kind<sum>} : vector<16xi1> -> vector<16xi32>
        %add3A_1634 = arith.addi %min3A_1593, %all_reduce_population_count3A_1633 : vector<16xi32>
        %broadcast_in_dim3A_1635 = arith.constant 63 : i32
        %broadcast_in_dim3A_1636 = vector.broadcast %broadcast_in_dim3A_1635 : i32 to vector<16xi32>
        %min3A_1637 = arith.minsi %add3A_1634, %broadcast_in_dim3A_1636 : vector<16xi32>
        %broadcast_in_dim3A_1638 = arith.constant 5 : i32
        %broadcast_in_dim3A_1639 = vector.broadcast %broadcast_in_dim3A_1638 : i32 to vector<16x1xi32>
        %gather3A_1640 = vector.shape_cast %broadcast_in_dim3A_1639 : vector<16x1xi32> to vector<16xi32>
        %gather3A_1641 = tpu.dynamic_gather %get3A_1420[%gather3A_1640] in [0] : vector<16xi32>, vector<16xi32> -> vector<16xi32>
        %mul3A_1642 = arith.constant 16 : i32
        %mul3A_1643 = vector.broadcast %mul3A_1642 : i32 to vector<16xi32>
        %mul3A_1644 = arith.muli %gather3A_1641, %mul3A_1643 : vector<16xi32>
        %add3A_1645 = arith.addi %mul3A_1644, %iota3A : vector<16xi32>
        %gather3A_1646 = tpu.vector_load_idx %arg10[%add3A_1645] : memref<3472xf32, #tpu.memory_space<vmem>>[vector<16xi32>], vector<16xf32>,
        %le3A_1647 = arith.cmpf ole, %gather3A_1646, %gather3A_116 : vector<16xf32>
        %masked_cumsum3A_1648 = tpu.scan <sum>, %broadcast_in_dim3A_3 masked %le3A_1647 : vector<16xi32>, vector<16xi1> -> vector<16xi32>
        %add3A_1649 = arith.addi %min3A_1610, %masked_cumsum3A_1648 : vector<16xi32>
        tpu.vector_store_idx %arg15[%add3A_1649], %add3A_1645 masked %le3A_1647 : memref<80xi32, #tpu.memory_space<vmem>>[vector<16xi32>], vector<16xi32>, vector<16xi1>
        %all_reduce_population_count3A_1650 = tpu.all_reduce %le3A_1647 {dim = 0 : i64, kind = #tpu.reduction_kind<sum>} : vector<16xi1> -> vector<16xi32>
        %add3A_1651 = arith.addi %min3A_1610, %all_reduce_population_count3A_1650 : vector<16xi32>
        %broadcast_in_dim3A_1652 = arith.constant 63 : i32
        %broadcast_in_dim3A_1653 = vector.broadcast %broadcast_in_dim3A_1652 : i32 to vector<16xi32>
        %min3A_1654 = arith.minsi %add3A_1651, %broadcast_in_dim3A_1653 : vector<16xi32>
        %gather3A_1655 = tpu.vector_load_idx %arg11[%add3A_1645] : memref<3472xf32, #tpu.memory_space<vmem>>[vector<16xi32>], vector<16xf32>,
        %le3A_1656 = arith.cmpf ole, %gather3A_1655, %gather3A_138 : vector<16xf32>
        %masked_cumsum3A_1657 = tpu.scan <sum>, %broadcast_in_dim3A_3 masked %le3A_1656 : vector<16xi32>, vector<16xi1> -> vector<16xi32>
        %add3A_1658 = arith.addi %min3A_1619, %masked_cumsum3A_1657 : vector<16xi32>
        tpu.vector_store_idx %arg16[%add3A_1658], %add3A_1645 masked %le3A_1656 : memref<80xi32, #tpu.memory_space<vmem>>[vector<16xi32>], vector<16xi32>, vector<16xi1>
        %all_reduce_population_count3A_1659 = tpu.all_reduce %le3A_1656 {dim = 0 : i64, kind = #tpu.reduction_kind<sum>} : vector<16xi1> -> vector<16xi32>
        %add3A_1660 = arith.addi %min3A_1619, %all_reduce_population_count3A_1659 : vector<16xi32>
        %broadcast_in_dim3A_1661 = arith.constant 63 : i32
        %broadcast_in_dim3A_1662 = vector.broadcast %broadcast_in_dim3A_1661 : i32 to vector<16xi32>
        %min3A_1663 = arith.minsi %add3A_1660, %broadcast_in_dim3A_1662 : vector<16xi32>
        %gather3A_1664 = tpu.vector_load_idx %arg12[%add3A_1645] : memref<3472xf32, #tpu.memory_space<vmem>>[vector<16xi32>], vector<16xf32>,
        %le3A_1665 = arith.cmpf ole, %gather3A_1664, %gather3A_160 : vector<16xf32>
        %masked_cumsum3A_1666 = tpu.scan <sum>, %broadcast_in_dim3A_3 masked %le3A_1665 : vector<16xi32>, vector<16xi1> -> vector<16xi32>
        %add3A_1667 = arith.addi %min3A_1628, %masked_cumsum3A_1666 : vector<16xi32>
        tpu.vector_store_idx %arg17[%add3A_1667], %add3A_1645 masked %le3A_1665 : memref<80xi32, #tpu.memory_space<vmem>>[vector<16xi32>], vector<16xi32>, vector<16xi1>
        %all_reduce_population_count3A_1668 = tpu.all_reduce %le3A_1665 {dim = 0 : i64, kind = #tpu.reduction_kind<sum>} : vector<16xi1> -> vector<16xi32>
        %add3A_1669 = arith.addi %min3A_1628, %all_reduce_population_count3A_1668 : vector<16xi32>
        %broadcast_in_dim3A_1670 = arith.constant 63 : i32
        %broadcast_in_dim3A_1671 = vector.broadcast %broadcast_in_dim3A_1670 : i32 to vector<16xi32>
        %min3A_1672 = arith.minsi %add3A_1669, %broadcast_in_dim3A_1671 : vector<16xi32>
        %gather3A_1673 = tpu.vector_load_idx %arg13[%add3A_1645] : memref<3472xf32, #tpu.memory_space<vmem>>[vector<16xi32>], vector<16xf32>,
        %le3A_1674 = arith.cmpf ole, %gather3A_1673, %gather3A_182 : vector<16xf32>
        %masked_cumsum3A_1675 = tpu.scan <sum>, %broadcast_in_dim3A_3 masked %le3A_1674 : vector<16xi32>, vector<16xi1> -> vector<16xi32>
        %add3A_1676 = arith.addi %min3A_1637, %masked_cumsum3A_1675 : vector<16xi32>
        tpu.vector_store_idx %arg18[%add3A_1676], %add3A_1645 masked %le3A_1674 : memref<80xi32, #tpu.memory_space<vmem>>[vector<16xi32>], vector<16xi32>, vector<16xi1>
        %all_reduce_population_count3A_1677 = tpu.all_reduce %le3A_1674 {dim = 0 : i64, kind = #tpu.reduction_kind<sum>} : vector<16xi1> -> vector<16xi32>
        %add3A_1678 = arith.addi %min3A_1637, %all_reduce_population_count3A_1677 : vector<16xi32>
        %broadcast_in_dim3A_1679 = arith.constant 63 : i32
        %broadcast_in_dim3A_1680 = vector.broadcast %broadcast_in_dim3A_1679 : i32 to vector<16xi32>
        %min3A_1681 = arith.minsi %add3A_1678, %broadcast_in_dim3A_1680 : vector<16xi32>
        %broadcast_in_dim3A_1682 = arith.constant 6 : i32
        %broadcast_in_dim3A_1683 = vector.broadcast %broadcast_in_dim3A_1682 : i32 to vector<16x1xi32>
        %gather3A_1684 = vector.shape_cast %broadcast_in_dim3A_1683 : vector<16x1xi32> to vector<16xi32>
        %gather3A_1685 = tpu.dynamic_gather %get3A_1420[%gather3A_1684] in [0] : vector<16xi32>, vector<16xi32> -> vector<16xi32>
        %mul3A_1686 = arith.constant 16 : i32
        %mul3A_1687 = vector.broadcast %mul3A_1686 : i32 to vector<16xi32>
        %mul3A_1688 = arith.muli %gather3A_1685, %mul3A_1687 : vector<16xi32>
        %add3A_1689 = arith.addi %mul3A_1688, %iota3A : vector<16xi32>
        %gather3A_1690 = tpu.vector_load_idx %arg10[%add3A_1689] : memref<3472xf32, #tpu.memory_space<vmem>>[vector<16xi32>], vector<16xf32>,
        %le3A_1691 = arith.cmpf ole, %gather3A_1690, %gather3A_116 : vector<16xf32>
        %masked_cumsum3A_1692 = tpu.scan <sum>, %broadcast_in_dim3A_3 masked %le3A_1691 : vector<16xi32>, vector<16xi1> -> vector<16xi32>
        %add3A_1693 = arith.addi %min3A_1654, %masked_cumsum3A_1692 : vector<16xi32>
        tpu.vector_store_idx %arg15[%add3A_1693], %add3A_1689 masked %le3A_1691 : memref<80xi32, #tpu.memory_space<vmem>>[vector<16xi32>], vector<16xi32>, vector<16xi1>
        %all_reduce_population_count3A_1694 = tpu.all_reduce %le3A_1691 {dim = 0 : i64, kind = #tpu.reduction_kind<sum>} : vector<16xi1> -> vector<16xi32>
        %add3A_1695 = arith.addi %min3A_1654, %all_reduce_population_count3A_1694 : vector<16xi32>
        %broadcast_in_dim3A_1696 = arith.constant 63 : i32
        %broadcast_in_dim3A_1697 = vector.broadcast %broadcast_in_dim3A_1696 : i32 to vector<16xi32>
        %min3A_1698 = arith.minsi %add3A_1695, %broadcast_in_dim3A_1697 : vector<16xi32>
        %gather3A_1699 = tpu.vector_load_idx %arg11[%add3A_1689] : memref<3472xf32, #tpu.memory_space<vmem>>[vector<16xi32>], vector<16xf32>,
        %le3A_1700 = arith.cmpf ole, %gather3A_1699, %gather3A_138 : vector<16xf32>
        %masked_cumsum3A_1701 = tpu.scan <sum>, %broadcast_in_dim3A_3 masked %le3A_1700 : vector<16xi32>, vector<16xi1> -> vector<16xi32>
        %add3A_1702 = arith.addi %min3A_1663, %masked_cumsum3A_1701 : vector<16xi32>
        tpu.vector_store_idx %arg16[%add3A_1702], %add3A_1689 masked %le3A_1700 : memref<80xi32, #tpu.memory_space<vmem>>[vector<16xi32>], vector<16xi32>, vector<16xi1>
        %all_reduce_population_count3A_1703 = tpu.all_reduce %le3A_1700 {dim = 0 : i64, kind = #tpu.reduction_kind<sum>} : vector<16xi1> -> vector<16xi32>
        %add3A_1704 = arith.addi %min3A_1663, %all_reduce_population_count3A_1703 : vector<16xi32>
        %broadcast_in_dim3A_1705 = arith.constant 63 : i32
        %broadcast_in_dim3A_1706 = vector.broadcast %broadcast_in_dim3A_1705 : i32 to vector<16xi32>
        %min3A_1707 = arith.minsi %add3A_1704, %broadcast_in_dim3A_1706 : vector<16xi32>
        %gather3A_1708 = tpu.vector_load_idx %arg12[%add3A_1689] : memref<3472xf32, #tpu.memory_space<vmem>>[vector<16xi32>], vector<16xf32>,
        %le3A_1709 = arith.cmpf ole, %gather3A_1708, %gather3A_160 : vector<16xf32>
        %masked_cumsum3A_1710 = tpu.scan <sum>, %broadcast_in_dim3A_3 masked %le3A_1709 : vector<16xi32>, vector<16xi1> -> vector<16xi32>
        %add3A_1711 = arith.addi %min3A_1672, %masked_cumsum3A_1710 : vector<16xi32>
        tpu.vector_store_idx %arg17[%add3A_1711], %add3A_1689 masked %le3A_1709 : memref<80xi32, #tpu.memory_space<vmem>>[vector<16xi32>], vector<16xi32>, vector<16xi1>
        %all_reduce_population_count3A_1712 = tpu.all_reduce %le3A_1709 {dim = 0 : i64, kind = #tpu.reduction_kind<sum>} : vector<16xi1> -> vector<16xi32>
        %add3A_1713 = arith.addi %min3A_1672, %all_reduce_population_count3A_1712 : vector<16xi32>
        %broadcast_in_dim3A_1714 = arith.constant 63 : i32
        %broadcast_in_dim3A_1715 = vector.broadcast %broadcast_in_dim3A_1714 : i32 to vector<16xi32>
        %min3A_1716 = arith.minsi %add3A_1713, %broadcast_in_dim3A_1715 : vector<16xi32>
        %gather3A_1717 = tpu.vector_load_idx %arg13[%add3A_1689] : memref<3472xf32, #tpu.memory_space<vmem>>[vector<16xi32>], vector<16xf32>,
        %le3A_1718 = arith.cmpf ole, %gather3A_1717, %gather3A_182 : vector<16xf32>
        %masked_cumsum3A_1719 = tpu.scan <sum>, %broadcast_in_dim3A_3 masked %le3A_1718 : vector<16xi32>, vector<16xi1> -> vector<16xi32>
        %add3A_1720 = arith.addi %min3A_1681, %masked_cumsum3A_1719 : vector<16xi32>
        tpu.vector_store_idx %arg18[%add3A_1720], %add3A_1689 masked %le3A_1718 : memref<80xi32, #tpu.memory_space<vmem>>[vector<16xi32>], vector<16xi32>, vector<16xi1>
        %all_reduce_population_count3A_1721 = tpu.all_reduce %le3A_1718 {dim = 0 : i64, kind = #tpu.reduction_kind<sum>} : vector<16xi1> -> vector<16xi32>
        %add3A_1722 = arith.addi %min3A_1681, %all_reduce_population_count3A_1721 : vector<16xi32>
        %broadcast_in_dim3A_1723 = arith.constant 63 : i32
        %broadcast_in_dim3A_1724 = vector.broadcast %broadcast_in_dim3A_1723 : i32 to vector<16xi32>
        %min3A_1725 = arith.minsi %add3A_1722, %broadcast_in_dim3A_1724 : vector<16xi32>
        %broadcast_in_dim3A_1726 = arith.constant 7 : i32
        %broadcast_in_dim3A_1727 = vector.broadcast %broadcast_in_dim3A_1726 : i32 to vector<16x1xi32>
        %gather3A_1728 = vector.shape_cast %broadcast_in_dim3A_1727 : vector<16x1xi32> to vector<16xi32>
        %gather3A_1729 = tpu.dynamic_gather %get3A_1420[%gather3A_1728] in [0] : vector<16xi32>, vector<16xi32> -> vector<16xi32>
        %mul3A_1730 = arith.constant 16 : i32
        %mul3A_1731 = vector.broadcast %mul3A_1730 : i32 to vector<16xi32>
        %mul3A_1732 = arith.muli %gather3A_1729, %mul3A_1731 : vector<16xi32>
        %add3A_1733 = arith.addi %mul3A_1732, %iota3A : vector<16xi32>
        %gather3A_1734 = tpu.vector_load_idx %arg10[%add3A_1733] : memref<3472xf32, #tpu.memory_space<vmem>>[vector<16xi32>], vector<16xf32>,
        %le3A_1735 = arith.cmpf ole, %gather3A_1734, %gather3A_116 : vector<16xf32>
        %masked_cumsum3A_1736 = tpu.scan <sum>, %broadcast_in_dim3A_3 masked %le3A_1735 : vector<16xi32>, vector<16xi1> -> vector<16xi32>
        %add3A_1737 = arith.addi %min3A_1698, %masked_cumsum3A_1736 : vector<16xi32>
        tpu.vector_store_idx %arg15[%add3A_1737], %add3A_1733 masked %le3A_1735 : memref<80xi32, #tpu.memory_space<vmem>>[vector<16xi32>], vector<16xi32>, vector<16xi1>
        %all_reduce_population_count3A_1738 = tpu.all_reduce %le3A_1735 {dim = 0 : i64, kind = #tpu.reduction_kind<sum>} : vector<16xi1> -> vector<16xi32>
        %add3A_1739 = arith.addi %min3A_1698, %all_reduce_population_count3A_1738 : vector<16xi32>
        %broadcast_in_dim3A_1740 = arith.constant 63 : i32
        %broadcast_in_dim3A_1741 = vector.broadcast %broadcast_in_dim3A_1740 : i32 to vector<16xi32>
        %min3A_1742 = arith.minsi %add3A_1739, %broadcast_in_dim3A_1741 : vector<16xi32>
        %gather3A_1743 = tpu.vector_load_idx %arg11[%add3A_1733] : memref<3472xf32, #tpu.memory_space<vmem>>[vector<16xi32>], vector<16xf32>,
        %le3A_1744 = arith.cmpf ole, %gather3A_1743, %gather3A_138 : vector<16xf32>
        %masked_cumsum3A_1745 = tpu.scan <sum>, %broadcast_in_dim3A_3 masked %le3A_1744 : vector<16xi32>, vector<16xi1> -> vector<16xi32>
        %add3A_1746 = arith.addi %min3A_1707, %masked_cumsum3A_1745 : vector<16xi32>
        tpu.vector_store_idx %arg16[%add3A_1746], %add3A_1733 masked %le3A_1744 : memref<80xi32, #tpu.memory_space<vmem>>[vector<16xi32>], vector<16xi32>, vector<16xi1>
        %all_reduce_population_count3A_1747 = tpu.all_reduce %le3A_1744 {dim = 0 : i64, kind = #tpu.reduction_kind<sum>} : vector<16xi1> -> vector<16xi32>
        %add3A_1748 = arith.addi %min3A_1707, %all_reduce_population_count3A_1747 : vector<16xi32>
        %broadcast_in_dim3A_1749 = arith.constant 63 : i32
        %broadcast_in_dim3A_1750 = vector.broadcast %broadcast_in_dim3A_1749 : i32 to vector<16xi32>
        %min3A_1751 = arith.minsi %add3A_1748, %broadcast_in_dim3A_1750 : vector<16xi32>
        %gather3A_1752 = tpu.vector_load_idx %arg12[%add3A_1733] : memref<3472xf32, #tpu.memory_space<vmem>>[vector<16xi32>], vector<16xf32>,
        %le3A_1753 = arith.cmpf ole, %gather3A_1752, %gather3A_160 : vector<16xf32>
        %masked_cumsum3A_1754 = tpu.scan <sum>, %broadcast_in_dim3A_3 masked %le3A_1753 : vector<16xi32>, vector<16xi1> -> vector<16xi32>
        %add3A_1755 = arith.addi %min3A_1716, %masked_cumsum3A_1754 : vector<16xi32>
        tpu.vector_store_idx %arg17[%add3A_1755], %add3A_1733 masked %le3A_1753 : memref<80xi32, #tpu.memory_space<vmem>>[vector<16xi32>], vector<16xi32>, vector<16xi1>
        %all_reduce_population_count3A_1756 = tpu.all_reduce %le3A_1753 {dim = 0 : i64, kind = #tpu.reduction_kind<sum>} : vector<16xi1> -> vector<16xi32>
        %add3A_1757 = arith.addi %min3A_1716, %all_reduce_population_count3A_1756 : vector<16xi32>
        %broadcast_in_dim3A_1758 = arith.constant 63 : i32
        %broadcast_in_dim3A_1759 = vector.broadcast %broadcast_in_dim3A_1758 : i32 to vector<16xi32>
        %min3A_1760 = arith.minsi %add3A_1757, %broadcast_in_dim3A_1759 : vector<16xi32>
        %gather3A_1761 = tpu.vector_load_idx %arg13[%add3A_1733] : memref<3472xf32, #tpu.memory_space<vmem>>[vector<16xi32>], vector<16xf32>,
        %le3A_1762 = arith.cmpf ole, %gather3A_1761, %gather3A_182 : vector<16xf32>
        %masked_cumsum3A_1763 = tpu.scan <sum>, %broadcast_in_dim3A_3 masked %le3A_1762 : vector<16xi32>, vector<16xi1> -> vector<16xi32>
        %add3A_1764 = arith.addi %min3A_1725, %masked_cumsum3A_1763 : vector<16xi32>
        tpu.vector_store_idx %arg18[%add3A_1764], %add3A_1733 masked %le3A_1762 : memref<80xi32, #tpu.memory_space<vmem>>[vector<16xi32>], vector<16xi32>, vector<16xi1>
        %all_reduce_population_count3A_1765 = tpu.all_reduce %le3A_1762 {dim = 0 : i64, kind = #tpu.reduction_kind<sum>} : vector<16xi1> -> vector<16xi32>
        %add3A_1766 = arith.addi %min3A_1725, %all_reduce_population_count3A_1765 : vector<16xi32>
        %broadcast_in_dim3A_1767 = arith.constant 63 : i32
        %broadcast_in_dim3A_1768 = vector.broadcast %broadcast_in_dim3A_1767 : i32 to vector<16xi32>
        %min3A_1769 = arith.minsi %add3A_1766, %broadcast_in_dim3A_1768 : vector<16xi32>
        %broadcast_in_dim3A_1770 = arith.constant 8 : i32
        %broadcast_in_dim3A_1771 = vector.broadcast %broadcast_in_dim3A_1770 : i32 to vector<16x1xi32>
        %gather3A_1772 = vector.shape_cast %broadcast_in_dim3A_1771 : vector<16x1xi32> to vector<16xi32>
        %gather3A_1773 = tpu.dynamic_gather %get3A_1420[%gather3A_1772] in [0] : vector<16xi32>, vector<16xi32> -> vector<16xi32>
        %mul3A_1774 = arith.constant 16 : i32
        %mul3A_1775 = vector.broadcast %mul3A_1774 : i32 to vector<16xi32>
        %mul3A_1776 = arith.muli %gather3A_1773, %mul3A_1775 : vector<16xi32>
        %add3A_1777 = arith.addi %mul3A_1776, %iota3A : vector<16xi32>
        %gather3A_1778 = tpu.vector_load_idx %arg10[%add3A_1777] : memref<3472xf32, #tpu.memory_space<vmem>>[vector<16xi32>], vector<16xf32>,
        %le3A_1779 = arith.cmpf ole, %gather3A_1778, %gather3A_116 : vector<16xf32>
        %masked_cumsum3A_1780 = tpu.scan <sum>, %broadcast_in_dim3A_3 masked %le3A_1779 : vector<16xi32>, vector<16xi1> -> vector<16xi32>
        %add3A_1781 = arith.addi %min3A_1742, %masked_cumsum3A_1780 : vector<16xi32>
        tpu.vector_store_idx %arg15[%add3A_1781], %add3A_1777 masked %le3A_1779 : memref<80xi32, #tpu.memory_space<vmem>>[vector<16xi32>], vector<16xi32>, vector<16xi1>
        %all_reduce_population_count3A_1782 = tpu.all_reduce %le3A_1779 {dim = 0 : i64, kind = #tpu.reduction_kind<sum>} : vector<16xi1> -> vector<16xi32>
        %add3A_1783 = arith.addi %min3A_1742, %all_reduce_population_count3A_1782 : vector<16xi32>
        %broadcast_in_dim3A_1784 = arith.constant 63 : i32
        %broadcast_in_dim3A_1785 = vector.broadcast %broadcast_in_dim3A_1784 : i32 to vector<16xi32>
        %min3A_1786 = arith.minsi %add3A_1783, %broadcast_in_dim3A_1785 : vector<16xi32>
        %gather3A_1787 = tpu.vector_load_idx %arg11[%add3A_1777] : memref<3472xf32, #tpu.memory_space<vmem>>[vector<16xi32>], vector<16xf32>,
        %le3A_1788 = arith.cmpf ole, %gather3A_1787, %gather3A_138 : vector<16xf32>
        %masked_cumsum3A_1789 = tpu.scan <sum>, %broadcast_in_dim3A_3 masked %le3A_1788 : vector<16xi32>, vector<16xi1> -> vector<16xi32>
        %add3A_1790 = arith.addi %min3A_1751, %masked_cumsum3A_1789 : vector<16xi32>
        tpu.vector_store_idx %arg16[%add3A_1790], %add3A_1777 masked %le3A_1788 : memref<80xi32, #tpu.memory_space<vmem>>[vector<16xi32>], vector<16xi32>, vector<16xi1>
        %all_reduce_population_count3A_1791 = tpu.all_reduce %le3A_1788 {dim = 0 : i64, kind = #tpu.reduction_kind<sum>} : vector<16xi1> -> vector<16xi32>
        %add3A_1792 = arith.addi %min3A_1751, %all_reduce_population_count3A_1791 : vector<16xi32>
        %broadcast_in_dim3A_1793 = arith.constant 63 : i32
        %broadcast_in_dim3A_1794 = vector.broadcast %broadcast_in_dim3A_1793 : i32 to vector<16xi32>
        %min3A_1795 = arith.minsi %add3A_1792, %broadcast_in_dim3A_1794 : vector<16xi32>
        %gather3A_1796 = tpu.vector_load_idx %arg12[%add3A_1777] : memref<3472xf32, #tpu.memory_space<vmem>>[vector<16xi32>], vector<16xf32>,
        %le3A_1797 = arith.cmpf ole, %gather3A_1796, %gather3A_160 : vector<16xf32>
        %masked_cumsum3A_1798 = tpu.scan <sum>, %broadcast_in_dim3A_3 masked %le3A_1797 : vector<16xi32>, vector<16xi1> -> vector<16xi32>
        %add3A_1799 = arith.addi %min3A_1760, %masked_cumsum3A_1798 : vector<16xi32>
        tpu.vector_store_idx %arg17[%add3A_1799], %add3A_1777 masked %le3A_1797 : memref<80xi32, #tpu.memory_space<vmem>>[vector<16xi32>], vector<16xi32>, vector<16xi1>
        %all_reduce_population_count3A_1800 = tpu.all_reduce %le3A_1797 {dim = 0 : i64, kind = #tpu.reduction_kind<sum>} : vector<16xi1> -> vector<16xi32>
        %add3A_1801 = arith.addi %min3A_1760, %all_reduce_population_count3A_1800 : vector<16xi32>
        %broadcast_in_dim3A_1802 = arith.constant 63 : i32
        %broadcast_in_dim3A_1803 = vector.broadcast %broadcast_in_dim3A_1802 : i32 to vector<16xi32>
        %min3A_1804 = arith.minsi %add3A_1801, %broadcast_in_dim3A_1803 : vector<16xi32>
        %gather3A_1805 = tpu.vector_load_idx %arg13[%add3A_1777] : memref<3472xf32, #tpu.memory_space<vmem>>[vector<16xi32>], vector<16xf32>,
        %le3A_1806 = arith.cmpf ole, %gather3A_1805, %gather3A_182 : vector<16xf32>
        %masked_cumsum3A_1807 = tpu.scan <sum>, %broadcast_in_dim3A_3 masked %le3A_1806 : vector<16xi32>, vector<16xi1> -> vector<16xi32>
        %add3A_1808 = arith.addi %min3A_1769, %masked_cumsum3A_1807 : vector<16xi32>
        tpu.vector_store_idx %arg18[%add3A_1808], %add3A_1777 masked %le3A_1806 : memref<80xi32, #tpu.memory_space<vmem>>[vector<16xi32>], vector<16xi32>, vector<16xi1>
        %all_reduce_population_count3A_1809 = tpu.all_reduce %le3A_1806 {dim = 0 : i64, kind = #tpu.reduction_kind<sum>} : vector<16xi1> -> vector<16xi32>
        %add3A_1810 = arith.addi %min3A_1769, %all_reduce_population_count3A_1809 : vector<16xi32>
        %broadcast_in_dim3A_1811 = arith.constant 63 : i32
        %broadcast_in_dim3A_1812 = vector.broadcast %broadcast_in_dim3A_1811 : i32 to vector<16xi32>
        %min3A_1813 = arith.minsi %add3A_1810, %broadcast_in_dim3A_1812 : vector<16xi32>
        %broadcast_in_dim3A_1814 = arith.constant 9 : i32
        %broadcast_in_dim3A_1815 = vector.broadcast %broadcast_in_dim3A_1814 : i32 to vector<16x1xi32>
        %gather3A_1816 = vector.shape_cast %broadcast_in_dim3A_1815 : vector<16x1xi32> to vector<16xi32>
        %gather3A_1817 = tpu.dynamic_gather %get3A_1420[%gather3A_1816] in [0] : vector<16xi32>, vector<16xi32> -> vector<16xi32>
        %mul3A_1818 = arith.constant 16 : i32
        %mul3A_1819 = vector.broadcast %mul3A_1818 : i32 to vector<16xi32>
        %mul3A_1820 = arith.muli %gather3A_1817, %mul3A_1819 : vector<16xi32>
        %add3A_1821 = arith.addi %mul3A_1820, %iota3A : vector<16xi32>
        %gather3A_1822 = tpu.vector_load_idx %arg10[%add3A_1821] : memref<3472xf32, #tpu.memory_space<vmem>>[vector<16xi32>], vector<16xf32>,
        %le3A_1823 = arith.cmpf ole, %gather3A_1822, %gather3A_116 : vector<16xf32>
        %masked_cumsum3A_1824 = tpu.scan <sum>, %broadcast_in_dim3A_3 masked %le3A_1823 : vector<16xi32>, vector<16xi1> -> vector<16xi32>
        %add3A_1825 = arith.addi %min3A_1786, %masked_cumsum3A_1824 : vector<16xi32>
        tpu.vector_store_idx %arg15[%add3A_1825], %add3A_1821 masked %le3A_1823 : memref<80xi32, #tpu.memory_space<vmem>>[vector<16xi32>], vector<16xi32>, vector<16xi1>
        %all_reduce_population_count3A_1826 = tpu.all_reduce %le3A_1823 {dim = 0 : i64, kind = #tpu.reduction_kind<sum>} : vector<16xi1> -> vector<16xi32>
        %add3A_1827 = arith.addi %min3A_1786, %all_reduce_population_count3A_1826 : vector<16xi32>
        %broadcast_in_dim3A_1828 = arith.constant 63 : i32
        %broadcast_in_dim3A_1829 = vector.broadcast %broadcast_in_dim3A_1828 : i32 to vector<16xi32>
        %min3A_1830 = arith.minsi %add3A_1827, %broadcast_in_dim3A_1829 : vector<16xi32>
        %gather3A_1831 = tpu.vector_load_idx %arg11[%add3A_1821] : memref<3472xf32, #tpu.memory_space<vmem>>[vector<16xi32>], vector<16xf32>,
        %le3A_1832 = arith.cmpf ole, %gather3A_1831, %gather3A_138 : vector<16xf32>
        %masked_cumsum3A_1833 = tpu.scan <sum>, %broadcast_in_dim3A_3 masked %le3A_1832 : vector<16xi32>, vector<16xi1> -> vector<16xi32>
        %add3A_1834 = arith.addi %min3A_1795, %masked_cumsum3A_1833 : vector<16xi32>
        tpu.vector_store_idx %arg16[%add3A_1834], %add3A_1821 masked %le3A_1832 : memref<80xi32, #tpu.memory_space<vmem>>[vector<16xi32>], vector<16xi32>, vector<16xi1>
        %all_reduce_population_count3A_1835 = tpu.all_reduce %le3A_1832 {dim = 0 : i64, kind = #tpu.reduction_kind<sum>} : vector<16xi1> -> vector<16xi32>
        %add3A_1836 = arith.addi %min3A_1795, %all_reduce_population_count3A_1835 : vector<16xi32>
        %broadcast_in_dim3A_1837 = arith.constant 63 : i32
        %broadcast_in_dim3A_1838 = vector.broadcast %broadcast_in_dim3A_1837 : i32 to vector<16xi32>
        %min3A_1839 = arith.minsi %add3A_1836, %broadcast_in_dim3A_1838 : vector<16xi32>
        %gather3A_1840 = tpu.vector_load_idx %arg12[%add3A_1821] : memref<3472xf32, #tpu.memory_space<vmem>>[vector<16xi32>], vector<16xf32>,
        %le3A_1841 = arith.cmpf ole, %gather3A_1840, %gather3A_160 : vector<16xf32>
        %masked_cumsum3A_1842 = tpu.scan <sum>, %broadcast_in_dim3A_3 masked %le3A_1841 : vector<16xi32>, vector<16xi1> -> vector<16xi32>
        %add3A_1843 = arith.addi %min3A_1804, %masked_cumsum3A_1842 : vector<16xi32>
        tpu.vector_store_idx %arg17[%add3A_1843], %add3A_1821 masked %le3A_1841 : memref<80xi32, #tpu.memory_space<vmem>>[vector<16xi32>], vector<16xi32>, vector<16xi1>
        %all_reduce_population_count3A_1844 = tpu.all_reduce %le3A_1841 {dim = 0 : i64, kind = #tpu.reduction_kind<sum>} : vector<16xi1> -> vector<16xi32>
        %add3A_1845 = arith.addi %min3A_1804, %all_reduce_population_count3A_1844 : vector<16xi32>
        %broadcast_in_dim3A_1846 = arith.constant 63 : i32
        %broadcast_in_dim3A_1847 = vector.broadcast %broadcast_in_dim3A_1846 : i32 to vector<16xi32>
        %min3A_1848 = arith.minsi %add3A_1845, %broadcast_in_dim3A_1847 : vector<16xi32>
        %gather3A_1849 = tpu.vector_load_idx %arg13[%add3A_1821] : memref<3472xf32, #tpu.memory_space<vmem>>[vector<16xi32>], vector<16xf32>,
        %le3A_1850 = arith.cmpf ole, %gather3A_1849, %gather3A_182 : vector<16xf32>
        %masked_cumsum3A_1851 = tpu.scan <sum>, %broadcast_in_dim3A_3 masked %le3A_1850 : vector<16xi32>, vector<16xi1> -> vector<16xi32>
        %add3A_1852 = arith.addi %min3A_1813, %masked_cumsum3A_1851 : vector<16xi32>
        tpu.vector_store_idx %arg18[%add3A_1852], %add3A_1821 masked %le3A_1850 : memref<80xi32, #tpu.memory_space<vmem>>[vector<16xi32>], vector<16xi32>, vector<16xi1>
        %all_reduce_population_count3A_1853 = tpu.all_reduce %le3A_1850 {dim = 0 : i64, kind = #tpu.reduction_kind<sum>} : vector<16xi1> -> vector<16xi32>
        %add3A_1854 = arith.addi %min3A_1813, %all_reduce_population_count3A_1853 : vector<16xi32>
        %broadcast_in_dim3A_1855 = arith.constant 63 : i32
        %broadcast_in_dim3A_1856 = vector.broadcast %broadcast_in_dim3A_1855 : i32 to vector<16xi32>
        %min3A_1857 = arith.minsi %add3A_1854, %broadcast_in_dim3A_1856 : vector<16xi32>
        %broadcast_in_dim3A_1858 = arith.constant 10 : i32
        %broadcast_in_dim3A_1859 = vector.broadcast %broadcast_in_dim3A_1858 : i32 to vector<16x1xi32>
        %gather3A_1860 = vector.shape_cast %broadcast_in_dim3A_1859 : vector<16x1xi32> to vector<16xi32>
        %gather3A_1861 = tpu.dynamic_gather %get3A_1420[%gather3A_1860] in [0] : vector<16xi32>, vector<16xi32> -> vector<16xi32>
        %mul3A_1862 = arith.constant 16 : i32
        %mul3A_1863 = vector.broadcast %mul3A_1862 : i32 to vector<16xi32>
        %mul3A_1864 = arith.muli %gather3A_1861, %mul3A_1863 : vector<16xi32>
        %add3A_1865 = arith.addi %mul3A_1864, %iota3A : vector<16xi32>
        %gather3A_1866 = tpu.vector_load_idx %arg10[%add3A_1865] : memref<3472xf32, #tpu.memory_space<vmem>>[vector<16xi32>], vector<16xf32>,
        %le3A_1867 = arith.cmpf ole, %gather3A_1866, %gather3A_116 : vector<16xf32>
        %masked_cumsum3A_1868 = tpu.scan <sum>, %broadcast_in_dim3A_3 masked %le3A_1867 : vector<16xi32>, vector<16xi1> -> vector<16xi32>
        %add3A_1869 = arith.addi %min3A_1830, %masked_cumsum3A_1868 : vector<16xi32>
        tpu.vector_store_idx %arg15[%add3A_1869], %add3A_1865 masked %le3A_1867 : memref<80xi32, #tpu.memory_space<vmem>>[vector<16xi32>], vector<16xi32>, vector<16xi1>
        %all_reduce_population_count3A_1870 = tpu.all_reduce %le3A_1867 {dim = 0 : i64, kind = #tpu.reduction_kind<sum>} : vector<16xi1> -> vector<16xi32>
        %add3A_1871 = arith.addi %min3A_1830, %all_reduce_population_count3A_1870 : vector<16xi32>
        %broadcast_in_dim3A_1872 = arith.constant 63 : i32
        %broadcast_in_dim3A_1873 = vector.broadcast %broadcast_in_dim3A_1872 : i32 to vector<16xi32>
        %min3A_1874 = arith.minsi %add3A_1871, %broadcast_in_dim3A_1873 : vector<16xi32>
        %gather3A_1875 = tpu.vector_load_idx %arg11[%add3A_1865] : memref<3472xf32, #tpu.memory_space<vmem>>[vector<16xi32>], vector<16xf32>,
        %le3A_1876 = arith.cmpf ole, %gather3A_1875, %gather3A_138 : vector<16xf32>
        %masked_cumsum3A_1877 = tpu.scan <sum>, %broadcast_in_dim3A_3 masked %le3A_1876 : vector<16xi32>, vector<16xi1> -> vector<16xi32>
        %add3A_1878 = arith.addi %min3A_1839, %masked_cumsum3A_1877 : vector<16xi32>
        tpu.vector_store_idx %arg16[%add3A_1878], %add3A_1865 masked %le3A_1876 : memref<80xi32, #tpu.memory_space<vmem>>[vector<16xi32>], vector<16xi32>, vector<16xi1>
        %all_reduce_population_count3A_1879 = tpu.all_reduce %le3A_1876 {dim = 0 : i64, kind = #tpu.reduction_kind<sum>} : vector<16xi1> -> vector<16xi32>
        %add3A_1880 = arith.addi %min3A_1839, %all_reduce_population_count3A_1879 : vector<16xi32>
        %broadcast_in_dim3A_1881 = arith.constant 63 : i32
        %broadcast_in_dim3A_1882 = vector.broadcast %broadcast_in_dim3A_1881 : i32 to vector<16xi32>
        %min3A_1883 = arith.minsi %add3A_1880, %broadcast_in_dim3A_1882 : vector<16xi32>
        %gather3A_1884 = tpu.vector_load_idx %arg12[%add3A_1865] : memref<3472xf32, #tpu.memory_space<vmem>>[vector<16xi32>], vector<16xf32>,
        %le3A_1885 = arith.cmpf ole, %gather3A_1884, %gather3A_160 : vector<16xf32>
        %masked_cumsum3A_1886 = tpu.scan <sum>, %broadcast_in_dim3A_3 masked %le3A_1885 : vector<16xi32>, vector<16xi1> -> vector<16xi32>
        %add3A_1887 = arith.addi %min3A_1848, %masked_cumsum3A_1886 : vector<16xi32>
        tpu.vector_store_idx %arg17[%add3A_1887], %add3A_1865 masked %le3A_1885 : memref<80xi32, #tpu.memory_space<vmem>>[vector<16xi32>], vector<16xi32>, vector<16xi1>
        %all_reduce_population_count3A_1888 = tpu.all_reduce %le3A_1885 {dim = 0 : i64, kind = #tpu.reduction_kind<sum>} : vector<16xi1> -> vector<16xi32>
        %add3A_1889 = arith.addi %min3A_1848, %all_reduce_population_count3A_1888 : vector<16xi32>
        %broadcast_in_dim3A_1890 = arith.constant 63 : i32
        %broadcast_in_dim3A_1891 = vector.broadcast %broadcast_in_dim3A_1890 : i32 to vector<16xi32>
        %min3A_1892 = arith.minsi %add3A_1889, %broadcast_in_dim3A_1891 : vector<16xi32>
        %gather3A_1893 = tpu.vector_load_idx %arg13[%add3A_1865] : memref<3472xf32, #tpu.memory_space<vmem>>[vector<16xi32>], vector<16xf32>,
        %le3A_1894 = arith.cmpf ole, %gather3A_1893, %gather3A_182 : vector<16xf32>
        %masked_cumsum3A_1895 = tpu.scan <sum>, %broadcast_in_dim3A_3 masked %le3A_1894 : vector<16xi32>, vector<16xi1> -> vector<16xi32>
        %add3A_1896 = arith.addi %min3A_1857, %masked_cumsum3A_1895 : vector<16xi32>
        tpu.vector_store_idx %arg18[%add3A_1896], %add3A_1865 masked %le3A_1894 : memref<80xi32, #tpu.memory_space<vmem>>[vector<16xi32>], vector<16xi32>, vector<16xi1>
        %all_reduce_population_count3A_1897 = tpu.all_reduce %le3A_1894 {dim = 0 : i64, kind = #tpu.reduction_kind<sum>} : vector<16xi1> -> vector<16xi32>
        %add3A_1898 = arith.addi %min3A_1857, %all_reduce_population_count3A_1897 : vector<16xi32>
        %broadcast_in_dim3A_1899 = arith.constant 63 : i32
        %broadcast_in_dim3A_1900 = vector.broadcast %broadcast_in_dim3A_1899 : i32 to vector<16xi32>
        %min3A_1901 = arith.minsi %add3A_1898, %broadcast_in_dim3A_1900 : vector<16xi32>
        %broadcast_in_dim3A_1902 = arith.constant 11 : i32
        %broadcast_in_dim3A_1903 = vector.broadcast %broadcast_in_dim3A_1902 : i32 to vector<16x1xi32>
        %gather3A_1904 = vector.shape_cast %broadcast_in_dim3A_1903 : vector<16x1xi32> to vector<16xi32>
        %gather3A_1905 = tpu.dynamic_gather %get3A_1420[%gather3A_1904] in [0] : vector<16xi32>, vector<16xi32> -> vector<16xi32>
        %mul3A_1906 = arith.constant 16 : i32
        %mul3A_1907 = vector.broadcast %mul3A_1906 : i32 to vector<16xi32>
        %mul3A_1908 = arith.muli %gather3A_1905, %mul3A_1907 : vector<16xi32>
        %add3A_1909 = arith.addi %mul3A_1908, %iota3A : vector<16xi32>
        %gather3A_1910 = tpu.vector_load_idx %arg10[%add3A_1909] : memref<3472xf32, #tpu.memory_space<vmem>>[vector<16xi32>], vector<16xf32>,
        %le3A_1911 = arith.cmpf ole, %gather3A_1910, %gather3A_116 : vector<16xf32>
        %masked_cumsum3A_1912 = tpu.scan <sum>, %broadcast_in_dim3A_3 masked %le3A_1911 : vector<16xi32>, vector<16xi1> -> vector<16xi32>
        %add3A_1913 = arith.addi %min3A_1874, %masked_cumsum3A_1912 : vector<16xi32>
        tpu.vector_store_idx %arg15[%add3A_1913], %add3A_1909 masked %le3A_1911 : memref<80xi32, #tpu.memory_space<vmem>>[vector<16xi32>], vector<16xi32>, vector<16xi1>
        %all_reduce_population_count3A_1914 = tpu.all_reduce %le3A_1911 {dim = 0 : i64, kind = #tpu.reduction_kind<sum>} : vector<16xi1> -> vector<16xi32>
        %add3A_1915 = arith.addi %min3A_1874, %all_reduce_population_count3A_1914 : vector<16xi32>
        %broadcast_in_dim3A_1916 = arith.constant 63 : i32
        %broadcast_in_dim3A_1917 = vector.broadcast %broadcast_in_dim3A_1916 : i32 to vector<16xi32>
        %min3A_1918 = arith.minsi %add3A_1915, %broadcast_in_dim3A_1917 : vector<16xi32>
        %gather3A_1919 = tpu.vector_load_idx %arg11[%add3A_1909] : memref<3472xf32, #tpu.memory_space<vmem>>[vector<16xi32>], vector<16xf32>,
        %le3A_1920 = arith.cmpf ole, %gather3A_1919, %gather3A_138 : vector<16xf32>
        %masked_cumsum3A_1921 = tpu.scan <sum>, %broadcast_in_dim3A_3 masked %le3A_1920 : vector<16xi32>, vector<16xi1> -> vector<16xi32>
        %add3A_1922 = arith.addi %min3A_1883, %masked_cumsum3A_1921 : vector<16xi32>
        tpu.vector_store_idx %arg16[%add3A_1922], %add3A_1909 masked %le3A_1920 : memref<80xi32, #tpu.memory_space<vmem>>[vector<16xi32>], vector<16xi32>, vector<16xi1>
        %all_reduce_population_count3A_1923 = tpu.all_reduce %le3A_1920 {dim = 0 : i64, kind = #tpu.reduction_kind<sum>} : vector<16xi1> -> vector<16xi32>
        %add3A_1924 = arith.addi %min3A_1883, %all_reduce_population_count3A_1923 : vector<16xi32>
        %broadcast_in_dim3A_1925 = arith.constant 63 : i32
        %broadcast_in_dim3A_1926 = vector.broadcast %broadcast_in_dim3A_1925 : i32 to vector<16xi32>
        %min3A_1927 = arith.minsi %add3A_1924, %broadcast_in_dim3A_1926 : vector<16xi32>
        %gather3A_1928 = tpu.vector_load_idx %arg12[%add3A_1909] : memref<3472xf32, #tpu.memory_space<vmem>>[vector<16xi32>], vector<16xf32>,
        %le3A_1929 = arith.cmpf ole, %gather3A_1928, %gather3A_160 : vector<16xf32>
        %masked_cumsum3A_1930 = tpu.scan <sum>, %broadcast_in_dim3A_3 masked %le3A_1929 : vector<16xi32>, vector<16xi1> -> vector<16xi32>
        %add3A_1931 = arith.addi %min3A_1892, %masked_cumsum3A_1930 : vector<16xi32>
        tpu.vector_store_idx %arg17[%add3A_1931], %add3A_1909 masked %le3A_1929 : memref<80xi32, #tpu.memory_space<vmem>>[vector<16xi32>], vector<16xi32>, vector<16xi1>
        %all_reduce_population_count3A_1932 = tpu.all_reduce %le3A_1929 {dim = 0 : i64, kind = #tpu.reduction_kind<sum>} : vector<16xi1> -> vector<16xi32>
        %add3A_1933 = arith.addi %min3A_1892, %all_reduce_population_count3A_1932 : vector<16xi32>
        %broadcast_in_dim3A_1934 = arith.constant 63 : i32
        %broadcast_in_dim3A_1935 = vector.broadcast %broadcast_in_dim3A_1934 : i32 to vector<16xi32>
        %min3A_1936 = arith.minsi %add3A_1933, %broadcast_in_dim3A_1935 : vector<16xi32>
        %gather3A_1937 = tpu.vector_load_idx %arg13[%add3A_1909] : memref<3472xf32, #tpu.memory_space<vmem>>[vector<16xi32>], vector<16xf32>,
        %le3A_1938 = arith.cmpf ole, %gather3A_1937, %gather3A_182 : vector<16xf32>
        %masked_cumsum3A_1939 = tpu.scan <sum>, %broadcast_in_dim3A_3 masked %le3A_1938 : vector<16xi32>, vector<16xi1> -> vector<16xi32>
        %add3A_1940 = arith.addi %min3A_1901, %masked_cumsum3A_1939 : vector<16xi32>
        tpu.vector_store_idx %arg18[%add3A_1940], %add3A_1909 masked %le3A_1938 : memref<80xi32, #tpu.memory_space<vmem>>[vector<16xi32>], vector<16xi32>, vector<16xi1>
        %all_reduce_population_count3A_1941 = tpu.all_reduce %le3A_1938 {dim = 0 : i64, kind = #tpu.reduction_kind<sum>} : vector<16xi1> -> vector<16xi32>
        %add3A_1942 = arith.addi %min3A_1901, %all_reduce_population_count3A_1941 : vector<16xi32>
        %broadcast_in_dim3A_1943 = arith.constant 63 : i32
        %broadcast_in_dim3A_1944 = vector.broadcast %broadcast_in_dim3A_1943 : i32 to vector<16xi32>
        %min3A_1945 = arith.minsi %add3A_1942, %broadcast_in_dim3A_1944 : vector<16xi32>
        %broadcast_in_dim3A_1946 = arith.constant 12 : i32
        %broadcast_in_dim3A_1947 = vector.broadcast %broadcast_in_dim3A_1946 : i32 to vector<16x1xi32>
        %gather3A_1948 = vector.shape_cast %broadcast_in_dim3A_1947 : vector<16x1xi32> to vector<16xi32>
        %gather3A_1949 = tpu.dynamic_gather %get3A_1420[%gather3A_1948] in [0] : vector<16xi32>, vector<16xi32> -> vector<16xi32>
        %mul3A_1950 = arith.constant 16 : i32
        %mul3A_1951 = vector.broadcast %mul3A_1950 : i32 to vector<16xi32>
        %mul3A_1952 = arith.muli %gather3A_1949, %mul3A_1951 : vector<16xi32>
        %add3A_1953 = arith.addi %mul3A_1952, %iota3A : vector<16xi32>
        %gather3A_1954 = tpu.vector_load_idx %arg10[%add3A_1953] : memref<3472xf32, #tpu.memory_space<vmem>>[vector<16xi32>], vector<16xf32>,
        %le3A_1955 = arith.cmpf ole, %gather3A_1954, %gather3A_116 : vector<16xf32>
        %masked_cumsum3A_1956 = tpu.scan <sum>, %broadcast_in_dim3A_3 masked %le3A_1955 : vector<16xi32>, vector<16xi1> -> vector<16xi32>
        %add3A_1957 = arith.addi %min3A_1918, %masked_cumsum3A_1956 : vector<16xi32>
        tpu.vector_store_idx %arg15[%add3A_1957], %add3A_1953 masked %le3A_1955 : memref<80xi32, #tpu.memory_space<vmem>>[vector<16xi32>], vector<16xi32>, vector<16xi1>
        %all_reduce_population_count3A_1958 = tpu.all_reduce %le3A_1955 {dim = 0 : i64, kind = #tpu.reduction_kind<sum>} : vector<16xi1> -> vector<16xi32>
        %add3A_1959 = arith.addi %min3A_1918, %all_reduce_population_count3A_1958 : vector<16xi32>
        %broadcast_in_dim3A_1960 = arith.constant 63 : i32
        %broadcast_in_dim3A_1961 = vector.broadcast %broadcast_in_dim3A_1960 : i32 to vector<16xi32>
        %min3A_1962 = arith.minsi %add3A_1959, %broadcast_in_dim3A_1961 : vector<16xi32>
        %gather3A_1963 = tpu.vector_load_idx %arg11[%add3A_1953] : memref<3472xf32, #tpu.memory_space<vmem>>[vector<16xi32>], vector<16xf32>,
        %le3A_1964 = arith.cmpf ole, %gather3A_1963, %gather3A_138 : vector<16xf32>
        %masked_cumsum3A_1965 = tpu.scan <sum>, %broadcast_in_dim3A_3 masked %le3A_1964 : vector<16xi32>, vector<16xi1> -> vector<16xi32>
        %add3A_1966 = arith.addi %min3A_1927, %masked_cumsum3A_1965 : vector<16xi32>
        tpu.vector_store_idx %arg16[%add3A_1966], %add3A_1953 masked %le3A_1964 : memref<80xi32, #tpu.memory_space<vmem>>[vector<16xi32>], vector<16xi32>, vector<16xi1>
        %all_reduce_population_count3A_1967 = tpu.all_reduce %le3A_1964 {dim = 0 : i64, kind = #tpu.reduction_kind<sum>} : vector<16xi1> -> vector<16xi32>
        %add3A_1968 = arith.addi %min3A_1927, %all_reduce_population_count3A_1967 : vector<16xi32>
        %broadcast_in_dim3A_1969 = arith.constant 63 : i32
        %broadcast_in_dim3A_1970 = vector.broadcast %broadcast_in_dim3A_1969 : i32 to vector<16xi32>
        %min3A_1971 = arith.minsi %add3A_1968, %broadcast_in_dim3A_1970 : vector<16xi32>
        %gather3A_1972 = tpu.vector_load_idx %arg12[%add3A_1953] : memref<3472xf32, #tpu.memory_space<vmem>>[vector<16xi32>], vector<16xf32>,
        %le3A_1973 = arith.cmpf ole, %gather3A_1972, %gather3A_160 : vector<16xf32>
        %masked_cumsum3A_1974 = tpu.scan <sum>, %broadcast_in_dim3A_3 masked %le3A_1973 : vector<16xi32>, vector<16xi1> -> vector<16xi32>
        %add3A_1975 = arith.addi %min3A_1936, %masked_cumsum3A_1974 : vector<16xi32>
        tpu.vector_store_idx %arg17[%add3A_1975], %add3A_1953 masked %le3A_1973 : memref<80xi32, #tpu.memory_space<vmem>>[vector<16xi32>], vector<16xi32>, vector<16xi1>
        %all_reduce_population_count3A_1976 = tpu.all_reduce %le3A_1973 {dim = 0 : i64, kind = #tpu.reduction_kind<sum>} : vector<16xi1> -> vector<16xi32>
        %add3A_1977 = arith.addi %min3A_1936, %all_reduce_population_count3A_1976 : vector<16xi32>
        %broadcast_in_dim3A_1978 = arith.constant 63 : i32
        %broadcast_in_dim3A_1979 = vector.broadcast %broadcast_in_dim3A_1978 : i32 to vector<16xi32>
        %min3A_1980 = arith.minsi %add3A_1977, %broadcast_in_dim3A_1979 : vector<16xi32>
        %gather3A_1981 = tpu.vector_load_idx %arg13[%add3A_1953] : memref<3472xf32, #tpu.memory_space<vmem>>[vector<16xi32>], vector<16xf32>,
        %le3A_1982 = arith.cmpf ole, %gather3A_1981, %gather3A_182 : vector<16xf32>
        %masked_cumsum3A_1983 = tpu.scan <sum>, %broadcast_in_dim3A_3 masked %le3A_1982 : vector<16xi32>, vector<16xi1> -> vector<16xi32>
        %add3A_1984 = arith.addi %min3A_1945, %masked_cumsum3A_1983 : vector<16xi32>
        tpu.vector_store_idx %arg18[%add3A_1984], %add3A_1953 masked %le3A_1982 : memref<80xi32, #tpu.memory_space<vmem>>[vector<16xi32>], vector<16xi32>, vector<16xi1>
        %all_reduce_population_count3A_1985 = tpu.all_reduce %le3A_1982 {dim = 0 : i64, kind = #tpu.reduction_kind<sum>} : vector<16xi1> -> vector<16xi32>
        %add3A_1986 = arith.addi %min3A_1945, %all_reduce_population_count3A_1985 : vector<16xi32>
        %broadcast_in_dim3A_1987 = arith.constant 63 : i32
        %broadcast_in_dim3A_1988 = vector.broadcast %broadcast_in_dim3A_1987 : i32 to vector<16xi32>
        %min3A_1989 = arith.minsi %add3A_1986, %broadcast_in_dim3A_1988 : vector<16xi32>
        %broadcast_in_dim3A_1990 = arith.constant 13 : i32
        %broadcast_in_dim3A_1991 = vector.broadcast %broadcast_in_dim3A_1990 : i32 to vector<16x1xi32>
        %gather3A_1992 = vector.shape_cast %broadcast_in_dim3A_1991 : vector<16x1xi32> to vector<16xi32>
        %gather3A_1993 = tpu.dynamic_gather %get3A_1420[%gather3A_1992] in [0] : vector<16xi32>, vector<16xi32> -> vector<16xi32>
        %mul3A_1994 = arith.constant 16 : i32
        %mul3A_1995 = vector.broadcast %mul3A_1994 : i32 to vector<16xi32>
        %mul3A_1996 = arith.muli %gather3A_1993, %mul3A_1995 : vector<16xi32>
        %add3A_1997 = arith.addi %mul3A_1996, %iota3A : vector<16xi32>
        %gather3A_1998 = tpu.vector_load_idx %arg10[%add3A_1997] : memref<3472xf32, #tpu.memory_space<vmem>>[vector<16xi32>], vector<16xf32>,
        %le3A_1999 = arith.cmpf ole, %gather3A_1998, %gather3A_116 : vector<16xf32>
        %masked_cumsum3A_2000 = tpu.scan <sum>, %broadcast_in_dim3A_3 masked %le3A_1999 : vector<16xi32>, vector<16xi1> -> vector<16xi32>
        %add3A_2001 = arith.addi %min3A_1962, %masked_cumsum3A_2000 : vector<16xi32>
        tpu.vector_store_idx %arg15[%add3A_2001], %add3A_1997 masked %le3A_1999 : memref<80xi32, #tpu.memory_space<vmem>>[vector<16xi32>], vector<16xi32>, vector<16xi1>
        %all_reduce_population_count3A_2002 = tpu.all_reduce %le3A_1999 {dim = 0 : i64, kind = #tpu.reduction_kind<sum>} : vector<16xi1> -> vector<16xi32>
        %add3A_2003 = arith.addi %min3A_1962, %all_reduce_population_count3A_2002 : vector<16xi32>
        %broadcast_in_dim3A_2004 = arith.constant 63 : i32
        %broadcast_in_dim3A_2005 = vector.broadcast %broadcast_in_dim3A_2004 : i32 to vector<16xi32>
        %min3A_2006 = arith.minsi %add3A_2003, %broadcast_in_dim3A_2005 : vector<16xi32>
        %gather3A_2007 = tpu.vector_load_idx %arg11[%add3A_1997] : memref<3472xf32, #tpu.memory_space<vmem>>[vector<16xi32>], vector<16xf32>,
        %le3A_2008 = arith.cmpf ole, %gather3A_2007, %gather3A_138 : vector<16xf32>
        %masked_cumsum3A_2009 = tpu.scan <sum>, %broadcast_in_dim3A_3 masked %le3A_2008 : vector<16xi32>, vector<16xi1> -> vector<16xi32>
        %add3A_2010 = arith.addi %min3A_1971, %masked_cumsum3A_2009 : vector<16xi32>
        tpu.vector_store_idx %arg16[%add3A_2010], %add3A_1997 masked %le3A_2008 : memref<80xi32, #tpu.memory_space<vmem>>[vector<16xi32>], vector<16xi32>, vector<16xi1>
        %all_reduce_population_count3A_2011 = tpu.all_reduce %le3A_2008 {dim = 0 : i64, kind = #tpu.reduction_kind<sum>} : vector<16xi1> -> vector<16xi32>
        %add3A_2012 = arith.addi %min3A_1971, %all_reduce_population_count3A_2011 : vector<16xi32>
        %broadcast_in_dim3A_2013 = arith.constant 63 : i32
        %broadcast_in_dim3A_2014 = vector.broadcast %broadcast_in_dim3A_2013 : i32 to vector<16xi32>
        %min3A_2015 = arith.minsi %add3A_2012, %broadcast_in_dim3A_2014 : vector<16xi32>
        %gather3A_2016 = tpu.vector_load_idx %arg12[%add3A_1997] : memref<3472xf32, #tpu.memory_space<vmem>>[vector<16xi32>], vector<16xf32>,
        %le3A_2017 = arith.cmpf ole, %gather3A_2016, %gather3A_160 : vector<16xf32>
        %masked_cumsum3A_2018 = tpu.scan <sum>, %broadcast_in_dim3A_3 masked %le3A_2017 : vector<16xi32>, vector<16xi1> -> vector<16xi32>
        %add3A_2019 = arith.addi %min3A_1980, %masked_cumsum3A_2018 : vector<16xi32>
        tpu.vector_store_idx %arg17[%add3A_2019], %add3A_1997 masked %le3A_2017 : memref<80xi32, #tpu.memory_space<vmem>>[vector<16xi32>], vector<16xi32>, vector<16xi1>
        %all_reduce_population_count3A_2020 = tpu.all_reduce %le3A_2017 {dim = 0 : i64, kind = #tpu.reduction_kind<sum>} : vector<16xi1> -> vector<16xi32>
        %add3A_2021 = arith.addi %min3A_1980, %all_reduce_population_count3A_2020 : vector<16xi32>
        %broadcast_in_dim3A_2022 = arith.constant 63 : i32
        %broadcast_in_dim3A_2023 = vector.broadcast %broadcast_in_dim3A_2022 : i32 to vector<16xi32>
        %min3A_2024 = arith.minsi %add3A_2021, %broadcast_in_dim3A_2023 : vector<16xi32>
        %gather3A_2025 = tpu.vector_load_idx %arg13[%add3A_1997] : memref<3472xf32, #tpu.memory_space<vmem>>[vector<16xi32>], vector<16xf32>,
        %le3A_2026 = arith.cmpf ole, %gather3A_2025, %gather3A_182 : vector<16xf32>
        %masked_cumsum3A_2027 = tpu.scan <sum>, %broadcast_in_dim3A_3 masked %le3A_2026 : vector<16xi32>, vector<16xi1> -> vector<16xi32>
        %add3A_2028 = arith.addi %min3A_1989, %masked_cumsum3A_2027 : vector<16xi32>
        tpu.vector_store_idx %arg18[%add3A_2028], %add3A_1997 masked %le3A_2026 : memref<80xi32, #tpu.memory_space<vmem>>[vector<16xi32>], vector<16xi32>, vector<16xi1>
        %all_reduce_population_count3A_2029 = tpu.all_reduce %le3A_2026 {dim = 0 : i64, kind = #tpu.reduction_kind<sum>} : vector<16xi1> -> vector<16xi32>
        %add3A_2030 = arith.addi %min3A_1989, %all_reduce_population_count3A_2029 : vector<16xi32>
        %broadcast_in_dim3A_2031 = arith.constant 63 : i32
        %broadcast_in_dim3A_2032 = vector.broadcast %broadcast_in_dim3A_2031 : i32 to vector<16xi32>
        %min3A_2033 = arith.minsi %add3A_2030, %broadcast_in_dim3A_2032 : vector<16xi32>
        %broadcast_in_dim3A_2034 = arith.constant 14 : i32
        %broadcast_in_dim3A_2035 = vector.broadcast %broadcast_in_dim3A_2034 : i32 to vector<16x1xi32>
        %gather3A_2036 = vector.shape_cast %broadcast_in_dim3A_2035 : vector<16x1xi32> to vector<16xi32>
        %gather3A_2037 = tpu.dynamic_gather %get3A_1420[%gather3A_2036] in [0] : vector<16xi32>, vector<16xi32> -> vector<16xi32>
        %mul3A_2038 = arith.constant 16 : i32
        %mul3A_2039 = vector.broadcast %mul3A_2038 : i32 to vector<16xi32>
        %mul3A_2040 = arith.muli %gather3A_2037, %mul3A_2039 : vector<16xi32>
        %add3A_2041 = arith.addi %mul3A_2040, %iota3A : vector<16xi32>
        %gather3A_2042 = tpu.vector_load_idx %arg10[%add3A_2041] : memref<3472xf32, #tpu.memory_space<vmem>>[vector<16xi32>], vector<16xf32>,
        %le3A_2043 = arith.cmpf ole, %gather3A_2042, %gather3A_116 : vector<16xf32>
        %masked_cumsum3A_2044 = tpu.scan <sum>, %broadcast_in_dim3A_3 masked %le3A_2043 : vector<16xi32>, vector<16xi1> -> vector<16xi32>
        %add3A_2045 = arith.addi %min3A_2006, %masked_cumsum3A_2044 : vector<16xi32>
        tpu.vector_store_idx %arg15[%add3A_2045], %add3A_2041 masked %le3A_2043 : memref<80xi32, #tpu.memory_space<vmem>>[vector<16xi32>], vector<16xi32>, vector<16xi1>
        %all_reduce_population_count3A_2046 = tpu.all_reduce %le3A_2043 {dim = 0 : i64, kind = #tpu.reduction_kind<sum>} : vector<16xi1> -> vector<16xi32>
        %add3A_2047 = arith.addi %min3A_2006, %all_reduce_population_count3A_2046 : vector<16xi32>
        %broadcast_in_dim3A_2048 = arith.constant 63 : i32
        %broadcast_in_dim3A_2049 = vector.broadcast %broadcast_in_dim3A_2048 : i32 to vector<16xi32>
        %min3A_2050 = arith.minsi %add3A_2047, %broadcast_in_dim3A_2049 : vector<16xi32>
        %gather3A_2051 = tpu.vector_load_idx %arg11[%add3A_2041] : memref<3472xf32, #tpu.memory_space<vmem>>[vector<16xi32>], vector<16xf32>,
        %le3A_2052 = arith.cmpf ole, %gather3A_2051, %gather3A_138 : vector<16xf32>
        %masked_cumsum3A_2053 = tpu.scan <sum>, %broadcast_in_dim3A_3 masked %le3A_2052 : vector<16xi32>, vector<16xi1> -> vector<16xi32>
        %add3A_2054 = arith.addi %min3A_2015, %masked_cumsum3A_2053 : vector<16xi32>
        tpu.vector_store_idx %arg16[%add3A_2054], %add3A_2041 masked %le3A_2052 : memref<80xi32, #tpu.memory_space<vmem>>[vector<16xi32>], vector<16xi32>, vector<16xi1>
        %all_reduce_population_count3A_2055 = tpu.all_reduce %le3A_2052 {dim = 0 : i64, kind = #tpu.reduction_kind<sum>} : vector<16xi1> -> vector<16xi32>
        %add3A_2056 = arith.addi %min3A_2015, %all_reduce_population_count3A_2055 : vector<16xi32>
        %broadcast_in_dim3A_2057 = arith.constant 63 : i32
        %broadcast_in_dim3A_2058 = vector.broadcast %broadcast_in_dim3A_2057 : i32 to vector<16xi32>
        %min3A_2059 = arith.minsi %add3A_2056, %broadcast_in_dim3A_2058 : vector<16xi32>
        %gather3A_2060 = tpu.vector_load_idx %arg12[%add3A_2041] : memref<3472xf32, #tpu.memory_space<vmem>>[vector<16xi32>], vector<16xf32>,
        %le3A_2061 = arith.cmpf ole, %gather3A_2060, %gather3A_160 : vector<16xf32>
        %masked_cumsum3A_2062 = tpu.scan <sum>, %broadcast_in_dim3A_3 masked %le3A_2061 : vector<16xi32>, vector<16xi1> -> vector<16xi32>
        %add3A_2063 = arith.addi %min3A_2024, %masked_cumsum3A_2062 : vector<16xi32>
        tpu.vector_store_idx %arg17[%add3A_2063], %add3A_2041 masked %le3A_2061 : memref<80xi32, #tpu.memory_space<vmem>>[vector<16xi32>], vector<16xi32>, vector<16xi1>
        %all_reduce_population_count3A_2064 = tpu.all_reduce %le3A_2061 {dim = 0 : i64, kind = #tpu.reduction_kind<sum>} : vector<16xi1> -> vector<16xi32>
        %add3A_2065 = arith.addi %min3A_2024, %all_reduce_population_count3A_2064 : vector<16xi32>
        %broadcast_in_dim3A_2066 = arith.constant 63 : i32
        %broadcast_in_dim3A_2067 = vector.broadcast %broadcast_in_dim3A_2066 : i32 to vector<16xi32>
        %min3A_2068 = arith.minsi %add3A_2065, %broadcast_in_dim3A_2067 : vector<16xi32>
        %gather3A_2069 = tpu.vector_load_idx %arg13[%add3A_2041] : memref<3472xf32, #tpu.memory_space<vmem>>[vector<16xi32>], vector<16xf32>,
        %le3A_2070 = arith.cmpf ole, %gather3A_2069, %gather3A_182 : vector<16xf32>
        %masked_cumsum3A_2071 = tpu.scan <sum>, %broadcast_in_dim3A_3 masked %le3A_2070 : vector<16xi32>, vector<16xi1> -> vector<16xi32>
        %add3A_2072 = arith.addi %min3A_2033, %masked_cumsum3A_2071 : vector<16xi32>
        tpu.vector_store_idx %arg18[%add3A_2072], %add3A_2041 masked %le3A_2070 : memref<80xi32, #tpu.memory_space<vmem>>[vector<16xi32>], vector<16xi32>, vector<16xi1>
        %all_reduce_population_count3A_2073 = tpu.all_reduce %le3A_2070 {dim = 0 : i64, kind = #tpu.reduction_kind<sum>} : vector<16xi1> -> vector<16xi32>
        %add3A_2074 = arith.addi %min3A_2033, %all_reduce_population_count3A_2073 : vector<16xi32>
        %broadcast_in_dim3A_2075 = arith.constant 63 : i32
        %broadcast_in_dim3A_2076 = vector.broadcast %broadcast_in_dim3A_2075 : i32 to vector<16xi32>
        %min3A_2077 = arith.minsi %add3A_2074, %broadcast_in_dim3A_2076 : vector<16xi32>
        %broadcast_in_dim3A_2078 = arith.constant 15 : i32
        %broadcast_in_dim3A_2079 = vector.broadcast %broadcast_in_dim3A_2078 : i32 to vector<16x1xi32>
        %gather3A_2080 = vector.shape_cast %broadcast_in_dim3A_2079 : vector<16x1xi32> to vector<16xi32>
        %gather3A_2081 = tpu.dynamic_gather %get3A_1420[%gather3A_2080] in [0] : vector<16xi32>, vector<16xi32> -> vector<16xi32>
        %mul3A_2082 = arith.constant 16 : i32
        %mul3A_2083 = vector.broadcast %mul3A_2082 : i32 to vector<16xi32>
        %mul3A_2084 = arith.muli %gather3A_2081, %mul3A_2083 : vector<16xi32>
        %add3A_2085 = arith.addi %mul3A_2084, %iota3A : vector<16xi32>
        %gather3A_2086 = tpu.vector_load_idx %arg10[%add3A_2085] : memref<3472xf32, #tpu.memory_space<vmem>>[vector<16xi32>], vector<16xf32>,
        %le3A_2087 = arith.cmpf ole, %gather3A_2086, %gather3A_116 : vector<16xf32>
        %masked_cumsum3A_2088 = tpu.scan <sum>, %broadcast_in_dim3A_3 masked %le3A_2087 : vector<16xi32>, vector<16xi1> -> vector<16xi32>
        %add3A_2089 = arith.addi %min3A_2050, %masked_cumsum3A_2088 : vector<16xi32>
        tpu.vector_store_idx %arg15[%add3A_2089], %add3A_2085 masked %le3A_2087 : memref<80xi32, #tpu.memory_space<vmem>>[vector<16xi32>], vector<16xi32>, vector<16xi1>
        %all_reduce_population_count3A_2090 = tpu.all_reduce %le3A_2087 {dim = 0 : i64, kind = #tpu.reduction_kind<sum>} : vector<16xi1> -> vector<16xi32>
        %add3A_2091 = arith.addi %min3A_2050, %all_reduce_population_count3A_2090 : vector<16xi32>
        %broadcast_in_dim3A_2092 = arith.constant 63 : i32
        %broadcast_in_dim3A_2093 = vector.broadcast %broadcast_in_dim3A_2092 : i32 to vector<16xi32>
        %min3A_2094 = arith.minsi %add3A_2091, %broadcast_in_dim3A_2093 : vector<16xi32>
        %gather3A_2095 = tpu.vector_load_idx %arg11[%add3A_2085] : memref<3472xf32, #tpu.memory_space<vmem>>[vector<16xi32>], vector<16xf32>,
        %le3A_2096 = arith.cmpf ole, %gather3A_2095, %gather3A_138 : vector<16xf32>
        %masked_cumsum3A_2097 = tpu.scan <sum>, %broadcast_in_dim3A_3 masked %le3A_2096 : vector<16xi32>, vector<16xi1> -> vector<16xi32>
        %add3A_2098 = arith.addi %min3A_2059, %masked_cumsum3A_2097 : vector<16xi32>
        tpu.vector_store_idx %arg16[%add3A_2098], %add3A_2085 masked %le3A_2096 : memref<80xi32, #tpu.memory_space<vmem>>[vector<16xi32>], vector<16xi32>, vector<16xi1>
        %all_reduce_population_count3A_2099 = tpu.all_reduce %le3A_2096 {dim = 0 : i64, kind = #tpu.reduction_kind<sum>} : vector<16xi1> -> vector<16xi32>
        %add3A_2100 = arith.addi %min3A_2059, %all_reduce_population_count3A_2099 : vector<16xi32>
        %broadcast_in_dim3A_2101 = arith.constant 63 : i32
        %broadcast_in_dim3A_2102 = vector.broadcast %broadcast_in_dim3A_2101 : i32 to vector<16xi32>
        %min3A_2103 = arith.minsi %add3A_2100, %broadcast_in_dim3A_2102 : vector<16xi32>
        %gather3A_2104 = tpu.vector_load_idx %arg12[%add3A_2085] : memref<3472xf32, #tpu.memory_space<vmem>>[vector<16xi32>], vector<16xf32>,
        %le3A_2105 = arith.cmpf ole, %gather3A_2104, %gather3A_160 : vector<16xf32>
        %masked_cumsum3A_2106 = tpu.scan <sum>, %broadcast_in_dim3A_3 masked %le3A_2105 : vector<16xi32>, vector<16xi1> -> vector<16xi32>
        %add3A_2107 = arith.addi %min3A_2068, %masked_cumsum3A_2106 : vector<16xi32>
        tpu.vector_store_idx %arg17[%add3A_2107], %add3A_2085 masked %le3A_2105 : memref<80xi32, #tpu.memory_space<vmem>>[vector<16xi32>], vector<16xi32>, vector<16xi1>
        %all_reduce_population_count3A_2108 = tpu.all_reduce %le3A_2105 {dim = 0 : i64, kind = #tpu.reduction_kind<sum>} : vector<16xi1> -> vector<16xi32>
        %add3A_2109 = arith.addi %min3A_2068, %all_reduce_population_count3A_2108 : vector<16xi32>
        %broadcast_in_dim3A_2110 = arith.constant 63 : i32
        %broadcast_in_dim3A_2111 = vector.broadcast %broadcast_in_dim3A_2110 : i32 to vector<16xi32>
        %min3A_2112 = arith.minsi %add3A_2109, %broadcast_in_dim3A_2111 : vector<16xi32>
        %gather3A_2113 = tpu.vector_load_idx %arg13[%add3A_2085] : memref<3472xf32, #tpu.memory_space<vmem>>[vector<16xi32>], vector<16xf32>,
        %le3A_2114 = arith.cmpf ole, %gather3A_2113, %gather3A_182 : vector<16xf32>
        %masked_cumsum3A_2115 = tpu.scan <sum>, %broadcast_in_dim3A_3 masked %le3A_2114 : vector<16xi32>, vector<16xi1> -> vector<16xi32>
        %add3A_2116 = arith.addi %min3A_2077, %masked_cumsum3A_2115 : vector<16xi32>
        tpu.vector_store_idx %arg18[%add3A_2116], %add3A_2085 masked %le3A_2114 : memref<80xi32, #tpu.memory_space<vmem>>[vector<16xi32>], vector<16xi32>, vector<16xi1>
        %all_reduce_population_count3A_2117 = tpu.all_reduce %le3A_2114 {dim = 0 : i64, kind = #tpu.reduction_kind<sum>} : vector<16xi1> -> vector<16xi32>
        %add3A_2118 = arith.addi %min3A_2077, %all_reduce_population_count3A_2117 : vector<16xi32>
        %broadcast_in_dim3A_2119 = arith.constant 63 : i32
        %broadcast_in_dim3A_2120 = vector.broadcast %broadcast_in_dim3A_2119 : i32 to vector<16xi32>
        %min3A_2121 = arith.minsi %add3A_2118, %broadcast_in_dim3A_2120 : vector<16xi32>
        scf.yield %min3A_2094, %min3A_2103, %min3A_2112, %min3A_2121 : vector<16xi32>, vector<16xi32>, vector<16xi32>, vector<16xi32>
      }
      %add3A_325 = arith.constant 0 : i32
      %add3A_326 = arith.addi %mul3A_25, %add3A_325 : i32
      %broadcast_in_dim3A_327 = vector.broadcast %add3A_326 : i32 to vector<16xi32>
      %get3A_328 = arith.constant 0 : index
      %get3A_329 = tpu.vector_load %arg15[%get3A_328] {strides = array<i32>} : memref<80xi32, #tpu.memory_space<vmem>>, vector<16xi32>,
      %gather3A_330 = tpu.vector_load_idx %arg10[%get3A_329] : memref<3472xf32, #tpu.memory_space<vmem>>[vector<16xi32>], vector<16xf32>,
      %eq3A_331 = arith.cmpi eq, %get3A_329, %broadcast_in_dim3A_327 : vector<16xi32>
      %select_n3A = arith.select %eq3A_331, %broadcast_in_dim3A_1, %gather3A_330 : vector<16xi1>, vector<16xf32>
      %get3A_332 = arith.constant 16 : index
      %get3A_333 = tpu.vector_load %arg15[%get3A_332] {strides = array<i32>} : memref<80xi32, #tpu.memory_space<vmem>>, vector<16xi32>,
      %gather3A_334 = tpu.vector_load_idx %arg10[%get3A_333] : memref<3472xf32, #tpu.memory_space<vmem>>[vector<16xi32>], vector<16xf32>,
      %eq3A_335 = arith.cmpi eq, %get3A_333, %broadcast_in_dim3A_327 : vector<16xi32>
      %select_n3A_336 = arith.select %eq3A_335, %broadcast_in_dim3A_1, %gather3A_334 : vector<16xi1>, vector<16xf32>
      %get3A_337 = arith.constant 32 : index
      %get3A_338 = tpu.vector_load %arg15[%get3A_337] {strides = array<i32>} : memref<80xi32, #tpu.memory_space<vmem>>, vector<16xi32>,
      %gather3A_339 = tpu.vector_load_idx %arg10[%get3A_338] : memref<3472xf32, #tpu.memory_space<vmem>>[vector<16xi32>], vector<16xf32>,
      %eq3A_340 = arith.cmpi eq, %get3A_338, %broadcast_in_dim3A_327 : vector<16xi32>
      %select_n3A_341 = arith.select %eq3A_340, %broadcast_in_dim3A_1, %gather3A_339 : vector<16xi1>, vector<16xf32>
      %get3A_342 = arith.constant 48 : index
      %get3A_343 = tpu.vector_load %arg15[%get3A_342] {strides = array<i32>} : memref<80xi32, #tpu.memory_space<vmem>>, vector<16xi32>,
      %gather3A_344 = tpu.vector_load_idx %arg10[%get3A_343] : memref<3472xf32, #tpu.memory_space<vmem>>[vector<16xi32>], vector<16xf32>,
      %eq3A_345 = arith.cmpi eq, %get3A_343, %broadcast_in_dim3A_327 : vector<16xi32>
      %select_n3A_346 = arith.select %eq3A_345, %broadcast_in_dim3A_1, %gather3A_344 : vector<16xi1>, vector<16xf32>
      %get3A_347 = arith.constant 64 : index
      %get3A_348 = tpu.vector_load %arg15[%get3A_347] {strides = array<i32>} : memref<80xi32, #tpu.memory_space<vmem>>, vector<16xi32>,
      %gather3A_349 = tpu.vector_load_idx %arg10[%get3A_348] : memref<3472xf32, #tpu.memory_space<vmem>>[vector<16xi32>], vector<16xf32>,
      %eq3A_350 = arith.cmpi eq, %get3A_348, %broadcast_in_dim3A_327 : vector<16xi32>
      %select_n3A_351 = arith.select %eq3A_350, %broadcast_in_dim3A_1, %gather3A_349 : vector<16xi1>, vector<16xf32>
      %masked_sort3A = arith.constant dense<true> : vector<16xi1>
      %masked_sort3A_352, %masked_sort3A_353, %masked_sort3A_354 = tpu.sort %select_n3A, %get3A_329 masked %masked_sort3A : (vector<16xf32>, vector<16xi32>, vector<16xi1>) -> (vector<16xi1>, vector<16xf32>, vector<16xi32>)
      %masked_sort3A_355 = arith.constant dense<true> : vector<16xi1>
      %masked_sort3A_356, %masked_sort3A_357, %masked_sort3A_358 = tpu.sort %select_n3A_336, %get3A_333 masked %masked_sort3A_355 : (vector<16xf32>, vector<16xi32>, vector<16xi1>) -> (vector<16xi1>, vector<16xf32>, vector<16xi32>)
      %rev3A_359 = arith.constant 15 : i32
      %rev3A_360 = vector.broadcast %rev3A_359 : i32 to vector<16xi32>
      %rev3A_361 = tpu.iota {dimensions = array<i32: 0>} : vector<16xi32>
      %rev3A_362 = arith.subi %rev3A_360, %rev3A_361 : vector<16xi32>
      %rev3A_363 = tpu.dynamic_gather %masked_sort3A_357[%rev3A_362] in [0] : vector<16xf32>, vector<16xi32> -> vector<16xf32>
      %rev3A_364 = arith.constant 15 : i32
      %rev3A_365 = vector.broadcast %rev3A_364 : i32 to vector<16xi32>
      %rev3A_366 = tpu.iota {dimensions = array<i32: 0>} : vector<16xi32>
      %rev3A_367 = arith.subi %rev3A_365, %rev3A_366 : vector<16xi32>
      %rev3A_368 = tpu.dynamic_gather %masked_sort3A_358[%rev3A_367] in [0] : vector<16xi32>, vector<16xi32> -> vector<16xi32>
      %le3A = arith.cmpf ole, %masked_sort3A_353, %rev3A_363 : vector<16xf32>
      %select_n3A_369 = arith.select %le3A, %masked_sort3A_353, %rev3A_363 : vector<16xi1>, vector<16xf32>
      %select_n3A_370 = arith.select %le3A, %masked_sort3A_354, %rev3A_368 : vector<16xi1>, vector<16xi32>
      %select_n3A_371 = arith.select %le3A, %rev3A_363, %masked_sort3A_353 : vector<16xi1>, vector<16xf32>
      %select_n3A_372 = arith.select %le3A, %rev3A_368, %masked_sort3A_354 : vector<16xi1>, vector<16xi32>
      %masked_sort3A_373 = arith.constant dense<true> : vector<16xi1>
      %masked_sort3A_374, %masked_sort3A_375, %masked_sort3A_376 = tpu.sort %select_n3A_369, %select_n3A_370 masked %masked_sort3A_373 : (vector<16xf32>, vector<16xi32>, vector<16xi1>) -> (vector<16xi1>, vector<16xf32>, vector<16xi32>)
      %masked_sort3A_377 = arith.constant dense<true> : vector<16xi1>
      %masked_sort3A_378, %masked_sort3A_379, %masked_sort3A_380 = tpu.sort %select_n3A_371, %select_n3A_372 masked %masked_sort3A_377 : (vector<16xf32>, vector<16xi32>, vector<16xi1>) -> (vector<16xi1>, vector<16xf32>, vector<16xi32>)
      %masked_sort3A_381 = arith.constant dense<true> : vector<16xi1>
      %masked_sort3A_382, %masked_sort3A_383, %masked_sort3A_384 = tpu.sort %select_n3A_341, %get3A_338 masked %masked_sort3A_381 : (vector<16xf32>, vector<16xi32>, vector<16xi1>) -> (vector<16xi1>, vector<16xf32>, vector<16xi32>)
      %rev3A_385 = arith.constant 15 : i32
      %rev3A_386 = vector.broadcast %rev3A_385 : i32 to vector<16xi32>
      %rev3A_387 = tpu.iota {dimensions = array<i32: 0>} : vector<16xi32>
      %rev3A_388 = arith.subi %rev3A_386, %rev3A_387 : vector<16xi32>
      %rev3A_389 = tpu.dynamic_gather %masked_sort3A_383[%rev3A_388] in [0] : vector<16xf32>, vector<16xi32> -> vector<16xf32>
      %rev3A_390 = arith.constant 15 : i32
      %rev3A_391 = vector.broadcast %rev3A_390 : i32 to vector<16xi32>
      %rev3A_392 = tpu.iota {dimensions = array<i32: 0>} : vector<16xi32>
      %rev3A_393 = arith.subi %rev3A_391, %rev3A_392 : vector<16xi32>
      %rev3A_394 = tpu.dynamic_gather %masked_sort3A_384[%rev3A_393] in [0] : vector<16xi32>, vector<16xi32> -> vector<16xi32>
      %le3A_395 = arith.cmpf ole, %masked_sort3A_379, %rev3A_389 : vector<16xf32>
      %select_n3A_396 = arith.select %le3A_395, %masked_sort3A_379, %rev3A_389 : vector<16xi1>, vector<16xf32>
      %select_n3A_397 = arith.select %le3A_395, %masked_sort3A_380, %rev3A_394 : vector<16xi1>, vector<16xi32>
      %masked_sort3A_398 = arith.constant dense<true> : vector<16xi1>
      %masked_sort3A_399, %masked_sort3A_400, %masked_sort3A_401 = tpu.sort %select_n3A_396, %select_n3A_397 masked %masked_sort3A_398 : (vector<16xf32>, vector<16xi32>, vector<16xi1>) -> (vector<16xi1>, vector<16xf32>, vector<16xi32>)
      %rev3A_402 = arith.constant 15 : i32
      %rev3A_403 = vector.broadcast %rev3A_402 : i32 to vector<16xi32>
      %rev3A_404 = tpu.iota {dimensions = array<i32: 0>} : vector<16xi32>
      %rev3A_405 = arith.subi %rev3A_403, %rev3A_404 : vector<16xi32>
      %rev3A_406 = tpu.dynamic_gather %masked_sort3A_400[%rev3A_405] in [0] : vector<16xf32>, vector<16xi32> -> vector<16xf32>
      %rev3A_407 = arith.constant 15 : i32
      %rev3A_408 = vector.broadcast %rev3A_407 : i32 to vector<16xi32>
      %rev3A_409 = tpu.iota {dimensions = array<i32: 0>} : vector<16xi32>
      %rev3A_410 = arith.subi %rev3A_408, %rev3A_409 : vector<16xi32>
      %rev3A_411 = tpu.dynamic_gather %masked_sort3A_401[%rev3A_410] in [0] : vector<16xi32>, vector<16xi32> -> vector<16xi32>
      %le3A_412 = arith.cmpf ole, %masked_sort3A_375, %rev3A_406 : vector<16xf32>
      %select_n3A_413 = arith.select %le3A_412, %masked_sort3A_375, %rev3A_406 : vector<16xi1>, vector<16xf32>
      %select_n3A_414 = arith.select %le3A_412, %masked_sort3A_376, %rev3A_411 : vector<16xi1>, vector<16xi32>
      %select_n3A_415 = arith.select %le3A_412, %rev3A_406, %masked_sort3A_375 : vector<16xi1>, vector<16xf32>
      %select_n3A_416 = arith.select %le3A_412, %rev3A_411, %masked_sort3A_376 : vector<16xi1>, vector<16xi32>
      %masked_sort3A_417 = arith.constant dense<true> : vector<16xi1>
      %masked_sort3A_418, %masked_sort3A_419, %masked_sort3A_420 = tpu.sort %select_n3A_413, %select_n3A_414 masked %masked_sort3A_417 : (vector<16xf32>, vector<16xi32>, vector<16xi1>) -> (vector<16xi1>, vector<16xf32>, vector<16xi32>)
      %masked_sort3A_421 = arith.constant dense<true> : vector<16xi1>
      %masked_sort3A_422, %masked_sort3A_423, %masked_sort3A_424 = tpu.sort %select_n3A_415, %select_n3A_416 masked %masked_sort3A_421 : (vector<16xf32>, vector<16xi32>, vector<16xi1>) -> (vector<16xi1>, vector<16xf32>, vector<16xi32>)
      %masked_sort3A_425 = arith.constant dense<true> : vector<16xi1>
      %masked_sort3A_426, %masked_sort3A_427, %masked_sort3A_428 = tpu.sort %select_n3A_346, %get3A_343 masked %masked_sort3A_425 : (vector<16xf32>, vector<16xi32>, vector<16xi1>) -> (vector<16xi1>, vector<16xf32>, vector<16xi32>)
      %rev3A_429 = arith.constant 15 : i32
      %rev3A_430 = vector.broadcast %rev3A_429 : i32 to vector<16xi32>
      %rev3A_431 = tpu.iota {dimensions = array<i32: 0>} : vector<16xi32>
      %rev3A_432 = arith.subi %rev3A_430, %rev3A_431 : vector<16xi32>
      %rev3A_433 = tpu.dynamic_gather %masked_sort3A_427[%rev3A_432] in [0] : vector<16xf32>, vector<16xi32> -> vector<16xf32>
      %rev3A_434 = arith.constant 15 : i32
      %rev3A_435 = vector.broadcast %rev3A_434 : i32 to vector<16xi32>
      %rev3A_436 = tpu.iota {dimensions = array<i32: 0>} : vector<16xi32>
      %rev3A_437 = arith.subi %rev3A_435, %rev3A_436 : vector<16xi32>
      %rev3A_438 = tpu.dynamic_gather %masked_sort3A_428[%rev3A_437] in [0] : vector<16xi32>, vector<16xi32> -> vector<16xi32>
      %le3A_439 = arith.cmpf ole, %masked_sort3A_423, %rev3A_433 : vector<16xf32>
      %select_n3A_440 = arith.select %le3A_439, %masked_sort3A_423, %rev3A_433 : vector<16xi1>, vector<16xf32>
      %select_n3A_441 = arith.select %le3A_439, %masked_sort3A_424, %rev3A_438 : vector<16xi1>, vector<16xi32>
      %masked_sort3A_442 = arith.constant dense<true> : vector<16xi1>
      %masked_sort3A_443, %masked_sort3A_444, %masked_sort3A_445 = tpu.sort %select_n3A_440, %select_n3A_441 masked %masked_sort3A_442 : (vector<16xf32>, vector<16xi32>, vector<16xi1>) -> (vector<16xi1>, vector<16xf32>, vector<16xi32>)
      %rev3A_446 = arith.constant 15 : i32
      %rev3A_447 = vector.broadcast %rev3A_446 : i32 to vector<16xi32>
      %rev3A_448 = tpu.iota {dimensions = array<i32: 0>} : vector<16xi32>
      %rev3A_449 = arith.subi %rev3A_447, %rev3A_448 : vector<16xi32>
      %rev3A_450 = tpu.dynamic_gather %masked_sort3A_444[%rev3A_449] in [0] : vector<16xf32>, vector<16xi32> -> vector<16xf32>
      %rev3A_451 = arith.constant 15 : i32
      %rev3A_452 = vector.broadcast %rev3A_451 : i32 to vector<16xi32>
      %rev3A_453 = tpu.iota {dimensions = array<i32: 0>} : vector<16xi32>
      %rev3A_454 = arith.subi %rev3A_452, %rev3A_453 : vector<16xi32>
      %rev3A_455 = tpu.dynamic_gather %masked_sort3A_445[%rev3A_454] in [0] : vector<16xi32>, vector<16xi32> -> vector<16xi32>
      %le3A_456 = arith.cmpf ole, %masked_sort3A_419, %rev3A_450 : vector<16xf32>
      %select_n3A_457 = arith.select %le3A_456, %masked_sort3A_419, %rev3A_450 : vector<16xi1>, vector<16xf32>
      %select_n3A_458 = arith.select %le3A_456, %masked_sort3A_420, %rev3A_455 : vector<16xi1>, vector<16xi32>
      %select_n3A_459 = arith.select %le3A_456, %rev3A_450, %masked_sort3A_419 : vector<16xi1>, vector<16xf32>
      %select_n3A_460 = arith.select %le3A_456, %rev3A_455, %masked_sort3A_420 : vector<16xi1>, vector<16xi32>
      %masked_sort3A_461 = arith.constant dense<true> : vector<16xi1>
      %masked_sort3A_462, %masked_sort3A_463, %masked_sort3A_464 = tpu.sort %select_n3A_457, %select_n3A_458 masked %masked_sort3A_461 : (vector<16xf32>, vector<16xi32>, vector<16xi1>) -> (vector<16xi1>, vector<16xf32>, vector<16xi32>)
      %masked_sort3A_465 = arith.constant dense<true> : vector<16xi1>
      %masked_sort3A_466, %masked_sort3A_467, %masked_sort3A_468 = tpu.sort %select_n3A_459, %select_n3A_460 masked %masked_sort3A_465 : (vector<16xf32>, vector<16xi32>, vector<16xi1>) -> (vector<16xi1>, vector<16xf32>, vector<16xi32>)
      %masked_sort3A_469 = arith.constant dense<true> : vector<16xi1>
      %masked_sort3A_470, %masked_sort3A_471, %masked_sort3A_472 = tpu.sort %select_n3A_351, %get3A_348 masked %masked_sort3A_469 : (vector<16xf32>, vector<16xi32>, vector<16xi1>) -> (vector<16xi1>, vector<16xf32>, vector<16xi32>)
      %rev3A_473 = arith.constant 15 : i32
      %rev3A_474 = vector.broadcast %rev3A_473 : i32 to vector<16xi32>
      %rev3A_475 = tpu.iota {dimensions = array<i32: 0>} : vector<16xi32>
      %rev3A_476 = arith.subi %rev3A_474, %rev3A_475 : vector<16xi32>
      %rev3A_477 = tpu.dynamic_gather %masked_sort3A_471[%rev3A_476] in [0] : vector<16xf32>, vector<16xi32> -> vector<16xf32>
      %rev3A_478 = arith.constant 15 : i32
      %rev3A_479 = vector.broadcast %rev3A_478 : i32 to vector<16xi32>
      %rev3A_480 = tpu.iota {dimensions = array<i32: 0>} : vector<16xi32>
      %rev3A_481 = arith.subi %rev3A_479, %rev3A_480 : vector<16xi32>
      %rev3A_482 = tpu.dynamic_gather %masked_sort3A_472[%rev3A_481] in [0] : vector<16xi32>, vector<16xi32> -> vector<16xi32>
      %le3A_483 = arith.cmpf ole, %masked_sort3A_467, %rev3A_477 : vector<16xf32>
      %select_n3A_484 = arith.select %le3A_483, %masked_sort3A_467, %rev3A_477 : vector<16xi1>, vector<16xf32>
      %select_n3A_485 = arith.select %le3A_483, %masked_sort3A_468, %rev3A_482 : vector<16xi1>, vector<16xi32>
      %masked_sort3A_486 = arith.constant dense<true> : vector<16xi1>
      %masked_sort3A_487, %masked_sort3A_488, %masked_sort3A_489 = tpu.sort %select_n3A_484, %select_n3A_485 masked %masked_sort3A_486 : (vector<16xf32>, vector<16xi32>, vector<16xi1>) -> (vector<16xi1>, vector<16xf32>, vector<16xi32>)
      %rev3A_490 = arith.constant 15 : i32
      %rev3A_491 = vector.broadcast %rev3A_490 : i32 to vector<16xi32>
      %rev3A_492 = tpu.iota {dimensions = array<i32: 0>} : vector<16xi32>
      %rev3A_493 = arith.subi %rev3A_491, %rev3A_492 : vector<16xi32>
      %rev3A_494 = tpu.dynamic_gather %masked_sort3A_488[%rev3A_493] in [0] : vector<16xf32>, vector<16xi32> -> vector<16xf32>
      %rev3A_495 = arith.constant 15 : i32
      %rev3A_496 = vector.broadcast %rev3A_495 : i32 to vector<16xi32>
      %rev3A_497 = tpu.iota {dimensions = array<i32: 0>} : vector<16xi32>
      %rev3A_498 = arith.subi %rev3A_496, %rev3A_497 : vector<16xi32>
      %rev3A_499 = tpu.dynamic_gather %masked_sort3A_489[%rev3A_498] in [0] : vector<16xi32>, vector<16xi32> -> vector<16xi32>
      %le3A_500 = arith.cmpf ole, %masked_sort3A_463, %rev3A_494 : vector<16xf32>
      %select_n3A_501 = arith.select %le3A_500, %masked_sort3A_463, %rev3A_494 : vector<16xi1>, vector<16xf32>
      %select_n3A_502 = arith.select %le3A_500, %masked_sort3A_464, %rev3A_499 : vector<16xi1>, vector<16xi32>
      %select_n3A_503 = arith.select %le3A_500, %rev3A_494, %masked_sort3A_463 : vector<16xi1>, vector<16xf32>
      %select_n3A_504 = arith.select %le3A_500, %rev3A_499, %masked_sort3A_464 : vector<16xi1>, vector<16xi32>
      %masked_sort3A_505 = arith.constant dense<true> : vector<16xi1>
      %masked_sort3A_506, %masked_sort3A_507, %masked_sort3A_508 = tpu.sort %select_n3A_501, %select_n3A_502 masked %masked_sort3A_505 : (vector<16xf32>, vector<16xi32>, vector<16xi1>) -> (vector<16xi1>, vector<16xf32>, vector<16xi32>)
      %masked_sort3A_509 = arith.constant dense<true> : vector<16xi1>
      %masked_sort3A_510, %masked_sort3A_511, %masked_sort3A_512 = tpu.sort %select_n3A_503, %select_n3A_504 masked %masked_sort3A_509 : (vector<16xf32>, vector<16xi32>, vector<16xi1>) -> (vector<16xi1>, vector<16xf32>, vector<16xi32>)
      %max3A_513 = arith.constant 9.99999996E-13 : f32
      %max3A_514 = vector.broadcast %max3A_513 : f32 to vector<16xf32>
      %max3A_515 = arith.maximumf %masked_sort3A_507, %max3A_514 : vector<16xf32>
      %bitcast3A = vector.bitcast %max3A_515 : vector<16xf32> to vector<16xi32>
      %broadcast_in_dim3A_516 = arith.constant 1597463007 : i32
      %broadcast_in_dim3A_517 = vector.broadcast %broadcast_in_dim3A_516 : i32 to vector<16xi32>
      %broadcast_in_dim3A_518 = arith.constant 1 : i32
      %broadcast_in_dim3A_519 = vector.broadcast %broadcast_in_dim3A_518 : i32 to vector<16xi32>
      %shift_right_logical3A = arith.shrui %bitcast3A, %broadcast_in_dim3A_519 : vector<16xi32>
      %sub3A_520 = arith.subi %broadcast_in_dim3A_517, %shift_right_logical3A : vector<16xi32>
      %bitcast3A_521 = vector.bitcast %sub3A_520 : vector<16xi32> to vector<16xf32>
      %mul3A_522 = arith.constant 5.000000e-01 : f32
      %mul3A_523 = vector.broadcast %mul3A_522 : f32 to vector<16xf32>
      %mul3A_524 = arith.mulf %mul3A_523, %max3A_515 : vector<16xf32>
      %mul3A_525 = arith.mulf %mul3A_524, %bitcast3A_521 : vector<16xf32>
      %mul3A_526 = arith.mulf %mul3A_525, %bitcast3A_521 : vector<16xf32>
      %sub3A_527 = arith.constant 1.500000e+00 : f32
      %sub3A_528 = vector.broadcast %sub3A_527 : f32 to vector<16xf32>
      %sub3A_529 = arith.subf %sub3A_528, %mul3A_526 : vector<16xf32>
      %mul3A_530 = arith.mulf %bitcast3A_521, %sub3A_529 : vector<16xf32>
      %mul3A_531 = arith.mulf %mul3A_524, %mul3A_530 : vector<16xf32>
      %mul3A_532 = arith.mulf %mul3A_531, %mul3A_530 : vector<16xf32>
      %sub3A_533 = arith.constant 1.500000e+00 : f32
      %sub3A_534 = vector.broadcast %sub3A_533 : f32 to vector<16xf32>
      %sub3A_535 = arith.subf %sub3A_534, %mul3A_532 : vector<16xf32>
      %mul3A_536 = arith.mulf %mul3A_530, %sub3A_535 : vector<16xf32>
      %mul3A_537 = arith.mulf %mul3A_524, %mul3A_536 : vector<16xf32>
      %mul3A_538 = arith.mulf %mul3A_537, %mul3A_536 : vector<16xf32>
      %sub3A_539 = arith.constant 1.500000e+00 : f32
      %sub3A_540 = vector.broadcast %sub3A_539 : f32 to vector<16xf32>
      %sub3A_541 = arith.subf %sub3A_540, %mul3A_538 : vector<16xf32>
      %mul3A_542 = arith.mulf %mul3A_536, %sub3A_541 : vector<16xf32>
      %mul3A_543 = arith.mulf %max3A_515, %mul3A_542 : vector<16xf32>
      %swap3A_544 = arith.constant 0 : i32
      %swap3A_545 = arith.index_cast %swap3A_544 : i32 to index
      %swap3A_546 = arith.constant 0 : index
      %swap3A_547 = tpu.vector_load %arg19[%swap3A_545, %swap3A_546] {strides = array<i32>} : memref<4x32xf32, #tpu.memory_space<vmem>>, vector<16xf32>,
      tpu.vector_store %arg19[%swap3A_545, %swap3A_546], %mul3A_543 {strides = array<i32>} : memref<4x32xf32, #tpu.memory_space<vmem>>, vector<16xf32>,
      %max3A_548 = arith.constant 9.99999996E-13 : f32
      %max3A_549 = vector.broadcast %max3A_548 : f32 to vector<16xf32>
      %max3A_550 = arith.maximumf %masked_sort3A_511, %max3A_549 : vector<16xf32>
      %bitcast3A_551 = vector.bitcast %max3A_550 : vector<16xf32> to vector<16xi32>
      %broadcast_in_dim3A_552 = arith.constant 1597463007 : i32
      %broadcast_in_dim3A_553 = vector.broadcast %broadcast_in_dim3A_552 : i32 to vector<16xi32>
      %broadcast_in_dim3A_554 = arith.constant 1 : i32
      %broadcast_in_dim3A_555 = vector.broadcast %broadcast_in_dim3A_554 : i32 to vector<16xi32>
      %shift_right_logical3A_556 = arith.shrui %bitcast3A_551, %broadcast_in_dim3A_555 : vector<16xi32>
      %sub3A_557 = arith.subi %broadcast_in_dim3A_553, %shift_right_logical3A_556 : vector<16xi32>
      %bitcast3A_558 = vector.bitcast %sub3A_557 : vector<16xi32> to vector<16xf32>
      %mul3A_559 = arith.constant 5.000000e-01 : f32
      %mul3A_560 = vector.broadcast %mul3A_559 : f32 to vector<16xf32>
      %mul3A_561 = arith.mulf %mul3A_560, %max3A_550 : vector<16xf32>
      %mul3A_562 = arith.mulf %mul3A_561, %bitcast3A_558 : vector<16xf32>
      %mul3A_563 = arith.mulf %mul3A_562, %bitcast3A_558 : vector<16xf32>
      %sub3A_564 = arith.constant 1.500000e+00 : f32
      %sub3A_565 = vector.broadcast %sub3A_564 : f32 to vector<16xf32>
      %sub3A_566 = arith.subf %sub3A_565, %mul3A_563 : vector<16xf32>
      %mul3A_567 = arith.mulf %bitcast3A_558, %sub3A_566 : vector<16xf32>
      %mul3A_568 = arith.mulf %mul3A_561, %mul3A_567 : vector<16xf32>
      %mul3A_569 = arith.mulf %mul3A_568, %mul3A_567 : vector<16xf32>
      %sub3A_570 = arith.constant 1.500000e+00 : f32
      %sub3A_571 = vector.broadcast %sub3A_570 : f32 to vector<16xf32>
      %sub3A_572 = arith.subf %sub3A_571, %mul3A_569 : vector<16xf32>
      %mul3A_573 = arith.mulf %mul3A_567, %sub3A_572 : vector<16xf32>
      %mul3A_574 = arith.mulf %mul3A_561, %mul3A_573 : vector<16xf32>
      %mul3A_575 = arith.mulf %mul3A_574, %mul3A_573 : vector<16xf32>
      %sub3A_576 = arith.constant 1.500000e+00 : f32
      %sub3A_577 = vector.broadcast %sub3A_576 : f32 to vector<16xf32>
      %sub3A_578 = arith.subf %sub3A_577, %mul3A_575 : vector<16xf32>
      %mul3A_579 = arith.mulf %mul3A_573, %sub3A_578 : vector<16xf32>
      %mul3A_580 = arith.mulf %max3A_550, %mul3A_579 : vector<16xf32>
      %swap3A_581 = arith.constant 0 : i32
      %swap3A_582 = arith.index_cast %swap3A_581 : i32 to index
      %swap3A_583 = arith.constant 16 : index
      %swap3A_584 = tpu.vector_load %arg19[%swap3A_582, %swap3A_583] {strides = array<i32>} : memref<4x32xf32, #tpu.memory_space<vmem>>, vector<16xf32>,
      tpu.vector_store %arg19[%swap3A_582, %swap3A_583], %mul3A_580 {strides = array<i32>} : memref<4x32xf32, #tpu.memory_space<vmem>>, vector<16xf32>,
      %swap3A_585 = arith.constant 0 : i32
      %swap3A_586 = arith.index_cast %swap3A_585 : i32 to index
      %swap3A_587 = arith.constant 0 : index
      %swap3A_588 = tpu.vector_load %arg20[%swap3A_586, %swap3A_587] {strides = array<i32>} : memref<4x32xi32, #tpu.memory_space<vmem>>, vector<16xi32>,
      tpu.vector_store %arg20[%swap3A_586, %swap3A_587], %masked_sort3A_508 {strides = array<i32>} : memref<4x32xi32, #tpu.memory_space<vmem>>, vector<16xi32>,
      %swap3A_589 = arith.constant 0 : i32
      %swap3A_590 = arith.index_cast %swap3A_589 : i32 to index
      %swap3A_591 = arith.constant 16 : index
      %swap3A_592 = tpu.vector_load %arg20[%swap3A_590, %swap3A_591] {strides = array<i32>} : memref<4x32xi32, #tpu.memory_space<vmem>>, vector<16xi32>,
      tpu.vector_store %arg20[%swap3A_590, %swap3A_591], %masked_sort3A_512 {strides = array<i32>} : memref<4x32xi32, #tpu.memory_space<vmem>>, vector<16xi32>,
      %add3A_593 = arith.constant 1 : i32
      %add3A_594 = arith.addi %mul3A_25, %add3A_593 : i32
      %broadcast_in_dim3A_595 = vector.broadcast %add3A_594 : i32 to vector<16xi32>
      %get3A_596 = arith.constant 0 : index
      %get3A_597 = tpu.vector_load %arg16[%get3A_596] {strides = array<i32>} : memref<80xi32, #tpu.memory_space<vmem>>, vector<16xi32>,
      %gather3A_598 = tpu.vector_load_idx %arg11[%get3A_597] : memref<3472xf32, #tpu.memory_space<vmem>>[vector<16xi32>], vector<16xf32>,
      %eq3A_599 = arith.cmpi eq, %get3A_597, %broadcast_in_dim3A_595 : vector<16xi32>
      %select_n3A_600 = arith.select %eq3A_599, %broadcast_in_dim3A_1, %gather3A_598 : vector<16xi1>, vector<16xf32>
      %get3A_601 = arith.constant 16 : index
      %get3A_602 = tpu.vector_load %arg16[%get3A_601] {strides = array<i32>} : memref<80xi32, #tpu.memory_space<vmem>>, vector<16xi32>,
      %gather3A_603 = tpu.vector_load_idx %arg11[%get3A_602] : memref<3472xf32, #tpu.memory_space<vmem>>[vector<16xi32>], vector<16xf32>,
      %eq3A_604 = arith.cmpi eq, %get3A_602, %broadcast_in_dim3A_595 : vector<16xi32>
      %select_n3A_605 = arith.select %eq3A_604, %broadcast_in_dim3A_1, %gather3A_603 : vector<16xi1>, vector<16xf32>
      %get3A_606 = arith.constant 32 : index
      %get3A_607 = tpu.vector_load %arg16[%get3A_606] {strides = array<i32>} : memref<80xi32, #tpu.memory_space<vmem>>, vector<16xi32>,
      %gather3A_608 = tpu.vector_load_idx %arg11[%get3A_607] : memref<3472xf32, #tpu.memory_space<vmem>>[vector<16xi32>], vector<16xf32>,
      %eq3A_609 = arith.cmpi eq, %get3A_607, %broadcast_in_dim3A_595 : vector<16xi32>
      %select_n3A_610 = arith.select %eq3A_609, %broadcast_in_dim3A_1, %gather3A_608 : vector<16xi1>, vector<16xf32>
      %get3A_611 = arith.constant 48 : index
      %get3A_612 = tpu.vector_load %arg16[%get3A_611] {strides = array<i32>} : memref<80xi32, #tpu.memory_space<vmem>>, vector<16xi32>,
      %gather3A_613 = tpu.vector_load_idx %arg11[%get3A_612] : memref<3472xf32, #tpu.memory_space<vmem>>[vector<16xi32>], vector<16xf32>,
      %eq3A_614 = arith.cmpi eq, %get3A_612, %broadcast_in_dim3A_595 : vector<16xi32>
      %select_n3A_615 = arith.select %eq3A_614, %broadcast_in_dim3A_1, %gather3A_613 : vector<16xi1>, vector<16xf32>
      %get3A_616 = arith.constant 64 : index
      %get3A_617 = tpu.vector_load %arg16[%get3A_616] {strides = array<i32>} : memref<80xi32, #tpu.memory_space<vmem>>, vector<16xi32>,
      %gather3A_618 = tpu.vector_load_idx %arg11[%get3A_617] : memref<3472xf32, #tpu.memory_space<vmem>>[vector<16xi32>], vector<16xf32>,
      %eq3A_619 = arith.cmpi eq, %get3A_617, %broadcast_in_dim3A_595 : vector<16xi32>
      %select_n3A_620 = arith.select %eq3A_619, %broadcast_in_dim3A_1, %gather3A_618 : vector<16xi1>, vector<16xf32>
      %masked_sort3A_621 = arith.constant dense<true> : vector<16xi1>
      %masked_sort3A_622, %masked_sort3A_623, %masked_sort3A_624 = tpu.sort %select_n3A_600, %get3A_597 masked %masked_sort3A_621 : (vector<16xf32>, vector<16xi32>, vector<16xi1>) -> (vector<16xi1>, vector<16xf32>, vector<16xi32>)
      %masked_sort3A_625 = arith.constant dense<true> : vector<16xi1>
      %masked_sort3A_626, %masked_sort3A_627, %masked_sort3A_628 = tpu.sort %select_n3A_605, %get3A_602 masked %masked_sort3A_625 : (vector<16xf32>, vector<16xi32>, vector<16xi1>) -> (vector<16xi1>, vector<16xf32>, vector<16xi32>)
      %rev3A_629 = arith.constant 15 : i32
      %rev3A_630 = vector.broadcast %rev3A_629 : i32 to vector<16xi32>
      %rev3A_631 = tpu.iota {dimensions = array<i32: 0>} : vector<16xi32>
      %rev3A_632 = arith.subi %rev3A_630, %rev3A_631 : vector<16xi32>
      %rev3A_633 = tpu.dynamic_gather %masked_sort3A_627[%rev3A_632] in [0] : vector<16xf32>, vector<16xi32> -> vector<16xf32>
      %rev3A_634 = arith.constant 15 : i32
      %rev3A_635 = vector.broadcast %rev3A_634 : i32 to vector<16xi32>
      %rev3A_636 = tpu.iota {dimensions = array<i32: 0>} : vector<16xi32>
      %rev3A_637 = arith.subi %rev3A_635, %rev3A_636 : vector<16xi32>
      %rev3A_638 = tpu.dynamic_gather %masked_sort3A_628[%rev3A_637] in [0] : vector<16xi32>, vector<16xi32> -> vector<16xi32>
      %le3A_639 = arith.cmpf ole, %masked_sort3A_623, %rev3A_633 : vector<16xf32>
      %select_n3A_640 = arith.select %le3A_639, %masked_sort3A_623, %rev3A_633 : vector<16xi1>, vector<16xf32>
      %select_n3A_641 = arith.select %le3A_639, %masked_sort3A_624, %rev3A_638 : vector<16xi1>, vector<16xi32>
      %select_n3A_642 = arith.select %le3A_639, %rev3A_633, %masked_sort3A_623 : vector<16xi1>, vector<16xf32>
      %select_n3A_643 = arith.select %le3A_639, %rev3A_638, %masked_sort3A_624 : vector<16xi1>, vector<16xi32>
      %masked_sort3A_644 = arith.constant dense<true> : vector<16xi1>
      %masked_sort3A_645, %masked_sort3A_646, %masked_sort3A_647 = tpu.sort %select_n3A_640, %select_n3A_641 masked %masked_sort3A_644 : (vector<16xf32>, vector<16xi32>, vector<16xi1>) -> (vector<16xi1>, vector<16xf32>, vector<16xi32>)
      %masked_sort3A_648 = arith.constant dense<true> : vector<16xi1>
      %masked_sort3A_649, %masked_sort3A_650, %masked_sort3A_651 = tpu.sort %select_n3A_642, %select_n3A_643 masked %masked_sort3A_648 : (vector<16xf32>, vector<16xi32>, vector<16xi1>) -> (vector<16xi1>, vector<16xf32>, vector<16xi32>)
      %masked_sort3A_652 = arith.constant dense<true> : vector<16xi1>
      %masked_sort3A_653, %masked_sort3A_654, %masked_sort3A_655 = tpu.sort %select_n3A_610, %get3A_607 masked %masked_sort3A_652 : (vector<16xf32>, vector<16xi32>, vector<16xi1>) -> (vector<16xi1>, vector<16xf32>, vector<16xi32>)
      %rev3A_656 = arith.constant 15 : i32
      %rev3A_657 = vector.broadcast %rev3A_656 : i32 to vector<16xi32>
      %rev3A_658 = tpu.iota {dimensions = array<i32: 0>} : vector<16xi32>
      %rev3A_659 = arith.subi %rev3A_657, %rev3A_658 : vector<16xi32>
      %rev3A_660 = tpu.dynamic_gather %masked_sort3A_654[%rev3A_659] in [0] : vector<16xf32>, vector<16xi32> -> vector<16xf32>
      %rev3A_661 = arith.constant 15 : i32
      %rev3A_662 = vector.broadcast %rev3A_661 : i32 to vector<16xi32>
      %rev3A_663 = tpu.iota {dimensions = array<i32: 0>} : vector<16xi32>
      %rev3A_664 = arith.subi %rev3A_662, %rev3A_663 : vector<16xi32>
      %rev3A_665 = tpu.dynamic_gather %masked_sort3A_655[%rev3A_664] in [0] : vector<16xi32>, vector<16xi32> -> vector<16xi32>
      %le3A_666 = arith.cmpf ole, %masked_sort3A_650, %rev3A_660 : vector<16xf32>
      %select_n3A_667 = arith.select %le3A_666, %masked_sort3A_650, %rev3A_660 : vector<16xi1>, vector<16xf32>
      %select_n3A_668 = arith.select %le3A_666, %masked_sort3A_651, %rev3A_665 : vector<16xi1>, vector<16xi32>
      %masked_sort3A_669 = arith.constant dense<true> : vector<16xi1>
      %masked_sort3A_670, %masked_sort3A_671, %masked_sort3A_672 = tpu.sort %select_n3A_667, %select_n3A_668 masked %masked_sort3A_669 : (vector<16xf32>, vector<16xi32>, vector<16xi1>) -> (vector<16xi1>, vector<16xf32>, vector<16xi32>)
      %rev3A_673 = arith.constant 15 : i32
      %rev3A_674 = vector.broadcast %rev3A_673 : i32 to vector<16xi32>
      %rev3A_675 = tpu.iota {dimensions = array<i32: 0>} : vector<16xi32>
      %rev3A_676 = arith.subi %rev3A_674, %rev3A_675 : vector<16xi32>
      %rev3A_677 = tpu.dynamic_gather %masked_sort3A_671[%rev3A_676] in [0] : vector<16xf32>, vector<16xi32> -> vector<16xf32>
      %rev3A_678 = arith.constant 15 : i32
      %rev3A_679 = vector.broadcast %rev3A_678 : i32 to vector<16xi32>
      %rev3A_680 = tpu.iota {dimensions = array<i32: 0>} : vector<16xi32>
      %rev3A_681 = arith.subi %rev3A_679, %rev3A_680 : vector<16xi32>
      %rev3A_682 = tpu.dynamic_gather %masked_sort3A_672[%rev3A_681] in [0] : vector<16xi32>, vector<16xi32> -> vector<16xi32>
      %le3A_683 = arith.cmpf ole, %masked_sort3A_646, %rev3A_677 : vector<16xf32>
      %select_n3A_684 = arith.select %le3A_683, %masked_sort3A_646, %rev3A_677 : vector<16xi1>, vector<16xf32>
      %select_n3A_685 = arith.select %le3A_683, %masked_sort3A_647, %rev3A_682 : vector<16xi1>, vector<16xi32>
      %select_n3A_686 = arith.select %le3A_683, %rev3A_677, %masked_sort3A_646 : vector<16xi1>, vector<16xf32>
      %select_n3A_687 = arith.select %le3A_683, %rev3A_682, %masked_sort3A_647 : vector<16xi1>, vector<16xi32>
      %masked_sort3A_688 = arith.constant dense<true> : vector<16xi1>
      %masked_sort3A_689, %masked_sort3A_690, %masked_sort3A_691 = tpu.sort %select_n3A_684, %select_n3A_685 masked %masked_sort3A_688 : (vector<16xf32>, vector<16xi32>, vector<16xi1>) -> (vector<16xi1>, vector<16xf32>, vector<16xi32>)
      %masked_sort3A_692 = arith.constant dense<true> : vector<16xi1>
      %masked_sort3A_693, %masked_sort3A_694, %masked_sort3A_695 = tpu.sort %select_n3A_686, %select_n3A_687 masked %masked_sort3A_692 : (vector<16xf32>, vector<16xi32>, vector<16xi1>) -> (vector<16xi1>, vector<16xf32>, vector<16xi32>)
      %masked_sort3A_696 = arith.constant dense<true> : vector<16xi1>
      %masked_sort3A_697, %masked_sort3A_698, %masked_sort3A_699 = tpu.sort %select_n3A_615, %get3A_612 masked %masked_sort3A_696 : (vector<16xf32>, vector<16xi32>, vector<16xi1>) -> (vector<16xi1>, vector<16xf32>, vector<16xi32>)
      %rev3A_700 = arith.constant 15 : i32
      %rev3A_701 = vector.broadcast %rev3A_700 : i32 to vector<16xi32>
      %rev3A_702 = tpu.iota {dimensions = array<i32: 0>} : vector<16xi32>
      %rev3A_703 = arith.subi %rev3A_701, %rev3A_702 : vector<16xi32>
      %rev3A_704 = tpu.dynamic_gather %masked_sort3A_698[%rev3A_703] in [0] : vector<16xf32>, vector<16xi32> -> vector<16xf32>
      %rev3A_705 = arith.constant 15 : i32
      %rev3A_706 = vector.broadcast %rev3A_705 : i32 to vector<16xi32>
      %rev3A_707 = tpu.iota {dimensions = array<i32: 0>} : vector<16xi32>
      %rev3A_708 = arith.subi %rev3A_706, %rev3A_707 : vector<16xi32>
      %rev3A_709 = tpu.dynamic_gather %masked_sort3A_699[%rev3A_708] in [0] : vector<16xi32>, vector<16xi32> -> vector<16xi32>
      %le3A_710 = arith.cmpf ole, %masked_sort3A_694, %rev3A_704 : vector<16xf32>
      %select_n3A_711 = arith.select %le3A_710, %masked_sort3A_694, %rev3A_704 : vector<16xi1>, vector<16xf32>
      %select_n3A_712 = arith.select %le3A_710, %masked_sort3A_695, %rev3A_709 : vector<16xi1>, vector<16xi32>
      %masked_sort3A_713 = arith.constant dense<true> : vector<16xi1>
      %masked_sort3A_714, %masked_sort3A_715, %masked_sort3A_716 = tpu.sort %select_n3A_711, %select_n3A_712 masked %masked_sort3A_713 : (vector<16xf32>, vector<16xi32>, vector<16xi1>) -> (vector<16xi1>, vector<16xf32>, vector<16xi32>)
      %rev3A_717 = arith.constant 15 : i32
      %rev3A_718 = vector.broadcast %rev3A_717 : i32 to vector<16xi32>
      %rev3A_719 = tpu.iota {dimensions = array<i32: 0>} : vector<16xi32>
      %rev3A_720 = arith.subi %rev3A_718, %rev3A_719 : vector<16xi32>
      %rev3A_721 = tpu.dynamic_gather %masked_sort3A_715[%rev3A_720] in [0] : vector<16xf32>, vector<16xi32> -> vector<16xf32>
      %rev3A_722 = arith.constant 15 : i32
      %rev3A_723 = vector.broadcast %rev3A_722 : i32 to vector<16xi32>
      %rev3A_724 = tpu.iota {dimensions = array<i32: 0>} : vector<16xi32>
      %rev3A_725 = arith.subi %rev3A_723, %rev3A_724 : vector<16xi32>
      %rev3A_726 = tpu.dynamic_gather %masked_sort3A_716[%rev3A_725] in [0] : vector<16xi32>, vector<16xi32> -> vector<16xi32>
      %le3A_727 = arith.cmpf ole, %masked_sort3A_690, %rev3A_721 : vector<16xf32>
      %select_n3A_728 = arith.select %le3A_727, %masked_sort3A_690, %rev3A_721 : vector<16xi1>, vector<16xf32>
      %select_n3A_729 = arith.select %le3A_727, %masked_sort3A_691, %rev3A_726 : vector<16xi1>, vector<16xi32>
      %select_n3A_730 = arith.select %le3A_727, %rev3A_721, %masked_sort3A_690 : vector<16xi1>, vector<16xf32>
      %select_n3A_731 = arith.select %le3A_727, %rev3A_726, %masked_sort3A_691 : vector<16xi1>, vector<16xi32>
      %masked_sort3A_732 = arith.constant dense<true> : vector<16xi1>
      %masked_sort3A_733, %masked_sort3A_734, %masked_sort3A_735 = tpu.sort %select_n3A_728, %select_n3A_729 masked %masked_sort3A_732 : (vector<16xf32>, vector<16xi32>, vector<16xi1>) -> (vector<16xi1>, vector<16xf32>, vector<16xi32>)
      %masked_sort3A_736 = arith.constant dense<true> : vector<16xi1>
      %masked_sort3A_737, %masked_sort3A_738, %masked_sort3A_739 = tpu.sort %select_n3A_730, %select_n3A_731 masked %masked_sort3A_736 : (vector<16xf32>, vector<16xi32>, vector<16xi1>) -> (vector<16xi1>, vector<16xf32>, vector<16xi32>)
      %masked_sort3A_740 = arith.constant dense<true> : vector<16xi1>
      %masked_sort3A_741, %masked_sort3A_742, %masked_sort3A_743 = tpu.sort %select_n3A_620, %get3A_617 masked %masked_sort3A_740 : (vector<16xf32>, vector<16xi32>, vector<16xi1>) -> (vector<16xi1>, vector<16xf32>, vector<16xi32>)
      %rev3A_744 = arith.constant 15 : i32
      %rev3A_745 = vector.broadcast %rev3A_744 : i32 to vector<16xi32>
      %rev3A_746 = tpu.iota {dimensions = array<i32: 0>} : vector<16xi32>
      %rev3A_747 = arith.subi %rev3A_745, %rev3A_746 : vector<16xi32>
      %rev3A_748 = tpu.dynamic_gather %masked_sort3A_742[%rev3A_747] in [0] : vector<16xf32>, vector<16xi32> -> vector<16xf32>
      %rev3A_749 = arith.constant 15 : i32
      %rev3A_750 = vector.broadcast %rev3A_749 : i32 to vector<16xi32>
      %rev3A_751 = tpu.iota {dimensions = array<i32: 0>} : vector<16xi32>
      %rev3A_752 = arith.subi %rev3A_750, %rev3A_751 : vector<16xi32>
      %rev3A_753 = tpu.dynamic_gather %masked_sort3A_743[%rev3A_752] in [0] : vector<16xi32>, vector<16xi32> -> vector<16xi32>
      %le3A_754 = arith.cmpf ole, %masked_sort3A_738, %rev3A_748 : vector<16xf32>
      %select_n3A_755 = arith.select %le3A_754, %masked_sort3A_738, %rev3A_748 : vector<16xi1>, vector<16xf32>
      %select_n3A_756 = arith.select %le3A_754, %masked_sort3A_739, %rev3A_753 : vector<16xi1>, vector<16xi32>
      %masked_sort3A_757 = arith.constant dense<true> : vector<16xi1>
      %masked_sort3A_758, %masked_sort3A_759, %masked_sort3A_760 = tpu.sort %select_n3A_755, %select_n3A_756 masked %masked_sort3A_757 : (vector<16xf32>, vector<16xi32>, vector<16xi1>) -> (vector<16xi1>, vector<16xf32>, vector<16xi32>)
      %rev3A_761 = arith.constant 15 : i32
      %rev3A_762 = vector.broadcast %rev3A_761 : i32 to vector<16xi32>
      %rev3A_763 = tpu.iota {dimensions = array<i32: 0>} : vector<16xi32>
      %rev3A_764 = arith.subi %rev3A_762, %rev3A_763 : vector<16xi32>
      %rev3A_765 = tpu.dynamic_gather %masked_sort3A_759[%rev3A_764] in [0] : vector<16xf32>, vector<16xi32> -> vector<16xf32>
      %rev3A_766 = arith.constant 15 : i32
      %rev3A_767 = vector.broadcast %rev3A_766 : i32 to vector<16xi32>
      %rev3A_768 = tpu.iota {dimensions = array<i32: 0>} : vector<16xi32>
      %rev3A_769 = arith.subi %rev3A_767, %rev3A_768 : vector<16xi32>
      %rev3A_770 = tpu.dynamic_gather %masked_sort3A_760[%rev3A_769] in [0] : vector<16xi32>, vector<16xi32> -> vector<16xi32>
      %le3A_771 = arith.cmpf ole, %masked_sort3A_734, %rev3A_765 : vector<16xf32>
      %select_n3A_772 = arith.select %le3A_771, %masked_sort3A_734, %rev3A_765 : vector<16xi1>, vector<16xf32>
      %select_n3A_773 = arith.select %le3A_771, %masked_sort3A_735, %rev3A_770 : vector<16xi1>, vector<16xi32>
      %select_n3A_774 = arith.select %le3A_771, %rev3A_765, %masked_sort3A_734 : vector<16xi1>, vector<16xf32>
      %select_n3A_775 = arith.select %le3A_771, %rev3A_770, %masked_sort3A_735 : vector<16xi1>, vector<16xi32>
      %masked_sort3A_776 = arith.constant dense<true> : vector<16xi1>
      %masked_sort3A_777, %masked_sort3A_778, %masked_sort3A_779 = tpu.sort %select_n3A_772, %select_n3A_773 masked %masked_sort3A_776 : (vector<16xf32>, vector<16xi32>, vector<16xi1>) -> (vector<16xi1>, vector<16xf32>, vector<16xi32>)
      %masked_sort3A_780 = arith.constant dense<true> : vector<16xi1>
      %masked_sort3A_781, %masked_sort3A_782, %masked_sort3A_783 = tpu.sort %select_n3A_774, %select_n3A_775 masked %masked_sort3A_780 : (vector<16xf32>, vector<16xi32>, vector<16xi1>) -> (vector<16xi1>, vector<16xf32>, vector<16xi32>)
      %max3A_784 = arith.constant 9.99999996E-13 : f32
      %max3A_785 = vector.broadcast %max3A_784 : f32 to vector<16xf32>
      %max3A_786 = arith.maximumf %masked_sort3A_778, %max3A_785 : vector<16xf32>
      %bitcast3A_787 = vector.bitcast %max3A_786 : vector<16xf32> to vector<16xi32>
      %broadcast_in_dim3A_788 = arith.constant 1597463007 : i32
      %broadcast_in_dim3A_789 = vector.broadcast %broadcast_in_dim3A_788 : i32 to vector<16xi32>
      %broadcast_in_dim3A_790 = arith.constant 1 : i32
      %broadcast_in_dim3A_791 = vector.broadcast %broadcast_in_dim3A_790 : i32 to vector<16xi32>
      %shift_right_logical3A_792 = arith.shrui %bitcast3A_787, %broadcast_in_dim3A_791 : vector<16xi32>
      %sub3A_793 = arith.subi %broadcast_in_dim3A_789, %shift_right_logical3A_792 : vector<16xi32>
      %bitcast3A_794 = vector.bitcast %sub3A_793 : vector<16xi32> to vector<16xf32>
      %mul3A_795 = arith.constant 5.000000e-01 : f32
      %mul3A_796 = vector.broadcast %mul3A_795 : f32 to vector<16xf32>
      %mul3A_797 = arith.mulf %mul3A_796, %max3A_786 : vector<16xf32>
      %mul3A_798 = arith.mulf %mul3A_797, %bitcast3A_794 : vector<16xf32>
      %mul3A_799 = arith.mulf %mul3A_798, %bitcast3A_794 : vector<16xf32>
      %sub3A_800 = arith.constant 1.500000e+00 : f32
      %sub3A_801 = vector.broadcast %sub3A_800 : f32 to vector<16xf32>
      %sub3A_802 = arith.subf %sub3A_801, %mul3A_799 : vector<16xf32>
      %mul3A_803 = arith.mulf %bitcast3A_794, %sub3A_802 : vector<16xf32>
      %mul3A_804 = arith.mulf %mul3A_797, %mul3A_803 : vector<16xf32>
      %mul3A_805 = arith.mulf %mul3A_804, %mul3A_803 : vector<16xf32>
      %sub3A_806 = arith.constant 1.500000e+00 : f32
      %sub3A_807 = vector.broadcast %sub3A_806 : f32 to vector<16xf32>
      %sub3A_808 = arith.subf %sub3A_807, %mul3A_805 : vector<16xf32>
      %mul3A_809 = arith.mulf %mul3A_803, %sub3A_808 : vector<16xf32>
      %mul3A_810 = arith.mulf %mul3A_797, %mul3A_809 : vector<16xf32>
      %mul3A_811 = arith.mulf %mul3A_810, %mul3A_809 : vector<16xf32>
      %sub3A_812 = arith.constant 1.500000e+00 : f32
      %sub3A_813 = vector.broadcast %sub3A_812 : f32 to vector<16xf32>
      %sub3A_814 = arith.subf %sub3A_813, %mul3A_811 : vector<16xf32>
      %mul3A_815 = arith.mulf %mul3A_809, %sub3A_814 : vector<16xf32>
      %mul3A_816 = arith.mulf %max3A_786, %mul3A_815 : vector<16xf32>
      %swap3A_817 = arith.constant 1 : i32
      %swap3A_818 = arith.index_cast %swap3A_817 : i32 to index
      %swap3A_819 = arith.constant 0 : index
      %swap3A_820 = tpu.vector_load %arg19[%swap3A_818, %swap3A_819] {strides = array<i32>} : memref<4x32xf32, #tpu.memory_space<vmem>>, vector<16xf32>,
      tpu.vector_store %arg19[%swap3A_818, %swap3A_819], %mul3A_816 {strides = array<i32>} : memref<4x32xf32, #tpu.memory_space<vmem>>, vector<16xf32>,
      %max3A_821 = arith.constant 9.99999996E-13 : f32
      %max3A_822 = vector.broadcast %max3A_821 : f32 to vector<16xf32>
      %max3A_823 = arith.maximumf %masked_sort3A_782, %max3A_822 : vector<16xf32>
      %bitcast3A_824 = vector.bitcast %max3A_823 : vector<16xf32> to vector<16xi32>
      %broadcast_in_dim3A_825 = arith.constant 1597463007 : i32
      %broadcast_in_dim3A_826 = vector.broadcast %broadcast_in_dim3A_825 : i32 to vector<16xi32>
      %broadcast_in_dim3A_827 = arith.constant 1 : i32
      %broadcast_in_dim3A_828 = vector.broadcast %broadcast_in_dim3A_827 : i32 to vector<16xi32>
      %shift_right_logical3A_829 = arith.shrui %bitcast3A_824, %broadcast_in_dim3A_828 : vector<16xi32>
      %sub3A_830 = arith.subi %broadcast_in_dim3A_826, %shift_right_logical3A_829 : vector<16xi32>
      %bitcast3A_831 = vector.bitcast %sub3A_830 : vector<16xi32> to vector<16xf32>
      %mul3A_832 = arith.constant 5.000000e-01 : f32
      %mul3A_833 = vector.broadcast %mul3A_832 : f32 to vector<16xf32>
      %mul3A_834 = arith.mulf %mul3A_833, %max3A_823 : vector<16xf32>
      %mul3A_835 = arith.mulf %mul3A_834, %bitcast3A_831 : vector<16xf32>
      %mul3A_836 = arith.mulf %mul3A_835, %bitcast3A_831 : vector<16xf32>
      %sub3A_837 = arith.constant 1.500000e+00 : f32
      %sub3A_838 = vector.broadcast %sub3A_837 : f32 to vector<16xf32>
      %sub3A_839 = arith.subf %sub3A_838, %mul3A_836 : vector<16xf32>
      %mul3A_840 = arith.mulf %bitcast3A_831, %sub3A_839 : vector<16xf32>
      %mul3A_841 = arith.mulf %mul3A_834, %mul3A_840 : vector<16xf32>
      %mul3A_842 = arith.mulf %mul3A_841, %mul3A_840 : vector<16xf32>
      %sub3A_843 = arith.constant 1.500000e+00 : f32
      %sub3A_844 = vector.broadcast %sub3A_843 : f32 to vector<16xf32>
      %sub3A_845 = arith.subf %sub3A_844, %mul3A_842 : vector<16xf32>
      %mul3A_846 = arith.mulf %mul3A_840, %sub3A_845 : vector<16xf32>
      %mul3A_847 = arith.mulf %mul3A_834, %mul3A_846 : vector<16xf32>
      %mul3A_848 = arith.mulf %mul3A_847, %mul3A_846 : vector<16xf32>
      %sub3A_849 = arith.constant 1.500000e+00 : f32
      %sub3A_850 = vector.broadcast %sub3A_849 : f32 to vector<16xf32>
      %sub3A_851 = arith.subf %sub3A_850, %mul3A_848 : vector<16xf32>
      %mul3A_852 = arith.mulf %mul3A_846, %sub3A_851 : vector<16xf32>
      %mul3A_853 = arith.mulf %max3A_823, %mul3A_852 : vector<16xf32>
      %swap3A_854 = arith.constant 1 : i32
      %swap3A_855 = arith.index_cast %swap3A_854 : i32 to index
      %swap3A_856 = arith.constant 16 : index
      %swap3A_857 = tpu.vector_load %arg19[%swap3A_855, %swap3A_856] {strides = array<i32>} : memref<4x32xf32, #tpu.memory_space<vmem>>, vector<16xf32>,
      tpu.vector_store %arg19[%swap3A_855, %swap3A_856], %mul3A_853 {strides = array<i32>} : memref<4x32xf32, #tpu.memory_space<vmem>>, vector<16xf32>,
      %swap3A_858 = arith.constant 1 : i32
      %swap3A_859 = arith.index_cast %swap3A_858 : i32 to index
      %swap3A_860 = arith.constant 0 : index
      %swap3A_861 = tpu.vector_load %arg20[%swap3A_859, %swap3A_860] {strides = array<i32>} : memref<4x32xi32, #tpu.memory_space<vmem>>, vector<16xi32>,
      tpu.vector_store %arg20[%swap3A_859, %swap3A_860], %masked_sort3A_779 {strides = array<i32>} : memref<4x32xi32, #tpu.memory_space<vmem>>, vector<16xi32>,
      %swap3A_862 = arith.constant 1 : i32
      %swap3A_863 = arith.index_cast %swap3A_862 : i32 to index
      %swap3A_864 = arith.constant 16 : index
      %swap3A_865 = tpu.vector_load %arg20[%swap3A_863, %swap3A_864] {strides = array<i32>} : memref<4x32xi32, #tpu.memory_space<vmem>>, vector<16xi32>,
      tpu.vector_store %arg20[%swap3A_863, %swap3A_864], %masked_sort3A_783 {strides = array<i32>} : memref<4x32xi32, #tpu.memory_space<vmem>>, vector<16xi32>,
      %add3A_866 = arith.constant 2 : i32
      %add3A_867 = arith.addi %mul3A_25, %add3A_866 : i32
      %broadcast_in_dim3A_868 = vector.broadcast %add3A_867 : i32 to vector<16xi32>
      %get3A_869 = arith.constant 0 : index
      %get3A_870 = tpu.vector_load %arg17[%get3A_869] {strides = array<i32>} : memref<80xi32, #tpu.memory_space<vmem>>, vector<16xi32>,
      %gather3A_871 = tpu.vector_load_idx %arg12[%get3A_870] : memref<3472xf32, #tpu.memory_space<vmem>>[vector<16xi32>], vector<16xf32>,
      %eq3A_872 = arith.cmpi eq, %get3A_870, %broadcast_in_dim3A_868 : vector<16xi32>
      %select_n3A_873 = arith.select %eq3A_872, %broadcast_in_dim3A_1, %gather3A_871 : vector<16xi1>, vector<16xf32>
      %get3A_874 = arith.constant 16 : index
      %get3A_875 = tpu.vector_load %arg17[%get3A_874] {strides = array<i32>} : memref<80xi32, #tpu.memory_space<vmem>>, vector<16xi32>,
      %gather3A_876 = tpu.vector_load_idx %arg12[%get3A_875] : memref<3472xf32, #tpu.memory_space<vmem>>[vector<16xi32>], vector<16xf32>,
      %eq3A_877 = arith.cmpi eq, %get3A_875, %broadcast_in_dim3A_868 : vector<16xi32>
      %select_n3A_878 = arith.select %eq3A_877, %broadcast_in_dim3A_1, %gather3A_876 : vector<16xi1>, vector<16xf32>
      %get3A_879 = arith.constant 32 : index
      %get3A_880 = tpu.vector_load %arg17[%get3A_879] {strides = array<i32>} : memref<80xi32, #tpu.memory_space<vmem>>, vector<16xi32>,
      %gather3A_881 = tpu.vector_load_idx %arg12[%get3A_880] : memref<3472xf32, #tpu.memory_space<vmem>>[vector<16xi32>], vector<16xf32>,
      %eq3A_882 = arith.cmpi eq, %get3A_880, %broadcast_in_dim3A_868 : vector<16xi32>
      %select_n3A_883 = arith.select %eq3A_882, %broadcast_in_dim3A_1, %gather3A_881 : vector<16xi1>, vector<16xf32>
      %get3A_884 = arith.constant 48 : index
      %get3A_885 = tpu.vector_load %arg17[%get3A_884] {strides = array<i32>} : memref<80xi32, #tpu.memory_space<vmem>>, vector<16xi32>,
      %gather3A_886 = tpu.vector_load_idx %arg12[%get3A_885] : memref<3472xf32, #tpu.memory_space<vmem>>[vector<16xi32>], vector<16xf32>,
      %eq3A_887 = arith.cmpi eq, %get3A_885, %broadcast_in_dim3A_868 : vector<16xi32>
      %select_n3A_888 = arith.select %eq3A_887, %broadcast_in_dim3A_1, %gather3A_886 : vector<16xi1>, vector<16xf32>
      %get3A_889 = arith.constant 64 : index
      %get3A_890 = tpu.vector_load %arg17[%get3A_889] {strides = array<i32>} : memref<80xi32, #tpu.memory_space<vmem>>, vector<16xi32>,
      %gather3A_891 = tpu.vector_load_idx %arg12[%get3A_890] : memref<3472xf32, #tpu.memory_space<vmem>>[vector<16xi32>], vector<16xf32>,
      %eq3A_892 = arith.cmpi eq, %get3A_890, %broadcast_in_dim3A_868 : vector<16xi32>
      %select_n3A_893 = arith.select %eq3A_892, %broadcast_in_dim3A_1, %gather3A_891 : vector<16xi1>, vector<16xf32>
      %masked_sort3A_894 = arith.constant dense<true> : vector<16xi1>
      %masked_sort3A_895, %masked_sort3A_896, %masked_sort3A_897 = tpu.sort %select_n3A_873, %get3A_870 masked %masked_sort3A_894 : (vector<16xf32>, vector<16xi32>, vector<16xi1>) -> (vector<16xi1>, vector<16xf32>, vector<16xi32>)
      %masked_sort3A_898 = arith.constant dense<true> : vector<16xi1>
      %masked_sort3A_899, %masked_sort3A_900, %masked_sort3A_901 = tpu.sort %select_n3A_878, %get3A_875 masked %masked_sort3A_898 : (vector<16xf32>, vector<16xi32>, vector<16xi1>) -> (vector<16xi1>, vector<16xf32>, vector<16xi32>)
      %rev3A_902 = arith.constant 15 : i32
      %rev3A_903 = vector.broadcast %rev3A_902 : i32 to vector<16xi32>
      %rev3A_904 = tpu.iota {dimensions = array<i32: 0>} : vector<16xi32>
      %rev3A_905 = arith.subi %rev3A_903, %rev3A_904 : vector<16xi32>
      %rev3A_906 = tpu.dynamic_gather %masked_sort3A_900[%rev3A_905] in [0] : vector<16xf32>, vector<16xi32> -> vector<16xf32>
      %rev3A_907 = arith.constant 15 : i32
      %rev3A_908 = vector.broadcast %rev3A_907 : i32 to vector<16xi32>
      %rev3A_909 = tpu.iota {dimensions = array<i32: 0>} : vector<16xi32>
      %rev3A_910 = arith.subi %rev3A_908, %rev3A_909 : vector<16xi32>
      %rev3A_911 = tpu.dynamic_gather %masked_sort3A_901[%rev3A_910] in [0] : vector<16xi32>, vector<16xi32> -> vector<16xi32>
      %le3A_912 = arith.cmpf ole, %masked_sort3A_896, %rev3A_906 : vector<16xf32>
      %select_n3A_913 = arith.select %le3A_912, %masked_sort3A_896, %rev3A_906 : vector<16xi1>, vector<16xf32>
      %select_n3A_914 = arith.select %le3A_912, %masked_sort3A_897, %rev3A_911 : vector<16xi1>, vector<16xi32>
      %select_n3A_915 = arith.select %le3A_912, %rev3A_906, %masked_sort3A_896 : vector<16xi1>, vector<16xf32>
      %select_n3A_916 = arith.select %le3A_912, %rev3A_911, %masked_sort3A_897 : vector<16xi1>, vector<16xi32>
      %masked_sort3A_917 = arith.constant dense<true> : vector<16xi1>
      %masked_sort3A_918, %masked_sort3A_919, %masked_sort3A_920 = tpu.sort %select_n3A_913, %select_n3A_914 masked %masked_sort3A_917 : (vector<16xf32>, vector<16xi32>, vector<16xi1>) -> (vector<16xi1>, vector<16xf32>, vector<16xi32>)
      %masked_sort3A_921 = arith.constant dense<true> : vector<16xi1>
      %masked_sort3A_922, %masked_sort3A_923, %masked_sort3A_924 = tpu.sort %select_n3A_915, %select_n3A_916 masked %masked_sort3A_921 : (vector<16xf32>, vector<16xi32>, vector<16xi1>) -> (vector<16xi1>, vector<16xf32>, vector<16xi32>)
      %masked_sort3A_925 = arith.constant dense<true> : vector<16xi1>
      %masked_sort3A_926, %masked_sort3A_927, %masked_sort3A_928 = tpu.sort %select_n3A_883, %get3A_880 masked %masked_sort3A_925 : (vector<16xf32>, vector<16xi32>, vector<16xi1>) -> (vector<16xi1>, vector<16xf32>, vector<16xi32>)
      %rev3A_929 = arith.constant 15 : i32
      %rev3A_930 = vector.broadcast %rev3A_929 : i32 to vector<16xi32>
      %rev3A_931 = tpu.iota {dimensions = array<i32: 0>} : vector<16xi32>
      %rev3A_932 = arith.subi %rev3A_930, %rev3A_931 : vector<16xi32>
      %rev3A_933 = tpu.dynamic_gather %masked_sort3A_927[%rev3A_932] in [0] : vector<16xf32>, vector<16xi32> -> vector<16xf32>
      %rev3A_934 = arith.constant 15 : i32
      %rev3A_935 = vector.broadcast %rev3A_934 : i32 to vector<16xi32>
      %rev3A_936 = tpu.iota {dimensions = array<i32: 0>} : vector<16xi32>
      %rev3A_937 = arith.subi %rev3A_935, %rev3A_936 : vector<16xi32>
      %rev3A_938 = tpu.dynamic_gather %masked_sort3A_928[%rev3A_937] in [0] : vector<16xi32>, vector<16xi32> -> vector<16xi32>
      %le3A_939 = arith.cmpf ole, %masked_sort3A_923, %rev3A_933 : vector<16xf32>
      %select_n3A_940 = arith.select %le3A_939, %masked_sort3A_923, %rev3A_933 : vector<16xi1>, vector<16xf32>
      %select_n3A_941 = arith.select %le3A_939, %masked_sort3A_924, %rev3A_938 : vector<16xi1>, vector<16xi32>
      %masked_sort3A_942 = arith.constant dense<true> : vector<16xi1>
      %masked_sort3A_943, %masked_sort3A_944, %masked_sort3A_945 = tpu.sort %select_n3A_940, %select_n3A_941 masked %masked_sort3A_942 : (vector<16xf32>, vector<16xi32>, vector<16xi1>) -> (vector<16xi1>, vector<16xf32>, vector<16xi32>)
      %rev3A_946 = arith.constant 15 : i32
      %rev3A_947 = vector.broadcast %rev3A_946 : i32 to vector<16xi32>
      %rev3A_948 = tpu.iota {dimensions = array<i32: 0>} : vector<16xi32>
      %rev3A_949 = arith.subi %rev3A_947, %rev3A_948 : vector<16xi32>
      %rev3A_950 = tpu.dynamic_gather %masked_sort3A_944[%rev3A_949] in [0] : vector<16xf32>, vector<16xi32> -> vector<16xf32>
      %rev3A_951 = arith.constant 15 : i32
      %rev3A_952 = vector.broadcast %rev3A_951 : i32 to vector<16xi32>
      %rev3A_953 = tpu.iota {dimensions = array<i32: 0>} : vector<16xi32>
      %rev3A_954 = arith.subi %rev3A_952, %rev3A_953 : vector<16xi32>
      %rev3A_955 = tpu.dynamic_gather %masked_sort3A_945[%rev3A_954] in [0] : vector<16xi32>, vector<16xi32> -> vector<16xi32>
      %le3A_956 = arith.cmpf ole, %masked_sort3A_919, %rev3A_950 : vector<16xf32>
      %select_n3A_957 = arith.select %le3A_956, %masked_sort3A_919, %rev3A_950 : vector<16xi1>, vector<16xf32>
      %select_n3A_958 = arith.select %le3A_956, %masked_sort3A_920, %rev3A_955 : vector<16xi1>, vector<16xi32>
      %select_n3A_959 = arith.select %le3A_956, %rev3A_950, %masked_sort3A_919 : vector<16xi1>, vector<16xf32>
      %select_n3A_960 = arith.select %le3A_956, %rev3A_955, %masked_sort3A_920 : vector<16xi1>, vector<16xi32>
      %masked_sort3A_961 = arith.constant dense<true> : vector<16xi1>
      %masked_sort3A_962, %masked_sort3A_963, %masked_sort3A_964 = tpu.sort %select_n3A_957, %select_n3A_958 masked %masked_sort3A_961 : (vector<16xf32>, vector<16xi32>, vector<16xi1>) -> (vector<16xi1>, vector<16xf32>, vector<16xi32>)
      %masked_sort3A_965 = arith.constant dense<true> : vector<16xi1>
      %masked_sort3A_966, %masked_sort3A_967, %masked_sort3A_968 = tpu.sort %select_n3A_959, %select_n3A_960 masked %masked_sort3A_965 : (vector<16xf32>, vector<16xi32>, vector<16xi1>) -> (vector<16xi1>, vector<16xf32>, vector<16xi32>)
      %masked_sort3A_969 = arith.constant dense<true> : vector<16xi1>
      %masked_sort3A_970, %masked_sort3A_971, %masked_sort3A_972 = tpu.sort %select_n3A_888, %get3A_885 masked %masked_sort3A_969 : (vector<16xf32>, vector<16xi32>, vector<16xi1>) -> (vector<16xi1>, vector<16xf32>, vector<16xi32>)
      %rev3A_973 = arith.constant 15 : i32
      %rev3A_974 = vector.broadcast %rev3A_973 : i32 to vector<16xi32>
      %rev3A_975 = tpu.iota {dimensions = array<i32: 0>} : vector<16xi32>
      %rev3A_976 = arith.subi %rev3A_974, %rev3A_975 : vector<16xi32>
      %rev3A_977 = tpu.dynamic_gather %masked_sort3A_971[%rev3A_976] in [0] : vector<16xf32>, vector<16xi32> -> vector<16xf32>
      %rev3A_978 = arith.constant 15 : i32
      %rev3A_979 = vector.broadcast %rev3A_978 : i32 to vector<16xi32>
      %rev3A_980 = tpu.iota {dimensions = array<i32: 0>} : vector<16xi32>
      %rev3A_981 = arith.subi %rev3A_979, %rev3A_980 : vector<16xi32>
      %rev3A_982 = tpu.dynamic_gather %masked_sort3A_972[%rev3A_981] in [0] : vector<16xi32>, vector<16xi32> -> vector<16xi32>
      %le3A_983 = arith.cmpf ole, %masked_sort3A_967, %rev3A_977 : vector<16xf32>
      %select_n3A_984 = arith.select %le3A_983, %masked_sort3A_967, %rev3A_977 : vector<16xi1>, vector<16xf32>
      %select_n3A_985 = arith.select %le3A_983, %masked_sort3A_968, %rev3A_982 : vector<16xi1>, vector<16xi32>
      %masked_sort3A_986 = arith.constant dense<true> : vector<16xi1>
      %masked_sort3A_987, %masked_sort3A_988, %masked_sort3A_989 = tpu.sort %select_n3A_984, %select_n3A_985 masked %masked_sort3A_986 : (vector<16xf32>, vector<16xi32>, vector<16xi1>) -> (vector<16xi1>, vector<16xf32>, vector<16xi32>)
      %rev3A_990 = arith.constant 15 : i32
      %rev3A_991 = vector.broadcast %rev3A_990 : i32 to vector<16xi32>
      %rev3A_992 = tpu.iota {dimensions = array<i32: 0>} : vector<16xi32>
      %rev3A_993 = arith.subi %rev3A_991, %rev3A_992 : vector<16xi32>
      %rev3A_994 = tpu.dynamic_gather %masked_sort3A_988[%rev3A_993] in [0] : vector<16xf32>, vector<16xi32> -> vector<16xf32>
      %rev3A_995 = arith.constant 15 : i32
      %rev3A_996 = vector.broadcast %rev3A_995 : i32 to vector<16xi32>
      %rev3A_997 = tpu.iota {dimensions = array<i32: 0>} : vector<16xi32>
      %rev3A_998 = arith.subi %rev3A_996, %rev3A_997 : vector<16xi32>
      %rev3A_999 = tpu.dynamic_gather %masked_sort3A_989[%rev3A_998] in [0] : vector<16xi32>, vector<16xi32> -> vector<16xi32>
      %le3A_1000 = arith.cmpf ole, %masked_sort3A_963, %rev3A_994 : vector<16xf32>
      %select_n3A_1001 = arith.select %le3A_1000, %masked_sort3A_963, %rev3A_994 : vector<16xi1>, vector<16xf32>
      %select_n3A_1002 = arith.select %le3A_1000, %masked_sort3A_964, %rev3A_999 : vector<16xi1>, vector<16xi32>
      %select_n3A_1003 = arith.select %le3A_1000, %rev3A_994, %masked_sort3A_963 : vector<16xi1>, vector<16xf32>
      %select_n3A_1004 = arith.select %le3A_1000, %rev3A_999, %masked_sort3A_964 : vector<16xi1>, vector<16xi32>
      %masked_sort3A_1005 = arith.constant dense<true> : vector<16xi1>
      %masked_sort3A_1006, %masked_sort3A_1007, %masked_sort3A_1008 = tpu.sort %select_n3A_1001, %select_n3A_1002 masked %masked_sort3A_1005 : (vector<16xf32>, vector<16xi32>, vector<16xi1>) -> (vector<16xi1>, vector<16xf32>, vector<16xi32>)
      %masked_sort3A_1009 = arith.constant dense<true> : vector<16xi1>
      %masked_sort3A_1010, %masked_sort3A_1011, %masked_sort3A_1012 = tpu.sort %select_n3A_1003, %select_n3A_1004 masked %masked_sort3A_1009 : (vector<16xf32>, vector<16xi32>, vector<16xi1>) -> (vector<16xi1>, vector<16xf32>, vector<16xi32>)
      %masked_sort3A_1013 = arith.constant dense<true> : vector<16xi1>
      %masked_sort3A_1014, %masked_sort3A_1015, %masked_sort3A_1016 = tpu.sort %select_n3A_893, %get3A_890 masked %masked_sort3A_1013 : (vector<16xf32>, vector<16xi32>, vector<16xi1>) -> (vector<16xi1>, vector<16xf32>, vector<16xi32>)
      %rev3A_1017 = arith.constant 15 : i32
      %rev3A_1018 = vector.broadcast %rev3A_1017 : i32 to vector<16xi32>
      %rev3A_1019 = tpu.iota {dimensions = array<i32: 0>} : vector<16xi32>
      %rev3A_1020 = arith.subi %rev3A_1018, %rev3A_1019 : vector<16xi32>
      %rev3A_1021 = tpu.dynamic_gather %masked_sort3A_1015[%rev3A_1020] in [0] : vector<16xf32>, vector<16xi32> -> vector<16xf32>
      %rev3A_1022 = arith.constant 15 : i32
      %rev3A_1023 = vector.broadcast %rev3A_1022 : i32 to vector<16xi32>
      %rev3A_1024 = tpu.iota {dimensions = array<i32: 0>} : vector<16xi32>
      %rev3A_1025 = arith.subi %rev3A_1023, %rev3A_1024 : vector<16xi32>
      %rev3A_1026 = tpu.dynamic_gather %masked_sort3A_1016[%rev3A_1025] in [0] : vector<16xi32>, vector<16xi32> -> vector<16xi32>
      %le3A_1027 = arith.cmpf ole, %masked_sort3A_1011, %rev3A_1021 : vector<16xf32>
      %select_n3A_1028 = arith.select %le3A_1027, %masked_sort3A_1011, %rev3A_1021 : vector<16xi1>, vector<16xf32>
      %select_n3A_1029 = arith.select %le3A_1027, %masked_sort3A_1012, %rev3A_1026 : vector<16xi1>, vector<16xi32>
      %masked_sort3A_1030 = arith.constant dense<true> : vector<16xi1>
      %masked_sort3A_1031, %masked_sort3A_1032, %masked_sort3A_1033 = tpu.sort %select_n3A_1028, %select_n3A_1029 masked %masked_sort3A_1030 : (vector<16xf32>, vector<16xi32>, vector<16xi1>) -> (vector<16xi1>, vector<16xf32>, vector<16xi32>)
      %rev3A_1034 = arith.constant 15 : i32
      %rev3A_1035 = vector.broadcast %rev3A_1034 : i32 to vector<16xi32>
      %rev3A_1036 = tpu.iota {dimensions = array<i32: 0>} : vector<16xi32>
      %rev3A_1037 = arith.subi %rev3A_1035, %rev3A_1036 : vector<16xi32>
      %rev3A_1038 = tpu.dynamic_gather %masked_sort3A_1032[%rev3A_1037] in [0] : vector<16xf32>, vector<16xi32> -> vector<16xf32>
      %rev3A_1039 = arith.constant 15 : i32
      %rev3A_1040 = vector.broadcast %rev3A_1039 : i32 to vector<16xi32>
      %rev3A_1041 = tpu.iota {dimensions = array<i32: 0>} : vector<16xi32>
      %rev3A_1042 = arith.subi %rev3A_1040, %rev3A_1041 : vector<16xi32>
      %rev3A_1043 = tpu.dynamic_gather %masked_sort3A_1033[%rev3A_1042] in [0] : vector<16xi32>, vector<16xi32> -> vector<16xi32>
      %le3A_1044 = arith.cmpf ole, %masked_sort3A_1007, %rev3A_1038 : vector<16xf32>
      %select_n3A_1045 = arith.select %le3A_1044, %masked_sort3A_1007, %rev3A_1038 : vector<16xi1>, vector<16xf32>
      %select_n3A_1046 = arith.select %le3A_1044, %masked_sort3A_1008, %rev3A_1043 : vector<16xi1>, vector<16xi32>
      %select_n3A_1047 = arith.select %le3A_1044, %rev3A_1038, %masked_sort3A_1007 : vector<16xi1>, vector<16xf32>
      %select_n3A_1048 = arith.select %le3A_1044, %rev3A_1043, %masked_sort3A_1008 : vector<16xi1>, vector<16xi32>
      %masked_sort3A_1049 = arith.constant dense<true> : vector<16xi1>
      %masked_sort3A_1050, %masked_sort3A_1051, %masked_sort3A_1052 = tpu.sort %select_n3A_1045, %select_n3A_1046 masked %masked_sort3A_1049 : (vector<16xf32>, vector<16xi32>, vector<16xi1>) -> (vector<16xi1>, vector<16xf32>, vector<16xi32>)
      %masked_sort3A_1053 = arith.constant dense<true> : vector<16xi1>
      %masked_sort3A_1054, %masked_sort3A_1055, %masked_sort3A_1056 = tpu.sort %select_n3A_1047, %select_n3A_1048 masked %masked_sort3A_1053 : (vector<16xf32>, vector<16xi32>, vector<16xi1>) -> (vector<16xi1>, vector<16xf32>, vector<16xi32>)
      %max3A_1057 = arith.constant 9.99999996E-13 : f32
      %max3A_1058 = vector.broadcast %max3A_1057 : f32 to vector<16xf32>
      %max3A_1059 = arith.maximumf %masked_sort3A_1051, %max3A_1058 : vector<16xf32>
      %bitcast3A_1060 = vector.bitcast %max3A_1059 : vector<16xf32> to vector<16xi32>
      %broadcast_in_dim3A_1061 = arith.constant 1597463007 : i32
      %broadcast_in_dim3A_1062 = vector.broadcast %broadcast_in_dim3A_1061 : i32 to vector<16xi32>
      %broadcast_in_dim3A_1063 = arith.constant 1 : i32
      %broadcast_in_dim3A_1064 = vector.broadcast %broadcast_in_dim3A_1063 : i32 to vector<16xi32>
      %shift_right_logical3A_1065 = arith.shrui %bitcast3A_1060, %broadcast_in_dim3A_1064 : vector<16xi32>
      %sub3A_1066 = arith.subi %broadcast_in_dim3A_1062, %shift_right_logical3A_1065 : vector<16xi32>
      %bitcast3A_1067 = vector.bitcast %sub3A_1066 : vector<16xi32> to vector<16xf32>
      %mul3A_1068 = arith.constant 5.000000e-01 : f32
      %mul3A_1069 = vector.broadcast %mul3A_1068 : f32 to vector<16xf32>
      %mul3A_1070 = arith.mulf %mul3A_1069, %max3A_1059 : vector<16xf32>
      %mul3A_1071 = arith.mulf %mul3A_1070, %bitcast3A_1067 : vector<16xf32>
      %mul3A_1072 = arith.mulf %mul3A_1071, %bitcast3A_1067 : vector<16xf32>
      %sub3A_1073 = arith.constant 1.500000e+00 : f32
      %sub3A_1074 = vector.broadcast %sub3A_1073 : f32 to vector<16xf32>
      %sub3A_1075 = arith.subf %sub3A_1074, %mul3A_1072 : vector<16xf32>
      %mul3A_1076 = arith.mulf %bitcast3A_1067, %sub3A_1075 : vector<16xf32>
      %mul3A_1077 = arith.mulf %mul3A_1070, %mul3A_1076 : vector<16xf32>
      %mul3A_1078 = arith.mulf %mul3A_1077, %mul3A_1076 : vector<16xf32>
      %sub3A_1079 = arith.constant 1.500000e+00 : f32
      %sub3A_1080 = vector.broadcast %sub3A_1079 : f32 to vector<16xf32>
      %sub3A_1081 = arith.subf %sub3A_1080, %mul3A_1078 : vector<16xf32>
      %mul3A_1082 = arith.mulf %mul3A_1076, %sub3A_1081 : vector<16xf32>
      %mul3A_1083 = arith.mulf %mul3A_1070, %mul3A_1082 : vector<16xf32>
      %mul3A_1084 = arith.mulf %mul3A_1083, %mul3A_1082 : vector<16xf32>
      %sub3A_1085 = arith.constant 1.500000e+00 : f32
      %sub3A_1086 = vector.broadcast %sub3A_1085 : f32 to vector<16xf32>
      %sub3A_1087 = arith.subf %sub3A_1086, %mul3A_1084 : vector<16xf32>
      %mul3A_1088 = arith.mulf %mul3A_1082, %sub3A_1087 : vector<16xf32>
      %mul3A_1089 = arith.mulf %max3A_1059, %mul3A_1088 : vector<16xf32>
      %swap3A_1090 = arith.constant 2 : i32
      %swap3A_1091 = arith.index_cast %swap3A_1090 : i32 to index
      %swap3A_1092 = arith.constant 0 : index
      %swap3A_1093 = tpu.vector_load %arg19[%swap3A_1091, %swap3A_1092] {strides = array<i32>} : memref<4x32xf32, #tpu.memory_space<vmem>>, vector<16xf32>,
      tpu.vector_store %arg19[%swap3A_1091, %swap3A_1092], %mul3A_1089 {strides = array<i32>} : memref<4x32xf32, #tpu.memory_space<vmem>>, vector<16xf32>,
      %max3A_1094 = arith.constant 9.99999996E-13 : f32
      %max3A_1095 = vector.broadcast %max3A_1094 : f32 to vector<16xf32>
      %max3A_1096 = arith.maximumf %masked_sort3A_1055, %max3A_1095 : vector<16xf32>
      %bitcast3A_1097 = vector.bitcast %max3A_1096 : vector<16xf32> to vector<16xi32>
      %broadcast_in_dim3A_1098 = arith.constant 1597463007 : i32
      %broadcast_in_dim3A_1099 = vector.broadcast %broadcast_in_dim3A_1098 : i32 to vector<16xi32>
      %broadcast_in_dim3A_1100 = arith.constant 1 : i32
      %broadcast_in_dim3A_1101 = vector.broadcast %broadcast_in_dim3A_1100 : i32 to vector<16xi32>
      %shift_right_logical3A_1102 = arith.shrui %bitcast3A_1097, %broadcast_in_dim3A_1101 : vector<16xi32>
      %sub3A_1103 = arith.subi %broadcast_in_dim3A_1099, %shift_right_logical3A_1102 : vector<16xi32>
      %bitcast3A_1104 = vector.bitcast %sub3A_1103 : vector<16xi32> to vector<16xf32>
      %mul3A_1105 = arith.constant 5.000000e-01 : f32
      %mul3A_1106 = vector.broadcast %mul3A_1105 : f32 to vector<16xf32>
      %mul3A_1107 = arith.mulf %mul3A_1106, %max3A_1096 : vector<16xf32>
      %mul3A_1108 = arith.mulf %mul3A_1107, %bitcast3A_1104 : vector<16xf32>
      %mul3A_1109 = arith.mulf %mul3A_1108, %bitcast3A_1104 : vector<16xf32>
      %sub3A_1110 = arith.constant 1.500000e+00 : f32
      %sub3A_1111 = vector.broadcast %sub3A_1110 : f32 to vector<16xf32>
      %sub3A_1112 = arith.subf %sub3A_1111, %mul3A_1109 : vector<16xf32>
      %mul3A_1113 = arith.mulf %bitcast3A_1104, %sub3A_1112 : vector<16xf32>
      %mul3A_1114 = arith.mulf %mul3A_1107, %mul3A_1113 : vector<16xf32>
      %mul3A_1115 = arith.mulf %mul3A_1114, %mul3A_1113 : vector<16xf32>
      %sub3A_1116 = arith.constant 1.500000e+00 : f32
      %sub3A_1117 = vector.broadcast %sub3A_1116 : f32 to vector<16xf32>
      %sub3A_1118 = arith.subf %sub3A_1117, %mul3A_1115 : vector<16xf32>
      %mul3A_1119 = arith.mulf %mul3A_1113, %sub3A_1118 : vector<16xf32>
      %mul3A_1120 = arith.mulf %mul3A_1107, %mul3A_1119 : vector<16xf32>
      %mul3A_1121 = arith.mulf %mul3A_1120, %mul3A_1119 : vector<16xf32>
      %sub3A_1122 = arith.constant 1.500000e+00 : f32
      %sub3A_1123 = vector.broadcast %sub3A_1122 : f32 to vector<16xf32>
      %sub3A_1124 = arith.subf %sub3A_1123, %mul3A_1121 : vector<16xf32>
      %mul3A_1125 = arith.mulf %mul3A_1119, %sub3A_1124 : vector<16xf32>
      %mul3A_1126 = arith.mulf %max3A_1096, %mul3A_1125 : vector<16xf32>
      %swap3A_1127 = arith.constant 2 : i32
      %swap3A_1128 = arith.index_cast %swap3A_1127 : i32 to index
      %swap3A_1129 = arith.constant 16 : index
      %swap3A_1130 = tpu.vector_load %arg19[%swap3A_1128, %swap3A_1129] {strides = array<i32>} : memref<4x32xf32, #tpu.memory_space<vmem>>, vector<16xf32>,
      tpu.vector_store %arg19[%swap3A_1128, %swap3A_1129], %mul3A_1126 {strides = array<i32>} : memref<4x32xf32, #tpu.memory_space<vmem>>, vector<16xf32>,
      %swap3A_1131 = arith.constant 2 : i32
      %swap3A_1132 = arith.index_cast %swap3A_1131 : i32 to index
      %swap3A_1133 = arith.constant 0 : index
      %swap3A_1134 = tpu.vector_load %arg20[%swap3A_1132, %swap3A_1133] {strides = array<i32>} : memref<4x32xi32, #tpu.memory_space<vmem>>, vector<16xi32>,
      tpu.vector_store %arg20[%swap3A_1132, %swap3A_1133], %masked_sort3A_1052 {strides = array<i32>} : memref<4x32xi32, #tpu.memory_space<vmem>>, vector<16xi32>,
      %swap3A_1135 = arith.constant 2 : i32
      %swap3A_1136 = arith.index_cast %swap3A_1135 : i32 to index
      %swap3A_1137 = arith.constant 16 : index
      %swap3A_1138 = tpu.vector_load %arg20[%swap3A_1136, %swap3A_1137] {strides = array<i32>} : memref<4x32xi32, #tpu.memory_space<vmem>>, vector<16xi32>,
      tpu.vector_store %arg20[%swap3A_1136, %swap3A_1137], %masked_sort3A_1056 {strides = array<i32>} : memref<4x32xi32, #tpu.memory_space<vmem>>, vector<16xi32>,
      %add3A_1139 = arith.constant 3 : i32
      %add3A_1140 = arith.addi %mul3A_25, %add3A_1139 : i32
      %broadcast_in_dim3A_1141 = vector.broadcast %add3A_1140 : i32 to vector<16xi32>
      %get3A_1142 = arith.constant 0 : index
      %get3A_1143 = tpu.vector_load %arg18[%get3A_1142] {strides = array<i32>} : memref<80xi32, #tpu.memory_space<vmem>>, vector<16xi32>,
      %gather3A_1144 = tpu.vector_load_idx %arg13[%get3A_1143] : memref<3472xf32, #tpu.memory_space<vmem>>[vector<16xi32>], vector<16xf32>,
      %eq3A_1145 = arith.cmpi eq, %get3A_1143, %broadcast_in_dim3A_1141 : vector<16xi32>
      %select_n3A_1146 = arith.select %eq3A_1145, %broadcast_in_dim3A_1, %gather3A_1144 : vector<16xi1>, vector<16xf32>
      %get3A_1147 = arith.constant 16 : index
      %get3A_1148 = tpu.vector_load %arg18[%get3A_1147] {strides = array<i32>} : memref<80xi32, #tpu.memory_space<vmem>>, vector<16xi32>,
      %gather3A_1149 = tpu.vector_load_idx %arg13[%get3A_1148] : memref<3472xf32, #tpu.memory_space<vmem>>[vector<16xi32>], vector<16xf32>,
      %eq3A_1150 = arith.cmpi eq, %get3A_1148, %broadcast_in_dim3A_1141 : vector<16xi32>
      %select_n3A_1151 = arith.select %eq3A_1150, %broadcast_in_dim3A_1, %gather3A_1149 : vector<16xi1>, vector<16xf32>
      %get3A_1152 = arith.constant 32 : index
      %get3A_1153 = tpu.vector_load %arg18[%get3A_1152] {strides = array<i32>} : memref<80xi32, #tpu.memory_space<vmem>>, vector<16xi32>,
      %gather3A_1154 = tpu.vector_load_idx %arg13[%get3A_1153] : memref<3472xf32, #tpu.memory_space<vmem>>[vector<16xi32>], vector<16xf32>,
      %eq3A_1155 = arith.cmpi eq, %get3A_1153, %broadcast_in_dim3A_1141 : vector<16xi32>
      %select_n3A_1156 = arith.select %eq3A_1155, %broadcast_in_dim3A_1, %gather3A_1154 : vector<16xi1>, vector<16xf32>
      %get3A_1157 = arith.constant 48 : index
      %get3A_1158 = tpu.vector_load %arg18[%get3A_1157] {strides = array<i32>} : memref<80xi32, #tpu.memory_space<vmem>>, vector<16xi32>,
      %gather3A_1159 = tpu.vector_load_idx %arg13[%get3A_1158] : memref<3472xf32, #tpu.memory_space<vmem>>[vector<16xi32>], vector<16xf32>,
      %eq3A_1160 = arith.cmpi eq, %get3A_1158, %broadcast_in_dim3A_1141 : vector<16xi32>
      %select_n3A_1161 = arith.select %eq3A_1160, %broadcast_in_dim3A_1, %gather3A_1159 : vector<16xi1>, vector<16xf32>
      %get3A_1162 = arith.constant 64 : index
      %get3A_1163 = tpu.vector_load %arg18[%get3A_1162] {strides = array<i32>} : memref<80xi32, #tpu.memory_space<vmem>>, vector<16xi32>,
      %gather3A_1164 = tpu.vector_load_idx %arg13[%get3A_1163] : memref<3472xf32, #tpu.memory_space<vmem>>[vector<16xi32>], vector<16xf32>,
      %eq3A_1165 = arith.cmpi eq, %get3A_1163, %broadcast_in_dim3A_1141 : vector<16xi32>
      %select_n3A_1166 = arith.select %eq3A_1165, %broadcast_in_dim3A_1, %gather3A_1164 : vector<16xi1>, vector<16xf32>
      %masked_sort3A_1167 = arith.constant dense<true> : vector<16xi1>
      %masked_sort3A_1168, %masked_sort3A_1169, %masked_sort3A_1170 = tpu.sort %select_n3A_1146, %get3A_1143 masked %masked_sort3A_1167 : (vector<16xf32>, vector<16xi32>, vector<16xi1>) -> (vector<16xi1>, vector<16xf32>, vector<16xi32>)
      %masked_sort3A_1171 = arith.constant dense<true> : vector<16xi1>
      %masked_sort3A_1172, %masked_sort3A_1173, %masked_sort3A_1174 = tpu.sort %select_n3A_1151, %get3A_1148 masked %masked_sort3A_1171 : (vector<16xf32>, vector<16xi32>, vector<16xi1>) -> (vector<16xi1>, vector<16xf32>, vector<16xi32>)
      %rev3A_1175 = arith.constant 15 : i32
      %rev3A_1176 = vector.broadcast %rev3A_1175 : i32 to vector<16xi32>
      %rev3A_1177 = tpu.iota {dimensions = array<i32: 0>} : vector<16xi32>
      %rev3A_1178 = arith.subi %rev3A_1176, %rev3A_1177 : vector<16xi32>
      %rev3A_1179 = tpu.dynamic_gather %masked_sort3A_1173[%rev3A_1178] in [0] : vector<16xf32>, vector<16xi32> -> vector<16xf32>
      %rev3A_1180 = arith.constant 15 : i32
      %rev3A_1181 = vector.broadcast %rev3A_1180 : i32 to vector<16xi32>
      %rev3A_1182 = tpu.iota {dimensions = array<i32: 0>} : vector<16xi32>
      %rev3A_1183 = arith.subi %rev3A_1181, %rev3A_1182 : vector<16xi32>
      %rev3A_1184 = tpu.dynamic_gather %masked_sort3A_1174[%rev3A_1183] in [0] : vector<16xi32>, vector<16xi32> -> vector<16xi32>
      %le3A_1185 = arith.cmpf ole, %masked_sort3A_1169, %rev3A_1179 : vector<16xf32>
      %select_n3A_1186 = arith.select %le3A_1185, %masked_sort3A_1169, %rev3A_1179 : vector<16xi1>, vector<16xf32>
      %select_n3A_1187 = arith.select %le3A_1185, %masked_sort3A_1170, %rev3A_1184 : vector<16xi1>, vector<16xi32>
      %select_n3A_1188 = arith.select %le3A_1185, %rev3A_1179, %masked_sort3A_1169 : vector<16xi1>, vector<16xf32>
      %select_n3A_1189 = arith.select %le3A_1185, %rev3A_1184, %masked_sort3A_1170 : vector<16xi1>, vector<16xi32>
      %masked_sort3A_1190 = arith.constant dense<true> : vector<16xi1>
      %masked_sort3A_1191, %masked_sort3A_1192, %masked_sort3A_1193 = tpu.sort %select_n3A_1186, %select_n3A_1187 masked %masked_sort3A_1190 : (vector<16xf32>, vector<16xi32>, vector<16xi1>) -> (vector<16xi1>, vector<16xf32>, vector<16xi32>)
      %masked_sort3A_1194 = arith.constant dense<true> : vector<16xi1>
      %masked_sort3A_1195, %masked_sort3A_1196, %masked_sort3A_1197 = tpu.sort %select_n3A_1188, %select_n3A_1189 masked %masked_sort3A_1194 : (vector<16xf32>, vector<16xi32>, vector<16xi1>) -> (vector<16xi1>, vector<16xf32>, vector<16xi32>)
      %masked_sort3A_1198 = arith.constant dense<true> : vector<16xi1>
      %masked_sort3A_1199, %masked_sort3A_1200, %masked_sort3A_1201 = tpu.sort %select_n3A_1156, %get3A_1153 masked %masked_sort3A_1198 : (vector<16xf32>, vector<16xi32>, vector<16xi1>) -> (vector<16xi1>, vector<16xf32>, vector<16xi32>)
      %rev3A_1202 = arith.constant 15 : i32
      %rev3A_1203 = vector.broadcast %rev3A_1202 : i32 to vector<16xi32>
      %rev3A_1204 = tpu.iota {dimensions = array<i32: 0>} : vector<16xi32>
      %rev3A_1205 = arith.subi %rev3A_1203, %rev3A_1204 : vector<16xi32>
      %rev3A_1206 = tpu.dynamic_gather %masked_sort3A_1200[%rev3A_1205] in [0] : vector<16xf32>, vector<16xi32> -> vector<16xf32>
      %rev3A_1207 = arith.constant 15 : i32
      %rev3A_1208 = vector.broadcast %rev3A_1207 : i32 to vector<16xi32>
      %rev3A_1209 = tpu.iota {dimensions = array<i32: 0>} : vector<16xi32>
      %rev3A_1210 = arith.subi %rev3A_1208, %rev3A_1209 : vector<16xi32>
      %rev3A_1211 = tpu.dynamic_gather %masked_sort3A_1201[%rev3A_1210] in [0] : vector<16xi32>, vector<16xi32> -> vector<16xi32>
      %le3A_1212 = arith.cmpf ole, %masked_sort3A_1196, %rev3A_1206 : vector<16xf32>
      %select_n3A_1213 = arith.select %le3A_1212, %masked_sort3A_1196, %rev3A_1206 : vector<16xi1>, vector<16xf32>
      %select_n3A_1214 = arith.select %le3A_1212, %masked_sort3A_1197, %rev3A_1211 : vector<16xi1>, vector<16xi32>
      %masked_sort3A_1215 = arith.constant dense<true> : vector<16xi1>
      %masked_sort3A_1216, %masked_sort3A_1217, %masked_sort3A_1218 = tpu.sort %select_n3A_1213, %select_n3A_1214 masked %masked_sort3A_1215 : (vector<16xf32>, vector<16xi32>, vector<16xi1>) -> (vector<16xi1>, vector<16xf32>, vector<16xi32>)
      %rev3A_1219 = arith.constant 15 : i32
      %rev3A_1220 = vector.broadcast %rev3A_1219 : i32 to vector<16xi32>
      %rev3A_1221 = tpu.iota {dimensions = array<i32: 0>} : vector<16xi32>
      %rev3A_1222 = arith.subi %rev3A_1220, %rev3A_1221 : vector<16xi32>
      %rev3A_1223 = tpu.dynamic_gather %masked_sort3A_1217[%rev3A_1222] in [0] : vector<16xf32>, vector<16xi32> -> vector<16xf32>
      %rev3A_1224 = arith.constant 15 : i32
      %rev3A_1225 = vector.broadcast %rev3A_1224 : i32 to vector<16xi32>
      %rev3A_1226 = tpu.iota {dimensions = array<i32: 0>} : vector<16xi32>
      %rev3A_1227 = arith.subi %rev3A_1225, %rev3A_1226 : vector<16xi32>
      %rev3A_1228 = tpu.dynamic_gather %masked_sort3A_1218[%rev3A_1227] in [0] : vector<16xi32>, vector<16xi32> -> vector<16xi32>
      %le3A_1229 = arith.cmpf ole, %masked_sort3A_1192, %rev3A_1223 : vector<16xf32>
      %select_n3A_1230 = arith.select %le3A_1229, %masked_sort3A_1192, %rev3A_1223 : vector<16xi1>, vector<16xf32>
      %select_n3A_1231 = arith.select %le3A_1229, %masked_sort3A_1193, %rev3A_1228 : vector<16xi1>, vector<16xi32>
      %select_n3A_1232 = arith.select %le3A_1229, %rev3A_1223, %masked_sort3A_1192 : vector<16xi1>, vector<16xf32>
      %select_n3A_1233 = arith.select %le3A_1229, %rev3A_1228, %masked_sort3A_1193 : vector<16xi1>, vector<16xi32>
      %masked_sort3A_1234 = arith.constant dense<true> : vector<16xi1>
      %masked_sort3A_1235, %masked_sort3A_1236, %masked_sort3A_1237 = tpu.sort %select_n3A_1230, %select_n3A_1231 masked %masked_sort3A_1234 : (vector<16xf32>, vector<16xi32>, vector<16xi1>) -> (vector<16xi1>, vector<16xf32>, vector<16xi32>)
      %masked_sort3A_1238 = arith.constant dense<true> : vector<16xi1>
      %masked_sort3A_1239, %masked_sort3A_1240, %masked_sort3A_1241 = tpu.sort %select_n3A_1232, %select_n3A_1233 masked %masked_sort3A_1238 : (vector<16xf32>, vector<16xi32>, vector<16xi1>) -> (vector<16xi1>, vector<16xf32>, vector<16xi32>)
      %masked_sort3A_1242 = arith.constant dense<true> : vector<16xi1>
      %masked_sort3A_1243, %masked_sort3A_1244, %masked_sort3A_1245 = tpu.sort %select_n3A_1161, %get3A_1158 masked %masked_sort3A_1242 : (vector<16xf32>, vector<16xi32>, vector<16xi1>) -> (vector<16xi1>, vector<16xf32>, vector<16xi32>)
      %rev3A_1246 = arith.constant 15 : i32
      %rev3A_1247 = vector.broadcast %rev3A_1246 : i32 to vector<16xi32>
      %rev3A_1248 = tpu.iota {dimensions = array<i32: 0>} : vector<16xi32>
      %rev3A_1249 = arith.subi %rev3A_1247, %rev3A_1248 : vector<16xi32>
      %rev3A_1250 = tpu.dynamic_gather %masked_sort3A_1244[%rev3A_1249] in [0] : vector<16xf32>, vector<16xi32> -> vector<16xf32>
      %rev3A_1251 = arith.constant 15 : i32
      %rev3A_1252 = vector.broadcast %rev3A_1251 : i32 to vector<16xi32>
      %rev3A_1253 = tpu.iota {dimensions = array<i32: 0>} : vector<16xi32>
      %rev3A_1254 = arith.subi %rev3A_1252, %rev3A_1253 : vector<16xi32>
      %rev3A_1255 = tpu.dynamic_gather %masked_sort3A_1245[%rev3A_1254] in [0] : vector<16xi32>, vector<16xi32> -> vector<16xi32>
      %le3A_1256 = arith.cmpf ole, %masked_sort3A_1240, %rev3A_1250 : vector<16xf32>
      %select_n3A_1257 = arith.select %le3A_1256, %masked_sort3A_1240, %rev3A_1250 : vector<16xi1>, vector<16xf32>
      %select_n3A_1258 = arith.select %le3A_1256, %masked_sort3A_1241, %rev3A_1255 : vector<16xi1>, vector<16xi32>
      %masked_sort3A_1259 = arith.constant dense<true> : vector<16xi1>
      %masked_sort3A_1260, %masked_sort3A_1261, %masked_sort3A_1262 = tpu.sort %select_n3A_1257, %select_n3A_1258 masked %masked_sort3A_1259 : (vector<16xf32>, vector<16xi32>, vector<16xi1>) -> (vector<16xi1>, vector<16xf32>, vector<16xi32>)
      %rev3A_1263 = arith.constant 15 : i32
      %rev3A_1264 = vector.broadcast %rev3A_1263 : i32 to vector<16xi32>
      %rev3A_1265 = tpu.iota {dimensions = array<i32: 0>} : vector<16xi32>
      %rev3A_1266 = arith.subi %rev3A_1264, %rev3A_1265 : vector<16xi32>
      %rev3A_1267 = tpu.dynamic_gather %masked_sort3A_1261[%rev3A_1266] in [0] : vector<16xf32>, vector<16xi32> -> vector<16xf32>
      %rev3A_1268 = arith.constant 15 : i32
      %rev3A_1269 = vector.broadcast %rev3A_1268 : i32 to vector<16xi32>
      %rev3A_1270 = tpu.iota {dimensions = array<i32: 0>} : vector<16xi32>
      %rev3A_1271 = arith.subi %rev3A_1269, %rev3A_1270 : vector<16xi32>
      %rev3A_1272 = tpu.dynamic_gather %masked_sort3A_1262[%rev3A_1271] in [0] : vector<16xi32>, vector<16xi32> -> vector<16xi32>
      %le3A_1273 = arith.cmpf ole, %masked_sort3A_1236, %rev3A_1267 : vector<16xf32>
      %select_n3A_1274 = arith.select %le3A_1273, %masked_sort3A_1236, %rev3A_1267 : vector<16xi1>, vector<16xf32>
      %select_n3A_1275 = arith.select %le3A_1273, %masked_sort3A_1237, %rev3A_1272 : vector<16xi1>, vector<16xi32>
      %select_n3A_1276 = arith.select %le3A_1273, %rev3A_1267, %masked_sort3A_1236 : vector<16xi1>, vector<16xf32>
      %select_n3A_1277 = arith.select %le3A_1273, %rev3A_1272, %masked_sort3A_1237 : vector<16xi1>, vector<16xi32>
      %masked_sort3A_1278 = arith.constant dense<true> : vector<16xi1>
      %masked_sort3A_1279, %masked_sort3A_1280, %masked_sort3A_1281 = tpu.sort %select_n3A_1274, %select_n3A_1275 masked %masked_sort3A_1278 : (vector<16xf32>, vector<16xi32>, vector<16xi1>) -> (vector<16xi1>, vector<16xf32>, vector<16xi32>)
      %masked_sort3A_1282 = arith.constant dense<true> : vector<16xi1>
      %masked_sort3A_1283, %masked_sort3A_1284, %masked_sort3A_1285 = tpu.sort %select_n3A_1276, %select_n3A_1277 masked %masked_sort3A_1282 : (vector<16xf32>, vector<16xi32>, vector<16xi1>) -> (vector<16xi1>, vector<16xf32>, vector<16xi32>)
      %masked_sort3A_1286 = arith.constant dense<true> : vector<16xi1>
      %masked_sort3A_1287, %masked_sort3A_1288, %masked_sort3A_1289 = tpu.sort %select_n3A_1166, %get3A_1163 masked %masked_sort3A_1286 : (vector<16xf32>, vector<16xi32>, vector<16xi1>) -> (vector<16xi1>, vector<16xf32>, vector<16xi32>)
      %rev3A_1290 = arith.constant 15 : i32
      %rev3A_1291 = vector.broadcast %rev3A_1290 : i32 to vector<16xi32>
      %rev3A_1292 = tpu.iota {dimensions = array<i32: 0>} : vector<16xi32>
      %rev3A_1293 = arith.subi %rev3A_1291, %rev3A_1292 : vector<16xi32>
      %rev3A_1294 = tpu.dynamic_gather %masked_sort3A_1288[%rev3A_1293] in [0] : vector<16xf32>, vector<16xi32> -> vector<16xf32>
      %rev3A_1295 = arith.constant 15 : i32
      %rev3A_1296 = vector.broadcast %rev3A_1295 : i32 to vector<16xi32>
      %rev3A_1297 = tpu.iota {dimensions = array<i32: 0>} : vector<16xi32>
      %rev3A_1298 = arith.subi %rev3A_1296, %rev3A_1297 : vector<16xi32>
      %rev3A_1299 = tpu.dynamic_gather %masked_sort3A_1289[%rev3A_1298] in [0] : vector<16xi32>, vector<16xi32> -> vector<16xi32>
      %le3A_1300 = arith.cmpf ole, %masked_sort3A_1284, %rev3A_1294 : vector<16xf32>
      %select_n3A_1301 = arith.select %le3A_1300, %masked_sort3A_1284, %rev3A_1294 : vector<16xi1>, vector<16xf32>
      %select_n3A_1302 = arith.select %le3A_1300, %masked_sort3A_1285, %rev3A_1299 : vector<16xi1>, vector<16xi32>
      %masked_sort3A_1303 = arith.constant dense<true> : vector<16xi1>
      %masked_sort3A_1304, %masked_sort3A_1305, %masked_sort3A_1306 = tpu.sort %select_n3A_1301, %select_n3A_1302 masked %masked_sort3A_1303 : (vector<16xf32>, vector<16xi32>, vector<16xi1>) -> (vector<16xi1>, vector<16xf32>, vector<16xi32>)
      %rev3A_1307 = arith.constant 15 : i32
      %rev3A_1308 = vector.broadcast %rev3A_1307 : i32 to vector<16xi32>
      %rev3A_1309 = tpu.iota {dimensions = array<i32: 0>} : vector<16xi32>
      %rev3A_1310 = arith.subi %rev3A_1308, %rev3A_1309 : vector<16xi32>
      %rev3A_1311 = tpu.dynamic_gather %masked_sort3A_1305[%rev3A_1310] in [0] : vector<16xf32>, vector<16xi32> -> vector<16xf32>
      %rev3A_1312 = arith.constant 15 : i32
      %rev3A_1313 = vector.broadcast %rev3A_1312 : i32 to vector<16xi32>
      %rev3A_1314 = tpu.iota {dimensions = array<i32: 0>} : vector<16xi32>
      %rev3A_1315 = arith.subi %rev3A_1313, %rev3A_1314 : vector<16xi32>
      %rev3A_1316 = tpu.dynamic_gather %masked_sort3A_1306[%rev3A_1315] in [0] : vector<16xi32>, vector<16xi32> -> vector<16xi32>
      %le3A_1317 = arith.cmpf ole, %masked_sort3A_1280, %rev3A_1311 : vector<16xf32>
      %select_n3A_1318 = arith.select %le3A_1317, %masked_sort3A_1280, %rev3A_1311 : vector<16xi1>, vector<16xf32>
      %select_n3A_1319 = arith.select %le3A_1317, %masked_sort3A_1281, %rev3A_1316 : vector<16xi1>, vector<16xi32>
      %select_n3A_1320 = arith.select %le3A_1317, %rev3A_1311, %masked_sort3A_1280 : vector<16xi1>, vector<16xf32>
      %select_n3A_1321 = arith.select %le3A_1317, %rev3A_1316, %masked_sort3A_1281 : vector<16xi1>, vector<16xi32>
      %masked_sort3A_1322 = arith.constant dense<true> : vector<16xi1>
      %masked_sort3A_1323, %masked_sort3A_1324, %masked_sort3A_1325 = tpu.sort %select_n3A_1318, %select_n3A_1319 masked %masked_sort3A_1322 : (vector<16xf32>, vector<16xi32>, vector<16xi1>) -> (vector<16xi1>, vector<16xf32>, vector<16xi32>)
      %masked_sort3A_1326 = arith.constant dense<true> : vector<16xi1>
      %masked_sort3A_1327, %masked_sort3A_1328, %masked_sort3A_1329 = tpu.sort %select_n3A_1320, %select_n3A_1321 masked %masked_sort3A_1326 : (vector<16xf32>, vector<16xi32>, vector<16xi1>) -> (vector<16xi1>, vector<16xf32>, vector<16xi32>)
      %max3A_1330 = arith.constant 9.99999996E-13 : f32
      %max3A_1331 = vector.broadcast %max3A_1330 : f32 to vector<16xf32>
      %max3A_1332 = arith.maximumf %masked_sort3A_1324, %max3A_1331 : vector<16xf32>
      %bitcast3A_1333 = vector.bitcast %max3A_1332 : vector<16xf32> to vector<16xi32>
      %broadcast_in_dim3A_1334 = arith.constant 1597463007 : i32
      %broadcast_in_dim3A_1335 = vector.broadcast %broadcast_in_dim3A_1334 : i32 to vector<16xi32>
      %broadcast_in_dim3A_1336 = arith.constant 1 : i32
      %broadcast_in_dim3A_1337 = vector.broadcast %broadcast_in_dim3A_1336 : i32 to vector<16xi32>
      %shift_right_logical3A_1338 = arith.shrui %bitcast3A_1333, %broadcast_in_dim3A_1337 : vector<16xi32>
      %sub3A_1339 = arith.subi %broadcast_in_dim3A_1335, %shift_right_logical3A_1338 : vector<16xi32>
      %bitcast3A_1340 = vector.bitcast %sub3A_1339 : vector<16xi32> to vector<16xf32>
      %mul3A_1341 = arith.constant 5.000000e-01 : f32
      %mul3A_1342 = vector.broadcast %mul3A_1341 : f32 to vector<16xf32>
      %mul3A_1343 = arith.mulf %mul3A_1342, %max3A_1332 : vector<16xf32>
      %mul3A_1344 = arith.mulf %mul3A_1343, %bitcast3A_1340 : vector<16xf32>
      %mul3A_1345 = arith.mulf %mul3A_1344, %bitcast3A_1340 : vector<16xf32>
      %sub3A_1346 = arith.constant 1.500000e+00 : f32
      %sub3A_1347 = vector.broadcast %sub3A_1346 : f32 to vector<16xf32>
      %sub3A_1348 = arith.subf %sub3A_1347, %mul3A_1345 : vector<16xf32>
      %mul3A_1349 = arith.mulf %bitcast3A_1340, %sub3A_1348 : vector<16xf32>
      %mul3A_1350 = arith.mulf %mul3A_1343, %mul3A_1349 : vector<16xf32>
      %mul3A_1351 = arith.mulf %mul3A_1350, %mul3A_1349 : vector<16xf32>
      %sub3A_1352 = arith.constant 1.500000e+00 : f32
      %sub3A_1353 = vector.broadcast %sub3A_1352 : f32 to vector<16xf32>
      %sub3A_1354 = arith.subf %sub3A_1353, %mul3A_1351 : vector<16xf32>
      %mul3A_1355 = arith.mulf %mul3A_1349, %sub3A_1354 : vector<16xf32>
      %mul3A_1356 = arith.mulf %mul3A_1343, %mul3A_1355 : vector<16xf32>
      %mul3A_1357 = arith.mulf %mul3A_1356, %mul3A_1355 : vector<16xf32>
      %sub3A_1358 = arith.constant 1.500000e+00 : f32
      %sub3A_1359 = vector.broadcast %sub3A_1358 : f32 to vector<16xf32>
      %sub3A_1360 = arith.subf %sub3A_1359, %mul3A_1357 : vector<16xf32>
      %mul3A_1361 = arith.mulf %mul3A_1355, %sub3A_1360 : vector<16xf32>
      %mul3A_1362 = arith.mulf %max3A_1332, %mul3A_1361 : vector<16xf32>
      %swap3A_1363 = arith.constant 3 : i32
      %swap3A_1364 = arith.index_cast %swap3A_1363 : i32 to index
      %swap3A_1365 = arith.constant 0 : index
      %swap3A_1366 = tpu.vector_load %arg19[%swap3A_1364, %swap3A_1365] {strides = array<i32>} : memref<4x32xf32, #tpu.memory_space<vmem>>, vector<16xf32>,
      tpu.vector_store %arg19[%swap3A_1364, %swap3A_1365], %mul3A_1362 {strides = array<i32>} : memref<4x32xf32, #tpu.memory_space<vmem>>, vector<16xf32>,
      %max3A_1367 = arith.constant 9.99999996E-13 : f32
      %max3A_1368 = vector.broadcast %max3A_1367 : f32 to vector<16xf32>
      %max3A_1369 = arith.maximumf %masked_sort3A_1328, %max3A_1368 : vector<16xf32>
      %bitcast3A_1370 = vector.bitcast %max3A_1369 : vector<16xf32> to vector<16xi32>
      %broadcast_in_dim3A_1371 = arith.constant 1597463007 : i32
      %broadcast_in_dim3A_1372 = vector.broadcast %broadcast_in_dim3A_1371 : i32 to vector<16xi32>
      %broadcast_in_dim3A_1373 = arith.constant 1 : i32
      %broadcast_in_dim3A_1374 = vector.broadcast %broadcast_in_dim3A_1373 : i32 to vector<16xi32>
      %shift_right_logical3A_1375 = arith.shrui %bitcast3A_1370, %broadcast_in_dim3A_1374 : vector<16xi32>
      %sub3A_1376 = arith.subi %broadcast_in_dim3A_1372, %shift_right_logical3A_1375 : vector<16xi32>
      %bitcast3A_1377 = vector.bitcast %sub3A_1376 : vector<16xi32> to vector<16xf32>
      %mul3A_1378 = arith.constant 5.000000e-01 : f32
      %mul3A_1379 = vector.broadcast %mul3A_1378 : f32 to vector<16xf32>
      %mul3A_1380 = arith.mulf %mul3A_1379, %max3A_1369 : vector<16xf32>
      %mul3A_1381 = arith.mulf %mul3A_1380, %bitcast3A_1377 : vector<16xf32>
      %mul3A_1382 = arith.mulf %mul3A_1381, %bitcast3A_1377 : vector<16xf32>
      %sub3A_1383 = arith.constant 1.500000e+00 : f32
      %sub3A_1384 = vector.broadcast %sub3A_1383 : f32 to vector<16xf32>
      %sub3A_1385 = arith.subf %sub3A_1384, %mul3A_1382 : vector<16xf32>
      %mul3A_1386 = arith.mulf %bitcast3A_1377, %sub3A_1385 : vector<16xf32>
      %mul3A_1387 = arith.mulf %mul3A_1380, %mul3A_1386 : vector<16xf32>
      %mul3A_1388 = arith.mulf %mul3A_1387, %mul3A_1386 : vector<16xf32>
      %sub3A_1389 = arith.constant 1.500000e+00 : f32
      %sub3A_1390 = vector.broadcast %sub3A_1389 : f32 to vector<16xf32>
      %sub3A_1391 = arith.subf %sub3A_1390, %mul3A_1388 : vector<16xf32>
      %mul3A_1392 = arith.mulf %mul3A_1386, %sub3A_1391 : vector<16xf32>
      %mul3A_1393 = arith.mulf %mul3A_1380, %mul3A_1392 : vector<16xf32>
      %mul3A_1394 = arith.mulf %mul3A_1393, %mul3A_1392 : vector<16xf32>
      %sub3A_1395 = arith.constant 1.500000e+00 : f32
      %sub3A_1396 = vector.broadcast %sub3A_1395 : f32 to vector<16xf32>
      %sub3A_1397 = arith.subf %sub3A_1396, %mul3A_1394 : vector<16xf32>
      %mul3A_1398 = arith.mulf %mul3A_1392, %sub3A_1397 : vector<16xf32>
      %mul3A_1399 = arith.mulf %max3A_1369, %mul3A_1398 : vector<16xf32>
      %swap3A_1400 = arith.constant 3 : i32
      %swap3A_1401 = arith.index_cast %swap3A_1400 : i32 to index
      %swap3A_1402 = arith.constant 16 : index
      %swap3A_1403 = tpu.vector_load %arg19[%swap3A_1401, %swap3A_1402] {strides = array<i32>} : memref<4x32xf32, #tpu.memory_space<vmem>>, vector<16xf32>,
      tpu.vector_store %arg19[%swap3A_1401, %swap3A_1402], %mul3A_1399 {strides = array<i32>} : memref<4x32xf32, #tpu.memory_space<vmem>>, vector<16xf32>,
      %swap3A_1404 = arith.constant 3 : i32
      %swap3A_1405 = arith.index_cast %swap3A_1404 : i32 to index
      %swap3A_1406 = arith.constant 0 : index
      %swap3A_1407 = tpu.vector_load %arg20[%swap3A_1405, %swap3A_1406] {strides = array<i32>} : memref<4x32xi32, #tpu.memory_space<vmem>>, vector<16xi32>,
      tpu.vector_store %arg20[%swap3A_1405, %swap3A_1406], %masked_sort3A_1325 {strides = array<i32>} : memref<4x32xi32, #tpu.memory_space<vmem>>, vector<16xi32>,
      %swap3A_1408 = arith.constant 3 : i32
      %swap3A_1409 = arith.index_cast %swap3A_1408 : i32 to index
      %swap3A_1410 = arith.constant 16 : index
      %swap3A_1411 = tpu.vector_load %arg20[%swap3A_1409, %swap3A_1410] {strides = array<i32>} : memref<4x32xi32, #tpu.memory_space<vmem>>, vector<16xi32>,
      tpu.vector_store %arg20[%swap3A_1409, %swap3A_1410], %masked_sort3A_1329 {strides = array<i32>} : memref<4x32xi32, #tpu.memory_space<vmem>>, vector<16xi32>,
      "tpu.region"() ({
        %run_scoped3A = tpu.sem_alloc : memref<!tpu.dma_semaphore, #tpu.memory_space<semaphore_mem>>
        %dma_start3A = arith.constant 0 : i32
        %dma_start3A_1412 = tpu.memref_slice %arg5[%mul3A_25, %dma_start3A] : memref<3456x32xf32, #tpu.memory_space<hbm>> -> memref<4x32xf32, #tpu.memory_space<hbm>>
        %dma_start3A_1413 = arith.constant 0 : i32
        %dma_start3A_1414 = tpu.memref_slice %arg5[%mul3A_25, %dma_start3A_1413] : memref<3456x32xf32, #tpu.memory_space<hbm>> -> memref<4x32xf32, #tpu.memory_space<hbm>>
        tpu.enqueue_dma source(%arg19 : memref<4x32xf32, #tpu.memory_space<vmem>>) target(%dma_start3A_1414 : memref<4x32xf32, #tpu.memory_space<hbm>>) target_semaphore(%run_scoped3A : memref<!tpu.dma_semaphore, #tpu.memory_space<semaphore_mem>>)
        %dma_wait3A = arith.constant 0 : i32
        %dma_wait3A_1415 = tpu.memref_slice %arg5[%mul3A_25, %dma_wait3A] : memref<3456x32xf32, #tpu.memory_space<hbm>> -> memref<4x32xf32, #tpu.memory_space<hbm>>
        %dma_wait3A_1416 = arith.constant 0 : i32
        %dma_wait3A_1417 = tpu.memref_slice %arg5[%mul3A_25, %dma_wait3A_1416] : memref<3456x32xf32, #tpu.memory_space<hbm>> -> memref<4x32xf32, #tpu.memory_space<hbm>>
        tpu.wait_dma2 semaphore(%run_scoped3A : memref<!tpu.dma_semaphore, #tpu.memory_space<semaphore_mem>>) src(%arg19 : memref<4x32xf32, #tpu.memory_space<vmem>>) dst(%dma_wait3A_1417 : memref<4x32xf32, #tpu.memory_space<hbm>>)
        tpu.yield
      }) : () -> ()
      "tpu.region"() ({
        %run_scoped3A = tpu.sem_alloc : memref<!tpu.dma_semaphore, #tpu.memory_space<semaphore_mem>>
        %dma_start3A = arith.constant 0 : i32
        %dma_start3A_1412 = tpu.memref_slice %arg6[%mul3A_25, %dma_start3A] : memref<3456x32xi32, #tpu.memory_space<hbm>> -> memref<4x32xi32, #tpu.memory_space<hbm>>
        %dma_start3A_1413 = arith.constant 0 : i32
        %dma_start3A_1414 = tpu.memref_slice %arg6[%mul3A_25, %dma_start3A_1413] : memref<3456x32xi32, #tpu.memory_space<hbm>> -> memref<4x32xi32, #tpu.memory_space<hbm>>
        tpu.enqueue_dma source(%arg20 : memref<4x32xi32, #tpu.memory_space<vmem>>) target(%dma_start3A_1414 : memref<4x32xi32, #tpu.memory_space<hbm>>) target_semaphore(%run_scoped3A : memref<!tpu.dma_semaphore, #tpu.memory_space<semaphore_mem>>)
        %dma_wait3A = arith.constant 0 : i32
        %dma_wait3A_1415 = tpu.memref_slice %arg6[%mul3A_25, %dma_wait3A] : memref<3456x32xi32, #tpu.memory_space<hbm>> -> memref<4x32xi32, #tpu.memory_space<hbm>>
        %dma_wait3A_1416 = arith.constant 0 : i32
        %dma_wait3A_1417 = tpu.memref_slice %arg6[%mul3A_25, %dma_wait3A_1416] : memref<3456x32xi32, #tpu.memory_space<hbm>> -> memref<4x32xi32, #tpu.memory_space<hbm>>
        tpu.wait_dma2 semaphore(%run_scoped3A : memref<!tpu.dma_semaphore, #tpu.memory_space<semaphore_mem>>) src(%arg20 : memref<4x32xi32, #tpu.memory_space<vmem>>) dst(%dma_wait3A_1417 : memref<4x32xi32, #tpu.memory_space<hbm>>)
        tpu.yield
      }) : () -> ()
    }
    %scan3A_19 = arith.constant 27 : i32
    return
  }
}

</mosaic_0001>

<sc_bundles>
// kernel: kernel.3.cloned.1.call-start
scs
__scs_entry_jumppad:
0x0: {  	(pc) =	sbr.rel $0x88, $3  }
0x1: {  	(tag) =	ssettag $0x0;
	lr =	simm.s32 $0x1  }
0x2: {  	[smem:$0x3F9D] =	sst lr;
	_ =	strace $0xD0000000  }
0x3: {  	_ = 	snop  }
0x4: {  	_ = 	snop  }
0x5: {  	_ = 	snop  }
0x6: {  	_ = 	snop  }
0x7: {  	_ = 	snop  }
__scs_overlays_trampoline_lowered:
0x8: {  	[smem:$0x3FAC] =	sst s0  }
0x9: {  	[smem:$0x3FAD] =	sst s1  }
0xa: {  	[smem:$0x3FAE] =	sst s2  }
0xb: {  	[smem:$0x3FAF] =	sst s3  }
0xc: {  	[smem:$0x3FB0] =	sst s4  }
0xd: {  	[smem:$0x3FB1] =	sst s5  }
0xe: {  	[smem:$0x3FB2] =	sst s6  }
0xf: {  	[smem:$0x3FB3] =	sst s7  }
0x10: {  	[smem:$0x3FB4] =	sst s8  }
0x11: {  	[smem:$0x3FB5] =	sst s9;
	s0 =	simm.s32 @!p0 $0x0  }
0x12: {  	s1 =	sld [smem:$0x3F9B];
	s0 =	simm.s32 @p0 $0x1  }
0x13: {  	[smem:$0x3FB6] =	sst s0;
	s0 =	simm.s32 @!p1 $0x0  }
0x14: {  	s2 =	sld [smem:$0x3F9A];
	s0 =	simm.s32 @p1 $0x1  }
0x15: {  	[smem:$0x3FB7] =	sst s0;
	s0 =	simm.s32 @!p2 $0x0  }
0x16: {  	s3 =	sld [smem:$0x3FDB];
	s0 =	simm.s32 @p2 $0x1  }
0x17: {  	s4 =	simm.s32 $0x1BF5;
	[smem:$0x3FB9] =	sst s0  }
0x18: {  	s0 =	sld [smem:$0x3F9C];
	_ =	swait.ge [sflag:s4], $0x0  }
0x19: {  	s7 =	sld [smem:$0x3F9D]  }
0x1a: {  	s8 =	sadd.s32 $0xFFFFE003, lr  }
0x1b: {  	s9 =	sadd.s32 $0xFFFFFEF7, lr;
	s5 =	simm.s32 $0xFFFFFFFF;
	p2 =	slt.u32 s8, $0xFFFFF086  }
0x1c: {  	p1 =	slt.u32 s9, $0xF7A;
	s5 =	simm.s32 @!p2 $0x0  }
0x1d: {  	s5 =	simm.s32 @p1 $0x1;
	p0 =	seq.s32 s7, s2  }
0x1e: {  	s7 =	smul.u32 @!p0 $0xF7A, s2;
	p2 =	seq.s32 @!p0 s5, $0x0  }
0x1f: {  	s9 =	smul.u32 $0xF7A, s1;
	s8 =	simm.s32 @!p0 $0x1BF5;
	p2 =	por !p2, p0  }
0x20: {  	[sflag:s8] =	ssyncset.s32 @!p0 $0xFFFFF086;
	s6 =	sadd.s32 @!p0 s3, s7;
	s7 =	simm.s32 @!p0 $0x108  }
0x21: {  	s3 =	sadd.s32 s3, s9;
	s6 =	sadd.s32 @!p0 $0x88, s6;
	s7 =	simm.s32 @p2 $0x1082  }
0x22: {  	[simem:s7], [sflag:s8] =	dma.local @!p0 [hbm:s6], $0xF7A  }
0x23: {  	s9 =	sor.u32 $0xD0000000, s2;
	s6 =	simm.s32 $0x108;
	_ =	swait.ge @!p0 [sflag:s8], $0x0  }
0x24: {  	s3 =	sadd.s32 $0x88, s3;
	s6 =	simm.s32 @!p1 $0x1082;
	[sflag:s4] =	ssyncset.s32 $0xFFFFF086  }
0x25: {  	[simem:s6], [sflag:s4] =	dma.local [hbm:s3], $0xF7A  }
0x26: {  	[smem:$0x3F9D] =	sst s1;
	(tag) =	ssettag s2;
	_ =	strace s9  }
0x27: {  	s1 =	sld [smem:$0x3FAD]  }
0x28: {  	s2 =	sld [smem:$0x3FAE]  }
0x29: {  	s4 =	sld [smem:$0x3FB0]  }
0x2a: {  	p0 =	seq.s32 s5, $0x0;
	s5 =	sld [smem:$0x3FB1]  }
0x2b: {  	s6 =	sld [smem:$0x3FB2]  }
0x2c: {  	s7 =	sld [smem:$0x3FB3]  }
0x2d: {  	s3 =	simm.s32 $0x108;
	s8 =	sld [smem:$0x3FB4]  }
0x2e: {  	s3 =	simm.s32 @!p0 $0x1082;
	s9 =	sld [smem:$0x3FB5]  }
0x2f: {  	lr =	sadd.s32 s0, s3;
	s0 =	sld [smem:$0x3FAC]  }
0x30: {  	s3 =	sld [smem:$0x3FAF]  }
0x31: {  	[smem:$0x3FB8] =	sst s10  }
0x32: {  	s10 =	sld [smem:$0x3FB6];
	_ =	sdelay $0x3  }
0x33: {  	p0 =	seq.s32 s10, $0x1;
	s10 =	sld [smem:$0x3FB8];
	_ =	sdelay $0x3  }
0x34: {  	[smem:$0x3FB8] =	sst s10  }
0x35: {  	s10 =	sld [smem:$0x3FB7];
	_ =	sdelay $0x3  }
0x36: {  	p1 =	seq.s32 s10, $0x1;
	s10 =	sld [smem:$0x3FB8];
	_ =	sdelay $0x3  }
0x37: {  	[smem:$0x3FB8] =	sst s10  }
0x38: {  	s10 =	sld [smem:$0x3FB9]  }
0x39: {  	_ = 	snop;
	(pc) =	sbr.ind lr, $3  }
0x3a: {  	_ = 	snop  }
0x3b: {  	_ = 	snop  }
0x3c: {  	p2 =	seq.s32 s10, $0x1;
	s10 =	sld [smem:$0x3FB8]  }
0x3d: {  	_ =	shalt  }
0x3e: {  	_ =	shalt  }
0x3f: {  	_ =	shalt  }
0x40: {  	_ =	shalt  }
0x41: {  	_ =	shalt  }
0x42: {  	_ =	shalt  }
0x43: {  	_ =	shalt  }
0x44: {  	_ =	shalt  }
0x45: {  	_ =	shalt  }
0x46: {  	_ =	shalt  }
0x47: {  	_ =	shalt  }
0x48: {  	_ =	shalt  }
0x49: {  	_ =	shalt  }
0x4a: {  	_ =	shalt  }
0x4b: {  	_ =	shalt  }
0x4c: {  	_ =	shalt  }
0x4d: {  	_ =	shalt  }
0x4e: {  	_ =	shalt  }
0x4f: {  	_ =	shalt  }
0x50: {  	_ =	shalt  }
0x51: {  	_ =	shalt  }
0x52: {  	_ =	shalt  }
0x53: {  	_ =	shalt  }
0x54: {  	_ =	shalt  }
0x55: {  	_ =	shalt  }
0x56: {  	_ =	shalt  }
0x57: {  	_ =	shalt  }
0x58: {  	_ =	shalt  }
0x59: {  	_ =	shalt  }
0x5a: {  	_ =	shalt  }
0x5b: {  	_ =	shalt  }
0x5c: {  	_ =	shalt  }
0x5d: {  	_ =	shalt  }
0x5e: {  	_ =	shalt  }
0x5f: {  	_ =	shalt  }
0x60: {  	_ =	shalt  }
0x61: {  	_ =	shalt  }
0x62: {  	_ =	shalt  }
0x63: {  	_ =	shalt  }
0x64: {  	_ =	shalt  }
0x65: {  	_ =	shalt  }
0x66: {  	_ =	shalt  }
0x67: {  	_ =	shalt  }
0x68: {  	_ =	shalt  }
0x69: {  	_ =	shalt  }
0x6a: {  	_ =	shalt  }
0x6b: {  	_ =	shalt  }
0x6c: {  	_ =	shalt  }
0x6d: {  	_ =	shalt  }
0x6e: {  	_ =	shalt  }
0x6f: {  	_ =	shalt  }
0x70: {  	_ =	shalt  }
0x71: {  	_ =	shalt  }
0x72: {  	_ =	shalt  }
0x73: {  	_ =	shalt  }
0x74: {  	_ =	shalt  }
0x75: {  	_ =	shalt  }
0x76: {  	_ =	shalt  }
0x77: {  	_ =	shalt  }
0x78: {  	_ =	shalt  }
0x79: {  	_ =	shalt  }
0x7a: {  	_ =	shalt  }
0x7b: {  	_ =	shalt  }
0x7c: {  	_ =	shalt  }
0x7d: {  	_ =	shalt  }
0x7e: {  	_ =	shalt  }
0x7f: {  	_ =	shalt  }
0x80: {  	_ =	shalt  }
0x81: {  	_ =	shalt  }
0x82: {  	_ =	shalt  }
0x83: {  	_ =	shalt  }
0x84: {  	_ =	shalt  }
0x85: {  	_ =	shalt  }
0x86: {  	_ =	shalt  }
0x87: {  	_ =	shalt  }
.Lfunc_end0:
.L_simem_size_0:
called_computation_lowered:
.L_overlay_start_0:
0x88: {  	s2 =	sld [smem:$0x3FD9]  }
0x89: {  	s3 =	sld [smem:$0x3FFE];
	_ =	sdelay $0x1  }
0x8a: {  	s1 =	srdreg.scid  }
0x8b: {  	s0 =	sand.u32 $0x1, s1  }
0x8c: {  	s14 =	sshll.u32 s0, $0xA;
	s2 =	sadd.s32 s3, s2  }
0x8d: {  	s2 =	sadd.s32 s2, s14  }
0x8e: {  	[smem:$0x3FC4] =	sst s2  }
0x8f: {  	_ = 	snop  }
0x90: {  	s2 =	sld [smem:$0x3FD0];
	_ =	sdelay $0x2  }
0x91: {  	s15 =	simm.s32 $0xA;
	s4 =	simm.s32 $0x10  }
0x92: {  	[smem:s4], [sflag:s15] =	dma.local [hbm:s2], $0x1  }
0x93: {  	_ =	swait.eq [sflag:s15], $0x1  }
0x94: {  	[sflag:s15] =	ssyncset.done $0x0  }
0x95: {  	s16 =	sld [smem:$0x10];
	[sflag:s15] =	ssyncadd.s32 $0xFFFFFFFF  }
0x96: {  	s17 =	sld [smem:$0x12];
	(tm) =	ssettm $0x1  }
0x97: {  	s18 =	sld [smem:$0x3FFB];
	_ =	sdelay $0x3  }
0x98: {  	_ =	strace s18  }
0x99: {  	s4 =	sld [smem:$0x3FFC];
	_ =	sdelay $0x3  }
0x9a: {  	_ =	strace s4  }
0x9b: {  	s4 =	sld [smem:$0x3FFD];
	_ =	sdelay $0x3  }
0x9c: {  	_ =	strace s4  }
0x9d: {  	_ =	strace $0x8FFFFFFF  }
0x9e: {  	s19 =	sld [smem:$0x3FDB];
	_ =	sdelay $0x1  }
0x9f: {  	s5 =	simm.s32 $_scs_section_size  }
0xa0: {  	s6 =	simm.s32 $_size__tile_overlayer_lowered;
	s7 =	simm.s32 $_tile_overlayer_lowered  }
0xa1: {  	s22 =	simm.s32 $0x1BFF;
	s21 =	sshll.u32 s7, $0x1;
	s4 =	sadd.s32 s5, s19  }
0xa2: {  	s8 =	simm.s32 $0x0;
	s20 =	sshll.u32 s6, $0x1;
	s6 =	sadd.s32 s21, s4  }
0xa3: {  	[timem:s8], [sflag:s22] =	dma.local [hbm:s6], s20  }
0xa4: {  	_ =	swait.ge [sflag:s22], s20  }
0xa5: {  	s5 =	ssub.s32 $0x0, s20;
	[sflag:s22] =	ssyncset.done $0x0  }
0xa6: {  	[sflag:s22] =	ssyncadd.s32 s5;
	_ =	sdelay $0x1  }
0xa7: {  	s23 =	simm.s32 $0x1B8B  }
0xa8: {  	_ =	swait.ge [sflag:s23], $0x1  }
0xa9: {  	[sflag:s23] =	ssyncset.done $0x0  }
0xaa: {  	s25 =	simm.s32 $0x1B8E;
	s24 =	sld [smem:$0x3FFE];
	[sflag:s23] =	ssyncadd.s32 $0xFFFFFFFF  }
0xab: {  	s26 =	simm.s32 $execute0_lowered;
	[smem:$0x3FD2] =	sst s25  }
0xac: {  	s6 =	sshll.u32 s26, $0x1;
	_ =	strace $0x80000046;
	[dreg:$0x1] =	wrdreg $0xFFFFFFFF  }
0xad: {  	s28 =	simm.s32 $_size_execute0_lowered;
	s4 =	sadd.s32 s4, s6;
	[dreg:$0x0] =	wrdreg $0x0  }
0xae: {  	s6 =	sshll.u32 s28, $0x1;
	[dreg:$0x2] =	wrdreg s4  }
0xaf: {  	[dreg:$0x3] =	wrdreg s6  }
0xb0: {  	[dreg:$0x4] =	wrdreg $0xC0  }
0xb1: {  	_ =	task [dreg:s8], $0x5FFFF  }
0xb2: {  	[dreg:$0x1] =	wrdreg $0xFFFFFFFF  }
0xb3: {  	[dreg:$0x0] =	wrdreg $0x60  }
0xb4: {  	[dreg:$0x2] =	wrdreg s24  }
0xb5: {  	[dreg:$0x3] =	wrdreg s16  }
0xb6: {  	[dreg:$0x4] =	wrdreg s17  }
0xb7: {  	[dreg:$0x5] =	wrdreg $0x9  }
0xb8: {  	_ =	task.clear_ibuf [dreg:s8], $0x6FFFF;
	_ =	strace $0x90000046  }
0xb9: {  	s29 =	simm.s32 $0x9;
	_ =	strace $0x80000048  }
0xba: {  	_ =	swait.ge [sflag:s29], $0x1  }
0xbb: {  	[sflag:s29] =	ssyncadd.s32 $0xFFFFFFFF  }
0xbc: {  	_ =	strace $0x90000048  }
0xbd: {  	_ =	sfence  }
0xbe: {  	s30 =	sld [smem:$0x0];
	_ =	sdelay $0x2  }
0xbf: {  	s31 =	sshll.u32 s1, $0xD;
	s1 =	sshrl.u32 s1, $0x2  }
0xc0: {  	s3 =	sand.u32 $0x4000, s31;
	s1 =	sadd.s32 s1, s30  }
0xc1: {  	s0 =	sor.u32 s3, s0;
	s1 =	sshll.u32 s1, $0x11  }
0xc2: {  	s0 =	sor.u32 s1, s0  }
0xc3: {  	s0 =	sadd.s32 $0x8F2B, s0  }
0xc4: {  	[sflag:s0] =	ssyncadd.remote.s32 $0x1  }
0xc5: {  	_ =	sfence.sel $0xFFFF  }
0xc6: {  	[dreg:$0x0] =	wrdreg $0xFFFFFFFF;
	(pc) =	sbr.abs _section_cstart, $3  }
0xc7: {  	[dreg:$0x1] =	wrdreg $0xFFFFFFFF  }
0xc8: {  	_ =	task.clear_ibuf [dreg:s8], $0x2FFFF;
	_ =	strace $0x9FFFFFFF  }
0xc9: {  	(tm) =	ssettm $0x7FFFFFFF  }
tec
execute0_lowered:
.L_overlay_start_1:
0x0: {  	(tag) =	ssettag $0x1  }
0x1: {  	s1 =	rddreg [dreg:$0x0];
	s3 =	srdreg.scid  }
0x2: {  	s2 =	rddreg [dreg:$0x1];
	s0 =	stileid.u32  }
0x3: {  	s4 =	simm.s32 $0x0;
	s13 =	simm.s32 $0xD80;
	s14 =	simm.s32 $0x1B00  }
0x4: {  	s15 =	simm.s32 $0x6080;
	s16 =	simm.s32 $0x2880;
	s17 =	simm.s32 $0x6180  }
0x5: {  	s18 =	simm.s32 $0x3680;
	s19 =	simm.s32 $0x6200;
	s20 =	simm.s32 $0x4480  }
0x6: {  	v0 =	vlaneseq.u32;
	v5 =	vimm.f32 $+Inf;
	v7 =	vimm.s32 $0x1;
	s21 =	simm.s32 $0x6280;
	s22 =	simm.s32 $0x5280;
	s23 =	simm.s32 $0x6300  }
0x7: {  	v8 =	vimm.s32 $0xD8;
	vm0 =	vmmov $0x1;
	v9 =	vimm.s32 $0xD80;
	s24 =	simm.s32 $0x6380;
	s25 =	simm.s32 $0x6580;
	s26 =	simm.s32 $0x0  }
0x8: {  	v10 =	vimm.s32 $0x0;
	v11 =	vimm.s32 $0x4;
	v12 =	vimm.s32 $0x2;
	s10 =	sand.u32 $0x1, s3;
	s3 =	rddreg [dreg:$0x2];
	s5 =	sshll.u32 s0, $0x3  }
0x9: {  	v13 =	vimm.s32 $0x3;
	v14 =	vimm.s32 $0x5;
	v15 =	vimm.s32 $0x6;
	[smem:$0x7FF] =	sst s4;
	s6 =	sshll.u32 s10, $0x2;
	s9 =	ssub.s32 $0x2, s10  }
.Ltmp0:
0xa: {  	v16 =	vimm.s32 $0x7;
	v17 =	vimm.s32 $0x8;
	v18 =	vimm.s32 $0x9;
	_ =	strace $0x80000047;
	s5 =	sor.u32 s6, s5;
	(pc) =	sbr.rel .LBB2_1-.Ltmp0, $4  }
0xb: {  	v19 =	vimm.s32 $0xA;
	v20 =	vimm.s32 $0xB;
	v6 =	vmul.u32 $0xFFFFFFFF, v0;
	s10 =	sshll.u32 s10, $0x6;
	s12 =	sshrl.u32 s9, $0x1;
	s6 =	sand.u32 $0xC, s5  }
0xc: {  	v21 =	vimm.s32 $0xC;
	v22 =	vimm.s32 $0xD;
	v23 =	vimm.s32 $0xE;
	s31 =	ssub.s32 s9, s12;
	s9 =	sadd.s32 $0xDE00, s1;
	s12 =	simm.s32 $0x1  }
0xd: {  	v24 =	vimm.s32 $0xF;
	v6 =	vadd.s32 $0xF, v6;
	v1 =	vmov s6;
	s7 =	sor.u32 $0x1, s6;
	s8 =	sor.u32 $0x2, s6;
	s11 =	sor.u32 $0x3, s6  }
0xe: {  	v2 =	vmov s7;
	v3 =	vmov s8;
	v4 =	vmov s11;
	s7 =	sadd.s32 $0x400, s1;
	s8 =	sadd.s32 $0x600, s1;
	s11 =	smax.u32 s31, $0x1  }
.LBB2_10:
0xf: {  	s26 =	sadd.s32 $0x1, s26  }
0x10: {  	p0 =	sne.s32 s26, s11  }
.Ltmp1:
0x11: {  	_ = 	snop;
	(pc) =	sbr.rel @!p0 .LBB2_11-.Ltmp1, $1  }
0x12: {  	_ =	sdelay $0x3  }
.LBB2_1:
0x13: {  	[tilespmem:s4], [sflag:$0x1] =	stream.linear.gather [hbm4b:s7+s4], $0xD80, $0x38;
	[tilespmem:$0x6780] =	vst v63  }
0x14: {  	_ =	swait.ge [sflag:s12], $0xD80  }
0x15: {  	[sflag:s12] =	ssyncset.done $0x0  }
0x16: {  	[sflag:s12] =	ssyncadd.s32 $0xFFFFF280  }
0x17: {  	[tilespmem:s13], [sflag:$0x1] =	stream.linear.gather [hbm4b:s2+s4], $0xD80, $0x38;
	[tilespmem:$0x6780] =	vst v63  }
0x18: {  	_ =	swait.ge [sflag:s12], $0xD80  }
0x19: {  	[sflag:s12] =	ssyncset.done $0x0  }
0x1a: {  	[sflag:s12] =	ssyncadd.s32 $0xFFFFF280  }
0x1b: {  	[tilespmem:s14], [sflag:$0x1] =	stream.linear.gather [hbm4b:s3+s4], $0xD80, $0x38;
	[tilespmem:$0x6780] =	vst v63  }
0x1c: {  	_ =	swait.ge [sflag:s12], $0xD80  }
0x1d: {  	[sflag:s12] =	ssyncset.done $0x0  }
.Ltmp2:
0x1e: {  	[sflag:s12] =	ssyncadd.s32 $0xFFFFF280;
	(pc) =	sbr.rel .LBB2_2-.Ltmp2, $4  }
0x1f: {  	[tilespmem:$0x3600] =	vst v5  }
0x20: {  	[tilespmem:$0x4400] =	vst v5  }
0x21: {  	[tilespmem:$0x5200] =	vst v5  }
0x22: {  	s28 =	simm.s32 $0x0;
	[tilespmem:$0x6000] =	vst v5  }
.LBB2_9:
0x23: {  	v25 =	vld [tilespmem:$0x6180]  }
0x24: {  	v26 =	vld [tilespmem:$0x6190];
	_ =	sdelay $0x6  }
0x25: {  	v27 =	vld.idx.msk [tilespmem:v25+s16+$0x0], $0xffff  }
0x26: {  	v28 =	vld.idx.msk [tilespmem:v26+s16+$0x0], $0xffff;
	_ =	sdelay $0x2  }
0x27: {  	vm1 =	veq.s32 v25, s29  }
0x28: {  	v27 =	vsel vm1, $0x7F800000, v27;
	vm1 =	veq.s32 v26, s29  }
0x29: {  	v28 =	vsel vm1, $0x7F800000, v28;
	(xrf1) =	vsort.ascd.msk.f32 $0xffff, v27, v25  }
0x2a: {  	(xrf1) =	vsort.ascd.msk.f32 $0xffff, v28, v26;
	_ =	sdelay $0x6  }
0x2b: {  	v25 =	vld [tilespmem:$0x61A0];
	_ =	sdelay $0x5  }
0x2c: {  	v26, v27, _ =	vpop (xrf1)  }
0x2d: {  	v28, v29, _ =	vpop (xrf1)  }
0x2e: {  	v30 =	vld.idx.msk [tilespmem:v25+s16+$0x0], $0xffff;
	v28 =	vperm.xlane v28, v6  }
0x2f: {  	v29 =	vperm.xlane v29, v6  }
0x30: {  	vm1 =	vle.f32 v26, v28  }
0x31: {  	v31 =	vsel vm1, v26, v28;
	v32 =	vsel vm1, v27, v29  }
0x32: {  	v26 =	vsel vm1, v28, v26;
	v27 =	vsel vm1, v29, v27;
	vm1 =	veq.s32 v25, s29;
	(xrf1) =	vsort.ascd.msk.f32 $0xffff, v31, v32  }
0x33: {  	v56 =	vsel vm1, $0x7F800000, v30;
	(xrf1) =	vsort.ascd.msk.f32 $0xffff, v26, v27  }
0x34: {  	(xrf1) =	vsort.ascd.msk.f32 $0xffff, v56, v25;
	_ =	sdelay $0xb  }
0x35: {  	v25, v26, _ =	vpop (xrf1)  }
0x36: {  	v27, v57, _ =	vpop (xrf1)  }
0x37: {  	v58, v59, _ =	vpop (xrf1)  }
0x38: {  	v29 =	vperm.xlane v58, v6  }
0x39: {  	v30 =	vperm.xlane v59, v6  }
0x3a: {  	vm1 =	vle.f32 v27, v29  }
0x3b: {  	v27 =	vsel vm1, v27, v29;
	v28 =	vsel vm1, v57, v30  }
0x3c: {  	(xrf1) =	vsort.ascd.msk.f32 $0xffff, v27, v28;
	_ =	sdelay $0x6  }
0x3d: {  	v27 =	vld [tilespmem:$0x61B0];
	_ =	sdelay $0x6  }
0x3e: {  	v28, v60, _ =	vpop (xrf1)  }
0x3f: {  	v61 =	vld.idx.msk [tilespmem:v27+s16+$0x0], $0xffff;
	v28 =	vperm.xlane v28, v6  }
0x40: {  	v29 =	vperm.xlane v60, v6  }
0x41: {  	vm1 =	vle.f32 v25, v28  }
0x42: {  	v62 =	vsel vm1, v25, v28;
	v63 =	vsel vm1, v26, v29  }
0x43: {  	v25 =	vsel vm1, v28, v25;
	v26 =	vsel vm1, v29, v26;
	vm1 =	veq.s32 v27, s29;
	(xrf1) =	vsort.ascd.msk.f32 $0xffff, v62, v63  }
0x44: {  	v32 =	vsel vm1, $0x7F800000, v61;
	(xrf1) =	vsort.ascd.msk.f32 $0xffff, v25, v26  }
0x45: {  	(xrf1) =	vsort.ascd.msk.f32 $0xffff, v32, v27;
	_ =	sdelay $0xb  }
0x46: {  	v25, v26, _ =	vpop (xrf1)  }
0x47: {  	v27, v28, _ =	vpop (xrf1)  }
0x48: {  	v33, v34, _ =	vpop (xrf1)  }
0x49: {  	v29 =	vperm.xlane v33, v6  }
0x4a: {  	v30 =	vperm.xlane v34, v6  }
0x4b: {  	vm1 =	vle.f32 v27, v29  }
0x4c: {  	v27 =	vsel vm1, v27, v29;
	v28 =	vsel vm1, v28, v30  }
0x4d: {  	(xrf1) =	vsort.ascd.msk.f32 $0xffff, v27, v28;
	_ =	sdelay $0x6  }
0x4e: {  	v27 =	vld [tilespmem:$0x61C0];
	_ =	sdelay $0x6  }
0x4f: {  	v28, v35, _ =	vpop (xrf1)  }
0x50: {  	v36 =	vld.idx.msk [tilespmem:v27+s16+$0x0], $0xffff;
	v28 =	vperm.xlane v28, v6  }
0x51: {  	v29 =	vperm.xlane v35, v6  }
0x52: {  	vm1 =	vle.f32 v25, v28  }
0x53: {  	v37 =	vsel vm1, v25, v28;
	v38 =	vsel vm1, v26, v29  }
0x54: {  	v25 =	vsel vm1, v28, v25;
	v26 =	vsel vm1, v29, v26;
	vm1 =	veq.s32 v27, s29;
	(xrf1) =	vsort.ascd.msk.f32 $0xffff, v37, v38  }
0x55: {  	v39 =	vsel vm1, $0x7F800000, v36;
	(xrf1) =	vsort.ascd.msk.f32 $0xffff, v25, v26  }
0x56: {  	(xrf1) =	vsort.ascd.msk.f32 $0xffff, v39, v27;
	_ =	sdelay $0xb  }
0x57: {  	v25, v26, _ =	vpop (xrf1)  }
0x58: {  	v27, v28, _ =	vpop (xrf1)  }
0x59: {  	v40, v41, _ =	vpop (xrf1)  }
0x5a: {  	v29 =	vperm.xlane v40, v6  }
0x5b: {  	v30 =	vperm.xlane v41, v6  }
0x5c: {  	vm1 =	vle.f32 v27, v29  }
0x5d: {  	v27 =	vsel vm1, v27, v29;
	v28 =	vsel vm1, v28, v30  }
0x5e: {  	(xrf1) =	vsort.ascd.msk.f32 $0xffff, v27, v28;
	_ =	sdelay $0xd  }
0x5f: {  	v27, v28, _ =	vpop (xrf1)  }
0x60: {  	v27 =	vperm.xlane v27, v6  }
0x61: {  	v28 =	vperm.xlane v28, v6  }
0x62: {  	vm1 =	vle.f32 v25, v27  }
0x63: {  	v42 =	vsel vm1, v25, v27;
	v43 =	vsel vm1, v26, v28  }
0x64: {  	v25 =	vsel vm1, v27, v25;
	v26 =	vsel vm1, v28, v26;
	(xrf1) =	vsort.ascd.msk.f32 $0xffff, v42, v43  }
0x65: {  	(xrf1) =	vsort.ascd.msk.f32 $0xffff, v25, v26;
	_ =	sdelay $0xc  }
0x66: {  	v25, v26, _ =	vpop (xrf1)  }
0x67: {  	v27, v44, _ =	vpop (xrf1);
	v25 =	vmax.f32 v25, $9.999999960e-13  }
0x68: {  	v45 =	vshrl.u32 v25, $0x1;
	v46 =	vmul.f32 $5.000000000e-01, v25;
	v27 =	vmax.f32 v27, $9.999999960e-13  }
0x69: {  	v29 =	vsub.s32 $0x5F3759DF, v45;
	v47 =	vshrl.u32 v27, $0x1;
	v48 =	vmul.f32 $5.000000000e-01, v27  }
0x6a: {  	v33 =	vmul.f32 v29, v46;
	v31 =	vsub.s32 $0x5F3759DF, v47  }
0x6b: {  	v34 =	vmul.f32 v31, v48  }
0x6c: {  	v33 =	vmul.f32 v29, v33  }
0x6d: {  	v34 =	vmul.f32 v31, v34  }
0x6e: {  	v33 =	vsub.f32 $1.500000000e+00, v33  }
0x6f: {  	v34 =	vsub.f32 $1.500000000e+00, v34  }
0x70: {  	v29 =	vmul.f32 v29, v33  }
0x71: {  	v31 =	vmul.f32 v31, v34  }
0x72: {  	v33 =	vmul.f32 v29, v46  }
0x73: {  	v34 =	vmul.f32 v31, v48  }
0x74: {  	v33 =	vmul.f32 v33, v29  }
0x75: {  	v34 =	vmul.f32 v34, v31  }
0x76: {  	v33 =	vsub.f32 $1.500000000e+00, v33  }
0x77: {  	v34 =	vsub.f32 $1.500000000e+00, v34  }
0x78: {  	v29 =	vmul.f32 v33, v29  }
0x79: {  	v31 =	vmul.f32 v34, v31  }
0x7a: {  	v30 =	vmul.f32 v29, v46  }
0x7b: {  	v32 =	vmul.f32 v31, v48  }
0x7c: {  	v30 =	vmul.f32 v30, v29  }
0x7d: {  	v32 =	vmul.f32 v32, v31  }
0x7e: {  	v49 =	vld [tilespmem:$0x6200];
	v30 =	vsub.f32 $1.500000000e+00, v30  }
0x7f: {  	v50 =	vld [tilespmem:$0x6210];
	v32 =	vsub.f32 $1.500000000e+00, v32  }
0x80: {  	v29 =	vmul.f32 v30, v29  }
0x81: {  	v31 =	vmul.f32 v32, v31  }
0x82: {  	[tilespmem:$0x6580] =	vst v26;
	v25 =	vmul.f32 v29, v25  }
0x83: {  	[tilespmem:$0x6590] =	vst v44;
	v27 =	vmul.f32 v31, v27  }
0x84: {  	[tilespmem:$0x6380] =	vst v25  }
0x85: {  	[tilespmem:$0x6390] =	vst v27  }
0x86: {  	v25 =	vld.idx.msk [tilespmem:v49+s18+$0x0], $0xffff  }
0x87: {  	v26 =	vld.idx.msk [tilespmem:v50+s18+$0x0], $0xffff;
	_ =	sdelay $0x1  }
0x88: {  	s1 =	sor.u32 $0x1, s29  }
0x89: {  	vm1 =	veq.s32 v49, s1  }
0x8a: {  	v25 =	vsel vm1, $0x7F800000, v25;
	vm1 =	veq.s32 v50, s1  }
0x8b: {  	v26 =	vsel vm1, $0x7F800000, v26;
	(xrf1) =	vsort.ascd.msk.f32 $0xffff, v25, v49  }
0x8c: {  	(xrf1) =	vsort.ascd.msk.f32 $0xffff, v26, v50;
	_ =	sdelay $0x6  }
0x8d: {  	v25 =	vld [tilespmem:$0x6220];
	_ =	sdelay $0x5  }
0x8e: {  	v26, v27, _ =	vpop (xrf1)  }
0x8f: {  	v52, v51, _ =	vpop (xrf1)  }
0x90: {  	v53 =	vld.idx.msk [tilespmem:v25+s18+$0x0], $0xffff;
	v28 =	vperm.xlane v52, v6  }
0x91: {  	v29 =	vperm.xlane v51, v6  }
0x92: {  	vm1 =	vle.f32 v26, v28  }
0x93: {  	v54 =	vsel vm1, v26, v28;
	v55 =	vsel vm1, v27, v29  }
0x94: {  	v26 =	vsel vm1, v28, v26;
	v27 =	vsel vm1, v29, v27;
	vm1 =	veq.s32 v25, s1;
	(xrf1) =	vsort.ascd.msk.f32 $0xffff, v54, v55  }
0x95: {  	v56 =	vsel vm1, $0x7F800000, v53;
	(xrf1) =	vsort.ascd.msk.f32 $0xffff, v26, v27  }
0x96: {  	(xrf1) =	vsort.ascd.msk.f32 $0xffff, v56, v25;
	_ =	sdelay $0xb  }
0x97: {  	v25, v26, _ =	vpop (xrf1)  }
0x98: {  	v27, v57, _ =	vpop (xrf1)  }
0x99: {  	v58, v59, _ =	vpop (xrf1)  }
0x9a: {  	v29 =	vperm.xlane v58, v6  }
0x9b: {  	v30 =	vperm.xlane v59, v6  }
0x9c: {  	vm1 =	vle.f32 v27, v29  }
0x9d: {  	v27 =	vsel vm1, v27, v29;
	v28 =	vsel vm1, v57, v30  }
0x9e: {  	(xrf1) =	vsort.ascd.msk.f32 $0xffff, v27, v28;
	_ =	sdelay $0x6  }
0x9f: {  	v27 =	vld [tilespmem:$0x6230];
	_ =	sdelay $0x6  }
0xa0: {  	v28, v60, _ =	vpop (xrf1)  }
0xa1: {  	v61 =	vld.idx.msk [tilespmem:v27+s18+$0x0], $0xffff;
	v28 =	vperm.xlane v28, v6  }
0xa2: {  	v29 =	vperm.xlane v60, v6  }
0xa3: {  	vm1 =	vle.f32 v25, v28  }
0xa4: {  	v62 =	vsel vm1, v25, v28;
	v63 =	vsel vm1, v26, v29  }
0xa5: {  	v25 =	vsel vm1, v28, v25;
	v26 =	vsel vm1, v29, v26;
	vm1 =	veq.s32 v27, s1;
	(xrf1) =	vsort.ascd.msk.f32 $0xffff, v62, v63  }
0xa6: {  	v32 =	vsel vm1, $0x7F800000, v61;
	(xrf1) =	vsort.ascd.msk.f32 $0xffff, v25, v26  }
0xa7: {  	(xrf1) =	vsort.ascd.msk.f32 $0xffff, v32, v27;
	_ =	sdelay $0xb  }
0xa8: {  	v25, v26, _ =	vpop (xrf1)  }
0xa9: {  	v27, v28, _ =	vpop (xrf1)  }
0xaa: {  	v33, v34, _ =	vpop (xrf1)  }
0xab: {  	v29 =	vperm.xlane v33, v6  }
0xac: {  	v30 =	vperm.xlane v34, v6  }
0xad: {  	vm1 =	vle.f32 v27, v29  }
0xae: {  	v27 =	vsel vm1, v27, v29;
	v28 =	vsel vm1, v28, v30  }
0xaf: {  	(xrf1) =	vsort.ascd.msk.f32 $0xffff, v27, v28;
	_ =	sdelay $0x6  }
0xb0: {  	v27 =	vld [tilespmem:$0x6240];
	_ =	sdelay $0x6  }
0xb1: {  	v28, v35, _ =	vpop (xrf1)  }
0xb2: {  	v36 =	vld.idx.msk [tilespmem:v27+s18+$0x0], $0xffff;
	v28 =	vperm.xlane v28, v6  }
0xb3: {  	v29 =	vperm.xlane v35, v6  }
0xb4: {  	vm1 =	vle.f32 v25, v28  }
0xb5: {  	v37 =	vsel vm1, v25, v28;
	v38 =	vsel vm1, v26, v29  }
0xb6: {  	v25 =	vsel vm1, v28, v25;
	v26 =	vsel vm1, v29, v26;
	vm1 =	veq.s32 v27, s1;
	(xrf1) =	vsort.ascd.msk.f32 $0xffff, v37, v38  }
0xb7: {  	v39 =	vsel vm1, $0x7F800000, v36;
	(xrf1) =	vsort.ascd.msk.f32 $0xffff, v25, v26  }
0xb8: {  	(xrf1) =	vsort.ascd.msk.f32 $0xffff, v39, v27;
	_ =	sdelay $0xb  }
0xb9: {  	v25, v26, _ =	vpop (xrf1)  }
0xba: {  	v27, v28, _ =	vpop (xrf1)  }
0xbb: {  	v40, v41, _ =	vpop (xrf1)  }
0xbc: {  	v29 =	vperm.xlane v40, v6  }
0xbd: {  	v30 =	vperm.xlane v41, v6  }
0xbe: {  	vm1 =	vle.f32 v27, v29  }
0xbf: {  	v27 =	vsel vm1, v27, v29;
	v28 =	vsel vm1, v28, v30  }
0xc0: {  	(xrf1) =	vsort.ascd.msk.f32 $0xffff, v27, v28;
	_ =	sdelay $0xd  }
0xc1: {  	v27, v28, _ =	vpop (xrf1)  }
0xc2: {  	v27 =	vperm.xlane v27, v6  }
0xc3: {  	v28 =	vperm.xlane v28, v6  }
0xc4: {  	vm1 =	vle.f32 v25, v27  }
0xc5: {  	v42 =	vsel vm1, v25, v27;
	v43 =	vsel vm1, v26, v28  }
0xc6: {  	v25 =	vsel vm1, v27, v25;
	v26 =	vsel vm1, v28, v26;
	(xrf1) =	vsort.ascd.msk.f32 $0xffff, v42, v43  }
0xc7: {  	(xrf1) =	vsort.ascd.msk.f32 $0xffff, v25, v26;
	_ =	sdelay $0xc  }
0xc8: {  	v25, v26, _ =	vpop (xrf1)  }
0xc9: {  	v27, v44, _ =	vpop (xrf1);
	v25 =	vmax.f32 v25, $9.999999960e-13  }
0xca: {  	v45 =	vshrl.u32 v25, $0x1;
	v46 =	vmul.f32 $5.000000000e-01, v25;
	v27 =	vmax.f32 v27, $9.999999960e-13  }
0xcb: {  	v29 =	vsub.s32 $0x5F3759DF, v45;
	v47 =	vshrl.u32 v27, $0x1;
	v48 =	vmul.f32 $5.000000000e-01, v27  }
0xcc: {  	v49 =	vmul.f32 v29, v46;
	v31 =	vsub.s32 $0x5F3759DF, v47  }
0xcd: {  	v50 =	vmul.f32 v31, v48  }
0xce: {  	v33 =	vmul.f32 v29, v49  }
0xcf: {  	v34 =	vmul.f32 v31, v50  }
0xd0: {  	v33 =	vsub.f32 $1.500000000e+00, v33  }
0xd1: {  	v34 =	vsub.f32 $1.500000000e+00, v34  }
0xd2: {  	v29 =	vmul.f32 v29, v33  }
0xd3: {  	v31 =	vmul.f32 v31, v34  }
0xd4: {  	v33 =	vmul.f32 v29, v46  }
0xd5: {  	v34 =	vmul.f32 v31, v48  }
0xd6: {  	v33 =	vmul.f32 v33, v29  }
0xd7: {  	v34 =	vmul.f32 v34, v31  }
0xd8: {  	v33 =	vsub.f32 $1.500000000e+00, v33  }
0xd9: {  	v34 =	vsub.f32 $1.500000000e+00, v34  }
0xda: {  	v29 =	vmul.f32 v33, v29  }
0xdb: {  	v31 =	vmul.f32 v34, v31  }
0xdc: {  	v30 =	vmul.f32 v29, v46  }
0xdd: {  	v32 =	vmul.f32 v31, v48  }
0xde: {  	v30 =	vmul.f32 v30, v29  }
0xdf: {  	v32 =	vmul.f32 v32, v31  }
0xe0: {  	v51 =	vld [tilespmem:$0x6280];
	v30 =	vsub.f32 $1.500000000e+00, v30  }
0xe1: {  	v52 =	vld [tilespmem:$0x6290];
	v32 =	vsub.f32 $1.500000000e+00, v32  }
0xe2: {  	v29 =	vmul.f32 v30, v29  }
0xe3: {  	v31 =	vmul.f32 v32, v31  }
0xe4: {  	[tilespmem:$0x6600] =	vst v26;
	v25 =	vmul.f32 v29, v25  }
0xe5: {  	[tilespmem:$0x6610] =	vst v44;
	v27 =	vmul.f32 v31, v27  }
0xe6: {  	[tilespmem:$0x6400] =	vst v25  }
0xe7: {  	[tilespmem:$0x6410] =	vst v27  }
0xe8: {  	v25 =	vld.idx.msk [tilespmem:v51+s20+$0x0], $0xffff  }
0xe9: {  	v26 =	vld.idx.msk [tilespmem:v52+s20+$0x0], $0xffff;
	_ =	sdelay $0x1  }
0xea: {  	s30 =	sor.u32 $0x2, s29  }
0xeb: {  	vm1 =	veq.s32 v51, s30  }
0xec: {  	v25 =	vsel vm1, $0x7F800000, v25;
	vm1 =	veq.s32 v52, s30  }
0xed: {  	v26 =	vsel vm1, $0x7F800000, v26;
	(xrf1) =	vsort.ascd.msk.f32 $0xffff, v25, v51  }
0xee: {  	(xrf1) =	vsort.ascd.msk.f32 $0xffff, v26, v52;
	_ =	sdelay $0x6  }
0xef: {  	v25 =	vld [tilespmem:$0x62A0];
	_ =	sdelay $0x5  }
0xf0: {  	v26, v27, _ =	vpop (xrf1)  }
0xf1: {  	v54, v53, _ =	vpop (xrf1)  }
0xf2: {  	v55 =	vld.idx.msk [tilespmem:v25+s20+$0x0], $0xffff;
	v28 =	vperm.xlane v54, v6  }
0xf3: {  	v29 =	vperm.xlane v53, v6  }
0xf4: {  	vm1 =	vle.f32 v26, v28  }
0xf5: {  	v56 =	vsel vm1, v26, v28;
	v57 =	vsel vm1, v27, v29  }
0xf6: {  	v26 =	vsel vm1, v28, v26;
	v27 =	vsel vm1, v29, v27;
	vm1 =	veq.s32 v25, s30;
	(xrf1) =	vsort.ascd.msk.f32 $0xffff, v56, v57  }
0xf7: {  	v58 =	vsel vm1, $0x7F800000, v55;
	(xrf1) =	vsort.ascd.msk.f32 $0xffff, v26, v27  }
0xf8: {  	(xrf1) =	vsort.ascd.msk.f32 $0xffff, v58, v25;
	_ =	sdelay $0xb  }
0xf9: {  	v25, v26, _ =	vpop (xrf1)  }
0xfa: {  	v27, v59, _ =	vpop (xrf1)  }
0xfb: {  	v60, v61, _ =	vpop (xrf1)  }
0xfc: {  	v29 =	vperm.xlane v60, v6  }
0xfd: {  	v30 =	vperm.xlane v61, v6  }
0xfe: {  	vm1 =	vle.f32 v27, v29  }
0xff: {  	v27 =	vsel vm1, v27, v29;
	v28 =	vsel vm1, v59, v30  }
0x100: {  	(xrf1) =	vsort.ascd.msk.f32 $0xffff, v27, v28;
	_ =	sdelay $0x6  }
0x101: {  	v27 =	vld [tilespmem:$0x62B0];
	_ =	sdelay $0x6  }
0x102: {  	v28, v62, _ =	vpop (xrf1)  }
0x103: {  	v63 =	vld.idx.msk [tilespmem:v27+s20+$0x0], $0xffff;
	v28 =	vperm.xlane v28, v6  }
0x104: {  	v29 =	vperm.xlane v62, v6  }
0x105: {  	vm1 =	vle.f32 v25, v28  }
0x106: {  	v36 =	vsel vm1, v25, v28;
	v37 =	vsel vm1, v26, v29  }
0x107: {  	v25 =	vsel vm1, v28, v25;
	v26 =	vsel vm1, v29, v26;
	vm1 =	veq.s32 v27, s30;
	(xrf1) =	vsort.ascd.msk.f32 $0xffff, v36, v37  }
0x108: {  	v38 =	vsel vm1, $0x7F800000, v63;
	(xrf1) =	vsort.ascd.msk.f32 $0xffff, v25, v26  }
0x109: {  	(xrf1) =	vsort.ascd.msk.f32 $0xffff, v38, v27;
	_ =	sdelay $0xb  }
0x10a: {  	v25, v26, _ =	vpop (xrf1)  }
0x10b: {  	v27, v28, _ =	vpop (xrf1)  }
0x10c: {  	v39, v40, _ =	vpop (xrf1)  }
0x10d: {  	v29 =	vperm.xlane v39, v6  }
0x10e: {  	v30 =	vperm.xlane v40, v6  }
0x10f: {  	vm1 =	vle.f32 v27, v29  }
0x110: {  	v27 =	vsel vm1, v27, v29;
	v28 =	vsel vm1, v28, v30  }
0x111: {  	(xrf1) =	vsort.ascd.msk.f32 $0xffff, v27, v28;
	_ =	sdelay $0x6  }
0x112: {  	v27 =	vld [tilespmem:$0x62C0];
	_ =	sdelay $0x6  }
0x113: {  	v28, v41, _ =	vpop (xrf1)  }
0x114: {  	v42 =	vld.idx.msk [tilespmem:v27+s20+$0x0], $0xffff;
	v28 =	vperm.xlane v28, v6  }
0x115: {  	v29 =	vperm.xlane v41, v6  }
0x116: {  	vm1 =	vle.f32 v25, v28  }
0x117: {  	v43 =	vsel vm1, v25, v28;
	v44 =	vsel vm1, v26, v29  }
0x118: {  	v25 =	vsel vm1, v28, v25;
	v26 =	vsel vm1, v29, v26;
	vm1 =	veq.s32 v27, s30;
	(xrf1) =	vsort.ascd.msk.f32 $0xffff, v43, v44  }
0x119: {  	v45 =	vsel vm1, $0x7F800000, v42;
	(xrf1) =	vsort.ascd.msk.f32 $0xffff, v25, v26  }
0x11a: {  	(xrf1) =	vsort.ascd.msk.f32 $0xffff, v45, v27;
	_ =	sdelay $0xb  }
0x11b: {  	v25, v26, _ =	vpop (xrf1)  }
0x11c: {  	v27, v28, _ =	vpop (xrf1)  }
0x11d: {  	v46, v47, _ =	vpop (xrf1)  }
0x11e: {  	v29 =	vperm.xlane v46, v6  }
0x11f: {  	v30 =	vperm.xlane v47, v6  }
0x120: {  	vm1 =	vle.f32 v27, v29  }
0x121: {  	v27 =	vsel vm1, v27, v29;
	v28 =	vsel vm1, v28, v30  }
0x122: {  	(xrf1) =	vsort.ascd.msk.f32 $0xffff, v27, v28;
	_ =	sdelay $0xd  }
0x123: {  	v27, v28, _ =	vpop (xrf1)  }
0x124: {  	v27 =	vperm.xlane v27, v6  }
0x125: {  	v28 =	vperm.xlane v28, v6  }
0x126: {  	vm1 =	vle.f32 v25, v27  }
0x127: {  	v48 =	vsel vm1, v25, v27;
	v49 =	vsel vm1, v26, v28  }
0x128: {  	v25 =	vsel vm1, v27, v25;
	v26 =	vsel vm1, v28, v26;
	(xrf1) =	vsort.ascd.msk.f32 $0xffff, v48, v49  }
0x129: {  	(xrf1) =	vsort.ascd.msk.f32 $0xffff, v25, v26;
	_ =	sdelay $0xc  }
0x12a: {  	v25, v26, _ =	vpop (xrf1)  }
0x12b: {  	v27, v50, _ =	vpop (xrf1);
	v25 =	vmax.f32 v25, $9.999999960e-13  }
0x12c: {  	v51 =	vshrl.u32 v25, $0x1;
	v52 =	vmul.f32 $5.000000000e-01, v25;
	v27 =	vmax.f32 v27, $9.999999960e-13  }
0x12d: {  	v29 =	vsub.s32 $0x5F3759DF, v51;
	v53 =	vshrl.u32 v27, $0x1;
	v54 =	vmul.f32 $5.000000000e-01, v27  }
0x12e: {  	v55 =	vmul.f32 v29, v52;
	v31 =	vsub.s32 $0x5F3759DF, v53  }
0x12f: {  	v56 =	vmul.f32 v31, v54  }
0x130: {  	v33 =	vmul.f32 v29, v55  }
0x131: {  	v34 =	vmul.f32 v31, v56  }
0x132: {  	v33 =	vsub.f32 $1.500000000e+00, v33  }
0x133: {  	v34 =	vsub.f32 $1.500000000e+00, v34  }
0x134: {  	v29 =	vmul.f32 v29, v33  }
0x135: {  	v31 =	vmul.f32 v31, v34  }
0x136: {  	v33 =	vmul.f32 v29, v52  }
0x137: {  	v34 =	vmul.f32 v31, v54  }
0x138: {  	v33 =	vmul.f32 v33, v29  }
0x139: {  	v34 =	vmul.f32 v34, v31  }
0x13a: {  	v33 =	vsub.f32 $1.500000000e+00, v33  }
0x13b: {  	v34 =	vsub.f32 $1.500000000e+00, v34  }
0x13c: {  	v29 =	vmul.f32 v33, v29  }
0x13d: {  	v31 =	vmul.f32 v34, v31  }
0x13e: {  	v30 =	vmul.f32 v29, v52  }
0x13f: {  	v32 =	vmul.f32 v31, v54  }
0x140: {  	v30 =	vmul.f32 v30, v29  }
0x141: {  	v32 =	vmul.f32 v32, v31  }
0x142: {  	v57 =	vld [tilespmem:$0x6300];
	v30 =	vsub.f32 $1.500000000e+00, v30  }
0x143: {  	v58 =	vld [tilespmem:$0x6310];
	v32 =	vsub.f32 $1.500000000e+00, v32  }
0x144: {  	v29 =	vmul.f32 v30, v29  }
0x145: {  	v31 =	vmul.f32 v32, v31  }
0x146: {  	[tilespmem:$0x6680] =	vst v26;
	v25 =	vmul.f32 v29, v25  }
0x147: {  	[tilespmem:$0x6690] =	vst v50;
	v27 =	vmul.f32 v31, v27  }
0x148: {  	[tilespmem:$0x6480] =	vst v25  }
0x149: {  	[tilespmem:$0x6490] =	vst v27  }
0x14a: {  	v25 =	vld.idx.msk [tilespmem:v57+s22+$0x0], $0xffff  }
0x14b: {  	v26 =	vld.idx.msk [tilespmem:v58+s22+$0x0], $0xffff;
	_ =	sdelay $0x1  }
0x14c: {  	s31 =	sor.u32 $0x3, s29  }
0x14d: {  	vm1 =	veq.s32 v57, s31  }
0x14e: {  	v25 =	vsel vm1, $0x7F800000, v25;
	vm1 =	veq.s32 v58, s31  }
0x14f: {  	v26 =	vsel vm1, $0x7F800000, v26;
	(xrf1) =	vsort.ascd.msk.f32 $0xffff, v25, v57  }
0x150: {  	(xrf1) =	vsort.ascd.msk.f32 $0xffff, v26, v58;
	_ =	sdelay $0x6  }
0x151: {  	v25 =	vld [tilespmem:$0x6320];
	_ =	sdelay $0x5  }
0x152: {  	v26, v27, _ =	vpop (xrf1)  }
0x153: {  	v60, v59, _ =	vpop (xrf1)  }
0x154: {  	v61 =	vld.idx.msk [tilespmem:v25+s22+$0x0], $0xffff;
	v28 =	vperm.xlane v60, v6  }
0x155: {  	v29 =	vperm.xlane v59, v6  }
0x156: {  	vm1 =	vle.f32 v26, v28  }
0x157: {  	v62 =	vsel vm1, v26, v28;
	v63 =	vsel vm1, v27, v29  }
0x158: {  	v26 =	vsel vm1, v28, v26;
	v27 =	vsel vm1, v29, v27;
	vm1 =	veq.s32 v25, s31;
	(xrf1) =	vsort.ascd.msk.f32 $0xffff, v62, v63  }
0x159: {  	v36 =	vsel vm1, $0x7F800000, v61;
	(xrf1) =	vsort.ascd.msk.f32 $0xffff, v26, v27  }
0x15a: {  	(xrf1) =	vsort.ascd.msk.f32 $0xffff, v36, v25;
	_ =	sdelay $0xb  }
0x15b: {  	v25, v26, _ =	vpop (xrf1)  }
0x15c: {  	v27, v37, _ =	vpop (xrf1)  }
0x15d: {  	v38, v39, _ =	vpop (xrf1)  }
0x15e: {  	v29 =	vperm.xlane v38, v6  }
0x15f: {  	v30 =	vperm.xlane v39, v6  }
0x160: {  	vm1 =	vle.f32 v27, v29  }
0x161: {  	v27 =	vsel vm1, v27, v29;
	v28 =	vsel vm1, v37, v30  }
0x162: {  	(xrf1) =	vsort.ascd.msk.f32 $0xffff, v27, v28;
	_ =	sdelay $0x6  }
0x163: {  	v27 =	vld [tilespmem:$0x6330];
	_ =	sdelay $0x6  }
0x164: {  	v28, v40, _ =	vpop (xrf1)  }
0x165: {  	v41 =	vld.idx.msk [tilespmem:v27+s22+$0x0], $0xffff;
	v28 =	vperm.xlane v28, v6  }
0x166: {  	v29 =	vperm.xlane v40, v6  }
0x167: {  	vm1 =	vle.f32 v25, v28  }
0x168: {  	v42 =	vsel vm1, v25, v28;
	v43 =	vsel vm1, v26, v29  }
0x169: {  	v25 =	vsel vm1, v28, v25;
	v26 =	vsel vm1, v29, v26;
	vm1 =	veq.s32 v27, s31;
	(xrf1) =	vsort.ascd.msk.f32 $0xffff, v42, v43  }
0x16a: {  	v44 =	vsel vm1, $0x7F800000, v41;
	(xrf1) =	vsort.ascd.msk.f32 $0xffff, v25, v26  }
0x16b: {  	(xrf1) =	vsort.ascd.msk.f32 $0xffff, v44, v27;
	_ =	sdelay $0xb  }
0x16c: {  	v25, v26, _ =	vpop (xrf1)  }
0x16d: {  	v27, v28, _ =	vpop (xrf1)  }
0x16e: {  	v45, v46, _ =	vpop (xrf1)  }
0x16f: {  	v29 =	vperm.xlane v45, v6  }
0x170: {  	v30 =	vperm.xlane v46, v6  }
0x171: {  	vm1 =	vle.f32 v27, v29  }
0x172: {  	v27 =	vsel vm1, v27, v29;
	v28 =	vsel vm1, v28, v30  }
0x173: {  	(xrf1) =	vsort.ascd.msk.f32 $0xffff, v27, v28;
	_ =	sdelay $0x6  }
0x174: {  	v27 =	vld [tilespmem:$0x6340];
	_ =	sdelay $0x6  }
0x175: {  	v28, v47, _ =	vpop (xrf1)  }
0x176: {  	v48 =	vld.idx.msk [tilespmem:v27+s22+$0x0], $0xffff;
	v28 =	vperm.xlane v28, v6  }
0x177: {  	v29 =	vperm.xlane v47, v6  }
0x178: {  	vm1 =	vle.f32 v25, v28  }
0x179: {  	v49 =	vsel vm1, v25, v28;
	v50 =	vsel vm1, v26, v29  }
0x17a: {  	v25 =	vsel vm1, v28, v25;
	v26 =	vsel vm1, v29, v26;
	vm1 =	veq.s32 v27, s31;
	(xrf1) =	vsort.ascd.msk.f32 $0xffff, v49, v50  }
0x17b: {  	v51 =	vsel vm1, $0x7F800000, v48;
	(xrf1) =	vsort.ascd.msk.f32 $0xffff, v25, v26  }
0x17c: {  	(xrf1) =	vsort.ascd.msk.f32 $0xffff, v51, v27;
	_ =	sdelay $0xb  }
0x17d: {  	v25, v26, _ =	vpop (xrf1)  }
0x17e: {  	v27, v28, _ =	vpop (xrf1)  }
0x17f: {  	v52, v53, _ =	vpop (xrf1)  }
0x180: {  	v29 =	vperm.xlane v52, v6  }
0x181: {  	v30 =	vperm.xlane v53, v6  }
0x182: {  	vm1 =	vle.f32 v27, v29  }
0x183: {  	v27 =	vsel vm1, v27, v29;
	v28 =	vsel vm1, v28, v30  }
0x184: {  	(xrf1) =	vsort.ascd.msk.f32 $0xffff, v27, v28;
	_ =	sdelay $0xd  }
0x185: {  	v27, v28, _ =	vpop (xrf1)  }
0x186: {  	v27 =	vperm.xlane v27, v6  }
0x187: {  	v28 =	vperm.xlane v28, v6  }
0x188: {  	vm1 =	vle.f32 v25, v27  }
0x189: {  	v54 =	vsel vm1, v25, v27;
	v55 =	vsel vm1, v26, v28  }
0x18a: {  	v25 =	vsel vm1, v27, v25;
	v26 =	vsel vm1, v28, v26;
	(xrf1) =	vsort.ascd.msk.f32 $0xffff, v54, v55  }
0x18b: {  	(xrf1) =	vsort.ascd.msk.f32 $0xffff, v25, v26;
	_ =	sdelay $0xc  }
0x18c: {  	v25, v26, _ =	vpop (xrf1)  }
0x18d: {  	v27, v56, _ =	vpop (xrf1);
	v25 =	vmax.f32 v25, $9.999999960e-13  }
0x18e: {  	v57 =	vshrl.u32 v25, $0x1;
	v58 =	vmul.f32 $5.000000000e-01, v25;
	v27 =	vmax.f32 v27, $9.999999960e-13  }
0x18f: {  	v29 =	vsub.s32 $0x5F3759DF, v57;
	v59 =	vshrl.u32 v27, $0x1;
	v60 =	vmul.f32 $5.000000000e-01, v27  }
0x190: {  	v61 =	vmul.f32 v29, v58;
	v31 =	vsub.s32 $0x5F3759DF, v59  }
0x191: {  	v62 =	vmul.f32 v31, v60  }
0x192: {  	v33 =	vmul.f32 v29, v61  }
0x193: {  	v34 =	vmul.f32 v31, v62  }
0x194: {  	v33 =	vsub.f32 $1.500000000e+00, v33  }
0x195: {  	v34 =	vsub.f32 $1.500000000e+00, v34  }
0x196: {  	v29 =	vmul.f32 v29, v33  }
0x197: {  	v31 =	vmul.f32 v31, v34  }
0x198: {  	v33 =	vmul.f32 v29, v58  }
0x199: {  	v34 =	vmul.f32 v31, v60  }
0x19a: {  	v33 =	vmul.f32 v33, v29  }
0x19b: {  	v34 =	vmul.f32 v34, v31  }
0x19c: {  	v33 =	vsub.f32 $1.500000000e+00, v33  }
0x19d: {  	v34 =	vsub.f32 $1.500000000e+00, v34  }
0x19e: {  	v29 =	vmul.f32 v33, v29  }
0x19f: {  	v31 =	vmul.f32 v34, v31  }
0x1a0: {  	v30 =	vmul.f32 v29, v58  }
0x1a1: {  	v32 =	vmul.f32 v31, v60  }
0x1a2: {  	v30 =	vmul.f32 v30, v29  }
0x1a3: {  	v32 =	vmul.f32 v32, v31  }
0x1a4: {  	v30 =	vsub.f32 $1.500000000e+00, v30  }
0x1a5: {  	v32 =	vsub.f32 $1.500000000e+00, v32  }
0x1a6: {  	v29 =	vmul.f32 v30, v29  }
0x1a7: {  	v63 =	vmul.f32 v32, v31  }
0x1a8: {  	s30 =	sshll.u32 s29, $0x4;
	[tilespmem:$0x6700] =	vst v26;
	v25 =	vmul.f32 v29, v25  }
0x1a9: {  	s1 =	sand.u32 $0xFF80, s30;
	[tilespmem:$0x6710] =	vst v56;
	v27 =	vmul.f32 v63, v27  }
0x1aa: {  	s1 =	sor.u32 s10, s1;
	[tilespmem:$0x6500] =	vst v25  }
0x1ab: {  	s31 =	sadd.s32 s8, s1;
	[tilespmem:$0x6510] =	vst v27  }
0x1ac: {  	[hbm4b:s31+s4] =	stream.linear.scatter [tilespmem:s24], [sflag:$0x1], $0x200, $0x38;
	[tilespmem:$0x6780] =	vst v63  }
0x1ad: {  	s28 =	sadd.s32 $0x1, s28;
	_ =	swait.ge [sflag:s12], $0x200  }
0x1ae: {  	p0 =	sne.s32 s28, $0x1B;
	[sflag:s12] =	ssyncset.done $0x0  }
.Ltmp3:
0x1af: {  	s1 =	sadd.s32 s9, s1;
	[sflag:s12] =	ssyncadd.s32 $0xFFFFFE00;
	(pc) =	sbr.rel @!p0 .LBB2_10-.Ltmp3, $4  }
0x1b0: {  	[hbm4b:s1+s4] =	stream.linear.scatter [tilespmem:s25], [sflag:$0x1], $0x200, $0x38;
	[tilespmem:$0x6780] =	vst v63  }
0x1b1: {  	_ =	swait.ge [sflag:s12], $0x200  }
0x1b2: {  	[sflag:s12] =	ssyncset.done $0x0  }
0x1b3: {  	[sflag:s12] =	ssyncadd.s32 $0xFFFFFE00  }
.LBB2_2:
0x1b4: {  	s1 =	sshll.u32 s28, $0x7  }
0x1b5: {  	s29 =	sor.u32 s5, s1  }
0x1b6: {  	s1 =	ssub.s32 s29, s6  }
0x1b7: {  	v25 =	vld [tilespmem:s1+$0x0];
	_ =	sdelay $0x1  }
0x1b8: {  	s31 =	simm.s32 $0x0;
	v27 =	vld [tilespmem:s1+$0xD80]  }
0x1b9: {  	v35 =	vld [tilespmem:s31+$0x0]  }
0x1ba: {  	v30 =	vld [tilespmem:s1+$0x1B00]  }
0x1bb: {  	v38 =	vld [tilespmem:s31+$0xD80];
	v34 =	vperm.xlane v25, v1  }
0x1bc: {  	v39 =	vld [tilespmem:s31+$0x1B00];
	v31 =	vperm.xlane v25, v2;
	v28 =	vperm.xlane v25, v3  }
0x1bd: {  	v25 =	vperm.xlane v25, v4;
	v36 =	vperm.xlane v27, v1  }
0x1be: {  	v32 =	vperm.xlane v27, v2;
	v26 =	vperm.xlane v27, v4  }
0x1bf: {  	v29 =	vperm.xlane v27, v3;
	v27 =	vperm.xlane v30, v4  }
0x1c0: {  	v40 =	vsub.f32 v35, v25;
	v41 =	vsub.f32 v38, v26  }
0x1c1: {  	v37 =	vperm.xlane v30, v1;
	v42 =	vsub.f32 v35, v34;
	v43 =	vsub.f32 v39, v27  }
0x1c2: {  	v33 =	vperm.xlane v30, v2;
	v44 =	vsub.f32 v35, v31;
	v45 =	vsub.f32 v38, v36  }
0x1c3: {  	v46 =	vsub.f32 v38, v32;
	v40 =	vmul.f32 v40, v40;
	v41 =	vmul.f32 v41, v41  }
0x1c4: {  	v30 =	vperm.xlane v30, v3;
	v35 =	vsub.f32 v35, v28;
	v38 =	vsub.f32 v38, v29  }
0x1c5: {  	v58 =	vsub.f32 v39, v37;
	v56 =	vmul.f32 v43, v43;
	v40 =	vadd.f32 v41, v40  }
0x1c6: {  	v60 =	vsub.f32 v39, v33;
	v42 =	vmul.f32 v42, v42;
	v57 =	vmul.f32 v45, v45  }
0x1c7: {  	v44 =	vmul.f32 v44, v44;
	v59 =	vmul.f32 v46, v46;
	v40 =	vadd.f32 v56, v40  }
0x1c8: {  	v39 =	vsub.f32 v39, v30;
	v35 =	vmul.f32 v35, v35;
	v38 =	vmul.f32 v38, v38  }
0x1c9: {  	s30 =	simm.s32 $0x10;
	v61 =	vmul.f32 v58, v58;
	v62 =	vmul.f32 v60, v60;
	v42 =	vadd.f32 v57, v42;
	[tilespmem:s31+$0x5280] =	vst v40  }
0x1ca: {  	v39 =	vmul.f32 v39, v39;
	v41 =	vadd.f32 v59, v44;
	v35 =	vadd.f32 v38, v35;
	v48 =	vld [tilespmem:s30+$0x0]  }
0x1cb: {  	v50 =	vadd.f32 v61, v42;
	v63 =	vld [tilespmem:s30+$0xD80]  }
0x1cc: {  	v43 =	vimm.f32 $+Inf;
	v45 =	vadd.f32 v62, v41;
	v39 =	vadd.f32 v39, v35  }
0x1cd: {  	v58 =	vmax.f32 v43, v40;
	v44 =	vmin.f32 v43, v50;
	v51 =	vld [tilespmem:s30+$0x1B00]  }
0x1ce: {  	v49 =	vmax.f32 v43, v50;
	v42 =	vmin.f32 v43, v45;
	v35 =	vmin.f32 v43, v39  }
0x1cf: {  	v47 =	vmax.f32 v43, v45;
	v59 =	vsub.f32 v48, v34;
	v52 =	vsub.f32 v48, v31  }
0x1d0: {  	v46 =	vmin.f32 v43, v58;
	v53 =	vsub.f32 v48, v25;
	v54 =	vsub.f32 v63, v26  }
0x1d1: {  	[tilespmem:s31+$0x2880] =	vst v50;
	v50 =	vimm.f32 $+Inf;
	v55 =	vsub.f32 v63, v36;
	v60 =	vsub.f32 v63, v32  }
0x1d2: {  	[tilespmem:s31+$0x3680] =	vst v45;
	v45 =	vimm.f32 $+Inf;
	v57 =	vsub.f32 v51, v27;
	v48 =	vsub.f32 v48, v28  }
0x1d3: {  	v38 =	vsub.f32 v63, v29;
	v53 =	vmul.f32 v53, v53;
	v54 =	vmul.f32 v54, v54  }
0x1d4: {  	v62 =	vsub.f32 v51, v37;
	v56 =	vmul.f32 v59, v59;
	v55 =	vmul.f32 v55, v55  }
0x1d5: {  	v52 =	vmul.f32 v52, v52;
	v61 =	vmul.f32 v57, v57;
	v53 =	vadd.f32 v54, v53  }
0x1d6: {  	v63 =	vsub.f32 v51, v33;
	v58 =	vmul.f32 v60, v60;
	v48 =	vmul.f32 v48, v48  }
0x1d7: {  	v59 =	vmul.f32 v38, v38;
	v38 =	vmin.f32 v43, v40;
	v41 =	vadd.f32 v61, v53  }
0x1d8: {  	[tilespmem:s31+$0x4480] =	vst v39;
	v57 =	vmul.f32 v62, v62;
	v55 =	vadd.f32 v55, v56;
	v54 =	vadd.f32 v58, v52  }
0x1d9: {  	s31 =	simm.s32 $0x20;
	v52 =	vadd.f32 v59, v48;
	v53 =	vsub.f32 v51, v30;
	v40 =	vmax.f32 v38, v41;
	[tilespmem:s30+$0x5280] =	vst v41  }
0x1da: {  	s1 =	simm.s32 $0xC0;
	v56 =	vmul.f32 v63, v63;
	v51 =	vmovc v42;
	v40 =	vmin.f32 v46, v40;
	v48 =	vld [tilespmem:s31+$0x0];
	v46 =	vimm.f32 $+Inf  }
.LBB2_3:
0x1db: {  	p0 =	sne.s32 s1, $0x35C0;
	v58 =	vld [tilespmem:s31+$0xD80];
	v53 =	vmul.f32 v53, v53;
	v43 =	vmin.f32 v43, v49;
	v49 =	vmax.f32 v46, v39;
	v46 =	vmovc v35  }
0x1dc: {  	v50 =	vmin.f32 v50, v47;
	v55 =	vadd.f32 v57, v55;
	v54 =	vadd.f32 v56, v54  }
0x1dd: {  	v45 =	vmin.f32 v45, v49;
	v56 =	vld [tilespmem:s31+$0x1B00];
	v39 =	vadd.f32 v53, v52  }
0x1de: {  	[tilespmem:s30+$0x2880] =	vst v55;
	v49 =	vmax.f32 v44, v55;
	v44 =	vmin.f32 v44, v55;
	v42 =	vmin.f32 v42, v54  }
0x1df: {  	v52 =	vsub.f32 v48, v34;
	v53 =	vsub.f32 v48, v31;
	[tilespmem:s30+$0x3680] =	vst v54;
	v35 =	vmin.f32 v35, v39  }
0x1e0: {  	v47 =	vmax.f32 v51, v54;
	v55 =	vsub.f32 v48, v25;
	v57 =	vsub.f32 v58, v26;
	[tilespmem:s30+$0x4480] =	vst v39;
	s30 =	smov.u32 s31  }
0x1e1: {  	v51 =	vmovc v42;
	v54 =	vsub.f32 v58, v36;
	v59 =	vsub.f32 v58, v32;
	v52 =	vmul.f32 v52, v52  }
0x1e2: {  	v55 =	vmul.f32 v55, v55;
	v60 =	vsub.f32 v56, v27;
	v57 =	vmul.f32 v57, v57  }
0x1e3: {  	v48 =	vsub.f32 v48, v28;
	v58 =	vsub.f32 v58, v29;
	v54 =	vmul.f32 v54, v54  }
0x1e4: {  	v61 =	vmul.f32 v53, v53;
	v53 =	vadd.f32 v57, v55;
	v55 =	vmul.f32 v60, v60  }
.Ltmp4:
0x1e5: {  	v48 =	vmul.f32 v48, v48;
	v59 =	vmul.f32 v59, v59;
	v57 =	vsub.f32 v56, v37;
	(pc) =	sbr.rel @p0 .LBB2_3-.Ltmp4, $4  }
0x1e6: {  	v58 =	vmul.f32 v58, v58;
	v60 =	vsub.f32 v56, v33;
	v62 =	vadd.f32 v55, v53  }
0x1e7: {  	v38 =	vmin.f32 v38, v41;
	v55 =	vadd.f32 v54, v52;
	v53 =	vsub.f32 v56, v30  }
0x1e8: {  	s31 =	sshra.s32 s1, $0x2;
	v54 =	vadd.f32 v59, v61;
	v52 =	vadd.f32 v58, v48;
	[tilespmem:s30+$0x5280] =	vst v62;
	v58 =	vmax.f32 v38, v62  }
0x1e9: {  	s1 =	sadd.s32 $0x40, s1;
	v57 =	vmul.f32 v57, v57;
	v56 =	vmul.f32 v60, v60;
	v41 =	vmovc v62;
	v48 =	vld [tilespmem:s31+$0x0];
	v40 =	vmin.f32 v40, v58  }
0x1ea: {  	v58 =	vld [tilespmem:s31+$0xD80];
	_ =	sdelay $0x1  }
0x1eb: {  	v59 =	vld [tilespmem:s31+$0x1B00];
	_ =	sdelay $0x2  }
0x1ec: {  	v34 =	vsub.f32 v48, v34;
	v36 =	vsub.f32 v58, v36;
	_ =	sdelay $0x1  }
0x1ed: {  	v37 =	vsub.f32 v59, v37;
	v34 =	vmul.f32 v34, v34;
	v36 =	vmul.f32 v36, v36;
	_ =	sdelay $0x1  }
0x1ee: {  	v63 =	vmul.f32 v37, v37;
	v34 =	vadd.f32 v36, v34  }
0x1ef: {  	v37 =	vadd.f32 v57, v55  }
0x1f0: {  	v34 =	vadd.f32 v63, v34  }
0x1f1: {  	v55 =	vmin.f32 v43, v49;
	v57 =	vmin.f32 v44, v37;
	v60 =	vmax.f32 v44, v37  }
0x1f2: {  	v36 =	vmin.f32 v55, v60;
	v61 =	vmin.f32 v57, v34;
	v43 =	vmax.f32 v57, v34  }
0x1f3: {  	v36 =	vmin.f32 v36, v43;
	(xrf1) =	vsort.ascd.msk.f32 $0xffff, v61, v61  }
0x1f4: {  	(xrf1) =	vsort.ascd.msk.f32 $0xffff, v36, v36;
	_ =	sdelay $0x9  }
0x1f5: {  	v31 =	vsub.f32 v48, v31;
	v32 =	vsub.f32 v58, v32;
	_ =	sdelay $0x1  }
0x1f6: {  	v33 =	vsub.f32 v59, v33;
	v31 =	vmul.f32 v31, v31;
	v32 =	vmul.f32 v32, v32  }
0x1f7: {  	v62, _, _ =	vpop (xrf1)  }
0x1f8: {  	v31 =	vadd.f32 v32, v31;
	v63 =	vmul.f32 v33, v33;
	v43 =	vadd.f32 v56, v54;
	v49, _, _ =	vpop (xrf1)  }
0x1f9: {  	v33 =	vperm.xlane v49, v6  }
0x1fa: {  	v50 =	vmin.f32 v50, v47;
	v31 =	vadd.f32 v63, v31;
	v54 =	vmax.f32 v51, v43  }
0x1fb: {  	v55 =	vmin.f32 v42, v43;
	v56 =	vmin.f32 v50, v54;
	v33 =	vmax.f32 v62, v33  }
0x1fc: {  	v57 =	vmin.f32 v55, v31;
	v32 =	vmax.f32 v55, v31;
	(xrf1) =	vsort.ascd.msk.f32 $0xffff, v33, v33  }
0x1fd: {  	v32 =	vmin.f32 v56, v32;
	(xrf1) =	vsort.ascd.msk.f32 $0xffff, v57, v57  }
0x1fe: {  	(xrf1) =	vsort.ascd.msk.f32 $0xffff, v32, v32;
	_ =	sdelay $0x8  }
0x1ff: {  	v28 =	vsub.f32 v48, v28  }
0x200: {  	v29 =	vsub.f32 v58, v29;
	v30 =	vsub.f32 v59, v30  }
0x201: {  	v28 =	vmul.f32 v28, v28  }
0x202: {  	v29 =	vmul.f32 v29, v29;
	v60 =	vmul.f32 v53, v53;
	v33, _, _ =	vpop (xrf1)  }
0x203: {  	v36, _, _ =	vpop (xrf1)  }
0x204: {  	v28 =	vadd.f32 v29, v28;
	v29 =	vmul.f32 v30, v30;
	v32 =	vadd.f32 v60, v52;
	v30, _, _ =	vpop (xrf1)  }
0x205: {  	v39 =	vmax.f32 v46, v39;
	v30 =	vperm.xlane v30, v6  }
0x206: {  	v39 =	vmin.f32 v45, v39;
	v28 =	vadd.f32 v29, v28;
	v61 =	vmax.f32 v35, v32  }
0x207: {  	v29 =	vmin.f32 v35, v32;
	v62 =	vmin.f32 v39, v61;
	v30 =	vmax.f32 v36, v30  }
0x208: {  	v63 =	vmin.f32 v29, v28;
	v29 =	vmax.f32 v29, v28;
	(xrf1) =	vsort.ascd.msk.f32 $0xffff, v30, v30  }
0x209: {  	v29 =	vmin.f32 v62, v29;
	(xrf1) =	vsort.ascd.msk.f32 $0xffff, v63, v63  }
0x20a: {  	(xrf1) =	vsort.ascd.msk.f32 $0xffff, v29, v29;
	_ =	sdelay $0x8  }
0x20b: {  	v25 =	vsub.f32 v48, v25  }
0x20c: {  	v26 =	vsub.f32 v58, v26;
	v27 =	vsub.f32 v59, v27;
	_ =	sdelay $0x1  }
0x20d: {  	v25 =	vmul.f32 v25, v25;
	v26 =	vmul.f32 v26, v26;
	v29, _, _ =	vpop (xrf1)  }
0x20e: {  	v30, _, _ =	vpop (xrf1)  }
0x20f: {  	v25 =	vadd.f32 v26, v25;
	v26 =	vmul.f32 v27, v27;
	v27, _, _ =	vpop (xrf1)  }
0x210: {  	v27 =	vperm.xlane v27, v6  }
0x211: {  	v25 =	vadd.f32 v26, v25  }
0x212: {  	v26 =	vmin.f32 v38, v41;
	v27 =	vmax.f32 v30, v27  }
0x213: {  	v30 =	vmax.f32 v26, v25;
	v26 =	vmin.f32 v26, v25;
	(xrf1) =	vsort.ascd.msk.f32 $0xffff, v27, v27  }
0x214: {  	v27 =	vmin.f32 v40, v30;
	(xrf1) =	vsort.ascd.msk.f32 $0xffff, v26, v26  }
0x215: {  	(xrf1) =	vsort.ascd.msk.f32 $0xffff, v27, v27;
	_ =	sdelay $0x3  }
0x216: {  	[tilespmem:s30+$0x2880] =	vst v37  }
0x217: {  	[tilespmem:s30+$0x3680] =	vst v43  }
0x218: {  	[tilespmem:s30+$0x4480] =	vst v32  }
0x219: {  	[tilespmem:s31+$0x5280] =	vst v25  }
0x21a: {  	[tilespmem:s31+$0x2880] =	vst v34  }
0x21b: {  	[tilespmem:s31+$0x3680] =	vst v31  }
0x21c: {  	[tilespmem:s31+$0x4480] =	vst v28  }
0x21d: {  	[tilespmem:$0x6080] =	vst v8  }
0x21e: {  	[tilespmem:$0x6090] =	vst v8;
	v27, _, _ =	vpop (xrf1)  }
0x21f: {  	[tilespmem:$0x60A0] =	vst v8;
	v25, _, _ =	vpop (xrf1)  }
0x220: {  	[tilespmem:$0x60B0] =	vst v8;
	v26, _, _ =	vpop (xrf1)  }
0x221: {  	[tilespmem:$0x60C0] =	vst v8;
	v26 =	vperm.xlane v26, v6  }
0x222: {  	[tilespmem:$0x60D0] =	vst v8  }
0x223: {  	[tilespmem:$0x60E0] =	vst v8;
	v25 =	vmax.f32 v25, v26  }
0x224: {  	[tilespmem:$0x60F0] =	vst v8;
	(xrf1) =	vsort.ascd.msk.f32 $0xffff, v25, v25  }
0x225: {  	[tilespmem:$0x6100] =	vst v8  }
0x226: {  	[tilespmem:$0x6110] =	vst v8  }
0x227: {  	[tilespmem:$0x6120] =	vst v8  }
0x228: {  	[tilespmem:$0x6130] =	vst v8  }
0x229: {  	[tilespmem:$0x6140] =	vst v8  }
0x22a: {  	[tilespmem:$0x6150] =	vst v8  }
0x22b: {  	[tilespmem:$0x6160] =	vst v8  }
0x22c: {  	s1 =	simm.s32 $0x0;
	[tilespmem:$0x6170] =	vst v8  }
0x22d: {  	v31 =	vld [tilespmem:s1+$0x2880]  }
0x22e: {  	v32 =	vld [tilespmem:s1+$0x4480]  }
0x22f: {  	v34 =	vld [tilespmem:s1+$0x3680]  }
0x230: {  	v30 =	vld [tilespmem:s1+$0x5280];
	_ =	sdelay $0x1  }
0x231: {  	v27 =	vperm.xlane v27, v7;
	v26 =	vperm.xlane v29, v7;
	v28, _, _ =	vpop (xrf1)  }
0x232: {  	v25 =	vperm.xlane v33, v7;
	v28 =	vperm.xlane v28, v7  }
0x233: {  	vm2 =	vle.f32 v32, v27  }
0x234: {  	vm4 =	vle.f32 v34, v26;
	vm1 =	vle.f32 v31, v25;
	vm3 =	vle.f32 v30, v28  }
0x235: {  	vm1 =	vmor vm1, vm4;
	vm2 =	vmor vm2, vm3  }
0x236: {  	vm1 =	vmor vm1, vm2  }
0x237: {  	v30 =	vmpcnt.ones.xlane vm1;
	_ =	sdelay $0x1  }
0x238: {  	vm1 =	vlt.s32 v30, $0x1;
	vm2 =	vgt.s32 v30, $0x0  }
0x239: {  	v29 =	vimm.s32 $0x0;
	v30 =	vnsel vm1, $0x1, v30;
	vm1 =	vmand vm2, vm0  }
0x23a: {  	v31 =	vimm.s32 $0x0;
	v32 =	vadd.s32 v29, v30  }
0x23b: {  	s1 =	simm.s32 $0x40;
	v30 =	vimm.s32 $0x0;
	vm2 =	vlt.s32 v32, $0xFF  }
.LBB2_5:
0x23c: {  	p0 =	sne.s32 s1, $0x35C0;
	v29 =	vadd.s32 $0x1, v29;
	s30 =	smov.u32 s1;
	s1 =	sadd.s32 $0x40, s1  }
0x23d: {  	_ = 	snop  }
0x23e: {  	v32 =	vnsel vm2, $0xFF, v32  }
0x23f: {  	s30 =	sshra.s32 s30, $0x2;
	[tilespmem:v31+s15+$0x0] =	vst.idx.msk vm1, v30;
	v30 =	vmov v29;
	v31 =	vmov v32  }
0x240: {  	v33 =	vld [tilespmem:s30+$0x5280]  }
0x241: {  	v34 =	vld [tilespmem:s30+$0x2880]  }
0x242: {  	v35 =	vld [tilespmem:s30+$0x4480]  }
0x243: {  	v36 =	vld [tilespmem:s30+$0x3680];
	_ =	sdelay $0x3  }
0x244: {  	vm3 =	vle.f32 v33, v28;
	vm1 =	vle.f32 v34, v25;
	vm2 =	vle.f32 v35, v27  }
0x245: {  	vm4 =	vle.f32 v36, v26;
	vm2 =	vmor vm2, vm3  }
0x246: {  	vm1 =	vmor vm1, vm4  }
0x247: {  	vm1 =	vmor vm1, vm2  }
0x248: {  	v33 =	vmpcnt.ones.xlane vm1  }
.Ltmp5:
0x249: {  	(pc) =	sbr.rel @p0 .LBB2_5-.Ltmp5, $4  }
0x24a: {  	vm1 =	vgt.s32 v33, $0x0;
	vm2 =	vlt.s32 v33, $0x1  }
0x24b: {  	vm1 =	vmand vm1, vm0;
	v33 =	vnsel vm2, $0x1, v33  }
0x24c: {  	v32 =	vadd.s32 v32, v33  }
0x24d: {  	vm2 =	vlt.s32 v32, $0xFF  }
0x24e: {  	v29 =	vnsel vm2, $0xFF, v32  }
0x24f: {  	v29 =	vxor.u32 $0x80000000, v29  }
0x250: {  	(xrf0) =	vmax.scan.msk.u32 $0xffff, v29;
	_ =	sdelay $0x5  }
0x251: {  	v29, _, _ =	vpop (xrf0)  }
0x252: {  	(v2sf) =	vpush v29, $0xF;
	_ =	sdelay $0x1  }
0x253: {  	[tilespmem:v31+s15+$0x0] =	vst.idx.msk vm1, v30  }
0x254: {  	[tilespmem:$0x6180] =	vst v9  }
0x255: {  	[tilespmem:$0x6190] =	vst v9  }
0x256: {  	[tilespmem:$0x61A0] =	vst v9  }
0x257: {  	[tilespmem:$0x61B0] =	vst v9  }
0x258: {  	[tilespmem:$0x61C0] =	vst v9  }
0x259: {  	[tilespmem:$0x6200] =	vst v9  }
0x25a: {  	[tilespmem:$0x6210] =	vst v9  }
0x25b: {  	[tilespmem:$0x6220] =	vst v9  }
0x25c: {  	[tilespmem:$0x6230] =	vst v9  }
0x25d: {  	[tilespmem:$0x6240] =	vst v9  }
0x25e: {  	[tilespmem:$0x6280] =	vst v9  }
0x25f: {  	[tilespmem:$0x6290] =	vst v9  }
0x260: {  	[tilespmem:$0x62A0] =	vst v9;
	s1 =	spop (v2sf)  }
0x261: {  	[tilespmem:$0x62B0] =	vst v9;
	s1 =	sadd.s32 $0x8000000F, s1  }
0x262: {  	[tilespmem:$0x62C0] =	vst v9;
	p0 =	slt.s32 s1, $0x10  }
.Ltmp6:
0x263: {  	[tilespmem:$0x6300] =	vst v9;
	(pc) =	sbr.rel @p0 .LBB2_9-.Ltmp6, $4  }
0x264: {  	[tilespmem:$0x6310] =	vst v9  }
0x265: {  	[tilespmem:$0x6320] =	vst v9  }
0x266: {  	[tilespmem:$0x6330] =	vst v9  }
0x267: {  	[tilespmem:$0x6340] =	vst v9  }
0x268: {  	s30 =	sshra.s32 s1, $0x1F  }
0x269: {  	s30 =	sshrl.u32 s30, $0x1C  }
0x26a: {  	v30 =	vimm.s32 $0xFFFFFFFF;
	s1 =	sadd.s32 s30, s1  }
0x26b: {  	s31 =	simm.s32 $0x6080;
	v31 =	vimm.s32 $0xFFFFFFFF;
	v32 =	vimm.s32 $0xFFFFFFFF;
	v33 =	vimm.s32 $0xFFFFFFFF;
	s30 =	sshra.s32 s1, $0x4  }
.LBB2_8:
0x26c: {  	v29 =	vld [tilespmem:s31+$0x0];
	_ =	sdelay $0x4  }
0x26d: {  	v34 =	vperm.xlane v29, v10;
	_ =	sdelay $0x1  }
0x26e: {  	v34 =	vshll.u32 v34, $0x4  }
0x26f: {  	v34 =	vor.u32 v0, v34;
	_ =	sdelay $0x4  }
0x270: {  	v35 =	vld.idx.msk [tilespmem:v34+s16+$0x0], $0xffff;
	_ =	sdelay $0x4  }
0x271: {  	vm2 =	vle.f32 v35, v25  }
0x272: {  	(xrf0) =	vadd.scan.msk.s32 vm2, v7;
	_ =	sdelay $0x5  }
0x273: {  	v59, _, _ =	vpop (xrf0)  }
0x274: {  	v35 =	vadd.s32 v33, v59;
	_ =	sdelay $0x4  }
0x275: {  	[tilespmem:v35+s17+$0x0] =	vst.idx.msk vm2, v34  }
0x276: {  	v35 =	vld.idx.msk [tilespmem:v34+s18+$0x0], $0xffff;
	_ =	sdelay $0x4  }
0x277: {  	vm3 =	vle.f32 v35, v26  }
0x278: {  	(xrf0) =	vadd.scan.msk.s32 vm3, v7;
	_ =	sdelay $0x5  }
0x279: {  	v60, _, _ =	vpop (xrf0)  }
0x27a: {  	v35 =	vadd.s32 v32, v60;
	_ =	sdelay $0x4  }
0x27b: {  	[tilespmem:v35+s19+$0x0] =	vst.idx.msk vm3, v34  }
0x27c: {  	v35 =	vld.idx.msk [tilespmem:v34+s20+$0x0], $0xffff;
	_ =	sdelay $0x4  }
0x27d: {  	vm4 =	vle.f32 v35, v27  }
0x27e: {  	(xrf0) =	vadd.scan.msk.s32 vm4, v7;
	_ =	sdelay $0x5  }
0x27f: {  	v61, _, _ =	vpop (xrf0)  }
0x280: {  	v35 =	vadd.s32 v31, v61;
	_ =	sdelay $0x4  }
0x281: {  	[tilespmem:v35+s21+$0x0] =	vst.idx.msk vm4, v34  }
0x282: {  	v35 =	vld.idx.msk [tilespmem:v34+s22+$0x0], $0xffff;
	_ =	sdelay $0x4  }
0x283: {  	vm5 =	vle.f32 v35, v28  }
0x284: {  	(xrf0) =	vadd.scan.msk.s32 vm5, v7;
	_ =	sdelay $0x4  }
0x285: {  	v62 =	vperm.xlane v29, v7  }
0x286: {  	v36, _, _ =	vpop (xrf0)  }
0x287: {  	v35 =	vshll.u32 v62, $0x4;
	v36 =	vadd.s32 v30, v36  }
0x288: {  	v35 =	vor.u32 v0, v35;
	_ =	sdelay $0x3  }
0x289: {  	[tilespmem:v36+s23+$0x0] =	vst.idx.msk vm5, v34  }
0x28a: {  	v34 =	vld.idx.msk [tilespmem:v35+s16+$0x0], $0xffff;
	_ =	sdelay $0x4  }
0x28b: {  	vm1 =	vle.f32 v34, v25  }
0x28c: {  	(xrf0) =	vadd.scan.msk.s32 vm1, v7;
	_ =	sdelay $0x1  }
0x28d: {  	v63 =	vmpcnt.ones.xlane vm2;
	_ =	sdelay $0x1  }
0x28e: {  	v36 =	vadd.s32 v33, v63  }
0x28f: {  	vm2 =	vlt.s32 v36, $0x3F  }
0x290: {  	v33 =	vnsel vm2, $0x3F, v36;
	v37, _, _ =	vpop (xrf0)  }
0x291: {  	v34 =	vadd.s32 v33, v37;
	_ =	sdelay $0x4  }
0x292: {  	[tilespmem:v34+s17+$0x0] =	vst.idx.msk vm1, v35  }
0x293: {  	v34 =	vld.idx.msk [tilespmem:v35+s18+$0x0], $0xffff;
	_ =	sdelay $0x4  }
0x294: {  	vm2 =	vle.f32 v34, v26  }
0x295: {  	(xrf0) =	vadd.scan.msk.s32 vm2, v7;
	_ =	sdelay $0x1  }
0x296: {  	v38 =	vmpcnt.ones.xlane vm3;
	_ =	sdelay $0x1  }
0x297: {  	v39 =	vadd.s32 v32, v38  }
0x298: {  	vm3 =	vlt.s32 v39, $0x3F  }
0x299: {  	v32 =	vnsel vm3, $0x3F, v39;
	v40, _, _ =	vpop (xrf0)  }
0x29a: {  	v34 =	vadd.s32 v32, v40;
	_ =	sdelay $0x4  }
0x29b: {  	[tilespmem:v34+s19+$0x0] =	vst.idx.msk vm2, v35  }
0x29c: {  	v34 =	vld.idx.msk [tilespmem:v35+s20+$0x0], $0xffff;
	_ =	sdelay $0x4  }
0x29d: {  	vm3 =	vle.f32 v34, v27  }
0x29e: {  	(xrf0) =	vadd.scan.msk.s32 vm3, v7;
	_ =	sdelay $0x1  }
0x29f: {  	v41 =	vmpcnt.ones.xlane vm4;
	_ =	sdelay $0x1  }
0x2a0: {  	v31 =	vadd.s32 v31, v41  }
0x2a1: {  	vm8 =	vlt.s32 v31, $0x3F  }
0x2a2: {  	v31 =	vnsel vm8, $0x3F, v31;
	v42, _, _ =	vpop (xrf0)  }
0x2a3: {  	v34 =	vadd.s32 v31, v42;
	_ =	sdelay $0x4  }
0x2a4: {  	[tilespmem:v34+s21+$0x0] =	vst.idx.msk vm3, v35  }
0x2a5: {  	v34 =	vld.idx.msk [tilespmem:v35+s22+$0x0], $0xffff;
	_ =	sdelay $0x4  }
0x2a6: {  	vm9 =	vle.f32 v34, v28  }
0x2a7: {  	(xrf0) =	vadd.scan.msk.s32 vm9, v7;
	_ =	sdelay $0x1  }
0x2a8: {  	v43 =	vmpcnt.ones.xlane vm5;
	_ =	sdelay $0x1  }
0x2a9: {  	v30 =	vadd.s32 v30, v43  }
0x2aa: {  	v44 =	vperm.xlane v29, v12;
	vm10 =	vlt.s32 v30, $0x3F  }
0x2ab: {  	v30 =	vnsel vm10, $0x3F, v30;
	v45, _, _ =	vpop (xrf0)  }
0x2ac: {  	v34 =	vshll.u32 v44, $0x4;
	v36 =	vadd.s32 v30, v45  }
0x2ad: {  	v34 =	vor.u32 v0, v34;
	_ =	sdelay $0x3  }
0x2ae: {  	[tilespmem:v36+s23+$0x0] =	vst.idx.msk vm9, v35  }
0x2af: {  	v35 =	vld.idx.msk [tilespmem:v34+s16+$0x0], $0xffff;
	_ =	sdelay $0x4  }
0x2b0: {  	vm11 =	vle.f32 v35, v25  }
0x2b1: {  	(xrf0) =	vadd.scan.msk.s32 vm11, v7;
	_ =	sdelay $0x1  }
0x2b2: {  	v46 =	vmpcnt.ones.xlane vm1;
	_ =	sdelay $0x1  }
0x2b3: {  	v33 =	vadd.s32 v33, v46  }
0x2b4: {  	vm1 =	vlt.s32 v33, $0x3F  }
0x2b5: {  	v33 =	vnsel vm1, $0x3F, v33;
	v47, _, _ =	vpop (xrf0)  }
0x2b6: {  	v35 =	vadd.s32 v33, v47;
	_ =	sdelay $0x4  }
0x2b7: {  	[tilespmem:v35+s17+$0x0] =	vst.idx.msk vm11, v34  }
0x2b8: {  	v35 =	vld.idx.msk [tilespmem:v34+s18+$0x0], $0xffff;
	_ =	sdelay $0x4  }
0x2b9: {  	vm1 =	vle.f32 v35, v26  }
0x2ba: {  	(xrf0) =	vadd.scan.msk.s32 vm1, v7;
	_ =	sdelay $0x1  }
0x2bb: {  	v48 =	vmpcnt.ones.xlane vm2;
	_ =	sdelay $0x1  }
0x2bc: {  	v32 =	vadd.s32 v32, v48  }
0x2bd: {  	vm2 =	vlt.s32 v32, $0x3F  }
0x2be: {  	v32 =	vnsel vm2, $0x3F, v32;
	v49, _, _ =	vpop (xrf0)  }
0x2bf: {  	v35 =	vadd.s32 v32, v49;
	_ =	sdelay $0x4  }
0x2c0: {  	[tilespmem:v35+s19+$0x0] =	vst.idx.msk vm1, v34  }
0x2c1: {  	v35 =	vld.idx.msk [tilespmem:v34+s20+$0x0], $0xffff;
	_ =	sdelay $0x4  }
0x2c2: {  	vm2 =	vle.f32 v35, v27  }
0x2c3: {  	(xrf0) =	vadd.scan.msk.s32 vm2, v7;
	_ =	sdelay $0x1  }
0x2c4: {  	v50 =	vmpcnt.ones.xlane vm3;
	_ =	sdelay $0x1  }
0x2c5: {  	v31 =	vadd.s32 v31, v50  }
0x2c6: {  	vm3 =	vlt.s32 v31, $0x3F  }
0x2c7: {  	v31 =	vnsel vm3, $0x3F, v31;
	v51, _, _ =	vpop (xrf0)  }
0x2c8: {  	v35 =	vadd.s32 v31, v51;
	_ =	sdelay $0x4  }
0x2c9: {  	[tilespmem:v35+s21+$0x0] =	vst.idx.msk vm2, v34  }
0x2ca: {  	v35 =	vld.idx.msk [tilespmem:v34+s22+$0x0], $0xffff;
	_ =	sdelay $0x4  }
0x2cb: {  	vm3 =	vle.f32 v35, v28  }
0x2cc: {  	(xrf0) =	vadd.scan.msk.s32 vm3, v7;
	_ =	sdelay $0x1  }
0x2cd: {  	v52 =	vmpcnt.ones.xlane vm9;
	_ =	sdelay $0x1  }
0x2ce: {  	v30 =	vadd.s32 v30, v52  }
0x2cf: {  	v53 =	vperm.xlane v29, v13;
	vm12 =	vlt.s32 v30, $0x3F  }
0x2d0: {  	v30 =	vnsel vm12, $0x3F, v30;
	v54, _, _ =	vpop (xrf0)  }
0x2d1: {  	v35 =	vshll.u32 v53, $0x4;
	v36 =	vadd.s32 v30, v54  }
0x2d2: {  	v35 =	vor.u32 v0, v35;
	_ =	sdelay $0x3  }
0x2d3: {  	[tilespmem:v36+s23+$0x0] =	vst.idx.msk vm3, v34  }
0x2d4: {  	v34 =	vld.idx.msk [tilespmem:v35+s16+$0x0], $0xffff;
	_ =	sdelay $0x4  }
0x2d5: {  	vm13 =	vle.f32 v34, v25  }
0x2d6: {  	(xrf0) =	vadd.scan.msk.s32 vm13, v7;
	_ =	sdelay $0x1  }
0x2d7: {  	v55 =	vmpcnt.ones.xlane vm11;
	_ =	sdelay $0x1  }
0x2d8: {  	v33 =	vadd.s32 v33, v55  }
0x2d9: {  	vm14 =	vlt.s32 v33, $0x3F  }
0x2da: {  	v33 =	vnsel vm14, $0x3F, v33;
	v56, _, _ =	vpop (xrf0)  }
0x2db: {  	v34 =	vadd.s32 v33, v56;
	_ =	sdelay $0x4  }
0x2dc: {  	[tilespmem:v34+s17+$0x0] =	vst.idx.msk vm13, v35  }
0x2dd: {  	v34 =	vld.idx.msk [tilespmem:v35+s18+$0x0], $0xffff;
	_ =	sdelay $0x4  }
0x2de: {  	vm15 =	vle.f32 v34, v26  }
0x2df: {  	(xrf0) =	vadd.scan.msk.s32 vm15, v7;
	_ =	sdelay $0x1  }
0x2e0: {  	v57 =	vmpcnt.ones.xlane vm1;
	_ =	sdelay $0x1  }
0x2e1: {  	v32 =	vadd.s32 v32, v57  }
0x2e2: {  	vm1 =	vlt.s32 v32, $0x3F  }
0x2e3: {  	v32 =	vnsel vm1, $0x3F, v32;
	v58, _, _ =	vpop (xrf0)  }
0x2e4: {  	v34 =	vadd.s32 v32, v58;
	_ =	sdelay $0x4  }
0x2e5: {  	[tilespmem:v34+s19+$0x0] =	vst.idx.msk vm15, v35  }
0x2e6: {  	v34 =	vld.idx.msk [tilespmem:v35+s20+$0x0], $0xffff;
	_ =	sdelay $0x4  }
0x2e7: {  	vm1 =	vle.f32 v34, v27  }
0x2e8: {  	(xrf0) =	vadd.scan.msk.s32 vm1, v7;
	_ =	sdelay $0x1  }
0x2e9: {  	v59 =	vmpcnt.ones.xlane vm2;
	_ =	sdelay $0x1  }
0x2ea: {  	v31 =	vadd.s32 v31, v59  }
0x2eb: {  	vm2 =	vlt.s32 v31, $0x3F  }
0x2ec: {  	v31 =	vnsel vm2, $0x3F, v31;
	v60, _, _ =	vpop (xrf0)  }
0x2ed: {  	v34 =	vadd.s32 v31, v60;
	_ =	sdelay $0x4  }
0x2ee: {  	[tilespmem:v34+s21+$0x0] =	vst.idx.msk vm1, v35  }
0x2ef: {  	v34 =	vld.idx.msk [tilespmem:v35+s22+$0x0], $0xffff;
	_ =	sdelay $0x4  }
0x2f0: {  	vm2 =	vle.f32 v34, v28  }
0x2f1: {  	(xrf0) =	vadd.scan.msk.s32 vm2, v7;
	_ =	sdelay $0x1  }
0x2f2: {  	v61 =	vmpcnt.ones.xlane vm3;
	_ =	sdelay $0x1  }
0x2f3: {  	v30 =	vadd.s32 v30, v61  }
0x2f4: {  	v62 =	vperm.xlane v29, v11;
	vm3 =	vlt.s32 v30, $0x3F  }
0x2f5: {  	v30 =	vnsel vm3, $0x3F, v30;
	v63, _, _ =	vpop (xrf0)  }
0x2f6: {  	v34 =	vshll.u32 v62, $0x4;
	v36 =	vadd.s32 v30, v63  }
0x2f7: {  	v34 =	vor.u32 v0, v34;
	_ =	sdelay $0x3  }
0x2f8: {  	[tilespmem:v36+s23+$0x0] =	vst.idx.msk vm2, v35  }
0x2f9: {  	v35 =	vld.idx.msk [tilespmem:v34+s16+$0x0], $0xffff;
	_ =	sdelay $0x4  }
0x2fa: {  	vm3 =	vle.f32 v35, v25  }
0x2fb: {  	(xrf0) =	vadd.scan.msk.s32 vm3, v7;
	_ =	sdelay $0x1  }
0x2fc: {  	v37 =	vmpcnt.ones.xlane vm13;
	_ =	sdelay $0x1  }
0x2fd: {  	v33 =	vadd.s32 v33, v37  }
0x2fe: {  	vm8 =	vlt.s32 v33, $0x3F  }
0x2ff: {  	v33 =	vnsel vm8, $0x3F, v33;
	v38, _, _ =	vpop (xrf0)  }
0x300: {  	v35 =	vadd.s32 v33, v38;
	_ =	sdelay $0x4  }
0x301: {  	[tilespmem:v35+s17+$0x0] =	vst.idx.msk vm3, v34  }
0x302: {  	v35 =	vld.idx.msk [tilespmem:v34+s18+$0x0], $0xffff;
	_ =	sdelay $0x4  }
0x303: {  	vm9 =	vle.f32 v35, v26  }
0x304: {  	(xrf0) =	vadd.scan.msk.s32 vm9, v7;
	_ =	sdelay $0x1  }
0x305: {  	v39 =	vmpcnt.ones.xlane vm15;
	_ =	sdelay $0x1  }
0x306: {  	v32 =	vadd.s32 v32, v39  }
0x307: {  	vm10 =	vlt.s32 v32, $0x3F  }
0x308: {  	v32 =	vnsel vm10, $0x3F, v32;
	v40, _, _ =	vpop (xrf0)  }
0x309: {  	v35 =	vadd.s32 v32, v40;
	_ =	sdelay $0x4  }
0x30a: {  	[tilespmem:v35+s19+$0x0] =	vst.idx.msk vm9, v34  }
0x30b: {  	v35 =	vld.idx.msk [tilespmem:v34+s20+$0x0], $0xffff;
	_ =	sdelay $0x4  }
0x30c: {  	vm11 =	vle.f32 v35, v27  }
0x30d: {  	(xrf0) =	vadd.scan.msk.s32 vm11, v7;
	_ =	sdelay $0x1  }
0x30e: {  	v41 =	vmpcnt.ones.xlane vm1;
	_ =	sdelay $0x1  }
0x30f: {  	v31 =	vadd.s32 v31, v41  }
0x310: {  	vm1 =	vlt.s32 v31, $0x3F  }
0x311: {  	v31 =	vnsel vm1, $0x3F, v31;
	v42, _, _ =	vpop (xrf0)  }
0x312: {  	v35 =	vadd.s32 v31, v42;
	_ =	sdelay $0x4  }
0x313: {  	[tilespmem:v35+s21+$0x0] =	vst.idx.msk vm11, v34  }
0x314: {  	v35 =	vld.idx.msk [tilespmem:v34+s22+$0x0], $0xffff;
	_ =	sdelay $0x4  }
0x315: {  	vm1 =	vle.f32 v35, v28  }
0x316: {  	(xrf0) =	vadd.scan.msk.s32 vm1, v7;
	_ =	sdelay $0x1  }
0x317: {  	v43 =	vmpcnt.ones.xlane vm2;
	_ =	sdelay $0x1  }
0x318: {  	v30 =	vadd.s32 v30, v43  }
0x319: {  	v44 =	vperm.xlane v29, v14;
	vm2 =	vlt.s32 v30, $0x3F  }
0x31a: {  	v30 =	vnsel vm2, $0x3F, v30;
	v45, _, _ =	vpop (xrf0)  }
0x31b: {  	v35 =	vshll.u32 v44, $0x4;
	v36 =	vadd.s32 v30, v45  }
0x31c: {  	v35 =	vor.u32 v0, v35;
	_ =	sdelay $0x3  }
0x31d: {  	[tilespmem:v36+s23+$0x0] =	vst.idx.msk vm1, v34  }
0x31e: {  	v34 =	vld.idx.msk [tilespmem:v35+s16+$0x0], $0xffff;
	_ =	sdelay $0x4  }
0x31f: {  	vm2 =	vle.f32 v34, v25  }
0x320: {  	(xrf0) =	vadd.scan.msk.s32 vm2, v7;
	_ =	sdelay $0x1  }
0x321: {  	v46 =	vmpcnt.ones.xlane vm3;
	_ =	sdelay $0x1  }
0x322: {  	v33 =	vadd.s32 v33, v46  }
0x323: {  	vm3 =	vlt.s32 v33, $0x3F  }
0x324: {  	v33 =	vnsel vm3, $0x3F, v33;
	v47, _, _ =	vpop (xrf0)  }
0x325: {  	v34 =	vadd.s32 v33, v47;
	_ =	sdelay $0x4  }
0x326: {  	[tilespmem:v34+s17+$0x0] =	vst.idx.msk vm2, v35  }
0x327: {  	v34 =	vld.idx.msk [tilespmem:v35+s18+$0x0], $0xffff;
	_ =	sdelay $0x4  }
0x328: {  	vm3 =	vle.f32 v34, v26  }
0x329: {  	(xrf0) =	vadd.scan.msk.s32 vm3, v7;
	_ =	sdelay $0x1  }
0x32a: {  	v48 =	vmpcnt.ones.xlane vm9;
	_ =	sdelay $0x1  }
0x32b: {  	v32 =	vadd.s32 v32, v48  }
0x32c: {  	vm12 =	vlt.s32 v32, $0x3F  }
0x32d: {  	v32 =	vnsel vm12, $0x3F, v32;
	v49, _, _ =	vpop (xrf0)  }
0x32e: {  	v34 =	vadd.s32 v32, v49;
	_ =	sdelay $0x4  }
0x32f: {  	[tilespmem:v34+s19+$0x0] =	vst.idx.msk vm3, v35  }
0x330: {  	v34 =	vld.idx.msk [tilespmem:v35+s20+$0x0], $0xffff;
	_ =	sdelay $0x4  }
0x331: {  	vm13 =	vle.f32 v34, v27  }
0x332: {  	(xrf0) =	vadd.scan.msk.s32 vm13, v7;
	_ =	sdelay $0x1  }
0x333: {  	v50 =	vmpcnt.ones.xlane vm11;
	_ =	sdelay $0x1  }
0x334: {  	v31 =	vadd.s32 v31, v50  }
0x335: {  	vm14 =	vlt.s32 v31, $0x3F  }
0x336: {  	v31 =	vnsel vm14, $0x3F, v31;
	v51, _, _ =	vpop (xrf0)  }
0x337: {  	v34 =	vadd.s32 v31, v51;
	_ =	sdelay $0x4  }
0x338: {  	[tilespmem:v34+s21+$0x0] =	vst.idx.msk vm13, v35  }
0x339: {  	v34 =	vld.idx.msk [tilespmem:v35+s22+$0x0], $0xffff;
	_ =	sdelay $0x4  }
0x33a: {  	vm15 =	vle.f32 v34, v28  }
0x33b: {  	(xrf0) =	vadd.scan.msk.s32 vm15, v7;
	_ =	sdelay $0x1  }
0x33c: {  	v52 =	vmpcnt.ones.xlane vm1;
	_ =	sdelay $0x1  }
0x33d: {  	v30 =	vadd.s32 v30, v52  }
0x33e: {  	v53 =	vperm.xlane v29, v15;
	vm1 =	vlt.s32 v30, $0x3F  }
0x33f: {  	v30 =	vnsel vm1, $0x3F, v30;
	v54, _, _ =	vpop (xrf0)  }
0x340: {  	v34 =	vshll.u32 v53, $0x4;
	v36 =	vadd.s32 v30, v54  }
0x341: {  	v34 =	vor.u32 v0, v34;
	_ =	sdelay $0x3  }
0x342: {  	[tilespmem:v36+s23+$0x0] =	vst.idx.msk vm15, v35  }
0x343: {  	v35 =	vld.idx.msk [tilespmem:v34+s16+$0x0], $0xffff;
	_ =	sdelay $0x4  }
0x344: {  	vm1 =	vle.f32 v35, v25  }
0x345: {  	(xrf0) =	vadd.scan.msk.s32 vm1, v7;
	_ =	sdelay $0x1  }
0x346: {  	v55 =	vmpcnt.ones.xlane vm2;
	_ =	sdelay $0x1  }
0x347: {  	v33 =	vadd.s32 v33, v55  }
0x348: {  	vm2 =	vlt.s32 v33, $0x3F  }
0x349: {  	v33 =	vnsel vm2, $0x3F, v33;
	v56, _, _ =	vpop (xrf0)  }
0x34a: {  	v35 =	vadd.s32 v33, v56;
	_ =	sdelay $0x4  }
0x34b: {  	[tilespmem:v35+s17+$0x0] =	vst.idx.msk vm1, v34  }
0x34c: {  	v35 =	vld.idx.msk [tilespmem:v34+s18+$0x0], $0xffff;
	_ =	sdelay $0x4  }
0x34d: {  	vm2 =	vle.f32 v35, v26  }
0x34e: {  	(xrf0) =	vadd.scan.msk.s32 vm2, v7;
	_ =	sdelay $0x1  }
0x34f: {  	v57 =	vmpcnt.ones.xlane vm3;
	_ =	sdelay $0x1  }
0x350: {  	v32 =	vadd.s32 v32, v57  }
0x351: {  	vm3 =	vlt.s32 v32, $0x3F  }
0x352: {  	v32 =	vnsel vm3, $0x3F, v32;
	v58, _, _ =	vpop (xrf0)  }
0x353: {  	v35 =	vadd.s32 v32, v58;
	_ =	sdelay $0x4  }
0x354: {  	[tilespmem:v35+s19+$0x0] =	vst.idx.msk vm2, v34  }
0x355: {  	v35 =	vld.idx.msk [tilespmem:v34+s20+$0x0], $0xffff;
	_ =	sdelay $0x4  }
0x356: {  	vm3 =	vle.f32 v35, v27  }
0x357: {  	(xrf0) =	vadd.scan.msk.s32 vm3, v7;
	_ =	sdelay $0x1  }
0x358: {  	v59 =	vmpcnt.ones.xlane vm13;
	_ =	sdelay $0x1  }
0x359: {  	v31 =	vadd.s32 v31, v59  }
0x35a: {  	vm8 =	vlt.s32 v31, $0x3F  }
0x35b: {  	v31 =	vnsel vm8, $0x3F, v31;
	v60, _, _ =	vpop (xrf0)  }
0x35c: {  	v35 =	vadd.s32 v31, v60;
	_ =	sdelay $0x4  }
0x35d: {  	[tilespmem:v35+s21+$0x0] =	vst.idx.msk vm3, v34  }
0x35e: {  	v35 =	vld.idx.msk [tilespmem:v34+s22+$0x0], $0xffff;
	_ =	sdelay $0x4  }
0x35f: {  	vm9 =	vle.f32 v35, v28  }
0x360: {  	(xrf0) =	vadd.scan.msk.s32 vm9, v7;
	_ =	sdelay $0x1  }
0x361: {  	v61 =	vmpcnt.ones.xlane vm15;
	_ =	sdelay $0x1  }
0x362: {  	v30 =	vadd.s32 v30, v61  }
0x363: {  	v62 =	vperm.xlane v29, v16;
	vm10 =	vlt.s32 v30, $0x3F  }
0x364: {  	v30 =	vnsel vm10, $0x3F, v30;
	v63, _, _ =	vpop (xrf0)  }
0x365: {  	v35 =	vshll.u32 v62, $0x4;
	v36 =	vadd.s32 v30, v63  }
0x366: {  	v35 =	vor.u32 v0, v35;
	_ =	sdelay $0x3  }
0x367: {  	[tilespmem:v36+s23+$0x0] =	vst.idx.msk vm9, v34  }
0x368: {  	v34 =	vld.idx.msk [tilespmem:v35+s16+$0x0], $0xffff;
	_ =	sdelay $0x4  }
0x369: {  	vm11 =	vle.f32 v34, v25  }
0x36a: {  	(xrf0) =	vadd.scan.msk.s32 vm11, v7;
	_ =	sdelay $0x1  }
0x36b: {  	v37 =	vmpcnt.ones.xlane vm1;
	_ =	sdelay $0x1  }
0x36c: {  	v33 =	vadd.s32 v33, v37  }
0x36d: {  	vm1 =	vlt.s32 v33, $0x3F  }
0x36e: {  	v33 =	vnsel vm1, $0x3F, v33;
	v38, _, _ =	vpop (xrf0)  }
0x36f: {  	v34 =	vadd.s32 v33, v38;
	_ =	sdelay $0x4  }
0x370: {  	[tilespmem:v34+s17+$0x0] =	vst.idx.msk vm11, v35  }
0x371: {  	v34 =	vld.idx.msk [tilespmem:v35+s18+$0x0], $0xffff;
	_ =	sdelay $0x4  }
0x372: {  	vm1 =	vle.f32 v34, v26  }
0x373: {  	(xrf0) =	vadd.scan.msk.s32 vm1, v7;
	_ =	sdelay $0x1  }
0x374: {  	v39 =	vmpcnt.ones.xlane vm2;
	_ =	sdelay $0x1  }
0x375: {  	v32 =	vadd.s32 v32, v39  }
0x376: {  	vm2 =	vlt.s32 v32, $0x3F  }
0x377: {  	v32 =	vnsel vm2, $0x3F, v32;
	v40, _, _ =	vpop (xrf0)  }
0x378: {  	v34 =	vadd.s32 v32, v40;
	_ =	sdelay $0x4  }
0x379: {  	[tilespmem:v34+s19+$0x0] =	vst.idx.msk vm1, v35  }
0x37a: {  	v34 =	vld.idx.msk [tilespmem:v35+s20+$0x0], $0xffff;
	_ =	sdelay $0x4  }
0x37b: {  	vm2 =	vle.f32 v34, v27  }
0x37c: {  	(xrf0) =	vadd.scan.msk.s32 vm2, v7;
	_ =	sdelay $0x1  }
0x37d: {  	v41 =	vmpcnt.ones.xlane vm3;
	_ =	sdelay $0x1  }
0x37e: {  	v31 =	vadd.s32 v31, v41  }
0x37f: {  	vm3 =	vlt.s32 v31, $0x3F  }
0x380: {  	v31 =	vnsel vm3, $0x3F, v31;
	v42, _, _ =	vpop (xrf0)  }
0x381: {  	v34 =	vadd.s32 v31, v42;
	_ =	sdelay $0x4  }
0x382: {  	[tilespmem:v34+s21+$0x0] =	vst.idx.msk vm2, v35  }
0x383: {  	v34 =	vld.idx.msk [tilespmem:v35+s22+$0x0], $0xffff;
	_ =	sdelay $0x4  }
0x384: {  	vm3 =	vle.f32 v34, v28  }
0x385: {  	(xrf0) =	vadd.scan.msk.s32 vm3, v7;
	_ =	sdelay $0x1  }
0x386: {  	v43 =	vmpcnt.ones.xlane vm9;
	_ =	sdelay $0x1  }
0x387: {  	v30 =	vadd.s32 v30, v43  }
0x388: {  	v44 =	vperm.xlane v29, v17;
	vm12 =	vlt.s32 v30, $0x3F  }
0x389: {  	v30 =	vnsel vm12, $0x3F, v30;
	v45, _, _ =	vpop (xrf0)  }
0x38a: {  	v34 =	vshll.u32 v44, $0x4;
	v36 =	vadd.s32 v30, v45  }
0x38b: {  	v34 =	vor.u32 v0, v34;
	_ =	sdelay $0x3  }
0x38c: {  	[tilespmem:v36+s23+$0x0] =	vst.idx.msk vm3, v35  }
0x38d: {  	v35 =	vld.idx.msk [tilespmem:v34+s16+$0x0], $0xffff;
	_ =	sdelay $0x4  }
0x38e: {  	vm13 =	vle.f32 v35, v25  }
0x38f: {  	(xrf0) =	vadd.scan.msk.s32 vm13, v7;
	_ =	sdelay $0x1  }
0x390: {  	v46 =	vmpcnt.ones.xlane vm11;
	_ =	sdelay $0x1  }
0x391: {  	v33 =	vadd.s32 v33, v46  }
0x392: {  	vm14 =	vlt.s32 v33, $0x3F  }
0x393: {  	v33 =	vnsel vm14, $0x3F, v33;
	v47, _, _ =	vpop (xrf0)  }
0x394: {  	v35 =	vadd.s32 v33, v47;
	_ =	sdelay $0x4  }
0x395: {  	[tilespmem:v35+s17+$0x0] =	vst.idx.msk vm13, v34  }
0x396: {  	v35 =	vld.idx.msk [tilespmem:v34+s18+$0x0], $0xffff;
	_ =	sdelay $0x4  }
0x397: {  	vm15 =	vle.f32 v35, v26  }
0x398: {  	(xrf0) =	vadd.scan.msk.s32 vm15, v7;
	_ =	sdelay $0x1  }
0x399: {  	v48 =	vmpcnt.ones.xlane vm1;
	_ =	sdelay $0x1  }
0x39a: {  	v32 =	vadd.s32 v32, v48  }
0x39b: {  	vm1 =	vlt.s32 v32, $0x3F  }
0x39c: {  	v32 =	vnsel vm1, $0x3F, v32;
	v49, _, _ =	vpop (xrf0)  }
0x39d: {  	v35 =	vadd.s32 v32, v49;
	_ =	sdelay $0x4  }
0x39e: {  	[tilespmem:v35+s19+$0x0] =	vst.idx.msk vm15, v34  }
0x39f: {  	v35 =	vld.idx.msk [tilespmem:v34+s20+$0x0], $0xffff;
	_ =	sdelay $0x4  }
0x3a0: {  	vm1 =	vle.f32 v35, v27  }
0x3a1: {  	(xrf0) =	vadd.scan.msk.s32 vm1, v7;
	_ =	sdelay $0x1  }
0x3a2: {  	v50 =	vmpcnt.ones.xlane vm2;
	_ =	sdelay $0x1  }
0x3a3: {  	v31 =	vadd.s32 v31, v50  }
0x3a4: {  	vm2 =	vlt.s32 v31, $0x3F  }
0x3a5: {  	v31 =	vnsel vm2, $0x3F, v31;
	v51, _, _ =	vpop (xrf0)  }
0x3a6: {  	v35 =	vadd.s32 v31, v51;
	_ =	sdelay $0x4  }
0x3a7: {  	[tilespmem:v35+s21+$0x0] =	vst.idx.msk vm1, v34  }
0x3a8: {  	v35 =	vld.idx.msk [tilespmem:v34+s22+$0x0], $0xffff;
	_ =	sdelay $0x4  }
0x3a9: {  	vm2 =	vle.f32 v35, v28  }
0x3aa: {  	(xrf0) =	vadd.scan.msk.s32 vm2, v7;
	_ =	sdelay $0x1  }
0x3ab: {  	v52 =	vmpcnt.ones.xlane vm3;
	_ =	sdelay $0x1  }
0x3ac: {  	v30 =	vadd.s32 v30, v52  }
0x3ad: {  	v53 =	vperm.xlane v29, v18;
	vm3 =	vlt.s32 v30, $0x3F  }
0x3ae: {  	v30 =	vnsel vm3, $0x3F, v30;
	v54, _, _ =	vpop (xrf0)  }
0x3af: {  	v35 =	vshll.u32 v53, $0x4;
	v36 =	vadd.s32 v30, v54  }
0x3b0: {  	v35 =	vor.u32 v0, v35;
	_ =	sdelay $0x3  }
0x3b1: {  	[tilespmem:v36+s23+$0x0] =	vst.idx.msk vm2, v34  }
0x3b2: {  	v34 =	vld.idx.msk [tilespmem:v35+s16+$0x0], $0xffff;
	_ =	sdelay $0x4  }
0x3b3: {  	vm3 =	vle.f32 v34, v25  }
0x3b4: {  	(xrf0) =	vadd.scan.msk.s32 vm3, v7;
	_ =	sdelay $0x1  }
0x3b5: {  	v55 =	vmpcnt.ones.xlane vm13;
	_ =	sdelay $0x1  }
0x3b6: {  	v33 =	vadd.s32 v33, v55  }
0x3b7: {  	vm8 =	vlt.s32 v33, $0x3F  }
0x3b8: {  	v33 =	vnsel vm8, $0x3F, v33;
	v56, _, _ =	vpop (xrf0)  }
0x3b9: {  	v34 =	vadd.s32 v33, v56;
	_ =	sdelay $0x4  }
0x3ba: {  	[tilespmem:v34+s17+$0x0] =	vst.idx.msk vm3, v35  }
0x3bb: {  	v34 =	vld.idx.msk [tilespmem:v35+s18+$0x0], $0xffff;
	_ =	sdelay $0x4  }
0x3bc: {  	vm9 =	vle.f32 v34, v26  }
0x3bd: {  	(xrf0) =	vadd.scan.msk.s32 vm9, v7;
	_ =	sdelay $0x1  }
0x3be: {  	v57 =	vmpcnt.ones.xlane vm15;
	_ =	sdelay $0x1  }
0x3bf: {  	v32 =	vadd.s32 v32, v57  }
0x3c0: {  	vm10 =	vlt.s32 v32, $0x3F  }
0x3c1: {  	v32 =	vnsel vm10, $0x3F, v32;
	v58, _, _ =	vpop (xrf0)  }
0x3c2: {  	v34 =	vadd.s32 v32, v58;
	_ =	sdelay $0x4  }
0x3c3: {  	[tilespmem:v34+s19+$0x0] =	vst.idx.msk vm9, v35  }
0x3c4: {  	v34 =	vld.idx.msk [tilespmem:v35+s20+$0x0], $0xffff;
	_ =	sdelay $0x4  }
0x3c5: {  	vm11 =	vle.f32 v34, v27  }
0x3c6: {  	(xrf0) =	vadd.scan.msk.s32 vm11, v7;
	_ =	sdelay $0x1  }
0x3c7: {  	v59 =	vmpcnt.ones.xlane vm1;
	_ =	sdelay $0x1  }
0x3c8: {  	v31 =	vadd.s32 v31, v59  }
0x3c9: {  	vm1 =	vlt.s32 v31, $0x3F  }
0x3ca: {  	v31 =	vnsel vm1, $0x3F, v31;
	v60, _, _ =	vpop (xrf0)  }
0x3cb: {  	v34 =	vadd.s32 v31, v60;
	_ =	sdelay $0x4  }
0x3cc: {  	[tilespmem:v34+s21+$0x0] =	vst.idx.msk vm11, v35  }
0x3cd: {  	v34 =	vld.idx.msk [tilespmem:v35+s22+$0x0], $0xffff;
	_ =	sdelay $0x4  }
0x3ce: {  	vm1 =	vle.f32 v34, v28  }
0x3cf: {  	(xrf0) =	vadd.scan.msk.s32 vm1, v7;
	_ =	sdelay $0x1  }
0x3d0: {  	v61 =	vmpcnt.ones.xlane vm2;
	_ =	sdelay $0x1  }
0x3d1: {  	v30 =	vadd.s32 v30, v61  }
0x3d2: {  	v62 =	vperm.xlane v29, v19;
	vm2 =	vlt.s32 v30, $0x3F  }
0x3d3: {  	v30 =	vnsel vm2, $0x3F, v30;
	v63, _, _ =	vpop (xrf0)  }
0x3d4: {  	v34 =	vshll.u32 v62, $0x4;
	v36 =	vadd.s32 v30, v63  }
0x3d5: {  	v34 =	vor.u32 v0, v34;
	_ =	sdelay $0x3  }
0x3d6: {  	[tilespmem:v36+s23+$0x0] =	vst.idx.msk vm1, v35  }
0x3d7: {  	v35 =	vld.idx.msk [tilespmem:v34+s16+$0x0], $0xffff;
	_ =	sdelay $0x4  }
0x3d8: {  	vm2 =	vle.f32 v35, v25  }
0x3d9: {  	(xrf0) =	vadd.scan.msk.s32 vm2, v7;
	_ =	sdelay $0x1  }
0x3da: {  	v37 =	vmpcnt.ones.xlane vm3;
	_ =	sdelay $0x1  }
0x3db: {  	v33 =	vadd.s32 v33, v37  }
0x3dc: {  	vm3 =	vlt.s32 v33, $0x3F  }
0x3dd: {  	v33 =	vnsel vm3, $0x3F, v33;
	v38, _, _ =	vpop (xrf0)  }
0x3de: {  	v35 =	vadd.s32 v33, v38;
	_ =	sdelay $0x4  }
0x3df: {  	[tilespmem:v35+s17+$0x0] =	vst.idx.msk vm2, v34  }
0x3e0: {  	v35 =	vld.idx.msk [tilespmem:v34+s18+$0x0], $0xffff;
	_ =	sdelay $0x4  }
0x3e1: {  	vm3 =	vle.f32 v35, v26  }
0x3e2: {  	(xrf0) =	vadd.scan.msk.s32 vm3, v7;
	_ =	sdelay $0x1  }
0x3e3: {  	v39 =	vmpcnt.ones.xlane vm9;
	_ =	sdelay $0x1  }
0x3e4: {  	v32 =	vadd.s32 v32, v39  }
0x3e5: {  	vm12 =	vlt.s32 v32, $0x3F  }
0x3e6: {  	v32 =	vnsel vm12, $0x3F, v32;
	v40, _, _ =	vpop (xrf0)  }
0x3e7: {  	v35 =	vadd.s32 v32, v40;
	_ =	sdelay $0x4  }
0x3e8: {  	[tilespmem:v35+s19+$0x0] =	vst.idx.msk vm3, v34  }
0x3e9: {  	v35 =	vld.idx.msk [tilespmem:v34+s20+$0x0], $0xffff;
	_ =	sdelay $0x4  }
0x3ea: {  	vm13 =	vle.f32 v35, v27  }
0x3eb: {  	(xrf0) =	vadd.scan.msk.s32 vm13, v7;
	_ =	sdelay $0x1  }
0x3ec: {  	v41 =	vmpcnt.ones.xlane vm11;
	_ =	sdelay $0x1  }
0x3ed: {  	v31 =	vadd.s32 v31, v41  }
0x3ee: {  	vm14 =	vlt.s32 v31, $0x3F  }
0x3ef: {  	v31 =	vnsel vm14, $0x3F, v31;
	v42, _, _ =	vpop (xrf0)  }
0x3f0: {  	v35 =	vadd.s32 v31, v42;
	_ =	sdelay $0x4  }
0x3f1: {  	[tilespmem:v35+s21+$0x0] =	vst.idx.msk vm13, v34  }
0x3f2: {  	v35 =	vld.idx.msk [tilespmem:v34+s22+$0x0], $0xffff;
	_ =	sdelay $0x4  }
0x3f3: {  	vm15 =	vle.f32 v35, v28  }
0x3f4: {  	(xrf0) =	vadd.scan.msk.s32 vm15, v7;
	_ =	sdelay $0x1  }
0x3f5: {  	v43 =	vmpcnt.ones.xlane vm1;
	_ =	sdelay $0x1  }
0x3f6: {  	v30 =	vadd.s32 v30, v43  }
0x3f7: {  	v44 =	vperm.xlane v29, v20;
	vm1 =	vlt.s32 v30, $0x3F  }
0x3f8: {  	v30 =	vnsel vm1, $0x3F, v30;
	v45, _, _ =	vpop (xrf0)  }
0x3f9: {  	v35 =	vshll.u32 v44, $0x4;
	v36 =	vadd.s32 v30, v45  }
0x3fa: {  	v35 =	vor.u32 v0, v35;
	_ =	sdelay $0x3  }
0x3fb: {  	[tilespmem:v36+s23+$0x0] =	vst.idx.msk vm15, v34  }
0x3fc: {  	v34 =	vld.idx.msk [tilespmem:v35+s16+$0x0], $0xffff;
	_ =	sdelay $0x4  }
0x3fd: {  	vm1 =	vle.f32 v34, v25  }
0x3fe: {  	(xrf0) =	vadd.scan.msk.s32 vm1, v7;
	_ =	sdelay $0x1  }
0x3ff: {  	v46 =	vmpcnt.ones.xlane vm2;
	_ =	sdelay $0x1  }
0x400: {  	v33 =	vadd.s32 v33, v46  }
0x401: {  	vm2 =	vlt.s32 v33, $0x3F  }
0x402: {  	v33 =	vnsel vm2, $0x3F, v33;
	v47, _, _ =	vpop (xrf0)  }
0x403: {  	v34 =	vadd.s32 v33, v47;
	_ =	sdelay $0x4  }
0x404: {  	[tilespmem:v34+s17+$0x0] =	vst.idx.msk vm1, v35  }
0x405: {  	v34 =	vld.idx.msk [tilespmem:v35+s18+$0x0], $0xffff;
	_ =	sdelay $0x4  }
0x406: {  	vm2 =	vle.f32 v34, v26  }
0x407: {  	(xrf0) =	vadd.scan.msk.s32 vm2, v7;
	_ =	sdelay $0x1  }
0x408: {  	v48 =	vmpcnt.ones.xlane vm3;
	_ =	sdelay $0x1  }
0x409: {  	v32 =	vadd.s32 v32, v48  }
0x40a: {  	vm3 =	vlt.s32 v32, $0x3F  }
0x40b: {  	v32 =	vnsel vm3, $0x3F, v32;
	v49, _, _ =	vpop (xrf0)  }
0x40c: {  	v34 =	vadd.s32 v32, v49;
	_ =	sdelay $0x4  }
0x40d: {  	[tilespmem:v34+s19+$0x0] =	vst.idx.msk vm2, v35  }
0x40e: {  	v34 =	vld.idx.msk [tilespmem:v35+s20+$0x0], $0xffff;
	_ =	sdelay $0x4  }
0x40f: {  	vm3 =	vle.f32 v34, v27  }
0x410: {  	(xrf0) =	vadd.scan.msk.s32 vm3, v7;
	_ =	sdelay $0x1  }
0x411: {  	v50 =	vmpcnt.ones.xlane vm13;
	_ =	sdelay $0x1  }
0x412: {  	v31 =	vadd.s32 v31, v50  }
0x413: {  	vm8 =	vlt.s32 v31, $0x3F  }
0x414: {  	v31 =	vnsel vm8, $0x3F, v31;
	v51, _, _ =	vpop (xrf0)  }
0x415: {  	v34 =	vadd.s32 v31, v51;
	_ =	sdelay $0x4  }
0x416: {  	[tilespmem:v34+s21+$0x0] =	vst.idx.msk vm3, v35  }
0x417: {  	v34 =	vld.idx.msk [tilespmem:v35+s22+$0x0], $0xffff;
	_ =	sdelay $0x4  }
0x418: {  	vm9 =	vle.f32 v34, v28  }
0x419: {  	(xrf0) =	vadd.scan.msk.s32 vm9, v7;
	_ =	sdelay $0x1  }
0x41a: {  	v52 =	vmpcnt.ones.xlane vm15;
	_ =	sdelay $0x1  }
0x41b: {  	v30 =	vadd.s32 v30, v52  }
0x41c: {  	v53 =	vperm.xlane v29, v21;
	vm10 =	vlt.s32 v30, $0x3F  }
0x41d: {  	v30 =	vnsel vm10, $0x3F, v30;
	v54, _, _ =	vpop (xrf0)  }
0x41e: {  	v34 =	vshll.u32 v53, $0x4;
	v36 =	vadd.s32 v30, v54  }
0x41f: {  	v34 =	vor.u32 v0, v34;
	_ =	sdelay $0x3  }
0x420: {  	[tilespmem:v36+s23+$0x0] =	vst.idx.msk vm9, v35  }
0x421: {  	v35 =	vld.idx.msk [tilespmem:v34+s16+$0x0], $0xffff;
	_ =	sdelay $0x4  }
0x422: {  	vm11 =	vle.f32 v35, v25  }
0x423: {  	(xrf0) =	vadd.scan.msk.s32 vm11, v7;
	_ =	sdelay $0x1  }
0x424: {  	v55 =	vmpcnt.ones.xlane vm1;
	_ =	sdelay $0x1  }
0x425: {  	v33 =	vadd.s32 v33, v55  }
0x426: {  	vm1 =	vlt.s32 v33, $0x3F  }
0x427: {  	v33 =	vnsel vm1, $0x3F, v33;
	v56, _, _ =	vpop (xrf0)  }
0x428: {  	v35 =	vadd.s32 v33, v56;
	_ =	sdelay $0x4  }
0x429: {  	[tilespmem:v35+s17+$0x0] =	vst.idx.msk vm11, v34  }
0x42a: {  	v35 =	vld.idx.msk [tilespmem:v34+s18+$0x0], $0xffff;
	_ =	sdelay $0x4  }
0x42b: {  	vm1 =	vle.f32 v35, v26  }
0x42c: {  	(xrf0) =	vadd.scan.msk.s32 vm1, v7;
	_ =	sdelay $0x1  }
0x42d: {  	v57 =	vmpcnt.ones.xlane vm2;
	_ =	sdelay $0x1  }
0x42e: {  	v32 =	vadd.s32 v32, v57  }
0x42f: {  	vm2 =	vlt.s32 v32, $0x3F  }
0x430: {  	v32 =	vnsel vm2, $0x3F, v32;
	v58, _, _ =	vpop (xrf0)  }
0x431: {  	v35 =	vadd.s32 v32, v58;
	_ =	sdelay $0x4  }
0x432: {  	[tilespmem:v35+s19+$0x0] =	vst.idx.msk vm1, v34  }
0x433: {  	v35 =	vld.idx.msk [tilespmem:v34+s20+$0x0], $0xffff;
	_ =	sdelay $0x4  }
0x434: {  	vm2 =	vle.f32 v35, v27  }
0x435: {  	(xrf0) =	vadd.scan.msk.s32 vm2, v7;
	_ =	sdelay $0x1  }
0x436: {  	v59 =	vmpcnt.ones.xlane vm3;
	_ =	sdelay $0x1  }
0x437: {  	v31 =	vadd.s32 v31, v59  }
0x438: {  	vm3 =	vlt.s32 v31, $0x3F  }
0x439: {  	v31 =	vnsel vm3, $0x3F, v31;
	v60, _, _ =	vpop (xrf0)  }
0x43a: {  	v35 =	vadd.s32 v31, v60;
	_ =	sdelay $0x4  }
0x43b: {  	[tilespmem:v35+s21+$0x0] =	vst.idx.msk vm2, v34  }
0x43c: {  	v35 =	vld.idx.msk [tilespmem:v34+s22+$0x0], $0xffff;
	_ =	sdelay $0x4  }
0x43d: {  	vm3 =	vle.f32 v35, v28  }
0x43e: {  	(xrf0) =	vadd.scan.msk.s32 vm3, v7;
	_ =	sdelay $0x1  }
0x43f: {  	v61 =	vmpcnt.ones.xlane vm9;
	_ =	sdelay $0x1  }
0x440: {  	v30 =	vadd.s32 v30, v61  }
0x441: {  	v62 =	vperm.xlane v29, v22;
	vm12 =	vlt.s32 v30, $0x3F  }
0x442: {  	v30 =	vnsel vm12, $0x3F, v30;
	v63, _, _ =	vpop (xrf0)  }
0x443: {  	v35 =	vshll.u32 v62, $0x4;
	v36 =	vadd.s32 v30, v63  }
0x444: {  	v35 =	vor.u32 v0, v35;
	_ =	sdelay $0x3  }
0x445: {  	[tilespmem:v36+s23+$0x0] =	vst.idx.msk vm3, v34  }
0x446: {  	v34 =	vld.idx.msk [tilespmem:v35+s16+$0x0], $0xffff;
	_ =	sdelay $0x4  }
0x447: {  	vm13 =	vle.f32 v34, v25  }
0x448: {  	(xrf0) =	vadd.scan.msk.s32 vm13, v7;
	_ =	sdelay $0x1  }
0x449: {  	v36 =	vmpcnt.ones.xlane vm11;
	_ =	sdelay $0x1  }
0x44a: {  	v33 =	vadd.s32 v33, v36  }
0x44b: {  	vm14 =	vlt.s32 v33, $0x3F  }
0x44c: {  	v33 =	vnsel vm14, $0x3F, v33;
	v37, _, _ =	vpop (xrf0)  }
0x44d: {  	v34 =	vadd.s32 v33, v37;
	_ =	sdelay $0x4  }
0x44e: {  	[tilespmem:v34+s17+$0x0] =	vst.idx.msk vm13, v35  }
0x44f: {  	v34 =	vld.idx.msk [tilespmem:v35+s18+$0x0], $0xffff;
	_ =	sdelay $0x4  }
0x450: {  	vm15 =	vle.f32 v34, v26  }
0x451: {  	(xrf0) =	vadd.scan.msk.s32 vm15, v7;
	_ =	sdelay $0x1  }
0x452: {  	v38 =	vmpcnt.ones.xlane vm1;
	_ =	sdelay $0x1  }
0x453: {  	v32 =	vadd.s32 v32, v38  }
0x454: {  	vm1 =	vlt.s32 v32, $0x3F  }
0x455: {  	v32 =	vnsel vm1, $0x3F, v32;
	v39, _, _ =	vpop (xrf0)  }
0x456: {  	v34 =	vadd.s32 v32, v39;
	_ =	sdelay $0x4  }
0x457: {  	[tilespmem:v34+s19+$0x0] =	vst.idx.msk vm15, v35  }
0x458: {  	v34 =	vld.idx.msk [tilespmem:v35+s20+$0x0], $0xffff;
	_ =	sdelay $0x4  }
0x459: {  	vm1 =	vle.f32 v34, v27  }
0x45a: {  	(xrf0) =	vadd.scan.msk.s32 vm1, v7;
	_ =	sdelay $0x1  }
0x45b: {  	v40 =	vmpcnt.ones.xlane vm2;
	_ =	sdelay $0x1  }
0x45c: {  	v31 =	vadd.s32 v31, v40  }
0x45d: {  	vm2 =	vlt.s32 v31, $0x3F  }
0x45e: {  	v31 =	vnsel vm2, $0x3F, v31;
	v41, _, _ =	vpop (xrf0)  }
0x45f: {  	v34 =	vadd.s32 v31, v41;
	_ =	sdelay $0x4  }
0x460: {  	[tilespmem:v34+s21+$0x0] =	vst.idx.msk vm1, v35  }
0x461: {  	v34 =	vld.idx.msk [tilespmem:v35+s22+$0x0], $0xffff;
	_ =	sdelay $0x4  }
0x462: {  	vm2 =	vle.f32 v34, v28  }
0x463: {  	(xrf0) =	vadd.scan.msk.s32 vm2, v7;
	_ =	sdelay $0x1  }
0x464: {  	v42 =	vmpcnt.ones.xlane vm3;
	_ =	sdelay $0x1  }
0x465: {  	v30 =	vadd.s32 v30, v42  }
0x466: {  	v43 =	vperm.xlane v29, v23;
	vm3 =	vlt.s32 v30, $0x3F  }
0x467: {  	v30 =	vnsel vm3, $0x3F, v30;
	v44, _, _ =	vpop (xrf0)  }
0x468: {  	v34 =	vshll.u32 v43, $0x4;
	v36 =	vadd.s32 v30, v44  }
0x469: {  	v34 =	vor.u32 v0, v34;
	_ =	sdelay $0x3  }
0x46a: {  	[tilespmem:v36+s23+$0x0] =	vst.idx.msk vm2, v35  }
0x46b: {  	v35 =	vld.idx.msk [tilespmem:v34+s16+$0x0], $0xffff;
	_ =	sdelay $0x4  }
0x46c: {  	vm3 =	vle.f32 v35, v25  }
0x46d: {  	(xrf0) =	vadd.scan.msk.s32 vm3, v7;
	_ =	sdelay $0x1  }
0x46e: {  	v45 =	vmpcnt.ones.xlane vm13;
	_ =	sdelay $0x1  }
0x46f: {  	v33 =	vadd.s32 v33, v45  }
0x470: {  	vm8 =	vlt.s32 v33, $0x3F  }
0x471: {  	v33 =	vnsel vm8, $0x3F, v33;
	v46, _, _ =	vpop (xrf0)  }
0x472: {  	v35 =	vadd.s32 v33, v46;
	_ =	sdelay $0x4  }
0x473: {  	[tilespmem:v35+s17+$0x0] =	vst.idx.msk vm3, v34  }
0x474: {  	v35 =	vld.idx.msk [tilespmem:v34+s18+$0x0], $0xffff;
	_ =	sdelay $0x4  }
0x475: {  	vm9 =	vle.f32 v35, v26  }
0x476: {  	(xrf0) =	vadd.scan.msk.s32 vm9, v7;
	_ =	sdelay $0x1  }
0x477: {  	v47 =	vmpcnt.ones.xlane vm15;
	_ =	sdelay $0x1  }
0x478: {  	v32 =	vadd.s32 v32, v47  }
0x479: {  	vm10 =	vlt.s32 v32, $0x3F  }
0x47a: {  	v32 =	vnsel vm10, $0x3F, v32;
	v48, _, _ =	vpop (xrf0)  }
0x47b: {  	v35 =	vadd.s32 v32, v48;
	_ =	sdelay $0x4  }
0x47c: {  	[tilespmem:v35+s19+$0x0] =	vst.idx.msk vm9, v34  }
0x47d: {  	v35 =	vld.idx.msk [tilespmem:v34+s20+$0x0], $0xffff;
	_ =	sdelay $0x4  }
0x47e: {  	vm11 =	vle.f32 v35, v27  }
0x47f: {  	(xrf0) =	vadd.scan.msk.s32 vm11, v7;
	_ =	sdelay $0x1  }
0x480: {  	v49 =	vmpcnt.ones.xlane vm1;
	_ =	sdelay $0x1  }
0x481: {  	v31 =	vadd.s32 v31, v49  }
0x482: {  	vm1 =	vlt.s32 v31, $0x3F  }
0x483: {  	v31 =	vnsel vm1, $0x3F, v31;
	v50, _, _ =	vpop (xrf0)  }
0x484: {  	v35 =	vadd.s32 v31, v50;
	_ =	sdelay $0x4  }
0x485: {  	[tilespmem:v35+s21+$0x0] =	vst.idx.msk vm11, v34  }
0x486: {  	v35 =	vld.idx.msk [tilespmem:v34+s22+$0x0], $0xffff;
	_ =	sdelay $0x4  }
0x487: {  	vm1 =	vle.f32 v35, v28  }
0x488: {  	(xrf0) =	vadd.scan.msk.s32 vm1, v7;
	_ =	sdelay $0x1  }
0x489: {  	v51 =	vmpcnt.ones.xlane vm2;
	_ =	sdelay $0x1  }
0x48a: {  	v30 =	vadd.s32 v30, v51  }
0x48b: {  	v29 =	vperm.xlane v29, v24;
	vm2 =	vlt.s32 v30, $0x3F  }
0x48c: {  	v30 =	vnsel vm2, $0x3F, v30;
	v52, _, _ =	vpop (xrf0)  }
0x48d: {  	v29 =	vshll.u32 v29, $0x4;
	v35 =	vadd.s32 v30, v52  }
0x48e: {  	v29 =	vor.u32 v0, v29;
	_ =	sdelay $0x3  }
0x48f: {  	[tilespmem:v35+s23+$0x0] =	vst.idx.msk vm1, v34  }
0x490: {  	v34 =	vld.idx.msk [tilespmem:v29+s16+$0x0], $0xffff;
	_ =	sdelay $0x4  }
0x491: {  	vm2 =	vle.f32 v34, v25  }
0x492: {  	(xrf0) =	vadd.scan.msk.s32 vm2, v7;
	_ =	sdelay $0x1  }
0x493: {  	v53 =	vmpcnt.ones.xlane vm3;
	_ =	sdelay $0x1  }
0x494: {  	v33 =	vadd.s32 v33, v53  }
0x495: {  	vm3 =	vlt.s32 v33, $0x3F  }
0x496: {  	v33 =	vnsel vm3, $0x3F, v33;
	v54, _, _ =	vpop (xrf0)  }
0x497: {  	v34 =	vadd.s32 v33, v54;
	_ =	sdelay $0x4  }
0x498: {  	[tilespmem:v34+s17+$0x0] =	vst.idx.msk vm2, v29  }
0x499: {  	v34 =	vld.idx.msk [tilespmem:v29+s18+$0x0], $0xffff;
	_ =	sdelay $0x4  }
0x49a: {  	vm3 =	vle.f32 v34, v26  }
0x49b: {  	(xrf0) =	vadd.scan.msk.s32 vm3, v7;
	_ =	sdelay $0x1  }
0x49c: {  	v55 =	vmpcnt.ones.xlane vm9;
	_ =	sdelay $0x1  }
0x49d: {  	v32 =	vadd.s32 v32, v55  }
0x49e: {  	vm12 =	vlt.s32 v32, $0x3F  }
0x49f: {  	v32 =	vnsel vm12, $0x3F, v32;
	v56, _, _ =	vpop (xrf0)  }
0x4a0: {  	v34 =	vadd.s32 v32, v56;
	_ =	sdelay $0x4  }
0x4a1: {  	[tilespmem:v34+s19+$0x0] =	vst.idx.msk vm3, v29  }
0x4a2: {  	v34 =	vld.idx.msk [tilespmem:v29+s20+$0x0], $0xffff;
	_ =	sdelay $0x4  }
0x4a3: {  	vm13 =	vle.f32 v34, v27  }
0x4a4: {  	(xrf0) =	vadd.scan.msk.s32 vm13, v7;
	_ =	sdelay $0x1  }
0x4a5: {  	v57 =	vmpcnt.ones.xlane vm11;
	_ =	sdelay $0x1  }
0x4a6: {  	v31 =	vadd.s32 v31, v57  }
0x4a7: {  	vm14 =	vlt.s32 v31, $0x3F  }
0x4a8: {  	v31 =	vnsel vm14, $0x3F, v31;
	v58, _, _ =	vpop (xrf0)  }
0x4a9: {  	v34 =	vadd.s32 v31, v58;
	_ =	sdelay $0x4  }
0x4aa: {  	[tilespmem:v34+s21+$0x0] =	vst.idx.msk vm13, v29  }
0x4ab: {  	v34 =	vld.idx.msk [tilespmem:v29+s22+$0x0], $0xffff;
	_ =	sdelay $0x4  }
0x4ac: {  	vm15 =	vle.f32 v34, v28  }
0x4ad: {  	(xrf0) =	vadd.scan.msk.s32 vm15, v7;
	_ =	sdelay $0x1  }
0x4ae: {  	v59 =	vmpcnt.ones.xlane vm1;
	_ =	sdelay $0x1  }
0x4af: {  	v30 =	vadd.s32 v30, v59  }
0x4b0: {  	vm1 =	vlt.s32 v30, $0x3F;
	v60 =	vmpcnt.ones.xlane vm2  }
0x4b1: {  	v30 =	vnsel vm1, $0x3F, v30;
	v61, _, _ =	vpop (xrf0)  }
0x4b2: {  	p0 =	sne.s32 s30, $0x1;
	v33 =	vadd.s32 v33, v60;
	v62 =	vmpcnt.ones.xlane vm3;
	v35 =	vadd.s32 v30, v61  }
.Ltmp7:
0x4b3: {  	vm1 =	vlt.s32 v33, $0x3F;
	v63 =	vmpcnt.ones.xlane vm13;
	v37 =	vmpcnt.ones.xlane vm15;
	(pc) =	sbr.rel @p0 .LBB2_8-.Ltmp7, $4  }
0x4b4: {  	v33 =	vnsel vm1, $0x3F, v33  }
0x4b5: {  	v32 =	vadd.s32 v32, v62;
	v31 =	vadd.s32 v31, v63;
	v30 =	vadd.s32 v30, v37  }
0x4b6: {  	vm1 =	vlt.s32 v32, $0x3F;
	vm2 =	vlt.s32 v31, $0x3F;
	vm3 =	vlt.s32 v30, $0x3F  }
0x4b7: {  	s31 =	sadd.s32 $0x10, s31;
	s30 =	sadd.s32 $0xFFFFFFFF, s30;
	v32 =	vnsel vm1, $0x3F, v32;
	v31 =	vnsel vm2, $0x3F, v31;
	v30 =	vnsel vm3, $0x3F, v30;
	[tilespmem:v35+s23+$0x0] =	vst.idx.msk vm15, v29  }
.Ltmp8:
0x4b8: {  	_ = 	snop;
	(pc) =	sbr.rel .LBB2_9-.Ltmp8, $1  }
0x4b9: {  	_ =	sdelay $0x3  }
.LBB2_11:
0x4ba: {  	_ =	sfence.sel $0x180000  }
0x4bb: {  	[bflag:$0x0] =	sbarrier.arrive $0xFFFF  }
0x4bc: {  	_ =	strace $0x90000047  }
0x4bd: {  	[bflag:$0x2] =	sbarrier.arrive $0xFFFF  }
0x4be: {  	p0 =	sne.s32 s0, $0x0;
	s0 =	rddreg [dreg:$0x3]  }
0x4bf: {  	s0 =	sadd.s32 @!p0 $0x100000, s0  }
0x4c0: {  	[sflag:s0] =	ssyncadd.tile.s32 @!p0 $0x1;
	_ =	shalt  }
.Lfunc_end2:
_tile_overlayer_lowered:
.L_overlay_start_2:
0x4c1: {  	(tag) =	ssettag $0x2  }
0x4c2: {  	s0 =	rddreg [dreg:$0x0];
	s2 =	stileid.u32  }
0x4c3: {  	s1 =	rddreg [dreg:$0x1];
	p0 =	sne.s32 s2, $0x0  }
0x4c4: {  	s3 =	rddreg [dreg:$0x2];
	[bflag:$0x3] =	sbarrier.arrive $0xFFFF;
	s2 =	simm.s32 @!p0 $0x1C01  }
0x4c5: {  	[timem:s3], [sflag:s2] =	dma.local @!p0 [hbm:s0], s1  }
0x4c6: {  	s0 =	simm.s32 @!p0 $0x1  }
0x4c7: {  	_ =	swait.ge @!p0 [sflag:s0], s1  }
0x4c8: {  	s1 =	ssub.s32 @!p0 $0x0, s1;
	[sflag:s0] =	ssyncset.done @!p0 $0x0  }
0x4c9: {  	[sflag:s0] =	ssyncadd.s32 @!p0 s1  }
0x4ca: {  	[bflag:$0x3] =	sbarrier.arrive $0xFFFF  }
0x4cb: {  	_ =	shalt  }

</sc_bundles>
